<compile_context>
chip_gen: v7x
topology: tpu7x:2x2x1
jax: 0.10.2.dev20260603
libtpu: 0.0.44.dev20260713+nightly
codegen_flags: <defaults>
</compile_context>

<pallas_src>
import functools

import jax


def _dyn_gather(x, idx):
    dnums = jax.lax.GatherDimensionNumbers(
        offset_dims=(), collapsed_slice_dims=(0,), start_index_map=(0,))
    return jax.lax.gather(
        x, idx[:, None], dnums, slice_sizes=(1,),
        mode=jax.lax.GatherScatterMode.PROMISE_IN_BOUNDS)
import jax.numpy as jnp
from jax import lax
from jax.experimental import pallas as pl
from jax.experimental.pallas import tpu as pltpu
from jax.experimental.pallas import tpu_sc as plsc

N = 100000
E = 3200000
H = 64
W = 128
CHUNK = 10240
NCH = 10
NR = NCH // 2
NP = CHUNK * NCH
B = 2048
SEG = 128
NSEG = B // SEG
NBLK = 98
EP = 16 * B * NBLK
EPAD = EP - E
EROWS = EP // 128
DEG_NBLK = 98
RPT = CHUNK // 16
BR = 2048
NBR = NP // BR
F32 = jnp.float32


def _mesh():
    return plsc.VectorSubcoreMesh(
        core_axis_name="c", subcore_axis_name="s", num_cores=2, num_subcores=16
    )


def _deg_body(dst2d, zeros1, out, dstv, onesv, zb1, stage, acc1, sem):
    c = lax.axis_index("c")
    s = lax.axis_index("s")
    w = c * 16 + s
    pltpu.sync_copy(zeros1, zb1)
    for k in range(8):
        onesv[pl.ds(k * 16, 16)] = jnp.ones((16,), F32)
    base = s * 6400
    for k in range(6):
        pltpu.sync_copy(zb1, acc1.at[pl.ds(base + k * 1024, 1024)])
    pltpu.sync_copy(zb1.at[pl.ds(0, 256)], acc1.at[pl.ds(base + 6144, 256)])
    plsc.subcore_barrier()

    def blk(b, carry):
        roff = w * (DEG_NBLK * 8) + b * 8
        pltpu.sync_copy(dst2d.at[pl.ds(roff, 8)], dstv)
        cps = [
            pltpu.async_copy(onesv, acc1.at[dstv.at[i]], sem, add=True)
            for i in range(8)
        ]
        for cp in cps:
            cp.wait()
        return carry

    lax.fori_loop(0, DEG_NBLK, blk, 0)
    plsc.subcore_barrier()
    obase = c * NP + s * 6400
    for k in range(6):
        pltpu.sync_copy(acc1.at[pl.ds(base + k * 1024, 1024)], stage)
        pltpu.sync_copy(stage, out.at[pl.ds(obase + k * 1024, 1024)])
    pltpu.sync_copy(acc1.at[pl.ds(base + 6144, 256)], stage.at[pl.ds(0, 256)])
    pltpu.sync_copy(stage.at[pl.ds(0, 256)], out.at[pl.ds(obase + 6144, 256)])


_deg_call = pl.kernel(
    _deg_body,
    out_type=jax.ShapeDtypeStruct((2 * NP,), F32),
    mesh=_mesh(),
    scratch_types=[
        pltpu.VMEM((8, 128), jnp.int32),
        pltpu.VMEM((128,), F32),
        pltpu.VMEM((1024,), F32),
        pltpu.VMEM((1024,), F32),
        pltpu.VMEM_SHARED((NP + 16,), F32),
        pltpu.SemaphoreType.DMA,
    ],
)


def _seg_body(src_hbm, dst_hbm, g_hbm, zrows, out, srcv, dstv1, csrc,
              cldst2, rows, acc, semL, semLS, semG, semS):
    c = lax.axis_index("c")
    s = lax.axis_index("s")
    iota16 = lax.iota(jnp.int32, 16)
    padv = iota16 * 397 + s * 16

    def rnd(r, carry):
        lo = (2 * r + c) * CHUNK
        pltpu.sync_copy(zrows, rows.at[pl.ds(0, 128)])
        zbase = s * RPT
        for k in range(RPT // 128):
            pltpu.sync_copy(rows.at[pl.ds(0, 128)],
                            acc.at[pl.ds(zbase + k * 128, 128)])
        plsc.subcore_barrier()
        dummyv = jnp.zeros((16,), jnp.int32) + CHUNK

        base_e = s * NBLK * B
        pltpu.async_copy(src_hbm.at[pl.ds(base_e, B)], srcv, semLS)
        pltpu.async_copy(dst_hbm.at[pl.ds(base_e, B)],
                         dstv1.at[pl.ds(0, B)], semL.at[0])

        def fire_gather(g):
            gp = g % 2

            @pl.when(g >= 2)
            def _ds():
                pltpu.make_async_copy(
                    rows.at[pl.ds(0, 128)], acc.at[pl.ds(0, 128)],
                    semS.at[gp]).wait()
            pltpu.async_copy(
                g_hbm.at[csrc.at[pl.ds((g % 32) * 128, 128)]],
                rows.at[pl.ds(gp * 128, 128)], semG.at[gp])

        def fire_scatter(g):
            gp = g % 2
            pltpu.make_async_copy(
                g_hbm.at[pl.ds(0, 128)], rows.at[pl.ds(0, 128)],
                semG.at[gp]).wait()
            pltpu.async_copy(
                rows.at[pl.ds(gp * 128, 128)], acc.at[cldst2.at[g % 32]],
                semS.at[gp], add=True)

        def blk(b, cnt0):
            pb = b % 2
            pbase = pb * B
            pltpu.make_async_copy(src_hbm.at[pl.ds(0, B)], srcv,
                                  semLS).wait()
            pltpu.make_async_copy(src_hbm.at[pl.ds(0, B)],
                                  dstv1.at[pl.ds(0, B)], semL.at[pb]).wait()

            @pl.when(b + 1 < NBLK)
            def _pre():
                neoff = (s * NBLK + b + 1) * B
                pltpu.async_copy(dst_hbm.at[pl.ds(neoff, B)],
                                 dstv1.at[pl.ds((1 - pb) * B, B)],
                                 semL.at[1 - pb])

            def compact(j, cnt):
                for u in range(2):
                    off = j * 32 + u * 16
                    d = dstv1[pl.ds(pbase + off, 16)]
                    sv = srcv[pl.ds(off, 16)]
                    m = (d >= lo) & (d < lo + CHUNK)
                    cs = plsc.cumsum(m.astype(jnp.int32))
                    pos = (cnt + cs - 1) & 4095
                    plsc.store_scatter(csrc, [pos], sv, mask=m)
                    plsc.store_scatter(
                        cldst2,
                        [lax.shift_right_logical(pos, 7) & 31, pos & 127],
                        d - lo, mask=m)
                    cnt = cnt + cs[15]
                return cnt

            cnt = lax.fori_loop(0, B // 32, compact, cnt0)

            @pl.when(b + 1 < NBLK)
            def _pres():
                neoff = (s * NBLK + b + 1) * B
                pltpu.async_copy(src_hbm.at[pl.ds(neoff, B)], srcv, semLS)

            def seg(g, carry3):
                fire_gather(g)

                @pl.when(g >= 1)
                def _fs():
                    fire_scatter(g - 1)
                return carry3

            lax.fori_loop(lax.shift_right_logical(cnt0, 7),
                          lax.shift_right_logical(cnt, 7), seg, 0)
            return cnt

        lcnt = lax.fori_loop(0, NBLK, blk, jnp.int32(0))
        nend = lax.shift_right_logical(lcnt, 7)

        @pl.when(nend >= 1)
        def _tail1():
            fire_scatter(nend - 1)

        @pl.when((lcnt & 127) > 0)
        def _flush():
            for k in range(8):
                pq = (lcnt + k * 16 + iota16) & 4095
                plsc.store_scatter(csrc, [pq], padv)
                plsc.store_scatter(
                    cldst2,
                    [lax.shift_right_logical(pq, 7) & 31, pq & 127], dummyv)
            fire_gather(nend)
            fire_scatter(nend)

        nfin = nend + jnp.where((lcnt & 127) > 0, 1, 0)

        @pl.when(nfin >= 1)
        def _dr1():
            pltpu.make_async_copy(
                rows.at[pl.ds(0, 128)], acc.at[pl.ds(0, 128)],
                semS.at[(nfin - 1) % 2]).wait()

        @pl.when(nfin >= 2)
        def _dr2():
            pltpu.make_async_copy(
                rows.at[pl.ds(0, 128)], acc.at[pl.ds(0, 128)],
                semS.at[(nfin - 2) % 2]).wait()

        plsc.subcore_barrier()
        wb = s * RPT
        for k in range(RPT // 128):
            pltpu.sync_copy(acc.at[pl.ds(wb + k * 128, 128)],
                            rows.at[pl.ds(0, 128)])
            pltpu.sync_copy(rows.at[pl.ds(0, 128)],
                            out.at[pl.ds(lo + wb + k * 128, 128)])
        plsc.subcore_barrier()
        return carry

    lax.fori_loop(0, NR, rnd, 0)


_seg_call = pl.kernel(
    _seg_body,
    out_type=jax.ShapeDtypeStruct((NP, W), F32),
    mesh=_mesh(),
    compiler_params=pltpu.CompilerParams(needs_layout_passes=False),
    scratch_types=[
        pltpu.VMEM((B,), jnp.int32),
        pltpu.VMEM((2 * B,), jnp.int32),
        pltpu.VMEM((4096,), jnp.int32),
        pltpu.VMEM((32, 128), jnp.int32),
        pltpu.VMEM((2 * SEG, W), F32),
        pltpu.VMEM_SHARED((CHUNK + 8, W), F32),
        pltpu.SemaphoreType.DMA((2,)),
        pltpu.SemaphoreType.DMA,
        pltpu.SemaphoreType.DMA((2,)),
        pltpu.SemaphoreType.DMA((2,)),
    ],
)


def _tc1_body(x_ref, deg_ref, w1_ref, dinv_ref, g1_ref):
    deg = jnp.sum(deg_ref[...], axis=1, keepdims=True) + 1.0
    dinv = lax.rsqrt(deg)
    hw = jnp.dot(x_ref[...], w1_ref[...], preferred_element_type=F32)
    dinv_ref[...] = dinv
    g1_ref[...] = jnp.concatenate(
        [hw * dinv, jnp.zeros((BR, W - H), F32)], axis=1)


def _tc1(x_p, degT, w1p):
    return pl.pallas_call(
        _tc1_body,
        grid=(NBR,),
        in_specs=[
            pl.BlockSpec((BR, 8), lambda i: (i, 0)),
            pl.BlockSpec((BR, 8), lambda i: (i, 0)),
            pl.BlockSpec((8, H), lambda i: (0, 0)),
        ],
        out_specs=[
            pl.BlockSpec((BR, 1), lambda i: (i, 0)),
            pl.BlockSpec((BR, W), lambda i: (i, 0)),
        ],
        out_shape=[
            jax.ShapeDtypeStruct((NP, 1), F32),
            jax.ShapeDtypeStruct((NP, W), F32),
        ],
    )(x_p, degT, w1p)


def _tc2_body(s1_ref, g1_ref, dinv_ref, w2_ref, b1_ref, g2_ref):
    dinv = dinv_ref[...]
    h1 = jnp.maximum(
        dinv * (s1_ref[:, :H] + g1_ref[:, :H]) + b1_ref[...], 0.0)
    g2 = jnp.dot(h1, w2_ref[...], preferred_element_type=F32) * dinv
    g2_ref[...] = jnp.concatenate([g2, jnp.zeros((BR, W - H), F32)], axis=1)


def _tc2(s1, g1, dinv, w2, b1r):
    return pl.pallas_call(
        _tc2_body,
        grid=(NBR,),
        in_specs=[
            pl.BlockSpec((BR, W), lambda i: (i, 0)),
            pl.BlockSpec((BR, W), lambda i: (i, 0)),
            pl.BlockSpec((BR, 1), lambda i: (i, 0)),
            pl.BlockSpec((H, H), lambda i: (0, 0)),
            pl.BlockSpec((1, H), lambda i: (0, 0)),
        ],
        out_specs=pl.BlockSpec((BR, W), lambda i: (i, 0)),
        out_shape=jax.ShapeDtypeStruct((NP, W), F32),
    )(s1, g1, dinv, w2, b1r)


def _tc3_body(s2_ref, g2_ref, dinv_ref, x_ref, b2_ref, wp1a_ref, wp1b_ref,
              bp1_ref, wp2_ref, bp2_ref, out_ref, acc_h, acc_st):
    i = pl.program_id(0)

    @pl.when(i == 0)
    def _init():
        acc_h[...] = jnp.zeros((1, H), F32)
        acc_st[...] = jnp.zeros((1, 8), F32)

    rowid = lax.broadcasted_iota(jnp.int32, (BR, 1), 0) + i * BR
    valid = (rowid < N).astype(F32)
    h2 = jnp.maximum(
        dinv_ref[...] * (s2_ref[:, :H] + g2_ref[:, :H]) + b2_ref[...],
        0.0) * valid
    acc_h[...] += jnp.sum(h2, axis=0, keepdims=True)

    xb = x_ref[...] * valid
    x0 = xb[:, 0:1]
    x1 = xb[:, 1:2]
    x2 = xb[:, 2:3]
    x3 = xb[:, 3:4]
    x4 = xb[:, 4:5]
    m = jnp.where((x2 == 1.0) & (valid > 0.0), 1.0, 0.0)
    st = jnp.concatenate(
        [
            jnp.sum(x2, axis=0, keepdims=True),
            jnp.sum(x3, axis=0, keepdims=True),
            jnp.sum(x4, axis=0, keepdims=True),
            jnp.sum(x0 * m, axis=0, keepdims=True),
            jnp.sum(x1 * m, axis=0, keepdims=True),
            jnp.sum(m, axis=0, keepdims=True),
            jnp.zeros((1, 2), F32),
        ],
        axis=1,
    )
    acc_st[...] += st

    @pl.when(i == NBR - 1)
    def _fin():
        e = acc_h[...] * (1.0 / N)
        stv = acc_st[...]
        n_comp = stv[0, 0]
        n_and = stv[0, 1]
        n_or = stv[0, 2]
        sl = stv[0, 3]
        sm = stv[0, 4]
        cnt = stv[0, 5]
        has = cnt > 0.0
        cntc = jnp.maximum(cnt, 1.0)
        avg_l = jnp.where(has, sl / cntc, 0.0)
        avg_m = jnp.where(has, sm / cntc, 0.0)
        gf = jnp.concatenate(
            [
                n_comp.reshape(1, 1),
                n_and.reshape(1, 1),
                n_or.reshape(1, 1),
                (n_and + n_or).reshape(1, 1),
                avg_l.reshape(1, 1),
                avg_m.reshape(1, 1),
                jnp.full((1, 1), 0.2, F32),
                jnp.zeros((1, 1), F32),
            ],
            axis=1,
        )
        pre = (
            jnp.dot(e, wp1a_ref[...], preferred_element_type=F32)
            + jnp.dot(gf, wp1b_ref[...], preferred_element_type=F32)
            + bp1_ref[...]
        )
        hid = jnp.maximum(pre, 0.0)
        raw = jnp.dot(hid, wp2_ref[...], preferred_element_type=F32) + bp2_ref[...]
        out_ref[...] = 2.0 + jax.nn.sigmoid(raw) * 4.0


def _tc3(s2, g2, dinv, x_p, b2r, wp1a, wp1b, bp1r, wp2, bp2r):
    return pl.pallas_call(
        _tc3_body,
        grid=(NBR,),
        in_specs=[
            pl.BlockSpec((BR, W), lambda i: (i, 0)),
            pl.BlockSpec((BR, W), lambda i: (i, 0)),
            pl.BlockSpec((BR, 1), lambda i: (i, 0)),
            pl.BlockSpec((BR, 8), lambda i: (i, 0)),
            pl.BlockSpec((1, H), lambda i: (0, 0)),
            pl.BlockSpec((H, 32), lambda i: (0, 0)),
            pl.BlockSpec((8, 32), lambda i: (0, 0)),
            pl.BlockSpec((1, 32), lambda i: (0, 0)),
            pl.BlockSpec((32, 2), lambda i: (0, 0)),
            pl.BlockSpec((1, 2), lambda i: (0, 0)),
        ],
        out_specs=pl.BlockSpec((1, 2), lambda i: (0, 0)),
        out_shape=jax.ShapeDtypeStruct((1, 2), F32),
        scratch_shapes=[pltpu.VMEM((1, H), F32), pltpu.VMEM((1, 8), F32)],
    )(s2, g2, dinv, x_p, b2r, wp1a, wp1b, bp1r, wp2, bp2r)


def kernel(x, edge_index, W1, b1, W2, b2, Wp1, bp1, Wp2, bp2):
    src = edge_index[0].astype(jnp.int32)
    dst = edge_index[1].astype(jnp.int32)
    pad_src = jnp.arange(EPAD, dtype=jnp.int32) % N
    pad_dst = jnp.full((EPAD,), NP, jnp.int32)
    src_p = jnp.concatenate([src, pad_src])
    dst_p = jnp.concatenate([dst, pad_dst])
    dst2d = dst_p.reshape(EROWS, 128)
    zeros1 = jnp.zeros((1024,), F32)
    zrows = jnp.zeros((128, W), F32)

    deg_flat = _deg_call(dst2d, zeros1)
    degT = jnp.pad(deg_flat.reshape(2, NP).T, ((0, 0), (0, 6)))

    x_p = jnp.pad(x.astype(F32), ((0, NP - N), (0, 3)))
    w1p = jnp.pad(W1.astype(F32), ((0, 3), (0, 0)))
    dinv, g1 = _tc1(x_p, degT, w1p)

    s1 = _seg_call(src_p, dst_p, g1, zrows)
    g2 = _tc2(s1, g1, dinv, W2.astype(F32), b1.reshape(1, H).astype(F32))
    s2 = _seg_call(src_p, dst_p, g2, zrows)

    wp1 = Wp1.astype(F32)
    wp1a = wp1[:H]
    wp1b = jnp.pad(wp1[H:], ((0, 1), (0, 0)))
    out = _tc3(
        s2, g2, dinv, x_p,
        b2.reshape(1, H).astype(F32),
        wp1a, wp1b,
        bp1.reshape(1, 32).astype(F32),
        Wp2.astype(F32),
        bp2.reshape(1, 2).astype(F32),
    )
    return out

# --- scband reference (transcript-rebuilt; emitter-appended) ---
"""Pipeline reference for scband-sample-predictor-56075093016589 (READ-ONLY COPY).

The authoritative reference and input builder live on the scoring server;
editing this copy changes nothing except your own understanding.
"""

import jax, jax.numpy as jnp
import numpy as np

N = 100000
E = 3200000
F_IN = 5
H = 64

def setup_inputs(seed: int = 0) -> dict:
    key = jax.random.key(seed)
    ks = jax.random.split(key, 8)
    x = jax.random.normal(ks[0], (N, F_IN), dtype=jnp.float32)
    edge_index = jax.random.randint(ks[1], (2, E), 0, N)
    W1 = jax.random.normal(ks[2], (F_IN, H), dtype=jnp.float32) * (1.0 / np.sqrt(F_IN))
    b1 = jnp.zeros((H,), dtype=jnp.float32)
    W2 = jax.random.normal(ks[3], (H, H), dtype=jnp.float32) * (1.0 / np.sqrt(H))
    b2 = jnp.zeros((H,), dtype=jnp.float32)
    Wp1 = jax.random.normal(ks[4], (H + 7, 32), dtype=jnp.float32) * (1.0 / np.sqrt(H + 7))
    bp1 = jnp.zeros((32,), dtype=jnp.float32)
    Wp2 = jax.random.normal(ks[5], (32, 2), dtype=jnp.float32) * (1.0 / np.sqrt(32))
    bp2 = jnp.zeros((2,), dtype=jnp.float32)
    return {"x": x, "edge_index": edge_index, "W1": W1, "b1": b1, "W2": W2, "b2": b2, "Wp1": Wp1, "bp1": bp1, "Wp2": Wp2, "bp2": bp2}

def reference(x, edge_index, W1, b1, W2, b2, Wp1, bp1, Wp2, bp2):
    n = x.shape[0]
    loop = jnp.arange(n)
    src = jnp.concatenate([edge_index[0], loop])
    dst = jnp.concatenate([edge_index[1], loop])

    def gcn_conv(h, W, b):
        hw = h @ W
        deg = jnp.zeros((n,), dtype=hw.dtype).at[dst].add(1.0)
        dinv = jnp.where(deg > 0, jax.lax.rsqrt(jnp.maximum(deg, 1e-12)), 0.0)
        norm = dinv[src] * dinv[dst]
        msg = hw[src] * norm[:, None]
        out = jnp.zeros((n, W.shape[1]), dtype=hw.dtype).at[dst].add(msg)
        return out + b

    h = jax.nn.relu(gcn_conv(x, W1, b1))
    h = jax.nn.relu(gcn_conv(h, W2, b2))
    embedding = jnp.mean(h, axis=0, keepdims=True)  # global_mean_pool, single graph

    T = 100.0
    T_max = 500.0
    T_normalized = T / T_max
    n_comp = x[:, 2].sum()
    n_AND = x[:, 3].sum()
    n_OR = x[:, 4].sum()
    comp_mask = (x[:, 2] == 1.0).astype(x.dtype)
    cnt = comp_mask.sum()
    avg_lambda = jnp.where(cnt > 0, (x[:, 0] * comp_mask).sum() / jnp.maximum(cnt, 1.0), 0.0)
    avg_mu = jnp.where(cnt > 0, (x[:, 1] * comp_mask).sum() / jnp.maximum(cnt, 1.0), 0.0)
    depth = n_AND + n_OR
    gf = jnp.stack([n_comp, n_AND, n_OR, depth, avg_lambda, avg_mu, jnp.asarray(T_normalized, dtype=x.dtype)])[None, :]
    gf = jax.lax.stop_gradient(gf)  # .item() in torch detaches

    embedding = jnp.concatenate([embedding, gf], axis=1)
    raw = jax.nn.relu(embedding @ Wp1 + bp1) @ Wp2 + bp2
    log_n = 2.0 + jax.nn.sigmoid(raw) * 4.0
    return log_n

if __name__ == "__main__":
    import jax
    _d = setup_inputs()
    print(jax.jit(kernel)(*tuple(_d.values())))

</pallas_src>

<mosaic_0001>
#map = affine_map<(d0, d1) -> (0, 0)>
#map1 = affine_map<(d0, d1) -> (0)>
module attributes {stable_mosaic.version = 14 : i64} {
  func.func @_deg_body(%arg0: i32, %arg1: i32, %arg2: memref<25088x128xi32, #tpu.memory_space<hbm>>, %arg3: memref<1024xf32, #tpu.memory_space<hbm>>, %arg4: memref<204800xf32, #tpu.memory_space<hbm>>, %arg5: memref<8x128xi32, #tpu.memory_space<vmem>>, %arg6: memref<128xf32, #tpu.memory_space<vmem>>, %arg7: memref<1024xf32, #tpu.memory_space<vmem>>, %arg8: memref<1024xf32, #tpu.memory_space<vmem>>, %arg9: memref<102416xf32, #tpu.memory_space<vmem_shared>>, %arg10: memref<!tpu.dma_semaphore, #tpu.memory_space<semaphore_mem>>) attributes {dimension_semantics = [#tpu.dimension_semantics<core_parallel>, #tpu.dimension_semantics<subcore_parallel>], iteration_bounds = array<i64: 2, 16>, scalar_prefetch = 0 : i64, scratch_operands = 6 : i64, tpu.core_type = #tpu.core_type<sc_vector_subcore>, window_params = [{transform_indices = #map}, {transform_indices = #map1}, {transform_indices = #map1}]} {
    %mul3A = arith.constant 16 : i32
    %mul3A_0 = arith.muli %arg0, %mul3A : i32
    %add3A = arith.addi %mul3A_0, %arg1 : i32
    "tpu.region"() ({
      %run_scoped3A = tpu.sem_alloc : memref<!tpu.dma_semaphore, #tpu.memory_space<semaphore_mem>>
      tpu.enqueue_dma source(%arg3 : memref<1024xf32, #tpu.memory_space<hbm>>) target(%arg7 : memref<1024xf32, #tpu.memory_space<vmem>>) target_semaphore(%run_scoped3A : memref<!tpu.dma_semaphore, #tpu.memory_space<semaphore_mem>>)
      tpu.wait_dma2 semaphore(%run_scoped3A : memref<!tpu.dma_semaphore, #tpu.memory_space<semaphore_mem>>) src(%arg3 : memref<1024xf32, #tpu.memory_space<hbm>>) dst(%arg7 : memref<1024xf32, #tpu.memory_space<vmem>>)
      tpu.yield
    }) : () -> ()
    %broadcast_in_dim3A = arith.constant 1.000000e+00 : f32
    %broadcast_in_dim3A_1 = vector.broadcast %broadcast_in_dim3A : f32 to vector<16xf32>
    %swap3A = arith.constant 0 : index
    %swap3A_2 = tpu.vector_load %arg6[%swap3A] {strides = array<i32>} : memref<128xf32, #tpu.memory_space<vmem>>, vector<16xf32>,
    %swap3A_3 = vector.shape_cast %swap3A_2 : vector<16xf32> to vector<16xf32>
    %swap3A_4 = vector.shape_cast %broadcast_in_dim3A_1 : vector<16xf32> to vector<16xf32>
    tpu.vector_store %arg6[%swap3A], %swap3A_4 {strides = array<i32>} : memref<128xf32, #tpu.memory_space<vmem>>, vector<16xf32>,
    %broadcast_in_dim3A_5 = arith.constant 1.000000e+00 : f32
    %broadcast_in_dim3A_6 = vector.broadcast %broadcast_in_dim3A_5 : f32 to vector<16xf32>
    %swap3A_7 = arith.constant 16 : index
    %swap3A_8 = tpu.vector_load %arg6[%swap3A_7] {strides = array<i32>} : memref<128xf32, #tpu.memory_space<vmem>>, vector<16xf32>,
    %swap3A_9 = vector.shape_cast %swap3A_8 : vector<16xf32> to vector<16xf32>
    %swap3A_10 = vector.shape_cast %broadcast_in_dim3A_6 : vector<16xf32> to vector<16xf32>
    tpu.vector_store %arg6[%swap3A_7], %swap3A_10 {strides = array<i32>} : memref<128xf32, #tpu.memory_space<vmem>>, vector<16xf32>,
    %broadcast_in_dim3A_11 = arith.constant 1.000000e+00 : f32
    %broadcast_in_dim3A_12 = vector.broadcast %broadcast_in_dim3A_11 : f32 to vector<16xf32>
    %swap3A_13 = arith.constant 32 : index
    %swap3A_14 = tpu.vector_load %arg6[%swap3A_13] {strides = array<i32>} : memref<128xf32, #tpu.memory_space<vmem>>, vector<16xf32>,
    %swap3A_15 = vector.shape_cast %swap3A_14 : vector<16xf32> to vector<16xf32>
    %swap3A_16 = vector.shape_cast %broadcast_in_dim3A_12 : vector<16xf32> to vector<16xf32>
    tpu.vector_store %arg6[%swap3A_13], %swap3A_16 {strides = array<i32>} : memref<128xf32, #tpu.memory_space<vmem>>, vector<16xf32>,
    %broadcast_in_dim3A_17 = arith.constant 1.000000e+00 : f32
    %broadcast_in_dim3A_18 = vector.broadcast %broadcast_in_dim3A_17 : f32 to vector<16xf32>
    %swap3A_19 = arith.constant 48 : index
    %swap3A_20 = tpu.vector_load %arg6[%swap3A_19] {strides = array<i32>} : memref<128xf32, #tpu.memory_space<vmem>>, vector<16xf32>,
    %swap3A_21 = vector.shape_cast %swap3A_20 : vector<16xf32> to vector<16xf32>
    %swap3A_22 = vector.shape_cast %broadcast_in_dim3A_18 : vector<16xf32> to vector<16xf32>
    tpu.vector_store %arg6[%swap3A_19], %swap3A_22 {strides = array<i32>} : memref<128xf32, #tpu.memory_space<vmem>>, vector<16xf32>,
    %broadcast_in_dim3A_23 = arith.constant 1.000000e+00 : f32
    %broadcast_in_dim3A_24 = vector.broadcast %broadcast_in_dim3A_23 : f32 to vector<16xf32>
    %swap3A_25 = arith.constant 64 : index
    %swap3A_26 = tpu.vector_load %arg6[%swap3A_25] {strides = array<i32>} : memref<128xf32, #tpu.memory_space<vmem>>, vector<16xf32>,
    %swap3A_27 = vector.shape_cast %swap3A_26 : vector<16xf32> to vector<16xf32>
    %swap3A_28 = vector.shape_cast %broadcast_in_dim3A_24 : vector<16xf32> to vector<16xf32>
    tpu.vector_store %arg6[%swap3A_25], %swap3A_28 {strides = array<i32>} : memref<128xf32, #tpu.memory_space<vmem>>, vector<16xf32>,
    %broadcast_in_dim3A_29 = arith.constant 1.000000e+00 : f32
    %broadcast_in_dim3A_30 = vector.broadcast %broadcast_in_dim3A_29 : f32 to vector<16xf32>
    %swap3A_31 = arith.constant 80 : index
    %swap3A_32 = tpu.vector_load %arg6[%swap3A_31] {strides = array<i32>} : memref<128xf32, #tpu.memory_space<vmem>>, vector<16xf32>,
    %swap3A_33 = vector.shape_cast %swap3A_32 : vector<16xf32> to vector<16xf32>
    %swap3A_34 = vector.shape_cast %broadcast_in_dim3A_30 : vector<16xf32> to vector<16xf32>
    tpu.vector_store %arg6[%swap3A_31], %swap3A_34 {strides = array<i32>} : memref<128xf32, #tpu.memory_space<vmem>>, vector<16xf32>,
    %broadcast_in_dim3A_35 = arith.constant 1.000000e+00 : f32
    %broadcast_in_dim3A_36 = vector.broadcast %broadcast_in_dim3A_35 : f32 to vector<16xf32>
    %swap3A_37 = arith.constant 96 : index
    %swap3A_38 = tpu.vector_load %arg6[%swap3A_37] {strides = array<i32>} : memref<128xf32, #tpu.memory_space<vmem>>, vector<16xf32>,
    %swap3A_39 = vector.shape_cast %swap3A_38 : vector<16xf32> to vector<16xf32>
    %swap3A_40 = vector.shape_cast %broadcast_in_dim3A_36 : vector<16xf32> to vector<16xf32>
    tpu.vector_store %arg6[%swap3A_37], %swap3A_40 {strides = array<i32>} : memref<128xf32, #tpu.memory_space<vmem>>, vector<16xf32>,
    %broadcast_in_dim3A_41 = arith.constant 1.000000e+00 : f32
    %broadcast_in_dim3A_42 = vector.broadcast %broadcast_in_dim3A_41 : f32 to vector<16xf32>
    %swap3A_43 = arith.constant 112 : index
    %swap3A_44 = tpu.vector_load %arg6[%swap3A_43] {strides = array<i32>} : memref<128xf32, #tpu.memory_space<vmem>>, vector<16xf32>,
    %swap3A_45 = vector.shape_cast %swap3A_44 : vector<16xf32> to vector<16xf32>
    %swap3A_46 = vector.shape_cast %broadcast_in_dim3A_42 : vector<16xf32> to vector<16xf32>
    tpu.vector_store %arg6[%swap3A_43], %swap3A_46 {strides = array<i32>} : memref<128xf32, #tpu.memory_space<vmem>>, vector<16xf32>,
    %mul3A_47 = arith.constant 6400 : i32
    %mul3A_48 = arith.muli %arg1, %mul3A_47 : i32
    %add3A_49 = arith.constant 0 : i32
    %add3A_50 = arith.addi %mul3A_48, %add3A_49 : i32
    "tpu.region"() ({
      %run_scoped3A = tpu.sem_alloc : memref<!tpu.dma_semaphore, #tpu.memory_space<semaphore_mem>>
      %dma_start3A = tpu.memref_slice %arg9[%add3A_50] : memref<102416xf32, #tpu.memory_space<vmem_shared>> -> memref<1024xf32, #tpu.memory_space<vmem_shared>>
      %dma_start3A_102 = tpu.memref_slice %arg9[%add3A_50] : memref<102416xf32, #tpu.memory_space<vmem_shared>> -> memref<1024xf32, #tpu.memory_space<vmem_shared>>
      tpu.enqueue_dma source(%arg7 : memref<1024xf32, #tpu.memory_space<vmem>>) target(%dma_start3A_102 : memref<1024xf32, #tpu.memory_space<vmem_shared>>) target_semaphore(%run_scoped3A : memref<!tpu.dma_semaphore, #tpu.memory_space<semaphore_mem>>)
      %dma_wait3A = tpu.memref_slice %arg9[%add3A_50] : memref<102416xf32, #tpu.memory_space<vmem_shared>> -> memref<1024xf32, #tpu.memory_space<vmem_shared>>
      %dma_wait3A_103 = tpu.memref_slice %arg9[%add3A_50] : memref<102416xf32, #tpu.memory_space<vmem_shared>> -> memref<1024xf32, #tpu.memory_space<vmem_shared>>
      tpu.wait_dma2 semaphore(%run_scoped3A : memref<!tpu.dma_semaphore, #tpu.memory_space<semaphore_mem>>) src(%arg7 : memref<1024xf32, #tpu.memory_space<vmem>>) dst(%dma_wait3A_103 : memref<1024xf32, #tpu.memory_space<vmem_shared>>)
      tpu.yield
    }) : () -> ()
    %add3A_51 = arith.constant 1024 : i32
    %add3A_52 = arith.addi %mul3A_48, %add3A_51 : i32
    "tpu.region"() ({
      %run_scoped3A = tpu.sem_alloc : memref<!tpu.dma_semaphore, #tpu.memory_space<semaphore_mem>>
      %dma_start3A = tpu.memref_slice %arg9[%add3A_52] : memref<102416xf32, #tpu.memory_space<vmem_shared>> -> memref<1024xf32, #tpu.memory_space<vmem_shared>>
      %dma_start3A_102 = tpu.memref_slice %arg9[%add3A_52] : memref<102416xf32, #tpu.memory_space<vmem_shared>> -> memref<1024xf32, #tpu.memory_space<vmem_shared>>
      tpu.enqueue_dma source(%arg7 : memref<1024xf32, #tpu.memory_space<vmem>>) target(%dma_start3A_102 : memref<1024xf32, #tpu.memory_space<vmem_shared>>) target_semaphore(%run_scoped3A : memref<!tpu.dma_semaphore, #tpu.memory_space<semaphore_mem>>)
      %dma_wait3A = tpu.memref_slice %arg9[%add3A_52] : memref<102416xf32, #tpu.memory_space<vmem_shared>> -> memref<1024xf32, #tpu.memory_space<vmem_shared>>
      %dma_wait3A_103 = tpu.memref_slice %arg9[%add3A_52] : memref<102416xf32, #tpu.memory_space<vmem_shared>> -> memref<1024xf32, #tpu.memory_space<vmem_shared>>
      tpu.wait_dma2 semaphore(%run_scoped3A : memref<!tpu.dma_semaphore, #tpu.memory_space<semaphore_mem>>) src(%arg7 : memref<1024xf32, #tpu.memory_space<vmem>>) dst(%dma_wait3A_103 : memref<1024xf32, #tpu.memory_space<vmem_shared>>)
      tpu.yield
    }) : () -> ()
    %add3A_53 = arith.constant 2048 : i32
    %add3A_54 = arith.addi %mul3A_48, %add3A_53 : i32
    "tpu.region"() ({
      %run_scoped3A = tpu.sem_alloc : memref<!tpu.dma_semaphore, #tpu.memory_space<semaphore_mem>>
      %dma_start3A = tpu.memref_slice %arg9[%add3A_54] : memref<102416xf32, #tpu.memory_space<vmem_shared>> -> memref<1024xf32, #tpu.memory_space<vmem_shared>>
      %dma_start3A_102 = tpu.memref_slice %arg9[%add3A_54] : memref<102416xf32, #tpu.memory_space<vmem_shared>> -> memref<1024xf32, #tpu.memory_space<vmem_shared>>
      tpu.enqueue_dma source(%arg7 : memref<1024xf32, #tpu.memory_space<vmem>>) target(%dma_start3A_102 : memref<1024xf32, #tpu.memory_space<vmem_shared>>) target_semaphore(%run_scoped3A : memref<!tpu.dma_semaphore, #tpu.memory_space<semaphore_mem>>)
      %dma_wait3A = tpu.memref_slice %arg9[%add3A_54] : memref<102416xf32, #tpu.memory_space<vmem_shared>> -> memref<1024xf32, #tpu.memory_space<vmem_shared>>
      %dma_wait3A_103 = tpu.memref_slice %arg9[%add3A_54] : memref<102416xf32, #tpu.memory_space<vmem_shared>> -> memref<1024xf32, #tpu.memory_space<vmem_shared>>
      tpu.wait_dma2 semaphore(%run_scoped3A : memref<!tpu.dma_semaphore, #tpu.memory_space<semaphore_mem>>) src(%arg7 : memref<1024xf32, #tpu.memory_space<vmem>>) dst(%dma_wait3A_103 : memref<1024xf32, #tpu.memory_space<vmem_shared>>)
      tpu.yield
    }) : () -> ()
    %add3A_55 = arith.constant 3072 : i32
    %add3A_56 = arith.addi %mul3A_48, %add3A_55 : i32
    "tpu.region"() ({
      %run_scoped3A = tpu.sem_alloc : memref<!tpu.dma_semaphore, #tpu.memory_space<semaphore_mem>>
      %dma_start3A = tpu.memref_slice %arg9[%add3A_56] : memref<102416xf32, #tpu.memory_space<vmem_shared>> -> memref<1024xf32, #tpu.memory_space<vmem_shared>>
      %dma_start3A_102 = tpu.memref_slice %arg9[%add3A_56] : memref<102416xf32, #tpu.memory_space<vmem_shared>> -> memref<1024xf32, #tpu.memory_space<vmem_shared>>
      tpu.enqueue_dma source(%arg7 : memref<1024xf32, #tpu.memory_space<vmem>>) target(%dma_start3A_102 : memref<1024xf32, #tpu.memory_space<vmem_shared>>) target_semaphore(%run_scoped3A : memref<!tpu.dma_semaphore, #tpu.memory_space<semaphore_mem>>)
      %dma_wait3A = tpu.memref_slice %arg9[%add3A_56] : memref<102416xf32, #tpu.memory_space<vmem_shared>> -> memref<1024xf32, #tpu.memory_space<vmem_shared>>
      %dma_wait3A_103 = tpu.memref_slice %arg9[%add3A_56] : memref<102416xf32, #tpu.memory_space<vmem_shared>> -> memref<1024xf32, #tpu.memory_space<vmem_shared>>
      tpu.wait_dma2 semaphore(%run_scoped3A : memref<!tpu.dma_semaphore, #tpu.memory_space<semaphore_mem>>) src(%arg7 : memref<1024xf32, #tpu.memory_space<vmem>>) dst(%dma_wait3A_103 : memref<1024xf32, #tpu.memory_space<vmem_shared>>)
      tpu.yield
    }) : () -> ()
    %add3A_57 = arith.constant 4096 : i32
    %add3A_58 = arith.addi %mul3A_48, %add3A_57 : i32
    "tpu.region"() ({
      %run_scoped3A = tpu.sem_alloc : memref<!tpu.dma_semaphore, #tpu.memory_space<semaphore_mem>>
      %dma_start3A = tpu.memref_slice %arg9[%add3A_58] : memref<102416xf32, #tpu.memory_space<vmem_shared>> -> memref<1024xf32, #tpu.memory_space<vmem_shared>>
      %dma_start3A_102 = tpu.memref_slice %arg9[%add3A_58] : memref<102416xf32, #tpu.memory_space<vmem_shared>> -> memref<1024xf32, #tpu.memory_space<vmem_shared>>
      tpu.enqueue_dma source(%arg7 : memref<1024xf32, #tpu.memory_space<vmem>>) target(%dma_start3A_102 : memref<1024xf32, #tpu.memory_space<vmem_shared>>) target_semaphore(%run_scoped3A : memref<!tpu.dma_semaphore, #tpu.memory_space<semaphore_mem>>)
      %dma_wait3A = tpu.memref_slice %arg9[%add3A_58] : memref<102416xf32, #tpu.memory_space<vmem_shared>> -> memref<1024xf32, #tpu.memory_space<vmem_shared>>
      %dma_wait3A_103 = tpu.memref_slice %arg9[%add3A_58] : memref<102416xf32, #tpu.memory_space<vmem_shared>> -> memref<1024xf32, #tpu.memory_space<vmem_shared>>
      tpu.wait_dma2 semaphore(%run_scoped3A : memref<!tpu.dma_semaphore, #tpu.memory_space<semaphore_mem>>) src(%arg7 : memref<1024xf32, #tpu.memory_space<vmem>>) dst(%dma_wait3A_103 : memref<1024xf32, #tpu.memory_space<vmem_shared>>)
      tpu.yield
    }) : () -> ()
    %add3A_59 = arith.constant 5120 : i32
    %add3A_60 = arith.addi %mul3A_48, %add3A_59 : i32
    "tpu.region"() ({
      %run_scoped3A = tpu.sem_alloc : memref<!tpu.dma_semaphore, #tpu.memory_space<semaphore_mem>>
      %dma_start3A = tpu.memref_slice %arg9[%add3A_60] : memref<102416xf32, #tpu.memory_space<vmem_shared>> -> memref<1024xf32, #tpu.memory_space<vmem_shared>>
      %dma_start3A_102 = tpu.memref_slice %arg9[%add3A_60] : memref<102416xf32, #tpu.memory_space<vmem_shared>> -> memref<1024xf32, #tpu.memory_space<vmem_shared>>
      tpu.enqueue_dma source(%arg7 : memref<1024xf32, #tpu.memory_space<vmem>>) target(%dma_start3A_102 : memref<1024xf32, #tpu.memory_space<vmem_shared>>) target_semaphore(%run_scoped3A : memref<!tpu.dma_semaphore, #tpu.memory_space<semaphore_mem>>)
      %dma_wait3A = tpu.memref_slice %arg9[%add3A_60] : memref<102416xf32, #tpu.memory_space<vmem_shared>> -> memref<1024xf32, #tpu.memory_space<vmem_shared>>
      %dma_wait3A_103 = tpu.memref_slice %arg9[%add3A_60] : memref<102416xf32, #tpu.memory_space<vmem_shared>> -> memref<1024xf32, #tpu.memory_space<vmem_shared>>
      tpu.wait_dma2 semaphore(%run_scoped3A : memref<!tpu.dma_semaphore, #tpu.memory_space<semaphore_mem>>) src(%arg7 : memref<1024xf32, #tpu.memory_space<vmem>>) dst(%dma_wait3A_103 : memref<1024xf32, #tpu.memory_space<vmem_shared>>)
      tpu.yield
    }) : () -> ()
    %add3A_61 = arith.constant 6144 : i32
    %add3A_62 = arith.addi %mul3A_48, %add3A_61 : i32
    "tpu.region"() ({
      %run_scoped3A = tpu.sem_alloc : memref<!tpu.dma_semaphore, #tpu.memory_space<semaphore_mem>>
      %dma_start3A = arith.constant 0 : i32
      %dma_start3A_102 = tpu.memref_slice %arg7[%dma_start3A] : memref<1024xf32, #tpu.memory_space<vmem>> -> memref<256xf32, #tpu.memory_space<vmem>>
      %dma_start3A_103 = tpu.memref_slice %arg9[%add3A_62] : memref<102416xf32, #tpu.memory_space<vmem_shared>> -> memref<256xf32, #tpu.memory_space<vmem_shared>>
      %dma_start3A_104 = tpu.memref_slice %arg9[%add3A_62] : memref<102416xf32, #tpu.memory_space<vmem_shared>> -> memref<256xf32, #tpu.memory_space<vmem_shared>>
      %dma_start3A_105 = arith.constant 0 : i32
      %dma_start3A_106 = tpu.memref_slice %arg7[%dma_start3A_105] : memref<1024xf32, #tpu.memory_space<vmem>> -> memref<256xf32, #tpu.memory_space<vmem>>
      tpu.enqueue_dma source(%dma_start3A_106 : memref<256xf32, #tpu.memory_space<vmem>>) target(%dma_start3A_104 : memref<256xf32, #tpu.memory_space<vmem_shared>>) target_semaphore(%run_scoped3A : memref<!tpu.dma_semaphore, #tpu.memory_space<semaphore_mem>>)
      %dma_wait3A = arith.constant 0 : i32
      %dma_wait3A_107 = tpu.memref_slice %arg7[%dma_wait3A] : memref<1024xf32, #tpu.memory_space<vmem>> -> memref<256xf32, #tpu.memory_space<vmem>>
      %dma_wait3A_108 = tpu.memref_slice %arg9[%add3A_62] : memref<102416xf32, #tpu.memory_space<vmem_shared>> -> memref<256xf32, #tpu.memory_space<vmem_shared>>
      %dma_wait3A_109 = tpu.memref_slice %arg9[%add3A_62] : memref<102416xf32, #tpu.memory_space<vmem_shared>> -> memref<256xf32, #tpu.memory_space<vmem_shared>>
      %dma_wait3A_110 = arith.constant 0 : i32
      %dma_wait3A_111 = tpu.memref_slice %arg7[%dma_wait3A_110] : memref<1024xf32, #tpu.memory_space<vmem>> -> memref<256xf32, #tpu.memory_space<vmem>>
      tpu.wait_dma2 semaphore(%run_scoped3A : memref<!tpu.dma_semaphore, #tpu.memory_space<semaphore_mem>>) src(%dma_wait3A_111 : memref<256xf32, #tpu.memory_space<vmem>>) dst(%dma_wait3A_109 : memref<256xf32, #tpu.memory_space<vmem_shared>>)
      tpu.yield
    }) : () -> ()
    %barrier3A = arith.constant 0 : index
    tpu.barrier barrier_id(%barrier3A)
    %scan3A = arith.constant 0 : i32
    %scan3A_63 = arith.constant 0 : i32
    %scan3A_64 = arith.constant 98 : i32
    %scan3A_65 = arith.addi %scan3A_63, %scan3A_64 : i32
    %scan3A_66 = arith.constant 1 : i32
    scf.for %scan3A_102 = %scan3A_63 to %scan3A_65 step %scan3A_66  : i32 {
      %mul3A_103 = arith.constant 784 : i32
      %mul3A_104 = arith.muli %add3A, %mul3A_103 : i32
      %mul3A_105 = arith.constant 8 : i32
      %mul3A_106 = arith.muli %scan3A_102, %mul3A_105 : i32
      %add3A_107 = arith.addi %mul3A_104, %mul3A_106 : i32
      "tpu.region"() ({
        %run_scoped3A = tpu.sem_alloc : memref<!tpu.dma_semaphore, #tpu.memory_space<semaphore_mem>>
        %dma_start3A_202 = arith.constant 0 : i32
        %dma_start3A_203 = tpu.memref_slice %arg2[%add3A_107, %dma_start3A_202] : memref<25088x128xi32, #tpu.memory_space<hbm>> -> memref<8x128xi32, #tpu.memory_space<hbm>>
        %dma_start3A_204 = arith.constant 0 : i32
        %dma_start3A_205 = tpu.memref_slice %arg2[%add3A_107, %dma_start3A_204] : memref<25088x128xi32, #tpu.memory_space<hbm>> -> memref<8x128xi32, #tpu.memory_space<hbm>>
        tpu.enqueue_dma source(%dma_start3A_205 : memref<8x128xi32, #tpu.memory_space<hbm>>) target(%arg5 : memref<8x128xi32, #tpu.memory_space<vmem>>) target_semaphore(%run_scoped3A : memref<!tpu.dma_semaphore, #tpu.memory_space<semaphore_mem>>)
        %dma_wait3A_206 = arith.constant 0 : i32
        %dma_wait3A_207 = tpu.memref_slice %arg2[%add3A_107, %dma_wait3A_206] : memref<25088x128xi32, #tpu.memory_space<hbm>> -> memref<8x128xi32, #tpu.memory_space<hbm>>
        %dma_wait3A_208 = arith.constant 0 : i32
        %dma_wait3A_209 = tpu.memref_slice %arg2[%add3A_107, %dma_wait3A_208] : memref<25088x128xi32, #tpu.memory_space<hbm>> -> memref<8x128xi32, #tpu.memory_space<hbm>>
        tpu.wait_dma2 semaphore(%run_scoped3A : memref<!tpu.dma_semaphore, #tpu.memory_space<semaphore_mem>>) src(%dma_wait3A_209 : memref<8x128xi32, #tpu.memory_space<hbm>>) dst(%arg5 : memref<8x128xi32, #tpu.memory_space<vmem>>)
        tpu.yield
      }) : () -> ()
      %dma_start3A = arith.constant 0 : i32
      %dma_start3A_108 = arith.constant 0 : i32
      %dma_start3A_109 = tpu.memref_slice %arg5[%dma_start3A, %dma_start3A_108] : memref<8x128xi32, #tpu.memory_space<vmem>> -> memref<1x128xi32, #tpu.memory_space<vmem>>
      %dma_start3A_110 = tpu.memref_squeeze %dma_start3A_109 : memref<1x128xi32, #tpu.memory_space<vmem>> -> memref<128xi32, #tpu.memory_space<vmem>>
      %dma_start3A_111 = arith.constant 0 : i32
      %dma_start3A_112 = tpu.memref_slice %arg9[%dma_start3A_111] : memref<102416xf32, #tpu.memory_space<vmem_shared>> -> memref<102416xf32, #tpu.memory_space<vmem_shared>>
      tpu.enqueue_indirect_dma source(%arg6 : memref<128xf32, #tpu.memory_space<vmem>>) target(%dma_start3A_112 : memref<102416xf32, #tpu.memory_space<vmem_shared>>) offsets(%dma_start3A_110 : memref<128xi32, #tpu.memory_space<vmem>>) semaphore(%arg10 : memref<!tpu.dma_semaphore, #tpu.memory_space<semaphore_mem>>) {add = true}
      %dma_start3A_113 = arith.constant 1 : i32
      %dma_start3A_114 = arith.constant 0 : i32
      %dma_start3A_115 = tpu.memref_slice %arg5[%dma_start3A_113, %dma_start3A_114] : memref<8x128xi32, #tpu.memory_space<vmem>> -> memref<1x128xi32, #tpu.memory_space<vmem>>
      %dma_start3A_116 = tpu.memref_squeeze %dma_start3A_115 : memref<1x128xi32, #tpu.memory_space<vmem>> -> memref<128xi32, #tpu.memory_space<vmem>>
      %dma_start3A_117 = arith.constant 0 : i32
      %dma_start3A_118 = tpu.memref_slice %arg9[%dma_start3A_117] : memref<102416xf32, #tpu.memory_space<vmem_shared>> -> memref<102416xf32, #tpu.memory_space<vmem_shared>>
      tpu.enqueue_indirect_dma source(%arg6 : memref<128xf32, #tpu.memory_space<vmem>>) target(%dma_start3A_118 : memref<102416xf32, #tpu.memory_space<vmem_shared>>) offsets(%dma_start3A_116 : memref<128xi32, #tpu.memory_space<vmem>>) semaphore(%arg10 : memref<!tpu.dma_semaphore, #tpu.memory_space<semaphore_mem>>) {add = true}
      %dma_start3A_119 = arith.constant 2 : i32
      %dma_start3A_120 = arith.constant 0 : i32
      %dma_start3A_121 = tpu.memref_slice %arg5[%dma_start3A_119, %dma_start3A_120] : memref<8x128xi32, #tpu.memory_space<vmem>> -> memref<1x128xi32, #tpu.memory_space<vmem>>
      %dma_start3A_122 = tpu.memref_squeeze %dma_start3A_121 : memref<1x128xi32, #tpu.memory_space<vmem>> -> memref<128xi32, #tpu.memory_space<vmem>>
      %dma_start3A_123 = arith.constant 0 : i32
      %dma_start3A_124 = tpu.memref_slice %arg9[%dma_start3A_123] : memref<102416xf32, #tpu.memory_space<vmem_shared>> -> memref<102416xf32, #tpu.memory_space<vmem_shared>>
      tpu.enqueue_indirect_dma source(%arg6 : memref<128xf32, #tpu.memory_space<vmem>>) target(%dma_start3A_124 : memref<102416xf32, #tpu.memory_space<vmem_shared>>) offsets(%dma_start3A_122 : memref<128xi32, #tpu.memory_space<vmem>>) semaphore(%arg10 : memref<!tpu.dma_semaphore, #tpu.memory_space<semaphore_mem>>) {add = true}
      %dma_start3A_125 = arith.constant 3 : i32
      %dma_start3A_126 = arith.constant 0 : i32
      %dma_start3A_127 = tpu.memref_slice %arg5[%dma_start3A_125, %dma_start3A_126] : memref<8x128xi32, #tpu.memory_space<vmem>> -> memref<1x128xi32, #tpu.memory_space<vmem>>
      %dma_start3A_128 = tpu.memref_squeeze %dma_start3A_127 : memref<1x128xi32, #tpu.memory_space<vmem>> -> memref<128xi32, #tpu.memory_space<vmem>>
      %dma_start3A_129 = arith.constant 0 : i32
      %dma_start3A_130 = tpu.memref_slice %arg9[%dma_start3A_129] : memref<102416xf32, #tpu.memory_space<vmem_shared>> -> memref<102416xf32, #tpu.memory_space<vmem_shared>>
      tpu.enqueue_indirect_dma source(%arg6 : memref<128xf32, #tpu.memory_space<vmem>>) target(%dma_start3A_130 : memref<102416xf32, #tpu.memory_space<vmem_shared>>) offsets(%dma_start3A_128 : memref<128xi32, #tpu.memory_space<vmem>>) semaphore(%arg10 : memref<!tpu.dma_semaphore, #tpu.memory_space<semaphore_mem>>) {add = true}
      %dma_start3A_131 = arith.constant 4 : i32
      %dma_start3A_132 = arith.constant 0 : i32
      %dma_start3A_133 = tpu.memref_slice %arg5[%dma_start3A_131, %dma_start3A_132] : memref<8x128xi32, #tpu.memory_space<vmem>> -> memref<1x128xi32, #tpu.memory_space<vmem>>
      %dma_start3A_134 = tpu.memref_squeeze %dma_start3A_133 : memref<1x128xi32, #tpu.memory_space<vmem>> -> memref<128xi32, #tpu.memory_space<vmem>>
      %dma_start3A_135 = arith.constant 0 : i32
      %dma_start3A_136 = tpu.memref_slice %arg9[%dma_start3A_135] : memref<102416xf32, #tpu.memory_space<vmem_shared>> -> memref<102416xf32, #tpu.memory_space<vmem_shared>>
      tpu.enqueue_indirect_dma source(%arg6 : memref<128xf32, #tpu.memory_space<vmem>>) target(%dma_start3A_136 : memref<102416xf32, #tpu.memory_space<vmem_shared>>) offsets(%dma_start3A_134 : memref<128xi32, #tpu.memory_space<vmem>>) semaphore(%arg10 : memref<!tpu.dma_semaphore, #tpu.memory_space<semaphore_mem>>) {add = true}
      %dma_start3A_137 = arith.constant 5 : i32
      %dma_start3A_138 = arith.constant 0 : i32
      %dma_start3A_139 = tpu.memref_slice %arg5[%dma_start3A_137, %dma_start3A_138] : memref<8x128xi32, #tpu.memory_space<vmem>> -> memref<1x128xi32, #tpu.memory_space<vmem>>
      %dma_start3A_140 = tpu.memref_squeeze %dma_start3A_139 : memref<1x128xi32, #tpu.memory_space<vmem>> -> memref<128xi32, #tpu.memory_space<vmem>>
      %dma_start3A_141 = arith.constant 0 : i32
      %dma_start3A_142 = tpu.memref_slice %arg9[%dma_start3A_141] : memref<102416xf32, #tpu.memory_space<vmem_shared>> -> memref<102416xf32, #tpu.memory_space<vmem_shared>>
      tpu.enqueue_indirect_dma source(%arg6 : memref<128xf32, #tpu.memory_space<vmem>>) target(%dma_start3A_142 : memref<102416xf32, #tpu.memory_space<vmem_shared>>) offsets(%dma_start3A_140 : memref<128xi32, #tpu.memory_space<vmem>>) semaphore(%arg10 : memref<!tpu.dma_semaphore, #tpu.memory_space<semaphore_mem>>) {add = true}
      %dma_start3A_143 = arith.constant 6 : i32
      %dma_start3A_144 = arith.constant 0 : i32
      %dma_start3A_145 = tpu.memref_slice %arg5[%dma_start3A_143, %dma_start3A_144] : memref<8x128xi32, #tpu.memory_space<vmem>> -> memref<1x128xi32, #tpu.memory_space<vmem>>
      %dma_start3A_146 = tpu.memref_squeeze %dma_start3A_145 : memref<1x128xi32, #tpu.memory_space<vmem>> -> memref<128xi32, #tpu.memory_space<vmem>>
      %dma_start3A_147 = arith.constant 0 : i32
      %dma_start3A_148 = tpu.memref_slice %arg9[%dma_start3A_147] : memref<102416xf32, #tpu.memory_space<vmem_shared>> -> memref<102416xf32, #tpu.memory_space<vmem_shared>>
      tpu.enqueue_indirect_dma source(%arg6 : memref<128xf32, #tpu.memory_space<vmem>>) target(%dma_start3A_148 : memref<102416xf32, #tpu.memory_space<vmem_shared>>) offsets(%dma_start3A_146 : memref<128xi32, #tpu.memory_space<vmem>>) semaphore(%arg10 : memref<!tpu.dma_semaphore, #tpu.memory_space<semaphore_mem>>) {add = true}
      %dma_start3A_149 = arith.constant 7 : i32
      %dma_start3A_150 = arith.constant 0 : i32
      %dma_start3A_151 = tpu.memref_slice %arg5[%dma_start3A_149, %dma_start3A_150] : memref<8x128xi32, #tpu.memory_space<vmem>> -> memref<1x128xi32, #tpu.memory_space<vmem>>
      %dma_start3A_152 = tpu.memref_squeeze %dma_start3A_151 : memref<1x128xi32, #tpu.memory_space<vmem>> -> memref<128xi32, #tpu.memory_space<vmem>>
      %dma_start3A_153 = arith.constant 0 : i32
      %dma_start3A_154 = tpu.memref_slice %arg9[%dma_start3A_153] : memref<102416xf32, #tpu.memory_space<vmem_shared>> -> memref<102416xf32, #tpu.memory_space<vmem_shared>>
      tpu.enqueue_indirect_dma source(%arg6 : memref<128xf32, #tpu.memory_space<vmem>>) target(%dma_start3A_154 : memref<102416xf32, #tpu.memory_space<vmem_shared>>) offsets(%dma_start3A_152 : memref<128xi32, #tpu.memory_space<vmem>>) semaphore(%arg10 : memref<!tpu.dma_semaphore, #tpu.memory_space<semaphore_mem>>) {add = true}
      %dma_wait3A = arith.constant 0 : i32
      %dma_wait3A_155 = arith.constant 0 : i32
      %dma_wait3A_156 = tpu.memref_slice %arg5[%dma_wait3A, %dma_wait3A_155] : memref<8x128xi32, #tpu.memory_space<vmem>> -> memref<1x128xi32, #tpu.memory_space<vmem>>
      %dma_wait3A_157 = tpu.memref_squeeze %dma_wait3A_156 : memref<1x128xi32, #tpu.memory_space<vmem>> -> memref<128xi32, #tpu.memory_space<vmem>>
      %dma_wait3A_158 = arith.constant 0 : i32
      %dma_wait3A_159 = tpu.memref_slice %arg9[%dma_wait3A_158] : memref<102416xf32, #tpu.memory_space<vmem_shared>> -> memref<102416xf32, #tpu.memory_space<vmem_shared>>
      tpu.wait_indirect_dma semaphore(%arg10 : memref<!tpu.dma_semaphore, #tpu.memory_space<semaphore_mem>>) src(%arg6 : memref<128xf32, #tpu.memory_space<vmem>>) dst(%dma_wait3A_159 : memref<102416xf32, #tpu.memory_space<vmem_shared>>)
      %dma_wait3A_160 = arith.constant 1 : i32
      %dma_wait3A_161 = arith.constant 0 : i32
      %dma_wait3A_162 = tpu.memref_slice %arg5[%dma_wait3A_160, %dma_wait3A_161] : memref<8x128xi32, #tpu.memory_space<vmem>> -> memref<1x128xi32, #tpu.memory_space<vmem>>
      %dma_wait3A_163 = tpu.memref_squeeze %dma_wait3A_162 : memref<1x128xi32, #tpu.memory_space<vmem>> -> memref<128xi32, #tpu.memory_space<vmem>>
      %dma_wait3A_164 = arith.constant 0 : i32
      %dma_wait3A_165 = tpu.memref_slice %arg9[%dma_wait3A_164] : memref<102416xf32, #tpu.memory_space<vmem_shared>> -> memref<102416xf32, #tpu.memory_space<vmem_shared>>
      tpu.wait_indirect_dma semaphore(%arg10 : memref<!tpu.dma_semaphore, #tpu.memory_space<semaphore_mem>>) src(%arg6 : memref<128xf32, #tpu.memory_space<vmem>>) dst(%dma_wait3A_165 : memref<102416xf32, #tpu.memory_space<vmem_shared>>)
      %dma_wait3A_166 = arith.constant 2 : i32
      %dma_wait3A_167 = arith.constant 0 : i32
      %dma_wait3A_168 = tpu.memref_slice %arg5[%dma_wait3A_166, %dma_wait3A_167] : memref<8x128xi32, #tpu.memory_space<vmem>> -> memref<1x128xi32, #tpu.memory_space<vmem>>
      %dma_wait3A_169 = tpu.memref_squeeze %dma_wait3A_168 : memref<1x128xi32, #tpu.memory_space<vmem>> -> memref<128xi32, #tpu.memory_space<vmem>>
      %dma_wait3A_170 = arith.constant 0 : i32
      %dma_wait3A_171 = tpu.memref_slice %arg9[%dma_wait3A_170] : memref<102416xf32, #tpu.memory_space<vmem_shared>> -> memref<102416xf32, #tpu.memory_space<vmem_shared>>
      tpu.wait_indirect_dma semaphore(%arg10 : memref<!tpu.dma_semaphore, #tpu.memory_space<semaphore_mem>>) src(%arg6 : memref<128xf32, #tpu.memory_space<vmem>>) dst(%dma_wait3A_171 : memref<102416xf32, #tpu.memory_space<vmem_shared>>)
      %dma_wait3A_172 = arith.constant 3 : i32
      %dma_wait3A_173 = arith.constant 0 : i32
      %dma_wait3A_174 = tpu.memref_slice %arg5[%dma_wait3A_172, %dma_wait3A_173] : memref<8x128xi32, #tpu.memory_space<vmem>> -> memref<1x128xi32, #tpu.memory_space<vmem>>
      %dma_wait3A_175 = tpu.memref_squeeze %dma_wait3A_174 : memref<1x128xi32, #tpu.memory_space<vmem>> -> memref<128xi32, #tpu.memory_space<vmem>>
      %dma_wait3A_176 = arith.constant 0 : i32
      %dma_wait3A_177 = tpu.memref_slice %arg9[%dma_wait3A_176] : memref<102416xf32, #tpu.memory_space<vmem_shared>> -> memref<102416xf32, #tpu.memory_space<vmem_shared>>
      tpu.wait_indirect_dma semaphore(%arg10 : memref<!tpu.dma_semaphore, #tpu.memory_space<semaphore_mem>>) src(%arg6 : memref<128xf32, #tpu.memory_space<vmem>>) dst(%dma_wait3A_177 : memref<102416xf32, #tpu.memory_space<vmem_shared>>)
      %dma_wait3A_178 = arith.constant 4 : i32
      %dma_wait3A_179 = arith.constant 0 : i32
      %dma_wait3A_180 = tpu.memref_slice %arg5[%dma_wait3A_178, %dma_wait3A_179] : memref<8x128xi32, #tpu.memory_space<vmem>> -> memref<1x128xi32, #tpu.memory_space<vmem>>
      %dma_wait3A_181 = tpu.memref_squeeze %dma_wait3A_180 : memref<1x128xi32, #tpu.memory_space<vmem>> -> memref<128xi32, #tpu.memory_space<vmem>>
      %dma_wait3A_182 = arith.constant 0 : i32
      %dma_wait3A_183 = tpu.memref_slice %arg9[%dma_wait3A_182] : memref<102416xf32, #tpu.memory_space<vmem_shared>> -> memref<102416xf32, #tpu.memory_space<vmem_shared>>
      tpu.wait_indirect_dma semaphore(%arg10 : memref<!tpu.dma_semaphore, #tpu.memory_space<semaphore_mem>>) src(%arg6 : memref<128xf32, #tpu.memory_space<vmem>>) dst(%dma_wait3A_183 : memref<102416xf32, #tpu.memory_space<vmem_shared>>)
      %dma_wait3A_184 = arith.constant 5 : i32
      %dma_wait3A_185 = arith.constant 0 : i32
      %dma_wait3A_186 = tpu.memref_slice %arg5[%dma_wait3A_184, %dma_wait3A_185] : memref<8x128xi32, #tpu.memory_space<vmem>> -> memref<1x128xi32, #tpu.memory_space<vmem>>
      %dma_wait3A_187 = tpu.memref_squeeze %dma_wait3A_186 : memref<1x128xi32, #tpu.memory_space<vmem>> -> memref<128xi32, #tpu.memory_space<vmem>>
      %dma_wait3A_188 = arith.constant 0 : i32
      %dma_wait3A_189 = tpu.memref_slice %arg9[%dma_wait3A_188] : memref<102416xf32, #tpu.memory_space<vmem_shared>> -> memref<102416xf32, #tpu.memory_space<vmem_shared>>
      tpu.wait_indirect_dma semaphore(%arg10 : memref<!tpu.dma_semaphore, #tpu.memory_space<semaphore_mem>>) src(%arg6 : memref<128xf32, #tpu.memory_space<vmem>>) dst(%dma_wait3A_189 : memref<102416xf32, #tpu.memory_space<vmem_shared>>)
      %dma_wait3A_190 = arith.constant 6 : i32
      %dma_wait3A_191 = arith.constant 0 : i32
      %dma_wait3A_192 = tpu.memref_slice %arg5[%dma_wait3A_190, %dma_wait3A_191] : memref<8x128xi32, #tpu.memory_space<vmem>> -> memref<1x128xi32, #tpu.memory_space<vmem>>
      %dma_wait3A_193 = tpu.memref_squeeze %dma_wait3A_192 : memref<1x128xi32, #tpu.memory_space<vmem>> -> memref<128xi32, #tpu.memory_space<vmem>>
      %dma_wait3A_194 = arith.constant 0 : i32
      %dma_wait3A_195 = tpu.memref_slice %arg9[%dma_wait3A_194] : memref<102416xf32, #tpu.memory_space<vmem_shared>> -> memref<102416xf32, #tpu.memory_space<vmem_shared>>
      tpu.wait_indirect_dma semaphore(%arg10 : memref<!tpu.dma_semaphore, #tpu.memory_space<semaphore_mem>>) src(%arg6 : memref<128xf32, #tpu.memory_space<vmem>>) dst(%dma_wait3A_195 : memref<102416xf32, #tpu.memory_space<vmem_shared>>)
      %dma_wait3A_196 = arith.constant 7 : i32
      %dma_wait3A_197 = arith.constant 0 : i32
      %dma_wait3A_198 = tpu.memref_slice %arg5[%dma_wait3A_196, %dma_wait3A_197] : memref<8x128xi32, #tpu.memory_space<vmem>> -> memref<1x128xi32, #tpu.memory_space<vmem>>
      %dma_wait3A_199 = tpu.memref_squeeze %dma_wait3A_198 : memref<1x128xi32, #tpu.memory_space<vmem>> -> memref<128xi32, #tpu.memory_space<vmem>>
      %dma_wait3A_200 = arith.constant 0 : i32
      %dma_wait3A_201 = tpu.memref_slice %arg9[%dma_wait3A_200] : memref<102416xf32, #tpu.memory_space<vmem_shared>> -> memref<102416xf32, #tpu.memory_space<vmem_shared>>
      tpu.wait_indirect_dma semaphore(%arg10 : memref<!tpu.dma_semaphore, #tpu.memory_space<semaphore_mem>>) src(%arg6 : memref<128xf32, #tpu.memory_space<vmem>>) dst(%dma_wait3A_201 : memref<102416xf32, #tpu.memory_space<vmem_shared>>)
    }
    %scan3A_67 = arith.constant 98 : i32
    %barrier3A_68 = arith.constant 0 : index
    tpu.barrier barrier_id(%barrier3A_68)
    %mul3A_69 = arith.constant 102400 : i32
    %mul3A_70 = arith.muli %arg0, %mul3A_69 : i32
    %mul3A_71 = arith.constant 6400 : i32
    %mul3A_72 = arith.muli %arg1, %mul3A_71 : i32
    %add3A_73 = arith.addi %mul3A_70, %mul3A_72 : i32
    %add3A_74 = arith.constant 0 : i32
    %add3A_75 = arith.addi %mul3A_48, %add3A_74 : i32
    "tpu.region"() ({
      %run_scoped3A = tpu.sem_alloc : memref<!tpu.dma_semaphore, #tpu.memory_space<semaphore_mem>>
      %dma_start3A = tpu.memref_slice %arg9[%add3A_75] : memref<102416xf32, #tpu.memory_space<vmem_shared>> -> memref<1024xf32, #tpu.memory_space<vmem_shared>>
      %dma_start3A_102 = tpu.memref_slice %arg9[%add3A_75] : memref<102416xf32, #tpu.memory_space<vmem_shared>> -> memref<1024xf32, #tpu.memory_space<vmem_shared>>
      tpu.enqueue_dma source(%dma_start3A_102 : memref<1024xf32, #tpu.memory_space<vmem_shared>>) target(%arg8 : memref<1024xf32, #tpu.memory_space<vmem>>) target_semaphore(%run_scoped3A : memref<!tpu.dma_semaphore, #tpu.memory_space<semaphore_mem>>)
      %dma_wait3A = tpu.memref_slice %arg9[%add3A_75] : memref<102416xf32, #tpu.memory_space<vmem_shared>> -> memref<1024xf32, #tpu.memory_space<vmem_shared>>
      %dma_wait3A_103 = tpu.memref_slice %arg9[%add3A_75] : memref<102416xf32, #tpu.memory_space<vmem_shared>> -> memref<1024xf32, #tpu.memory_space<vmem_shared>>
      tpu.wait_dma2 semaphore(%run_scoped3A : memref<!tpu.dma_semaphore, #tpu.memory_space<semaphore_mem>>) src(%dma_wait3A_103 : memref<1024xf32, #tpu.memory_space<vmem_shared>>) dst(%arg8 : memref<1024xf32, #tpu.memory_space<vmem>>)
      tpu.yield
    }) : () -> ()
    %add3A_76 = arith.constant 0 : i32
    %add3A_77 = arith.addi %add3A_73, %add3A_76 : i32
    "tpu.region"() ({
      %run_scoped3A = tpu.sem_alloc : memref<!tpu.dma_semaphore, #tpu.memory_space<semaphore_mem>>
      %dma_start3A = tpu.memref_slice %arg4[%add3A_77] : memref<204800xf32, #tpu.memory_space<hbm>> -> memref<1024xf32, #tpu.memory_space<hbm>>
      %dma_start3A_102 = tpu.memref_slice %arg4[%add3A_77] : memref<204800xf32, #tpu.memory_space<hbm>> -> memref<1024xf32, #tpu.memory_space<hbm>>
      tpu.enqueue_dma source(%arg8 : memref<1024xf32, #tpu.memory_space<vmem>>) target(%dma_start3A_102 : memref<1024xf32, #tpu.memory_space<hbm>>) target_semaphore(%run_scoped3A : memref<!tpu.dma_semaphore, #tpu.memory_space<semaphore_mem>>)
      %dma_wait3A = tpu.memref_slice %arg4[%add3A_77] : memref<204800xf32, #tpu.memory_space<hbm>> -> memref<1024xf32, #tpu.memory_space<hbm>>
      %dma_wait3A_103 = tpu.memref_slice %arg4[%add3A_77] : memref<204800xf32, #tpu.memory_space<hbm>> -> memref<1024xf32, #tpu.memory_space<hbm>>
      tpu.wait_dma2 semaphore(%run_scoped3A : memref<!tpu.dma_semaphore, #tpu.memory_space<semaphore_mem>>) src(%arg8 : memref<1024xf32, #tpu.memory_space<vmem>>) dst(%dma_wait3A_103 : memref<1024xf32, #tpu.memory_space<hbm>>)
      tpu.yield
    }) : () -> ()
    %add3A_78 = arith.constant 1024 : i32
    %add3A_79 = arith.addi %mul3A_48, %add3A_78 : i32
    "tpu.region"() ({
      %run_scoped3A = tpu.sem_alloc : memref<!tpu.dma_semaphore, #tpu.memory_space<semaphore_mem>>
      %dma_start3A = tpu.memref_slice %arg9[%add3A_79] : memref<102416xf32, #tpu.memory_space<vmem_shared>> -> memref<1024xf32, #tpu.memory_space<vmem_shared>>
      %dma_start3A_102 = tpu.memref_slice %arg9[%add3A_79] : memref<102416xf32, #tpu.memory_space<vmem_shared>> -> memref<1024xf32, #tpu.memory_space<vmem_shared>>
      tpu.enqueue_dma source(%dma_start3A_102 : memref<1024xf32, #tpu.memory_space<vmem_shared>>) target(%arg8 : memref<1024xf32, #tpu.memory_space<vmem>>) target_semaphore(%run_scoped3A : memref<!tpu.dma_semaphore, #tpu.memory_space<semaphore_mem>>)
      %dma_wait3A = tpu.memref_slice %arg9[%add3A_79] : memref<102416xf32, #tpu.memory_space<vmem_shared>> -> memref<1024xf32, #tpu.memory_space<vmem_shared>>
      %dma_wait3A_103 = tpu.memref_slice %arg9[%add3A_79] : memref<102416xf32, #tpu.memory_space<vmem_shared>> -> memref<1024xf32, #tpu.memory_space<vmem_shared>>
      tpu.wait_dma2 semaphore(%run_scoped3A : memref<!tpu.dma_semaphore, #tpu.memory_space<semaphore_mem>>) src(%dma_wait3A_103 : memref<1024xf32, #tpu.memory_space<vmem_shared>>) dst(%arg8 : memref<1024xf32, #tpu.memory_space<vmem>>)
      tpu.yield
    }) : () -> ()
    %add3A_80 = arith.constant 1024 : i32
    %add3A_81 = arith.addi %add3A_73, %add3A_80 : i32
    "tpu.region"() ({
      %run_scoped3A = tpu.sem_alloc : memref<!tpu.dma_semaphore, #tpu.memory_space<semaphore_mem>>
      %dma_start3A = tpu.memref_slice %arg4[%add3A_81] : memref<204800xf32, #tpu.memory_space<hbm>> -> memref<1024xf32, #tpu.memory_space<hbm>>
      %dma_start3A_102 = tpu.memref_slice %arg4[%add3A_81] : memref<204800xf32, #tpu.memory_space<hbm>> -> memref<1024xf32, #tpu.memory_space<hbm>>
      tpu.enqueue_dma source(%arg8 : memref<1024xf32, #tpu.memory_space<vmem>>) target(%dma_start3A_102 : memref<1024xf32, #tpu.memory_space<hbm>>) target_semaphore(%run_scoped3A : memref<!tpu.dma_semaphore, #tpu.memory_space<semaphore_mem>>)
      %dma_wait3A = tpu.memref_slice %arg4[%add3A_81] : memref<204800xf32, #tpu.memory_space<hbm>> -> memref<1024xf32, #tpu.memory_space<hbm>>
      %dma_wait3A_103 = tpu.memref_slice %arg4[%add3A_81] : memref<204800xf32, #tpu.memory_space<hbm>> -> memref<1024xf32, #tpu.memory_space<hbm>>
      tpu.wait_dma2 semaphore(%run_scoped3A : memref<!tpu.dma_semaphore, #tpu.memory_space<semaphore_mem>>) src(%arg8 : memref<1024xf32, #tpu.memory_space<vmem>>) dst(%dma_wait3A_103 : memref<1024xf32, #tpu.memory_space<hbm>>)
      tpu.yield
    }) : () -> ()
    %add3A_82 = arith.constant 2048 : i32
    %add3A_83 = arith.addi %mul3A_48, %add3A_82 : i32
    "tpu.region"() ({
      %run_scoped3A = tpu.sem_alloc : memref<!tpu.dma_semaphore, #tpu.memory_space<semaphore_mem>>
      %dma_start3A = tpu.memref_slice %arg9[%add3A_83] : memref<102416xf32, #tpu.memory_space<vmem_shared>> -> memref<1024xf32, #tpu.memory_space<vmem_shared>>
      %dma_start3A_102 = tpu.memref_slice %arg9[%add3A_83] : memref<102416xf32, #tpu.memory_space<vmem_shared>> -> memref<1024xf32, #tpu.memory_space<vmem_shared>>
      tpu.enqueue_dma source(%dma_start3A_102 : memref<1024xf32, #tpu.memory_space<vmem_shared>>) target(%arg8 : memref<1024xf32, #tpu.memory_space<vmem>>) target_semaphore(%run_scoped3A : memref<!tpu.dma_semaphore, #tpu.memory_space<semaphore_mem>>)
      %dma_wait3A = tpu.memref_slice %arg9[%add3A_83] : memref<102416xf32, #tpu.memory_space<vmem_shared>> -> memref<1024xf32, #tpu.memory_space<vmem_shared>>
      %dma_wait3A_103 = tpu.memref_slice %arg9[%add3A_83] : memref<102416xf32, #tpu.memory_space<vmem_shared>> -> memref<1024xf32, #tpu.memory_space<vmem_shared>>
      tpu.wait_dma2 semaphore(%run_scoped3A : memref<!tpu.dma_semaphore, #tpu.memory_space<semaphore_mem>>) src(%dma_wait3A_103 : memref<1024xf32, #tpu.memory_space<vmem_shared>>) dst(%arg8 : memref<1024xf32, #tpu.memory_space<vmem>>)
      tpu.yield
    }) : () -> ()
    %add3A_84 = arith.constant 2048 : i32
    %add3A_85 = arith.addi %add3A_73, %add3A_84 : i32
    "tpu.region"() ({
      %run_scoped3A = tpu.sem_alloc : memref<!tpu.dma_semaphore, #tpu.memory_space<semaphore_mem>>
      %dma_start3A = tpu.memref_slice %arg4[%add3A_85] : memref<204800xf32, #tpu.memory_space<hbm>> -> memref<1024xf32, #tpu.memory_space<hbm>>
      %dma_start3A_102 = tpu.memref_slice %arg4[%add3A_85] : memref<204800xf32, #tpu.memory_space<hbm>> -> memref<1024xf32, #tpu.memory_space<hbm>>
      tpu.enqueue_dma source(%arg8 : memref<1024xf32, #tpu.memory_space<vmem>>) target(%dma_start3A_102 : memref<1024xf32, #tpu.memory_space<hbm>>) target_semaphore(%run_scoped3A : memref<!tpu.dma_semaphore, #tpu.memory_space<semaphore_mem>>)
      %dma_wait3A = tpu.memref_slice %arg4[%add3A_85] : memref<204800xf32, #tpu.memory_space<hbm>> -> memref<1024xf32, #tpu.memory_space<hbm>>
      %dma_wait3A_103 = tpu.memref_slice %arg4[%add3A_85] : memref<204800xf32, #tpu.memory_space<hbm>> -> memref<1024xf32, #tpu.memory_space<hbm>>
      tpu.wait_dma2 semaphore(%run_scoped3A : memref<!tpu.dma_semaphore, #tpu.memory_space<semaphore_mem>>) src(%arg8 : memref<1024xf32, #tpu.memory_space<vmem>>) dst(%dma_wait3A_103 : memref<1024xf32, #tpu.memory_space<hbm>>)
      tpu.yield
    }) : () -> ()
    %add3A_86 = arith.constant 3072 : i32
    %add3A_87 = arith.addi %mul3A_48, %add3A_86 : i32
    "tpu.region"() ({
      %run_scoped3A = tpu.sem_alloc : memref<!tpu.dma_semaphore, #tpu.memory_space<semaphore_mem>>
      %dma_start3A = tpu.memref_slice %arg9[%add3A_87] : memref<102416xf32, #tpu.memory_space<vmem_shared>> -> memref<1024xf32, #tpu.memory_space<vmem_shared>>
      %dma_start3A_102 = tpu.memref_slice %arg9[%add3A_87] : memref<102416xf32, #tpu.memory_space<vmem_shared>> -> memref<1024xf32, #tpu.memory_space<vmem_shared>>
      tpu.enqueue_dma source(%dma_start3A_102 : memref<1024xf32, #tpu.memory_space<vmem_shared>>) target(%arg8 : memref<1024xf32, #tpu.memory_space<vmem>>) target_semaphore(%run_scoped3A : memref<!tpu.dma_semaphore, #tpu.memory_space<semaphore_mem>>)
      %dma_wait3A = tpu.memref_slice %arg9[%add3A_87] : memref<102416xf32, #tpu.memory_space<vmem_shared>> -> memref<1024xf32, #tpu.memory_space<vmem_shared>>
      %dma_wait3A_103 = tpu.memref_slice %arg9[%add3A_87] : memref<102416xf32, #tpu.memory_space<vmem_shared>> -> memref<1024xf32, #tpu.memory_space<vmem_shared>>
      tpu.wait_dma2 semaphore(%run_scoped3A : memref<!tpu.dma_semaphore, #tpu.memory_space<semaphore_mem>>) src(%dma_wait3A_103 : memref<1024xf32, #tpu.memory_space<vmem_shared>>) dst(%arg8 : memref<1024xf32, #tpu.memory_space<vmem>>)
      tpu.yield
    }) : () -> ()
    %add3A_88 = arith.constant 3072 : i32
    %add3A_89 = arith.addi %add3A_73, %add3A_88 : i32
    "tpu.region"() ({
      %run_scoped3A = tpu.sem_alloc : memref<!tpu.dma_semaphore, #tpu.memory_space<semaphore_mem>>
      %dma_start3A = tpu.memref_slice %arg4[%add3A_89] : memref<204800xf32, #tpu.memory_space<hbm>> -> memref<1024xf32, #tpu.memory_space<hbm>>
      %dma_start3A_102 = tpu.memref_slice %arg4[%add3A_89] : memref<204800xf32, #tpu.memory_space<hbm>> -> memref<1024xf32, #tpu.memory_space<hbm>>
      tpu.enqueue_dma source(%arg8 : memref<1024xf32, #tpu.memory_space<vmem>>) target(%dma_start3A_102 : memref<1024xf32, #tpu.memory_space<hbm>>) target_semaphore(%run_scoped3A : memref<!tpu.dma_semaphore, #tpu.memory_space<semaphore_mem>>)
      %dma_wait3A = tpu.memref_slice %arg4[%add3A_89] : memref<204800xf32, #tpu.memory_space<hbm>> -> memref<1024xf32, #tpu.memory_space<hbm>>
      %dma_wait3A_103 = tpu.memref_slice %arg4[%add3A_89] : memref<204800xf32, #tpu.memory_space<hbm>> -> memref<1024xf32, #tpu.memory_space<hbm>>
      tpu.wait_dma2 semaphore(%run_scoped3A : memref<!tpu.dma_semaphore, #tpu.memory_space<semaphore_mem>>) src(%arg8 : memref<1024xf32, #tpu.memory_space<vmem>>) dst(%dma_wait3A_103 : memref<1024xf32, #tpu.memory_space<hbm>>)
      tpu.yield
    }) : () -> ()
    %add3A_90 = arith.constant 4096 : i32
    %add3A_91 = arith.addi %mul3A_48, %add3A_90 : i32
    "tpu.region"() ({
      %run_scoped3A = tpu.sem_alloc : memref<!tpu.dma_semaphore, #tpu.memory_space<semaphore_mem>>
      %dma_start3A = tpu.memref_slice %arg9[%add3A_91] : memref<102416xf32, #tpu.memory_space<vmem_shared>> -> memref<1024xf32, #tpu.memory_space<vmem_shared>>
      %dma_start3A_102 = tpu.memref_slice %arg9[%add3A_91] : memref<102416xf32, #tpu.memory_space<vmem_shared>> -> memref<1024xf32, #tpu.memory_space<vmem_shared>>
      tpu.enqueue_dma source(%dma_start3A_102 : memref<1024xf32, #tpu.memory_space<vmem_shared>>) target(%arg8 : memref<1024xf32, #tpu.memory_space<vmem>>) target_semaphore(%run_scoped3A : memref<!tpu.dma_semaphore, #tpu.memory_space<semaphore_mem>>)
      %dma_wait3A = tpu.memref_slice %arg9[%add3A_91] : memref<102416xf32, #tpu.memory_space<vmem_shared>> -> memref<1024xf32, #tpu.memory_space<vmem_shared>>
      %dma_wait3A_103 = tpu.memref_slice %arg9[%add3A_91] : memref<102416xf32, #tpu.memory_space<vmem_shared>> -> memref<1024xf32, #tpu.memory_space<vmem_shared>>
      tpu.wait_dma2 semaphore(%run_scoped3A : memref<!tpu.dma_semaphore, #tpu.memory_space<semaphore_mem>>) src(%dma_wait3A_103 : memref<1024xf32, #tpu.memory_space<vmem_shared>>) dst(%arg8 : memref<1024xf32, #tpu.memory_space<vmem>>)
      tpu.yield
    }) : () -> ()
    %add3A_92 = arith.constant 4096 : i32
    %add3A_93 = arith.addi %add3A_73, %add3A_92 : i32
    "tpu.region"() ({
      %run_scoped3A = tpu.sem_alloc : memref<!tpu.dma_semaphore, #tpu.memory_space<semaphore_mem>>
      %dma_start3A = tpu.memref_slice %arg4[%add3A_93] : memref<204800xf32, #tpu.memory_space<hbm>> -> memref<1024xf32, #tpu.memory_space<hbm>>
      %dma_start3A_102 = tpu.memref_slice %arg4[%add3A_93] : memref<204800xf32, #tpu.memory_space<hbm>> -> memref<1024xf32, #tpu.memory_space<hbm>>
      tpu.enqueue_dma source(%arg8 : memref<1024xf32, #tpu.memory_space<vmem>>) target(%dma_start3A_102 : memref<1024xf32, #tpu.memory_space<hbm>>) target_semaphore(%run_scoped3A : memref<!tpu.dma_semaphore, #tpu.memory_space<semaphore_mem>>)
      %dma_wait3A = tpu.memref_slice %arg4[%add3A_93] : memref<204800xf32, #tpu.memory_space<hbm>> -> memref<1024xf32, #tpu.memory_space<hbm>>
      %dma_wait3A_103 = tpu.memref_slice %arg4[%add3A_93] : memref<204800xf32, #tpu.memory_space<hbm>> -> memref<1024xf32, #tpu.memory_space<hbm>>
      tpu.wait_dma2 semaphore(%run_scoped3A : memref<!tpu.dma_semaphore, #tpu.memory_space<semaphore_mem>>) src(%arg8 : memref<1024xf32, #tpu.memory_space<vmem>>) dst(%dma_wait3A_103 : memref<1024xf32, #tpu.memory_space<hbm>>)
      tpu.yield
    }) : () -> ()
    %add3A_94 = arith.constant 5120 : i32
    %add3A_95 = arith.addi %mul3A_48, %add3A_94 : i32
    "tpu.region"() ({
      %run_scoped3A = tpu.sem_alloc : memref<!tpu.dma_semaphore, #tpu.memory_space<semaphore_mem>>
      %dma_start3A = tpu.memref_slice %arg9[%add3A_95] : memref<102416xf32, #tpu.memory_space<vmem_shared>> -> memref<1024xf32, #tpu.memory_space<vmem_shared>>
      %dma_start3A_102 = tpu.memref_slice %arg9[%add3A_95] : memref<102416xf32, #tpu.memory_space<vmem_shared>> -> memref<1024xf32, #tpu.memory_space<vmem_shared>>
      tpu.enqueue_dma source(%dma_start3A_102 : memref<1024xf32, #tpu.memory_space<vmem_shared>>) target(%arg8 : memref<1024xf32, #tpu.memory_space<vmem>>) target_semaphore(%run_scoped3A : memref<!tpu.dma_semaphore, #tpu.memory_space<semaphore_mem>>)
      %dma_wait3A = tpu.memref_slice %arg9[%add3A_95] : memref<102416xf32, #tpu.memory_space<vmem_shared>> -> memref<1024xf32, #tpu.memory_space<vmem_shared>>
      %dma_wait3A_103 = tpu.memref_slice %arg9[%add3A_95] : memref<102416xf32, #tpu.memory_space<vmem_shared>> -> memref<1024xf32, #tpu.memory_space<vmem_shared>>
      tpu.wait_dma2 semaphore(%run_scoped3A : memref<!tpu.dma_semaphore, #tpu.memory_space<semaphore_mem>>) src(%dma_wait3A_103 : memref<1024xf32, #tpu.memory_space<vmem_shared>>) dst(%arg8 : memref<1024xf32, #tpu.memory_space<vmem>>)
      tpu.yield
    }) : () -> ()
    %add3A_96 = arith.constant 5120 : i32
    %add3A_97 = arith.addi %add3A_73, %add3A_96 : i32
    "tpu.region"() ({
      %run_scoped3A = tpu.sem_alloc : memref<!tpu.dma_semaphore, #tpu.memory_space<semaphore_mem>>
      %dma_start3A = tpu.memref_slice %arg4[%add3A_97] : memref<204800xf32, #tpu.memory_space<hbm>> -> memref<1024xf32, #tpu.memory_space<hbm>>
      %dma_start3A_102 = tpu.memref_slice %arg4[%add3A_97] : memref<204800xf32, #tpu.memory_space<hbm>> -> memref<1024xf32, #tpu.memory_space<hbm>>
      tpu.enqueue_dma source(%arg8 : memref<1024xf32, #tpu.memory_space<vmem>>) target(%dma_start3A_102 : memref<1024xf32, #tpu.memory_space<hbm>>) target_semaphore(%run_scoped3A : memref<!tpu.dma_semaphore, #tpu.memory_space<semaphore_mem>>)
      %dma_wait3A = tpu.memref_slice %arg4[%add3A_97] : memref<204800xf32, #tpu.memory_space<hbm>> -> memref<1024xf32, #tpu.memory_space<hbm>>
      %dma_wait3A_103 = tpu.memref_slice %arg4[%add3A_97] : memref<204800xf32, #tpu.memory_space<hbm>> -> memref<1024xf32, #tpu.memory_space<hbm>>
      tpu.wait_dma2 semaphore(%run_scoped3A : memref<!tpu.dma_semaphore, #tpu.memory_space<semaphore_mem>>) src(%arg8 : memref<1024xf32, #tpu.memory_space<vmem>>) dst(%dma_wait3A_103 : memref<1024xf32, #tpu.memory_space<hbm>>)
      tpu.yield
    }) : () -> ()
    %add3A_98 = arith.constant 6144 : i32
    %add3A_99 = arith.addi %mul3A_48, %add3A_98 : i32
    "tpu.region"() ({
      %run_scoped3A = tpu.sem_alloc : memref<!tpu.dma_semaphore, #tpu.memory_space<semaphore_mem>>
      %dma_start3A = arith.constant 0 : i32
      %dma_start3A_102 = tpu.memref_slice %arg8[%dma_start3A] : memref<1024xf32, #tpu.memory_space<vmem>> -> memref<256xf32, #tpu.memory_space<vmem>>
      %dma_start3A_103 = tpu.memref_slice %arg9[%add3A_99] : memref<102416xf32, #tpu.memory_space<vmem_shared>> -> memref<256xf32, #tpu.memory_space<vmem_shared>>
      %dma_start3A_104 = arith.constant 0 : i32
      %dma_start3A_105 = tpu.memref_slice %arg8[%dma_start3A_104] : memref<1024xf32, #tpu.memory_space<vmem>> -> memref<256xf32, #tpu.memory_space<vmem>>
      %dma_start3A_106 = tpu.memref_slice %arg9[%add3A_99] : memref<102416xf32, #tpu.memory_space<vmem_shared>> -> memref<256xf32, #tpu.memory_space<vmem_shared>>
      tpu.enqueue_dma source(%dma_start3A_106 : memref<256xf32, #tpu.memory_space<vmem_shared>>) target(%dma_start3A_105 : memref<256xf32, #tpu.memory_space<vmem>>) target_semaphore(%run_scoped3A : memref<!tpu.dma_semaphore, #tpu.memory_space<semaphore_mem>>)
      %dma_wait3A = arith.constant 0 : i32
      %dma_wait3A_107 = tpu.memref_slice %arg8[%dma_wait3A] : memref<1024xf32, #tpu.memory_space<vmem>> -> memref<256xf32, #tpu.memory_space<vmem>>
      %dma_wait3A_108 = tpu.memref_slice %arg9[%add3A_99] : memref<102416xf32, #tpu.memory_space<vmem_shared>> -> memref<256xf32, #tpu.memory_space<vmem_shared>>
      %dma_wait3A_109 = arith.constant 0 : i32
      %dma_wait3A_110 = tpu.memref_slice %arg8[%dma_wait3A_109] : memref<1024xf32, #tpu.memory_space<vmem>> -> memref<256xf32, #tpu.memory_space<vmem>>
      %dma_wait3A_111 = tpu.memref_slice %arg9[%add3A_99] : memref<102416xf32, #tpu.memory_space<vmem_shared>> -> memref<256xf32, #tpu.memory_space<vmem_shared>>
      tpu.wait_dma2 semaphore(%run_scoped3A : memref<!tpu.dma_semaphore, #tpu.memory_space<semaphore_mem>>) src(%dma_wait3A_111 : memref<256xf32, #tpu.memory_space<vmem_shared>>) dst(%dma_wait3A_110 : memref<256xf32, #tpu.memory_space<vmem>>)
      tpu.yield
    }) : () -> ()
    %add3A_100 = arith.constant 6144 : i32
    %add3A_101 = arith.addi %add3A_73, %add3A_100 : i32
    "tpu.region"() ({
      %run_scoped3A = tpu.sem_alloc : memref<!tpu.dma_semaphore, #tpu.memory_space<semaphore_mem>>
      %dma_start3A = arith.constant 0 : i32
      %dma_start3A_102 = tpu.memref_slice %arg8[%dma_start3A] : memref<1024xf32, #tpu.memory_space<vmem>> -> memref<256xf32, #tpu.memory_space<vmem>>
      %dma_start3A_103 = tpu.memref_slice %arg4[%add3A_101] : memref<204800xf32, #tpu.memory_space<hbm>> -> memref<256xf32, #tpu.memory_space<hbm>>
      %dma_start3A_104 = tpu.memref_slice %arg4[%add3A_101] : memref<204800xf32, #tpu.memory_space<hbm>> -> memref<256xf32, #tpu.memory_space<hbm>>
      %dma_start3A_105 = arith.constant 0 : i32
      %dma_start3A_106 = tpu.memref_slice %arg8[%dma_start3A_105] : memref<1024xf32, #tpu.memory_space<vmem>> -> memref<256xf32, #tpu.memory_space<vmem>>
      tpu.enqueue_dma source(%dma_start3A_106 : memref<256xf32, #tpu.memory_space<vmem>>) target(%dma_start3A_104 : memref<256xf32, #tpu.memory_space<hbm>>) target_semaphore(%run_scoped3A : memref<!tpu.dma_semaphore, #tpu.memory_space<semaphore_mem>>)
      %dma_wait3A = arith.constant 0 : i32
      %dma_wait3A_107 = tpu.memref_slice %arg8[%dma_wait3A] : memref<1024xf32, #tpu.memory_space<vmem>> -> memref<256xf32, #tpu.memory_space<vmem>>
      %dma_wait3A_108 = tpu.memref_slice %arg4[%add3A_101] : memref<204800xf32, #tpu.memory_space<hbm>> -> memref<256xf32, #tpu.memory_space<hbm>>
      %dma_wait3A_109 = tpu.memref_slice %arg4[%add3A_101] : memref<204800xf32, #tpu.memory_space<hbm>> -> memref<256xf32, #tpu.memory_space<hbm>>
      %dma_wait3A_110 = arith.constant 0 : i32
      %dma_wait3A_111 = tpu.memref_slice %arg8[%dma_wait3A_110] : memref<1024xf32, #tpu.memory_space<vmem>> -> memref<256xf32, #tpu.memory_space<vmem>>
      tpu.wait_dma2 semaphore(%run_scoped3A : memref<!tpu.dma_semaphore, #tpu.memory_space<semaphore_mem>>) src(%dma_wait3A_111 : memref<256xf32, #tpu.memory_space<vmem>>) dst(%dma_wait3A_109 : memref<256xf32, #tpu.memory_space<hbm>>)
      tpu.yield
    }) : () -> ()
    return
  }
}

#map = affine_map<(d0, d1) -> (0)>
#map1 = affine_map<(d0, d1) -> (0, 0)>
module attributes {stable_mosaic.version = 14 : i64} {
  func.func @_seg_body(%arg0: i32, %arg1: i32, %arg2: memref<3211264xi32, #tpu.memory_space<hbm>>, %arg3: memref<3211264xi32, #tpu.memory_space<hbm>>, %arg4: memref<102400x128xf32, #tpu.memory_space<hbm>>, %arg5: memref<128x128xf32, #tpu.memory_space<hbm>>, %arg6: memref<102400x128xf32, #tpu.memory_space<hbm>>, %arg7: memref<2048xi32, #tpu.memory_space<vmem>>, %arg8: memref<4096xi32, #tpu.memory_space<vmem>>, %arg9: memref<4096xi32, #tpu.memory_space<vmem>>, %arg10: memref<32x128xi32, #tpu.memory_space<vmem>>, %arg11: memref<256x128xf32, #tpu.memory_space<vmem>>, %arg12: memref<10248x128xf32, #tpu.memory_space<vmem_shared>>, %arg13: memref<2x!tpu.dma_semaphore, #tpu.memory_space<semaphore_mem>>, %arg14: memref<!tpu.dma_semaphore, #tpu.memory_space<semaphore_mem>>, %arg15: memref<2x!tpu.dma_semaphore, #tpu.memory_space<semaphore_mem>>, %arg16: memref<2x!tpu.dma_semaphore, #tpu.memory_space<semaphore_mem>>) attributes {dimension_semantics = [#tpu.dimension_semantics<core_parallel>, #tpu.dimension_semantics<subcore_parallel>], iteration_bounds = array<i64: 2, 16>, scalar_prefetch = 0 : i64, scratch_operands = 10 : i64, tpu.core_type = #tpu.core_type<sc_vector_subcore>, window_params = [{transform_indices = #map}, {transform_indices = #map}, {transform_indices = #map1}, {transform_indices = #map1}, {transform_indices = #map1}]} {
    %iota3A = tpu.iota {dimensions = array<i32: 0>} : vector<16xi32>
    %mul3A = arith.constant 397 : i32
    %mul3A_0 = vector.broadcast %mul3A : i32 to vector<16xi32>
    %mul3A_1 = arith.muli %iota3A, %mul3A_0 : vector<16xi32>
    %mul3A_2 = arith.constant 16 : i32
    %mul3A_3 = arith.muli %arg1, %mul3A_2 : i32
    %add3A = vector.broadcast %mul3A_3 : i32 to vector<16xi32>
    %add3A_4 = arith.addi %mul3A_1, %add3A : vector<16xi32>
    %scan3A = arith.constant 0 : i32
    %scan3A_5 = arith.constant 0 : i32
    %scan3A_6 = arith.constant 5 : i32
    %scan3A_7 = arith.addi %scan3A_5, %scan3A_6 : i32
    %scan3A_8 = arith.constant 1 : i32
    scf.for %scan3A_10 = %scan3A_5 to %scan3A_7 step %scan3A_8  : i32 {
      %mul3A_11 = arith.constant 2 : i32
      %mul3A_12 = arith.muli %mul3A_11, %scan3A_10 : i32
      %add3A_13 = arith.addi %mul3A_12, %arg0 : i32
      %mul3A_14 = arith.constant 10240 : i32
      %mul3A_15 = arith.muli %add3A_13, %mul3A_14 : i32
      "tpu.region"() ({
        %run_scoped3A = tpu.sem_alloc : memref<!tpu.dma_semaphore, #tpu.memory_space<semaphore_mem>>
        %dma_start3A_106 = arith.constant 0 : i32
        %dma_start3A_107 = arith.constant 0 : i32
        %dma_start3A_108 = tpu.memref_slice %arg11[%dma_start3A_106, %dma_start3A_107] : memref<256x128xf32, #tpu.memory_space<vmem>> -> memref<128x128xf32, #tpu.memory_space<vmem>>
        %dma_start3A_109 = arith.constant 0 : i32
        %dma_start3A_110 = arith.constant 0 : i32
        %dma_start3A_111 = tpu.memref_slice %arg11[%dma_start3A_109, %dma_start3A_110] : memref<256x128xf32, #tpu.memory_space<vmem>> -> memref<128x128xf32, #tpu.memory_space<vmem>>
        tpu.enqueue_dma source(%arg5 : memref<128x128xf32, #tpu.memory_space<hbm>>) target(%dma_start3A_111 : memref<128x128xf32, #tpu.memory_space<vmem>>) target_semaphore(%run_scoped3A : memref<!tpu.dma_semaphore, #tpu.memory_space<semaphore_mem>>)
        %dma_wait3A = arith.constant 0 : i32
        %dma_wait3A_112 = arith.constant 0 : i32
        %dma_wait3A_113 = tpu.memref_slice %arg11[%dma_wait3A, %dma_wait3A_112] : memref<256x128xf32, #tpu.memory_space<vmem>> -> memref<128x128xf32, #tpu.memory_space<vmem>>
        %dma_wait3A_114 = arith.constant 0 : i32
        %dma_wait3A_115 = arith.constant 0 : i32
        %dma_wait3A_116 = tpu.memref_slice %arg11[%dma_wait3A_114, %dma_wait3A_115] : memref<256x128xf32, #tpu.memory_space<vmem>> -> memref<128x128xf32, #tpu.memory_space<vmem>>
        tpu.wait_dma2 semaphore(%run_scoped3A : memref<!tpu.dma_semaphore, #tpu.memory_space<semaphore_mem>>) src(%arg5 : memref<128x128xf32, #tpu.memory_space<hbm>>) dst(%dma_wait3A_116 : memref<128x128xf32, #tpu.memory_space<vmem>>)
        tpu.yield
      }) : () -> ()
      %mul3A_16 = arith.constant 640 : i32
      %mul3A_17 = arith.muli %arg1, %mul3A_16 : i32
      %add3A_18 = arith.constant 0 : i32
      %add3A_19 = arith.addi %mul3A_17, %add3A_18 : i32
      "tpu.region"() ({
        %run_scoped3A = tpu.sem_alloc : memref<!tpu.dma_semaphore, #tpu.memory_space<semaphore_mem>>
        %dma_start3A_106 = arith.constant 0 : i32
        %dma_start3A_107 = arith.constant 0 : i32
        %dma_start3A_108 = tpu.memref_slice %arg11[%dma_start3A_106, %dma_start3A_107] : memref<256x128xf32, #tpu.memory_space<vmem>> -> memref<128x128xf32, #tpu.memory_space<vmem>>
        %dma_start3A_109 = arith.constant 0 : i32
        %dma_start3A_110 = tpu.memref_slice %arg12[%add3A_19, %dma_start3A_109] : memref<10248x128xf32, #tpu.memory_space<vmem_shared>> -> memref<128x128xf32, #tpu.memory_space<vmem_shared>>
        %dma_start3A_111 = arith.constant 0 : i32
        %dma_start3A_112 = tpu.memref_slice %arg12[%add3A_19, %dma_start3A_111] : memref<10248x128xf32, #tpu.memory_space<vmem_shared>> -> memref<128x128xf32, #tpu.memory_space<vmem_shared>>
        %dma_start3A_113 = arith.constant 0 : i32
        %dma_start3A_114 = arith.constant 0 : i32
        %dma_start3A_115 = tpu.memref_slice %arg11[%dma_start3A_113, %dma_start3A_114] : memref<256x128xf32, #tpu.memory_space<vmem>> -> memref<128x128xf32, #tpu.memory_space<vmem>>
        tpu.enqueue_dma source(%dma_start3A_115 : memref<128x128xf32, #tpu.memory_space<vmem>>) target(%dma_start3A_112 : memref<128x128xf32, #tpu.memory_space<vmem_shared>>) target_semaphore(%run_scoped3A : memref<!tpu.dma_semaphore, #tpu.memory_space<semaphore_mem>>)
        %dma_wait3A = arith.constant 0 : i32
        %dma_wait3A_116 = arith.constant 0 : i32
        %dma_wait3A_117 = tpu.memref_slice %arg11[%dma_wait3A, %dma_wait3A_116] : memref<256x128xf32, #tpu.memory_space<vmem>> -> memref<128x128xf32, #tpu.memory_space<vmem>>
        %dma_wait3A_118 = arith.constant 0 : i32
        %dma_wait3A_119 = tpu.memref_slice %arg12[%add3A_19, %dma_wait3A_118] : memref<10248x128xf32, #tpu.memory_space<vmem_shared>> -> memref<128x128xf32, #tpu.memory_space<vmem_shared>>
        %dma_wait3A_120 = arith.constant 0 : i32
        %dma_wait3A_121 = tpu.memref_slice %arg12[%add3A_19, %dma_wait3A_120] : memref<10248x128xf32, #tpu.memory_space<vmem_shared>> -> memref<128x128xf32, #tpu.memory_space<vmem_shared>>
        %dma_wait3A_122 = arith.constant 0 : i32
        %dma_wait3A_123 = arith.constant 0 : i32
        %dma_wait3A_124 = tpu.memref_slice %arg11[%dma_wait3A_122, %dma_wait3A_123] : memref<256x128xf32, #tpu.memory_space<vmem>> -> memref<128x128xf32, #tpu.memory_space<vmem>>
        tpu.wait_dma2 semaphore(%run_scoped3A : memref<!tpu.dma_semaphore, #tpu.memory_space<semaphore_mem>>) src(%dma_wait3A_124 : memref<128x128xf32, #tpu.memory_space<vmem>>) dst(%dma_wait3A_121 : memref<128x128xf32, #tpu.memory_space<vmem_shared>>)
        tpu.yield
      }) : () -> ()
      %add3A_20 = arith.constant 128 : i32
      %add3A_21 = arith.addi %mul3A_17, %add3A_20 : i32
      "tpu.region"() ({
        %run_scoped3A = tpu.sem_alloc : memref<!tpu.dma_semaphore, #tpu.memory_space<semaphore_mem>>
        %dma_start3A_106 = arith.constant 0 : i32
        %dma_start3A_107 = arith.constant 0 : i32
        %dma_start3A_108 = tpu.memref_slice %arg11[%dma_start3A_106, %dma_start3A_107] : memref<256x128xf32, #tpu.memory_space<vmem>> -> memref<128x128xf32, #tpu.memory_space<vmem>>
        %dma_start3A_109 = arith.constant 0 : i32
        %dma_start3A_110 = tpu.memref_slice %arg12[%add3A_21, %dma_start3A_109] : memref<10248x128xf32, #tpu.memory_space<vmem_shared>> -> memref<128x128xf32, #tpu.memory_space<vmem_shared>>
        %dma_start3A_111 = arith.constant 0 : i32
        %dma_start3A_112 = tpu.memref_slice %arg12[%add3A_21, %dma_start3A_111] : memref<10248x128xf32, #tpu.memory_space<vmem_shared>> -> memref<128x128xf32, #tpu.memory_space<vmem_shared>>
        %dma_start3A_113 = arith.constant 0 : i32
        %dma_start3A_114 = arith.constant 0 : i32
        %dma_start3A_115 = tpu.memref_slice %arg11[%dma_start3A_113, %dma_start3A_114] : memref<256x128xf32, #tpu.memory_space<vmem>> -> memref<128x128xf32, #tpu.memory_space<vmem>>
        tpu.enqueue_dma source(%dma_start3A_115 : memref<128x128xf32, #tpu.memory_space<vmem>>) target(%dma_start3A_112 : memref<128x128xf32, #tpu.memory_space<vmem_shared>>) target_semaphore(%run_scoped3A : memref<!tpu.dma_semaphore, #tpu.memory_space<semaphore_mem>>)
        %dma_wait3A = arith.constant 0 : i32
        %dma_wait3A_116 = arith.constant 0 : i32
        %dma_wait3A_117 = tpu.memref_slice %arg11[%dma_wait3A, %dma_wait3A_116] : memref<256x128xf32, #tpu.memory_space<vmem>> -> memref<128x128xf32, #tpu.memory_space<vmem>>
        %dma_wait3A_118 = arith.constant 0 : i32
        %dma_wait3A_119 = tpu.memref_slice %arg12[%add3A_21, %dma_wait3A_118] : memref<10248x128xf32, #tpu.memory_space<vmem_shared>> -> memref<128x128xf32, #tpu.memory_space<vmem_shared>>
        %dma_wait3A_120 = arith.constant 0 : i32
        %dma_wait3A_121 = tpu.memref_slice %arg12[%add3A_21, %dma_wait3A_120] : memref<10248x128xf32, #tpu.memory_space<vmem_shared>> -> memref<128x128xf32, #tpu.memory_space<vmem_shared>>
        %dma_wait3A_122 = arith.constant 0 : i32
        %dma_wait3A_123 = arith.constant 0 : i32
        %dma_wait3A_124 = tpu.memref_slice %arg11[%dma_wait3A_122, %dma_wait3A_123] : memref<256x128xf32, #tpu.memory_space<vmem>> -> memref<128x128xf32, #tpu.memory_space<vmem>>
        tpu.wait_dma2 semaphore(%run_scoped3A : memref<!tpu.dma_semaphore, #tpu.memory_space<semaphore_mem>>) src(%dma_wait3A_124 : memref<128x128xf32, #tpu.memory_space<vmem>>) dst(%dma_wait3A_121 : memref<128x128xf32, #tpu.memory_space<vmem_shared>>)
        tpu.yield
      }) : () -> ()
      %add3A_22 = arith.constant 256 : i32
      %add3A_23 = arith.addi %mul3A_17, %add3A_22 : i32
      "tpu.region"() ({
        %run_scoped3A = tpu.sem_alloc : memref<!tpu.dma_semaphore, #tpu.memory_space<semaphore_mem>>
        %dma_start3A_106 = arith.constant 0 : i32
        %dma_start3A_107 = arith.constant 0 : i32
        %dma_start3A_108 = tpu.memref_slice %arg11[%dma_start3A_106, %dma_start3A_107] : memref<256x128xf32, #tpu.memory_space<vmem>> -> memref<128x128xf32, #tpu.memory_space<vmem>>
        %dma_start3A_109 = arith.constant 0 : i32
        %dma_start3A_110 = tpu.memref_slice %arg12[%add3A_23, %dma_start3A_109] : memref<10248x128xf32, #tpu.memory_space<vmem_shared>> -> memref<128x128xf32, #tpu.memory_space<vmem_shared>>
        %dma_start3A_111 = arith.constant 0 : i32
        %dma_start3A_112 = tpu.memref_slice %arg12[%add3A_23, %dma_start3A_111] : memref<10248x128xf32, #tpu.memory_space<vmem_shared>> -> memref<128x128xf32, #tpu.memory_space<vmem_shared>>
        %dma_start3A_113 = arith.constant 0 : i32
        %dma_start3A_114 = arith.constant 0 : i32
        %dma_start3A_115 = tpu.memref_slice %arg11[%dma_start3A_113, %dma_start3A_114] : memref<256x128xf32, #tpu.memory_space<vmem>> -> memref<128x128xf32, #tpu.memory_space<vmem>>
        tpu.enqueue_dma source(%dma_start3A_115 : memref<128x128xf32, #tpu.memory_space<vmem>>) target(%dma_start3A_112 : memref<128x128xf32, #tpu.memory_space<vmem_shared>>) target_semaphore(%run_scoped3A : memref<!tpu.dma_semaphore, #tpu.memory_space<semaphore_mem>>)
        %dma_wait3A = arith.constant 0 : i32
        %dma_wait3A_116 = arith.constant 0 : i32
        %dma_wait3A_117 = tpu.memref_slice %arg11[%dma_wait3A, %dma_wait3A_116] : memref<256x128xf32, #tpu.memory_space<vmem>> -> memref<128x128xf32, #tpu.memory_space<vmem>>
        %dma_wait3A_118 = arith.constant 0 : i32
        %dma_wait3A_119 = tpu.memref_slice %arg12[%add3A_23, %dma_wait3A_118] : memref<10248x128xf32, #tpu.memory_space<vmem_shared>> -> memref<128x128xf32, #tpu.memory_space<vmem_shared>>
        %dma_wait3A_120 = arith.constant 0 : i32
        %dma_wait3A_121 = tpu.memref_slice %arg12[%add3A_23, %dma_wait3A_120] : memref<10248x128xf32, #tpu.memory_space<vmem_shared>> -> memref<128x128xf32, #tpu.memory_space<vmem_shared>>
        %dma_wait3A_122 = arith.constant 0 : i32
        %dma_wait3A_123 = arith.constant 0 : i32
        %dma_wait3A_124 = tpu.memref_slice %arg11[%dma_wait3A_122, %dma_wait3A_123] : memref<256x128xf32, #tpu.memory_space<vmem>> -> memref<128x128xf32, #tpu.memory_space<vmem>>
        tpu.wait_dma2 semaphore(%run_scoped3A : memref<!tpu.dma_semaphore, #tpu.memory_space<semaphore_mem>>) src(%dma_wait3A_124 : memref<128x128xf32, #tpu.memory_space<vmem>>) dst(%dma_wait3A_121 : memref<128x128xf32, #tpu.memory_space<vmem_shared>>)
        tpu.yield
      }) : () -> ()
      %add3A_24 = arith.constant 384 : i32
      %add3A_25 = arith.addi %mul3A_17, %add3A_24 : i32
      "tpu.region"() ({
        %run_scoped3A = tpu.sem_alloc : memref<!tpu.dma_semaphore, #tpu.memory_space<semaphore_mem>>
        %dma_start3A_106 = arith.constant 0 : i32
        %dma_start3A_107 = arith.constant 0 : i32
        %dma_start3A_108 = tpu.memref_slice %arg11[%dma_start3A_106, %dma_start3A_107] : memref<256x128xf32, #tpu.memory_space<vmem>> -> memref<128x128xf32, #tpu.memory_space<vmem>>
        %dma_start3A_109 = arith.constant 0 : i32
        %dma_start3A_110 = tpu.memref_slice %arg12[%add3A_25, %dma_start3A_109] : memref<10248x128xf32, #tpu.memory_space<vmem_shared>> -> memref<128x128xf32, #tpu.memory_space<vmem_shared>>
        %dma_start3A_111 = arith.constant 0 : i32
        %dma_start3A_112 = tpu.memref_slice %arg12[%add3A_25, %dma_start3A_111] : memref<10248x128xf32, #tpu.memory_space<vmem_shared>> -> memref<128x128xf32, #tpu.memory_space<vmem_shared>>
        %dma_start3A_113 = arith.constant 0 : i32
        %dma_start3A_114 = arith.constant 0 : i32
        %dma_start3A_115 = tpu.memref_slice %arg11[%dma_start3A_113, %dma_start3A_114] : memref<256x128xf32, #tpu.memory_space<vmem>> -> memref<128x128xf32, #tpu.memory_space<vmem>>
        tpu.enqueue_dma source(%dma_start3A_115 : memref<128x128xf32, #tpu.memory_space<vmem>>) target(%dma_start3A_112 : memref<128x128xf32, #tpu.memory_space<vmem_shared>>) target_semaphore(%run_scoped3A : memref<!tpu.dma_semaphore, #tpu.memory_space<semaphore_mem>>)
        %dma_wait3A = arith.constant 0 : i32
        %dma_wait3A_116 = arith.constant 0 : i32
        %dma_wait3A_117 = tpu.memref_slice %arg11[%dma_wait3A, %dma_wait3A_116] : memref<256x128xf32, #tpu.memory_space<vmem>> -> memref<128x128xf32, #tpu.memory_space<vmem>>
        %dma_wait3A_118 = arith.constant 0 : i32
        %dma_wait3A_119 = tpu.memref_slice %arg12[%add3A_25, %dma_wait3A_118] : memref<10248x128xf32, #tpu.memory_space<vmem_shared>> -> memref<128x128xf32, #tpu.memory_space<vmem_shared>>
        %dma_wait3A_120 = arith.constant 0 : i32
        %dma_wait3A_121 = tpu.memref_slice %arg12[%add3A_25, %dma_wait3A_120] : memref<10248x128xf32, #tpu.memory_space<vmem_shared>> -> memref<128x128xf32, #tpu.memory_space<vmem_shared>>
        %dma_wait3A_122 = arith.constant 0 : i32
        %dma_wait3A_123 = arith.constant 0 : i32
        %dma_wait3A_124 = tpu.memref_slice %arg11[%dma_wait3A_122, %dma_wait3A_123] : memref<256x128xf32, #tpu.memory_space<vmem>> -> memref<128x128xf32, #tpu.memory_space<vmem>>
        tpu.wait_dma2 semaphore(%run_scoped3A : memref<!tpu.dma_semaphore, #tpu.memory_space<semaphore_mem>>) src(%dma_wait3A_124 : memref<128x128xf32, #tpu.memory_space<vmem>>) dst(%dma_wait3A_121 : memref<128x128xf32, #tpu.memory_space<vmem_shared>>)
        tpu.yield
      }) : () -> ()
      %add3A_26 = arith.constant 512 : i32
      %add3A_27 = arith.addi %mul3A_17, %add3A_26 : i32
      "tpu.region"() ({
        %run_scoped3A = tpu.sem_alloc : memref<!tpu.dma_semaphore, #tpu.memory_space<semaphore_mem>>
        %dma_start3A_106 = arith.constant 0 : i32
        %dma_start3A_107 = arith.constant 0 : i32
        %dma_start3A_108 = tpu.memref_slice %arg11[%dma_start3A_106, %dma_start3A_107] : memref<256x128xf32, #tpu.memory_space<vmem>> -> memref<128x128xf32, #tpu.memory_space<vmem>>
        %dma_start3A_109 = arith.constant 0 : i32
        %dma_start3A_110 = tpu.memref_slice %arg12[%add3A_27, %dma_start3A_109] : memref<10248x128xf32, #tpu.memory_space<vmem_shared>> -> memref<128x128xf32, #tpu.memory_space<vmem_shared>>
        %dma_start3A_111 = arith.constant 0 : i32
        %dma_start3A_112 = tpu.memref_slice %arg12[%add3A_27, %dma_start3A_111] : memref<10248x128xf32, #tpu.memory_space<vmem_shared>> -> memref<128x128xf32, #tpu.memory_space<vmem_shared>>
        %dma_start3A_113 = arith.constant 0 : i32
        %dma_start3A_114 = arith.constant 0 : i32
        %dma_start3A_115 = tpu.memref_slice %arg11[%dma_start3A_113, %dma_start3A_114] : memref<256x128xf32, #tpu.memory_space<vmem>> -> memref<128x128xf32, #tpu.memory_space<vmem>>
        tpu.enqueue_dma source(%dma_start3A_115 : memref<128x128xf32, #tpu.memory_space<vmem>>) target(%dma_start3A_112 : memref<128x128xf32, #tpu.memory_space<vmem_shared>>) target_semaphore(%run_scoped3A : memref<!tpu.dma_semaphore, #tpu.memory_space<semaphore_mem>>)
        %dma_wait3A = arith.constant 0 : i32
        %dma_wait3A_116 = arith.constant 0 : i32
        %dma_wait3A_117 = tpu.memref_slice %arg11[%dma_wait3A, %dma_wait3A_116] : memref<256x128xf32, #tpu.memory_space<vmem>> -> memref<128x128xf32, #tpu.memory_space<vmem>>
        %dma_wait3A_118 = arith.constant 0 : i32
        %dma_wait3A_119 = tpu.memref_slice %arg12[%add3A_27, %dma_wait3A_118] : memref<10248x128xf32, #tpu.memory_space<vmem_shared>> -> memref<128x128xf32, #tpu.memory_space<vmem_shared>>
        %dma_wait3A_120 = arith.constant 0 : i32
        %dma_wait3A_121 = tpu.memref_slice %arg12[%add3A_27, %dma_wait3A_120] : memref<10248x128xf32, #tpu.memory_space<vmem_shared>> -> memref<128x128xf32, #tpu.memory_space<vmem_shared>>
        %dma_wait3A_122 = arith.constant 0 : i32
        %dma_wait3A_123 = arith.constant 0 : i32
        %dma_wait3A_124 = tpu.memref_slice %arg11[%dma_wait3A_122, %dma_wait3A_123] : memref<256x128xf32, #tpu.memory_space<vmem>> -> memref<128x128xf32, #tpu.memory_space<vmem>>
        tpu.wait_dma2 semaphore(%run_scoped3A : memref<!tpu.dma_semaphore, #tpu.memory_space<semaphore_mem>>) src(%dma_wait3A_124 : memref<128x128xf32, #tpu.memory_space<vmem>>) dst(%dma_wait3A_121 : memref<128x128xf32, #tpu.memory_space<vmem_shared>>)
        tpu.yield
      }) : () -> ()
      %barrier3A = arith.constant 0 : index
      tpu.barrier barrier_id(%barrier3A)
      %broadcast_in_dim3A = arith.constant 0 : i32
      %broadcast_in_dim3A_28 = vector.broadcast %broadcast_in_dim3A : i32 to vector<16xi32>
      %add3A_29 = arith.constant 10240 : i32
      %add3A_30 = vector.broadcast %add3A_29 : i32 to vector<16xi32>
      %add3A_31 = arith.addi %broadcast_in_dim3A_28, %add3A_30 : vector<16xi32>
      %mul3A_32 = arith.constant 98 : i32
      %mul3A_33 = arith.muli %arg1, %mul3A_32 : i32
      %mul3A_34 = arith.constant 2048 : i32
      %mul3A_35 = arith.muli %mul3A_33, %mul3A_34 : i32
      %dma_start3A = tpu.memref_slice %arg2[%mul3A_35] : memref<3211264xi32, #tpu.memory_space<hbm>> -> memref<2048xi32, #tpu.memory_space<hbm>>
      %dma_start3A_36 = tpu.memref_slice %arg2[%mul3A_35] : memref<3211264xi32, #tpu.memory_space<hbm>> -> memref<2048xi32, #tpu.memory_space<hbm>>
      tpu.enqueue_dma source(%dma_start3A_36 : memref<2048xi32, #tpu.memory_space<hbm>>) target(%arg7 : memref<2048xi32, #tpu.memory_space<vmem>>) target_semaphore(%arg14 : memref<!tpu.dma_semaphore, #tpu.memory_space<semaphore_mem>>)
      %dma_start3A_37 = arith.constant 0 : i32
      %dma_start3A_38 = arith.constant 0 : i32
      %dma_start3A_39 = tpu.memref_slice %arg8[%dma_start3A_38] : memref<4096xi32, #tpu.memory_space<vmem>> -> memref<2048xi32, #tpu.memory_space<vmem>>
      %dma_start3A_40 = tpu.memref_slice %arg3[%mul3A_35] : memref<3211264xi32, #tpu.memory_space<hbm>> -> memref<2048xi32, #tpu.memory_space<hbm>>
      %dma_start3A_41 = tpu.memref_slice %arg13[%dma_start3A_37] : memref<2x!tpu.dma_semaphore, #tpu.memory_space<semaphore_mem>> -> memref<1x!tpu.dma_semaphore, #tpu.memory_space<semaphore_mem>>
      %dma_start3A_42 = tpu.memref_squeeze %dma_start3A_41 : memref<1x!tpu.dma_semaphore, #tpu.memory_space<semaphore_mem>> -> memref<!tpu.dma_semaphore, #tpu.memory_space<semaphore_mem>>
      %dma_start3A_43 = arith.constant 0 : i32
      %dma_start3A_44 = tpu.memref_slice %arg8[%dma_start3A_43] : memref<4096xi32, #tpu.memory_space<vmem>> -> memref<2048xi32, #tpu.memory_space<vmem>>
      %dma_start3A_45 = tpu.memref_slice %arg3[%mul3A_35] : memref<3211264xi32, #tpu.memory_space<hbm>> -> memref<2048xi32, #tpu.memory_space<hbm>>
      tpu.enqueue_dma source(%dma_start3A_45 : memref<2048xi32, #tpu.memory_space<hbm>>) target(%dma_start3A_44 : memref<2048xi32, #tpu.memory_space<vmem>>) target_semaphore(%dma_start3A_42 : memref<!tpu.dma_semaphore, #tpu.memory_space<semaphore_mem>>)
      %scan3A_46 = arith.constant 0 : i32
      %scan3A_47 = arith.constant 0 : i32
      %scan3A_48 = arith.constant 98 : i32
      %scan3A_49 = arith.addi %scan3A_47, %scan3A_48 : i32
      %scan3A_50 = arith.constant 1 : i32
      %scan3A_51 = scf.for %scan3A_106 = %scan3A_47 to %scan3A_49 step %scan3A_50 iter_args(%scan3A_107 = %scan3A_46) -> (i32)  : i32 {
        %jit3A_108 = arith.constant 2 : i32
        %eq3A = arith.constant 0 : i32
        %eq3A_109 = arith.cmpi eq, %jit3A_108, %eq3A : i32
        %jit3A_110 = arith.constant 1 : i32
        %select_n3A_111 = arith.select %eq3A_109, %jit3A_110, %jit3A_108 : i32
        %rem3A = arith.remsi %scan3A_106, %select_n3A_111 : i32
        %ne3A = arith.constant 0 : i32
        %ne3A_112 = arith.cmpi ne, %rem3A, %ne3A : i32
        %lt3A = arith.constant 0 : i32
        %lt3A_113 = arith.cmpi slt, %rem3A, %lt3A : i32
        %lt3A_114 = arith.constant 0 : i32
        %lt3A_115 = arith.cmpi slt, %select_n3A_111, %lt3A_114 : i32
        %ne3A_116 = arith.xori %lt3A_113, %lt3A_115 : i1
        %and3A_117 = arith.andi %ne3A_116, %ne3A_112 : i1
        %add3A_118 = arith.addi %rem3A, %select_n3A_111 : i32
        %select_n3A_119 = arith.select %and3A_117, %add3A_118, %rem3A : i32
        %mul3A_120 = arith.constant 2048 : i32
        %mul3A_121 = arith.muli %select_n3A_119, %mul3A_120 : i32
        %dma_wait3A = arith.constant 0 : i32
        %dma_wait3A_122 = tpu.memref_slice %arg2[%dma_wait3A] : memref<3211264xi32, #tpu.memory_space<hbm>> -> memref<2048xi32, #tpu.memory_space<hbm>>
        %dma_wait3A_123 = arith.constant 0 : i32
        %dma_wait3A_124 = tpu.memref_slice %arg2[%dma_wait3A_123] : memref<3211264xi32, #tpu.memory_space<hbm>> -> memref<2048xi32, #tpu.memory_space<hbm>>
        tpu.wait_dma2 semaphore(%arg14 : memref<!tpu.dma_semaphore, #tpu.memory_space<semaphore_mem>>) src(%dma_wait3A_124 : memref<2048xi32, #tpu.memory_space<hbm>>) dst(%arg7 : memref<2048xi32, #tpu.memory_space<vmem>>)
        %dma_wait3A_125 = arith.constant 0 : i32
        %dma_wait3A_126 = tpu.memref_slice %arg8[%dma_wait3A_125] : memref<4096xi32, #tpu.memory_space<vmem>> -> memref<2048xi32, #tpu.memory_space<vmem>>
        %dma_wait3A_127 = arith.constant 0 : i32
        %dma_wait3A_128 = tpu.memref_slice %arg2[%dma_wait3A_127] : memref<3211264xi32, #tpu.memory_space<hbm>> -> memref<2048xi32, #tpu.memory_space<hbm>>
        %dma_wait3A_129 = tpu.memref_slice %arg13[%select_n3A_119] : memref<2x!tpu.dma_semaphore, #tpu.memory_space<semaphore_mem>> -> memref<1x!tpu.dma_semaphore, #tpu.memory_space<semaphore_mem>>
        %dma_wait3A_130 = tpu.memref_squeeze %dma_wait3A_129 : memref<1x!tpu.dma_semaphore, #tpu.memory_space<semaphore_mem>> -> memref<!tpu.dma_semaphore, #tpu.memory_space<semaphore_mem>>
        %dma_wait3A_131 = arith.constant 0 : i32
        %dma_wait3A_132 = tpu.memref_slice %arg8[%dma_wait3A_131] : memref<4096xi32, #tpu.memory_space<vmem>> -> memref<2048xi32, #tpu.memory_space<vmem>>
        %dma_wait3A_133 = arith.constant 0 : i32
        %dma_wait3A_134 = tpu.memref_slice %arg2[%dma_wait3A_133] : memref<3211264xi32, #tpu.memory_space<hbm>> -> memref<2048xi32, #tpu.memory_space<hbm>>
        tpu.wait_dma2 semaphore(%dma_wait3A_130 : memref<!tpu.dma_semaphore, #tpu.memory_space<semaphore_mem>>) src(%dma_wait3A_134 : memref<2048xi32, #tpu.memory_space<hbm>>) dst(%dma_wait3A_132 : memref<2048xi32, #tpu.memory_space<vmem>>)
        %add3A_135 = arith.constant 1 : i32
        %add3A_136 = arith.addi %scan3A_106, %add3A_135 : i32
        %lt3A_137 = arith.constant 98 : i32
        %lt3A_138 = arith.cmpi slt, %add3A_136, %lt3A_137 : i32
        %convert_element_type3A_139 = arith.extui %lt3A_138 : i1 to i32
        %cond3A_140 = arith.constant 0 : i32
        %cond3A_141 = arith.cmpi ne, %convert_element_type3A_139, %cond3A_140 : i32
        scf.if %cond3A_141 {
          %mul3A_167 = arith.constant 98 : i32
          %mul3A_168 = arith.muli %arg1, %mul3A_167 : i32
          %add3A_169 = arith.addi %mul3A_168, %scan3A_106 : i32
          %add3A_170 = arith.constant 1 : i32
          %add3A_171 = arith.addi %add3A_169, %add3A_170 : i32
          %mul3A_172 = arith.constant 2048 : i32
          %mul3A_173 = arith.muli %add3A_171, %mul3A_172 : i32
          %sub3A = arith.constant 1 : i32
          %sub3A_174 = arith.subi %sub3A, %select_n3A_119 : i32
          %mul3A_175 = arith.constant 2048 : i32
          %mul3A_176 = arith.muli %sub3A_174, %mul3A_175 : i32
          %sub3A_177 = arith.constant 1 : i32
          %sub3A_178 = arith.subi %sub3A_177, %select_n3A_119 : i32
          %dma_start3A_179 = tpu.memref_slice %arg8[%mul3A_176] : memref<4096xi32, #tpu.memory_space<vmem>> -> memref<2048xi32, #tpu.memory_space<vmem>>
          %dma_start3A_180 = tpu.memref_slice %arg3[%mul3A_173] : memref<3211264xi32, #tpu.memory_space<hbm>> -> memref<2048xi32, #tpu.memory_space<hbm>>
          %dma_start3A_181 = tpu.memref_slice %arg13[%sub3A_178] : memref<2x!tpu.dma_semaphore, #tpu.memory_space<semaphore_mem>> -> memref<1x!tpu.dma_semaphore, #tpu.memory_space<semaphore_mem>>
          %dma_start3A_182 = tpu.memref_squeeze %dma_start3A_181 : memref<1x!tpu.dma_semaphore, #tpu.memory_space<semaphore_mem>> -> memref<!tpu.dma_semaphore, #tpu.memory_space<semaphore_mem>>
          %dma_start3A_183 = tpu.memref_slice %arg8[%mul3A_176] : memref<4096xi32, #tpu.memory_space<vmem>> -> memref<2048xi32, #tpu.memory_space<vmem>>
          %dma_start3A_184 = tpu.memref_slice %arg3[%mul3A_173] : memref<3211264xi32, #tpu.memory_space<hbm>> -> memref<2048xi32, #tpu.memory_space<hbm>>
          tpu.enqueue_dma source(%dma_start3A_184 : memref<2048xi32, #tpu.memory_space<hbm>>) target(%dma_start3A_183 : memref<2048xi32, #tpu.memory_space<vmem>>) target_semaphore(%dma_start3A_182 : memref<!tpu.dma_semaphore, #tpu.memory_space<semaphore_mem>>)
        } else {
        }
        %scan3A_142 = arith.constant 0 : i32
        %scan3A_143 = arith.constant 64 : i32
        %scan3A_144 = arith.addi %scan3A_142, %scan3A_143 : i32
        %scan3A_145 = arith.constant 1 : i32
        %scan3A_146 = scf.for %scan3A_167 = %scan3A_142 to %scan3A_144 step %scan3A_145 iter_args(%scan3A_168 = %scan3A_107) -> (i32)  : i32 {
          %mul3A_169 = arith.constant 32 : i32
          %mul3A_170 = arith.muli %scan3A_167, %mul3A_169 : i32
          %add3A_171 = arith.constant 0 : i32
          %add3A_172 = arith.addi %mul3A_170, %add3A_171 : i32
          %add3A_173 = arith.addi %mul3A_121, %add3A_172 : i32
          %get3A = arith.index_cast %add3A_173 : i32 to index
          %get3A_174 = tpu.vector_load %arg8[%get3A] {strides = array<i32>} : memref<4096xi32, #tpu.memory_space<vmem>>, vector<16xi32>,
          %get3A_175 = arith.index_cast %add3A_172 : i32 to index
          %get3A_176 = tpu.vector_load %arg7[%get3A_175] {strides = array<i32>} : memref<2048xi32, #tpu.memory_space<vmem>>, vector<16xi32>,
          %ge3A_177 = vector.broadcast %mul3A_15 : i32 to vector<16xi32>
          %ge3A_178 = arith.cmpi sge, %get3A_174, %ge3A_177 : vector<16xi32>
          %add3A_179 = arith.constant 10240 : i32
          %add3A_180 = arith.addi %mul3A_15, %add3A_179 : i32
          %lt3A_181 = vector.broadcast %add3A_180 : i32 to vector<16xi32>
          %lt3A_182 = arith.cmpi slt, %get3A_174, %lt3A_181 : vector<16xi32>
          %and3A_183 = arith.andi %ge3A_178, %lt3A_182 : vector<16xi1>
          %convert_element_type3A_184 = arith.extui %and3A_183 : vector<16xi1> to vector<16xi32>
          %broadcast_in_dim3A_185 = arith.constant true
          %broadcast_in_dim3A_186 = vector.broadcast %broadcast_in_dim3A_185 : i1 to vector<16xi1>
          %masked_cumsum3A = tpu.scan <sum>, %convert_element_type3A_184 masked %broadcast_in_dim3A_186 : vector<16xi32>, vector<16xi1> -> vector<16xi32>
          %add3A_187 = vector.broadcast %scan3A_168 : i32 to vector<16xi32>
          %add3A_188 = arith.addi %add3A_187, %masked_cumsum3A : vector<16xi32>
          %sub3A = arith.constant 1 : i32
          %sub3A_189 = vector.broadcast %sub3A : i32 to vector<16xi32>
          %sub3A_190 = arith.subi %add3A_188, %sub3A_189 : vector<16xi32>
          %and3A_191 = arith.constant 4095 : i32
          %and3A_192 = vector.broadcast %and3A_191 : i32 to vector<16xi32>
          %and3A_193 = arith.andi %sub3A_190, %and3A_192 : vector<16xi32>
          tpu.vector_store_idx %arg9[%and3A_193], %get3A_176 masked %and3A_183 : memref<4096xi32, #tpu.memory_space<vmem>>[vector<16xi32>], vector<16xi32>, vector<16xi1>
          %shift_right_logical3A_194 = arith.constant 7 : i32
          %shift_right_logical3A_195 = vector.broadcast %shift_right_logical3A_194 : i32 to vector<16xi32>
          %shift_right_logical3A_196 = arith.shrui %and3A_193, %shift_right_logical3A_195 : vector<16xi32>
          %and3A_197 = arith.constant 31 : i32
          %and3A_198 = vector.broadcast %and3A_197 : i32 to vector<16xi32>
          %and3A_199 = arith.andi %shift_right_logical3A_196, %and3A_198 : vector<16xi32>
          %and3A_200 = arith.constant 127 : i32
          %and3A_201 = vector.broadcast %and3A_200 : i32 to vector<16xi32>
          %and3A_202 = arith.andi %and3A_193, %and3A_201 : vector<16xi32>
          %sub3A_203 = vector.broadcast %mul3A_15 : i32 to vector<16xi32>
          %sub3A_204 = arith.subi %get3A_174, %sub3A_203 : vector<16xi32>
          tpu.vector_store_idx %arg10[%and3A_199, %and3A_202], %sub3A_204 masked %and3A_183 : memref<32x128xi32, #tpu.memory_space<vmem>>[vector<16xi32>, vector<16xi32>], vector<16xi32>, vector<16xi1>
          %slice3A = vector.extract_strided_slice %masked_cumsum3A {offsets = [15], sizes = [1], strides = [1]} : vector<16xi32> to vector<1xi32>
          %squeeze3A = vector.extract %slice3A[0] : i32 from vector<1xi32>
          %add3A_205 = arith.addi %scan3A_168, %squeeze3A : i32
          %mul3A_206 = arith.constant 32 : i32
          %mul3A_207 = arith.muli %scan3A_167, %mul3A_206 : i32
          %add3A_208 = arith.constant 16 : i32
          %add3A_209 = arith.addi %mul3A_207, %add3A_208 : i32
          %add3A_210 = arith.addi %mul3A_121, %add3A_209 : i32
          %get3A_211 = arith.index_cast %add3A_210 : i32 to index
          %get3A_212 = tpu.vector_load %arg8[%get3A_211] {strides = array<i32>} : memref<4096xi32, #tpu.memory_space<vmem>>, vector<16xi32>,
          %get3A_213 = arith.index_cast %add3A_209 : i32 to index
          %get3A_214 = tpu.vector_load %arg7[%get3A_213] {strides = array<i32>} : memref<2048xi32, #tpu.memory_space<vmem>>, vector<16xi32>,
          %ge3A_215 = vector.broadcast %mul3A_15 : i32 to vector<16xi32>
          %ge3A_216 = arith.cmpi sge, %get3A_212, %ge3A_215 : vector<16xi32>
          %add3A_217 = arith.constant 10240 : i32
          %add3A_218 = arith.addi %mul3A_15, %add3A_217 : i32
          %lt3A_219 = vector.broadcast %add3A_218 : i32 to vector<16xi32>
          %lt3A_220 = arith.cmpi slt, %get3A_212, %lt3A_219 : vector<16xi32>
          %and3A_221 = arith.andi %ge3A_216, %lt3A_220 : vector<16xi1>
          %convert_element_type3A_222 = arith.extui %and3A_221 : vector<16xi1> to vector<16xi32>
          %broadcast_in_dim3A_223 = arith.constant true
          %broadcast_in_dim3A_224 = vector.broadcast %broadcast_in_dim3A_223 : i1 to vector<16xi1>
          %masked_cumsum3A_225 = tpu.scan <sum>, %convert_element_type3A_222 masked %broadcast_in_dim3A_224 : vector<16xi32>, vector<16xi1> -> vector<16xi32>
          %add3A_226 = vector.broadcast %add3A_205 : i32 to vector<16xi32>
          %add3A_227 = arith.addi %add3A_226, %masked_cumsum3A_225 : vector<16xi32>
          %sub3A_228 = arith.constant 1 : i32
          %sub3A_229 = vector.broadcast %sub3A_228 : i32 to vector<16xi32>
          %sub3A_230 = arith.subi %add3A_227, %sub3A_229 : vector<16xi32>
          %and3A_231 = arith.constant 4095 : i32
          %and3A_232 = vector.broadcast %and3A_231 : i32 to vector<16xi32>
          %and3A_233 = arith.andi %sub3A_230, %and3A_232 : vector<16xi32>
          tpu.vector_store_idx %arg9[%and3A_233], %get3A_214 masked %and3A_221 : memref<4096xi32, #tpu.memory_space<vmem>>[vector<16xi32>], vector<16xi32>, vector<16xi1>
          %shift_right_logical3A_234 = arith.constant 7 : i32
          %shift_right_logical3A_235 = vector.broadcast %shift_right_logical3A_234 : i32 to vector<16xi32>
          %shift_right_logical3A_236 = arith.shrui %and3A_233, %shift_right_logical3A_235 : vector<16xi32>
          %and3A_237 = arith.constant 31 : i32
          %and3A_238 = vector.broadcast %and3A_237 : i32 to vector<16xi32>
          %and3A_239 = arith.andi %shift_right_logical3A_236, %and3A_238 : vector<16xi32>
          %and3A_240 = arith.constant 127 : i32
          %and3A_241 = vector.broadcast %and3A_240 : i32 to vector<16xi32>
          %and3A_242 = arith.andi %and3A_233, %and3A_241 : vector<16xi32>
          %sub3A_243 = vector.broadcast %mul3A_15 : i32 to vector<16xi32>
          %sub3A_244 = arith.subi %get3A_212, %sub3A_243 : vector<16xi32>
          tpu.vector_store_idx %arg10[%and3A_239, %and3A_242], %sub3A_244 masked %and3A_221 : memref<32x128xi32, #tpu.memory_space<vmem>>[vector<16xi32>, vector<16xi32>], vector<16xi32>, vector<16xi1>
          %slice3A_245 = vector.extract_strided_slice %masked_cumsum3A_225 {offsets = [15], sizes = [1], strides = [1]} : vector<16xi32> to vector<1xi32>
          %squeeze3A_246 = vector.extract %slice3A_245[0] : i32 from vector<1xi32>
          %add3A_247 = arith.addi %add3A_205, %squeeze3A_246 : i32
          scf.yield %add3A_247 : i32
        }
        %scan3A_147 = arith.constant 64 : i32
        %add3A_148 = arith.constant 1 : i32
        %add3A_149 = arith.addi %scan3A_106, %add3A_148 : i32
        %lt3A_150 = arith.constant 98 : i32
        %lt3A_151 = arith.cmpi slt, %add3A_149, %lt3A_150 : i32
        %convert_element_type3A_152 = arith.extui %lt3A_151 : i1 to i32
        %cond3A_153 = arith.constant 0 : i32
        %cond3A_154 = arith.cmpi ne, %convert_element_type3A_152, %cond3A_153 : i32
        scf.if %cond3A_154 {
          %mul3A_167 = arith.constant 98 : i32
          %mul3A_168 = arith.muli %arg1, %mul3A_167 : i32
          %add3A_169 = arith.addi %mul3A_168, %scan3A_106 : i32
          %add3A_170 = arith.constant 1 : i32
          %add3A_171 = arith.addi %add3A_169, %add3A_170 : i32
          %mul3A_172 = arith.constant 2048 : i32
          %mul3A_173 = arith.muli %add3A_171, %mul3A_172 : i32
          %dma_start3A_174 = tpu.memref_slice %arg2[%mul3A_173] : memref<3211264xi32, #tpu.memory_space<hbm>> -> memref<2048xi32, #tpu.memory_space<hbm>>
          %dma_start3A_175 = tpu.memref_slice %arg2[%mul3A_173] : memref<3211264xi32, #tpu.memory_space<hbm>> -> memref<2048xi32, #tpu.memory_space<hbm>>
          tpu.enqueue_dma source(%dma_start3A_175 : memref<2048xi32, #tpu.memory_space<hbm>>) target(%arg7 : memref<2048xi32, #tpu.memory_space<vmem>>) target_semaphore(%arg14 : memref<!tpu.dma_semaphore, #tpu.memory_space<semaphore_mem>>)
        } else {
        }
        %shift_right_logical3A_155 = arith.constant 7 : i32
        %shift_right_logical3A_156 = arith.shrui %scan3A_107, %shift_right_logical3A_155 : i32
        %shift_right_logical3A_157 = arith.constant 7 : i32
        %shift_right_logical3A_158 = arith.shrui %scan3A_146, %shift_right_logical3A_157 : i32
        %while3A = arith.constant 0 : i32
        %while3A_159 = arith.subi %shift_right_logical3A_158, %shift_right_logical3A_156 : i32
        %while3A_160 = arith.addi %shift_right_logical3A_156, %while3A_159 : i32
        %while3A_161 = arith.constant 1 : i32
        %while3A_162 = arith.divsi %while3A_159, %while3A_161 : i32
        %while3A_163 = arith.muli %while3A_162, %while3A_161 : i32
        %while3A_164 = arith.addi %shift_right_logical3A_156, %while3A_163 : i32
        %while3A_165 = arith.constant 1 : i32
        scf.for %while3A_167 = %shift_right_logical3A_156 to %while3A_164 step %while3A_165  : i32 {
          %jit3A_168 = arith.constant 2 : i32
          %eq3A_169 = arith.constant 0 : i32
          %eq3A_170 = arith.cmpi eq, %jit3A_168, %eq3A_169 : i32
          %jit3A_171 = arith.constant 1 : i32
          %select_n3A_172 = arith.select %eq3A_170, %jit3A_171, %jit3A_168 : i32
          %rem3A_173 = arith.remsi %while3A_167, %select_n3A_172 : i32
          %ne3A_174 = arith.constant 0 : i32
          %ne3A_175 = arith.cmpi ne, %rem3A_173, %ne3A_174 : i32
          %lt3A_176 = arith.constant 0 : i32
          %lt3A_177 = arith.cmpi slt, %rem3A_173, %lt3A_176 : i32
          %lt3A_178 = arith.constant 0 : i32
          %lt3A_179 = arith.cmpi slt, %select_n3A_172, %lt3A_178 : i32
          %ne3A_180 = arith.xori %lt3A_177, %lt3A_179 : i1
          %and3A_181 = arith.andi %ne3A_180, %ne3A_175 : i1
          %add3A_182 = arith.addi %rem3A_173, %select_n3A_172 : i32
          %select_n3A_183 = arith.select %and3A_181, %add3A_182, %rem3A_173 : i32
          %ge3A_184 = arith.constant 2 : i32
          %ge3A_185 = arith.cmpi sge, %while3A_167, %ge3A_184 : i32
          %convert_element_type3A_186 = arith.extui %ge3A_185 : i1 to i32
          %cond3A_187 = arith.constant 0 : i32
          %cond3A_188 = arith.cmpi ne, %convert_element_type3A_186, %cond3A_187 : i32
          scf.if %cond3A_188 {
            %dma_wait3A_222 = arith.constant 0 : i32
            %dma_wait3A_223 = arith.constant 0 : i32
            %dma_wait3A_224 = tpu.memref_slice %arg11[%dma_wait3A_222, %dma_wait3A_223] : memref<256x128xf32, #tpu.memory_space<vmem>> -> memref<128x128xf32, #tpu.memory_space<vmem>>
            %dma_wait3A_225 = arith.constant 0 : i32
            %dma_wait3A_226 = arith.constant 0 : i32
            %dma_wait3A_227 = tpu.memref_slice %arg12[%dma_wait3A_225, %dma_wait3A_226] : memref<10248x128xf32, #tpu.memory_space<vmem_shared>> -> memref<128x128xf32, #tpu.memory_space<vmem_shared>>
            %dma_wait3A_228 = tpu.memref_slice %arg16[%select_n3A_183] : memref<2x!tpu.dma_semaphore, #tpu.memory_space<semaphore_mem>> -> memref<1x!tpu.dma_semaphore, #tpu.memory_space<semaphore_mem>>
            %dma_wait3A_229 = tpu.memref_squeeze %dma_wait3A_228 : memref<1x!tpu.dma_semaphore, #tpu.memory_space<semaphore_mem>> -> memref<!tpu.dma_semaphore, #tpu.memory_space<semaphore_mem>>
            %dma_wait3A_230 = arith.constant 0 : i32
            %dma_wait3A_231 = arith.constant 0 : i32
            %dma_wait3A_232 = tpu.memref_slice %arg12[%dma_wait3A_230, %dma_wait3A_231] : memref<10248x128xf32, #tpu.memory_space<vmem_shared>> -> memref<128x128xf32, #tpu.memory_space<vmem_shared>>
            %dma_wait3A_233 = arith.constant 0 : i32
            %dma_wait3A_234 = arith.constant 0 : i32
            %dma_wait3A_235 = tpu.memref_slice %arg11[%dma_wait3A_233, %dma_wait3A_234] : memref<256x128xf32, #tpu.memory_space<vmem>> -> memref<128x128xf32, #tpu.memory_space<vmem>>
            tpu.wait_dma2 semaphore(%dma_wait3A_229 : memref<!tpu.dma_semaphore, #tpu.memory_space<semaphore_mem>>) src(%dma_wait3A_235 : memref<128x128xf32, #tpu.memory_space<vmem>>) dst(%dma_wait3A_232 : memref<128x128xf32, #tpu.memory_space<vmem_shared>>)
          } else {
          }
          %jit3A_189 = arith.constant 32 : i32
          %eq3A_190 = arith.constant 0 : i32
          %eq3A_191 = arith.cmpi eq, %jit3A_189, %eq3A_190 : i32
          %jit3A_192 = arith.constant 1 : i32
          %select_n3A_193 = arith.select %eq3A_191, %jit3A_192, %jit3A_189 : i32
          %rem3A_194 = arith.remsi %while3A_167, %select_n3A_193 : i32
          %ne3A_195 = arith.constant 0 : i32
          %ne3A_196 = arith.cmpi ne, %rem3A_194, %ne3A_195 : i32
          %lt3A_197 = arith.constant 0 : i32
          %lt3A_198 = arith.cmpi slt, %rem3A_194, %lt3A_197 : i32
          %lt3A_199 = arith.constant 0 : i32
          %lt3A_200 = arith.cmpi slt, %select_n3A_193, %lt3A_199 : i32
          %ne3A_201 = arith.xori %lt3A_198, %lt3A_200 : i1
          %and3A_202 = arith.andi %ne3A_201, %ne3A_196 : i1
          %add3A_203 = arith.addi %rem3A_194, %select_n3A_193 : i32
          %select_n3A_204 = arith.select %and3A_202, %add3A_203, %rem3A_194 : i32
          %mul3A_205 = arith.constant 128 : i32
          %mul3A_206 = arith.muli %select_n3A_204, %mul3A_205 : i32
          %mul3A_207 = arith.constant 128 : i32
          %mul3A_208 = arith.muli %select_n3A_183, %mul3A_207 : i32
          %dma_start3A_209 = arith.constant 0 : i32
          %dma_start3A_210 = tpu.memref_slice %arg11[%mul3A_208, %dma_start3A_209] : memref<256x128xf32, #tpu.memory_space<vmem>> -> memref<128x128xf32, #tpu.memory_space<vmem>>
          %dma_start3A_211 = tpu.memref_slice %arg9[%mul3A_206] : memref<4096xi32, #tpu.memory_space<vmem>> -> memref<128xi32, #tpu.memory_space<vmem>>
          %dma_start3A_212 = arith.constant 0 : i32
          %dma_start3A_213 = arith.constant 0 : i32
          %dma_start3A_214 = tpu.memref_slice %arg4[%dma_start3A_212, %dma_start3A_213] : memref<102400x128xf32, #tpu.memory_space<hbm>> -> memref<102400x128xf32, #tpu.memory_space<hbm>>
          %dma_start3A_215 = tpu.memref_slice %arg15[%select_n3A_183] : memref<2x!tpu.dma_semaphore, #tpu.memory_space<semaphore_mem>> -> memref<1x!tpu.dma_semaphore, #tpu.memory_space<semaphore_mem>>
          %dma_start3A_216 = tpu.memref_squeeze %dma_start3A_215 : memref<1x!tpu.dma_semaphore, #tpu.memory_space<semaphore_mem>> -> memref<!tpu.dma_semaphore, #tpu.memory_space<semaphore_mem>>
          tpu.enqueue_indirect_dma source(%dma_start3A_214 : memref<102400x128xf32, #tpu.memory_space<hbm>>) target(%dma_start3A_210 : memref<128x128xf32, #tpu.memory_space<vmem>>) offsets(%dma_start3A_211 : memref<128xi32, #tpu.memory_space<vmem>>) semaphore(%dma_start3A_216 : memref<!tpu.dma_semaphore, #tpu.memory_space<semaphore_mem>>)
          %ge3A_217 = arith.constant 1 : i32
          %ge3A_218 = arith.cmpi sge, %while3A_167, %ge3A_217 : i32
          %convert_element_type3A_219 = arith.extui %ge3A_218 : i1 to i32
          %cond3A_220 = arith.constant 0 : i32
          %cond3A_221 = arith.cmpi ne, %convert_element_type3A_219, %cond3A_220 : i32
          scf.if %cond3A_221 {
            %sub3A = arith.constant 1 : i32
            %sub3A_222 = arith.subi %while3A_167, %sub3A : i32
            %jit3A_223 = arith.constant 2 : i32
            %eq3A_224 = arith.constant 0 : i32
            %eq3A_225 = arith.cmpi eq, %jit3A_223, %eq3A_224 : i32
            %jit3A_226 = arith.constant 1 : i32
            %select_n3A_227 = arith.select %eq3A_225, %jit3A_226, %jit3A_223 : i32
            %rem3A_228 = arith.remsi %sub3A_222, %select_n3A_227 : i32
            %ne3A_229 = arith.constant 0 : i32
            %ne3A_230 = arith.cmpi ne, %rem3A_228, %ne3A_229 : i32
            %lt3A_231 = arith.constant 0 : i32
            %lt3A_232 = arith.cmpi slt, %rem3A_228, %lt3A_231 : i32
            %lt3A_233 = arith.constant 0 : i32
            %lt3A_234 = arith.cmpi slt, %select_n3A_227, %lt3A_233 : i32
            %ne3A_235 = arith.xori %lt3A_232, %lt3A_234 : i1
            %and3A_236 = arith.andi %ne3A_235, %ne3A_230 : i1
            %add3A_237 = arith.addi %rem3A_228, %select_n3A_227 : i32
            %select_n3A_238 = arith.select %and3A_236, %add3A_237, %rem3A_228 : i32
            %dma_wait3A_239 = arith.constant 0 : i32
            %dma_wait3A_240 = arith.constant 0 : i32
            %dma_wait3A_241 = tpu.memref_slice %arg11[%dma_wait3A_239, %dma_wait3A_240] : memref<256x128xf32, #tpu.memory_space<vmem>> -> memref<128x128xf32, #tpu.memory_space<vmem>>
            %dma_wait3A_242 = arith.constant 0 : i32
            %dma_wait3A_243 = arith.constant 0 : i32
            %dma_wait3A_244 = tpu.memref_slice %arg4[%dma_wait3A_242, %dma_wait3A_243] : memref<102400x128xf32, #tpu.memory_space<hbm>> -> memref<128x128xf32, #tpu.memory_space<hbm>>
            %dma_wait3A_245 = tpu.memref_slice %arg15[%select_n3A_238] : memref<2x!tpu.dma_semaphore, #tpu.memory_space<semaphore_mem>> -> memref<1x!tpu.dma_semaphore, #tpu.memory_space<semaphore_mem>>
            %dma_wait3A_246 = tpu.memref_squeeze %dma_wait3A_245 : memref<1x!tpu.dma_semaphore, #tpu.memory_space<semaphore_mem>> -> memref<!tpu.dma_semaphore, #tpu.memory_space<semaphore_mem>>
            %dma_wait3A_247 = arith.constant 0 : i32
            %dma_wait3A_248 = arith.constant 0 : i32
            %dma_wait3A_249 = tpu.memref_slice %arg11[%dma_wait3A_247, %dma_wait3A_248] : memref<256x128xf32, #tpu.memory_space<vmem>> -> memref<128x128xf32, #tpu.memory_space<vmem>>
            %dma_wait3A_250 = arith.constant 0 : i32
            %dma_wait3A_251 = arith.constant 0 : i32
            %dma_wait3A_252 = tpu.memref_slice %arg4[%dma_wait3A_250, %dma_wait3A_251] : memref<102400x128xf32, #tpu.memory_space<hbm>> -> memref<128x128xf32, #tpu.memory_space<hbm>>
            tpu.wait_dma2 semaphore(%dma_wait3A_246 : memref<!tpu.dma_semaphore, #tpu.memory_space<semaphore_mem>>) src(%dma_wait3A_252 : memref<128x128xf32, #tpu.memory_space<hbm>>) dst(%dma_wait3A_249 : memref<128x128xf32, #tpu.memory_space<vmem>>)
            %mul3A_253 = arith.constant 128 : i32
            %mul3A_254 = arith.muli %select_n3A_238, %mul3A_253 : i32
            %jit3A_255 = arith.constant 32 : i32
            %eq3A_256 = arith.constant 0 : i32
            %eq3A_257 = arith.cmpi eq, %jit3A_255, %eq3A_256 : i32
            %jit3A_258 = arith.constant 1 : i32
            %select_n3A_259 = arith.select %eq3A_257, %jit3A_258, %jit3A_255 : i32
            %rem3A_260 = arith.remsi %sub3A_222, %select_n3A_259 : i32
            %ne3A_261 = arith.constant 0 : i32
            %ne3A_262 = arith.cmpi ne, %rem3A_260, %ne3A_261 : i32
            %lt3A_263 = arith.constant 0 : i32
            %lt3A_264 = arith.cmpi slt, %rem3A_260, %lt3A_263 : i32
            %lt3A_265 = arith.constant 0 : i32
            %lt3A_266 = arith.cmpi slt, %select_n3A_259, %lt3A_265 : i32
            %ne3A_267 = arith.xori %lt3A_264, %lt3A_266 : i1
            %and3A_268 = arith.andi %ne3A_267, %ne3A_262 : i1
            %add3A_269 = arith.addi %rem3A_260, %select_n3A_259 : i32
            %select_n3A_270 = arith.select %and3A_268, %add3A_269, %rem3A_260 : i32
            %dma_start3A_271 = arith.constant 0 : i32
            %dma_start3A_272 = tpu.memref_slice %arg11[%mul3A_254, %dma_start3A_271] : memref<256x128xf32, #tpu.memory_space<vmem>> -> memref<128x128xf32, #tpu.memory_space<vmem>>
            %dma_start3A_273 = arith.constant 0 : i32
            %dma_start3A_274 = tpu.memref_slice %arg10[%select_n3A_270, %dma_start3A_273] : memref<32x128xi32, #tpu.memory_space<vmem>> -> memref<1x128xi32, #tpu.memory_space<vmem>>
            %dma_start3A_275 = tpu.memref_squeeze %dma_start3A_274 : memref<1x128xi32, #tpu.memory_space<vmem>> -> memref<128xi32, #tpu.memory_space<vmem>>
            %dma_start3A_276 = arith.constant 0 : i32
            %dma_start3A_277 = arith.constant 0 : i32
            %dma_start3A_278 = tpu.memref_slice %arg12[%dma_start3A_276, %dma_start3A_277] : memref<10248x128xf32, #tpu.memory_space<vmem_shared>> -> memref<10248x128xf32, #tpu.memory_space<vmem_shared>>
            %dma_start3A_279 = tpu.memref_slice %arg16[%select_n3A_238] : memref<2x!tpu.dma_semaphore, #tpu.memory_space<semaphore_mem>> -> memref<1x!tpu.dma_semaphore, #tpu.memory_space<semaphore_mem>>
            %dma_start3A_280 = tpu.memref_squeeze %dma_start3A_279 : memref<1x!tpu.dma_semaphore, #tpu.memory_space<semaphore_mem>> -> memref<!tpu.dma_semaphore, #tpu.memory_space<semaphore_mem>>
            tpu.enqueue_indirect_dma source(%dma_start3A_272 : memref<128x128xf32, #tpu.memory_space<vmem>>) target(%dma_start3A_278 : memref<10248x128xf32, #tpu.memory_space<vmem_shared>>) offsets(%dma_start3A_275 : memref<128xi32, #tpu.memory_space<vmem>>) semaphore(%dma_start3A_280 : memref<!tpu.dma_semaphore, #tpu.memory_space<semaphore_mem>>) {add = true}
          } else {
          }
        }
        %while3A_166 = arith.constant 1 : i32
        scf.for %while3A_167 = %while3A_164 to %while3A_160 step %while3A_166  : i32 {
          %jit3A_168 = arith.constant 2 : i32
          %eq3A_169 = arith.constant 0 : i32
          %eq3A_170 = arith.cmpi eq, %jit3A_168, %eq3A_169 : i32
          %jit3A_171 = arith.constant 1 : i32
          %select_n3A_172 = arith.select %eq3A_170, %jit3A_171, %jit3A_168 : i32
          %rem3A_173 = arith.remsi %while3A_167, %select_n3A_172 : i32
          %ne3A_174 = arith.constant 0 : i32
          %ne3A_175 = arith.cmpi ne, %rem3A_173, %ne3A_174 : i32
          %lt3A_176 = arith.constant 0 : i32
          %lt3A_177 = arith.cmpi slt, %rem3A_173, %lt3A_176 : i32
          %lt3A_178 = arith.constant 0 : i32
          %lt3A_179 = arith.cmpi slt, %select_n3A_172, %lt3A_178 : i32
          %ne3A_180 = arith.xori %lt3A_177, %lt3A_179 : i1
          %and3A_181 = arith.andi %ne3A_180, %ne3A_175 : i1
          %add3A_182 = arith.addi %rem3A_173, %select_n3A_172 : i32
          %select_n3A_183 = arith.select %and3A_181, %add3A_182, %rem3A_173 : i32
          %ge3A_184 = arith.constant 2 : i32
          %ge3A_185 = arith.cmpi sge, %while3A_167, %ge3A_184 : i32
          %convert_element_type3A_186 = arith.extui %ge3A_185 : i1 to i32
          %cond3A_187 = arith.constant 0 : i32
          %cond3A_188 = arith.cmpi ne, %convert_element_type3A_186, %cond3A_187 : i32
          scf.if %cond3A_188 {
            %dma_wait3A_222 = arith.constant 0 : i32
            %dma_wait3A_223 = arith.constant 0 : i32
            %dma_wait3A_224 = tpu.memref_slice %arg11[%dma_wait3A_222, %dma_wait3A_223] : memref<256x128xf32, #tpu.memory_space<vmem>> -> memref<128x128xf32, #tpu.memory_space<vmem>>
            %dma_wait3A_225 = arith.constant 0 : i32
            %dma_wait3A_226 = arith.constant 0 : i32
            %dma_wait3A_227 = tpu.memref_slice %arg12[%dma_wait3A_225, %dma_wait3A_226] : memref<10248x128xf32, #tpu.memory_space<vmem_shared>> -> memref<128x128xf32, #tpu.memory_space<vmem_shared>>
            %dma_wait3A_228 = tpu.memref_slice %arg16[%select_n3A_183] : memref<2x!tpu.dma_semaphore, #tpu.memory_space<semaphore_mem>> -> memref<1x!tpu.dma_semaphore, #tpu.memory_space<semaphore_mem>>
            %dma_wait3A_229 = tpu.memref_squeeze %dma_wait3A_228 : memref<1x!tpu.dma_semaphore, #tpu.memory_space<semaphore_mem>> -> memref<!tpu.dma_semaphore, #tpu.memory_space<semaphore_mem>>
            %dma_wait3A_230 = arith.constant 0 : i32
            %dma_wait3A_231 = arith.constant 0 : i32
            %dma_wait3A_232 = tpu.memref_slice %arg12[%dma_wait3A_230, %dma_wait3A_231] : memref<10248x128xf32, #tpu.memory_space<vmem_shared>> -> memref<128x128xf32, #tpu.memory_space<vmem_shared>>
            %dma_wait3A_233 = arith.constant 0 : i32
            %dma_wait3A_234 = arith.constant 0 : i32
            %dma_wait3A_235 = tpu.memref_slice %arg11[%dma_wait3A_233, %dma_wait3A_234] : memref<256x128xf32, #tpu.memory_space<vmem>> -> memref<128x128xf32, #tpu.memory_space<vmem>>
            tpu.wait_dma2 semaphore(%dma_wait3A_229 : memref<!tpu.dma_semaphore, #tpu.memory_space<semaphore_mem>>) src(%dma_wait3A_235 : memref<128x128xf32, #tpu.memory_space<vmem>>) dst(%dma_wait3A_232 : memref<128x128xf32, #tpu.memory_space<vmem_shared>>)
          } else {
          }
          %jit3A_189 = arith.constant 32 : i32
          %eq3A_190 = arith.constant 0 : i32
          %eq3A_191 = arith.cmpi eq, %jit3A_189, %eq3A_190 : i32
          %jit3A_192 = arith.constant 1 : i32
          %select_n3A_193 = arith.select %eq3A_191, %jit3A_192, %jit3A_189 : i32
          %rem3A_194 = arith.remsi %while3A_167, %select_n3A_193 : i32
          %ne3A_195 = arith.constant 0 : i32
          %ne3A_196 = arith.cmpi ne, %rem3A_194, %ne3A_195 : i32
          %lt3A_197 = arith.constant 0 : i32
          %lt3A_198 = arith.cmpi slt, %rem3A_194, %lt3A_197 : i32
          %lt3A_199 = arith.constant 0 : i32
          %lt3A_200 = arith.cmpi slt, %select_n3A_193, %lt3A_199 : i32
          %ne3A_201 = arith.xori %lt3A_198, %lt3A_200 : i1
          %and3A_202 = arith.andi %ne3A_201, %ne3A_196 : i1
          %add3A_203 = arith.addi %rem3A_194, %select_n3A_193 : i32
          %select_n3A_204 = arith.select %and3A_202, %add3A_203, %rem3A_194 : i32
          %mul3A_205 = arith.constant 128 : i32
          %mul3A_206 = arith.muli %select_n3A_204, %mul3A_205 : i32
          %mul3A_207 = arith.constant 128 : i32
          %mul3A_208 = arith.muli %select_n3A_183, %mul3A_207 : i32
          %dma_start3A_209 = arith.constant 0 : i32
          %dma_start3A_210 = tpu.memref_slice %arg11[%mul3A_208, %dma_start3A_209] : memref<256x128xf32, #tpu.memory_space<vmem>> -> memref<128x128xf32, #tpu.memory_space<vmem>>
          %dma_start3A_211 = tpu.memref_slice %arg9[%mul3A_206] : memref<4096xi32, #tpu.memory_space<vmem>> -> memref<128xi32, #tpu.memory_space<vmem>>
          %dma_start3A_212 = arith.constant 0 : i32
          %dma_start3A_213 = arith.constant 0 : i32
          %dma_start3A_214 = tpu.memref_slice %arg4[%dma_start3A_212, %dma_start3A_213] : memref<102400x128xf32, #tpu.memory_space<hbm>> -> memref<102400x128xf32, #tpu.memory_space<hbm>>
          %dma_start3A_215 = tpu.memref_slice %arg15[%select_n3A_183] : memref<2x!tpu.dma_semaphore, #tpu.memory_space<semaphore_mem>> -> memref<1x!tpu.dma_semaphore, #tpu.memory_space<semaphore_mem>>
          %dma_start3A_216 = tpu.memref_squeeze %dma_start3A_215 : memref<1x!tpu.dma_semaphore, #tpu.memory_space<semaphore_mem>> -> memref<!tpu.dma_semaphore, #tpu.memory_space<semaphore_mem>>
          tpu.enqueue_indirect_dma source(%dma_start3A_214 : memref<102400x128xf32, #tpu.memory_space<hbm>>) target(%dma_start3A_210 : memref<128x128xf32, #tpu.memory_space<vmem>>) offsets(%dma_start3A_211 : memref<128xi32, #tpu.memory_space<vmem>>) semaphore(%dma_start3A_216 : memref<!tpu.dma_semaphore, #tpu.memory_space<semaphore_mem>>)
          %ge3A_217 = arith.constant 1 : i32
          %ge3A_218 = arith.cmpi sge, %while3A_167, %ge3A_217 : i32
          %convert_element_type3A_219 = arith.extui %ge3A_218 : i1 to i32
          %cond3A_220 = arith.constant 0 : i32
          %cond3A_221 = arith.cmpi ne, %convert_element_type3A_219, %cond3A_220 : i32
          scf.if %cond3A_221 {
            %sub3A = arith.constant 1 : i32
            %sub3A_222 = arith.subi %while3A_167, %sub3A : i32
            %jit3A_223 = arith.constant 2 : i32
            %eq3A_224 = arith.constant 0 : i32
            %eq3A_225 = arith.cmpi eq, %jit3A_223, %eq3A_224 : i32
            %jit3A_226 = arith.constant 1 : i32
            %select_n3A_227 = arith.select %eq3A_225, %jit3A_226, %jit3A_223 : i32
            %rem3A_228 = arith.remsi %sub3A_222, %select_n3A_227 : i32
            %ne3A_229 = arith.constant 0 : i32
            %ne3A_230 = arith.cmpi ne, %rem3A_228, %ne3A_229 : i32
            %lt3A_231 = arith.constant 0 : i32
            %lt3A_232 = arith.cmpi slt, %rem3A_228, %lt3A_231 : i32
            %lt3A_233 = arith.constant 0 : i32
            %lt3A_234 = arith.cmpi slt, %select_n3A_227, %lt3A_233 : i32
            %ne3A_235 = arith.xori %lt3A_232, %lt3A_234 : i1
            %and3A_236 = arith.andi %ne3A_235, %ne3A_230 : i1
            %add3A_237 = arith.addi %rem3A_228, %select_n3A_227 : i32
            %select_n3A_238 = arith.select %and3A_236, %add3A_237, %rem3A_228 : i32
            %dma_wait3A_239 = arith.constant 0 : i32
            %dma_wait3A_240 = arith.constant 0 : i32
            %dma_wait3A_241 = tpu.memref_slice %arg11[%dma_wait3A_239, %dma_wait3A_240] : memref<256x128xf32, #tpu.memory_space<vmem>> -> memref<128x128xf32, #tpu.memory_space<vmem>>
            %dma_wait3A_242 = arith.constant 0 : i32
            %dma_wait3A_243 = arith.constant 0 : i32
            %dma_wait3A_244 = tpu.memref_slice %arg4[%dma_wait3A_242, %dma_wait3A_243] : memref<102400x128xf32, #tpu.memory_space<hbm>> -> memref<128x128xf32, #tpu.memory_space<hbm>>
            %dma_wait3A_245 = tpu.memref_slice %arg15[%select_n3A_238] : memref<2x!tpu.dma_semaphore, #tpu.memory_space<semaphore_mem>> -> memref<1x!tpu.dma_semaphore, #tpu.memory_space<semaphore_mem>>
            %dma_wait3A_246 = tpu.memref_squeeze %dma_wait3A_245 : memref<1x!tpu.dma_semaphore, #tpu.memory_space<semaphore_mem>> -> memref<!tpu.dma_semaphore, #tpu.memory_space<semaphore_mem>>
            %dma_wait3A_247 = arith.constant 0 : i32
            %dma_wait3A_248 = arith.constant 0 : i32
            %dma_wait3A_249 = tpu.memref_slice %arg11[%dma_wait3A_247, %dma_wait3A_248] : memref<256x128xf32, #tpu.memory_space<vmem>> -> memref<128x128xf32, #tpu.memory_space<vmem>>
            %dma_wait3A_250 = arith.constant 0 : i32
            %dma_wait3A_251 = arith.constant 0 : i32
            %dma_wait3A_252 = tpu.memref_slice %arg4[%dma_wait3A_250, %dma_wait3A_251] : memref<102400x128xf32, #tpu.memory_space<hbm>> -> memref<128x128xf32, #tpu.memory_space<hbm>>
            tpu.wait_dma2 semaphore(%dma_wait3A_246 : memref<!tpu.dma_semaphore, #tpu.memory_space<semaphore_mem>>) src(%dma_wait3A_252 : memref<128x128xf32, #tpu.memory_space<hbm>>) dst(%dma_wait3A_249 : memref<128x128xf32, #tpu.memory_space<vmem>>)
            %mul3A_253 = arith.constant 128 : i32
            %mul3A_254 = arith.muli %select_n3A_238, %mul3A_253 : i32
            %jit3A_255 = arith.constant 32 : i32
            %eq3A_256 = arith.constant 0 : i32
            %eq3A_257 = arith.cmpi eq, %jit3A_255, %eq3A_256 : i32
            %jit3A_258 = arith.constant 1 : i32
            %select_n3A_259 = arith.select %eq3A_257, %jit3A_258, %jit3A_255 : i32
            %rem3A_260 = arith.remsi %sub3A_222, %select_n3A_259 : i32
            %ne3A_261 = arith.constant 0 : i32
            %ne3A_262 = arith.cmpi ne, %rem3A_260, %ne3A_261 : i32
            %lt3A_263 = arith.constant 0 : i32
            %lt3A_264 = arith.cmpi slt, %rem3A_260, %lt3A_263 : i32
            %lt3A_265 = arith.constant 0 : i32
            %lt3A_266 = arith.cmpi slt, %select_n3A_259, %lt3A_265 : i32
            %ne3A_267 = arith.xori %lt3A_264, %lt3A_266 : i1
            %and3A_268 = arith.andi %ne3A_267, %ne3A_262 : i1
            %add3A_269 = arith.addi %rem3A_260, %select_n3A_259 : i32
            %select_n3A_270 = arith.select %and3A_268, %add3A_269, %rem3A_260 : i32
            %dma_start3A_271 = arith.constant 0 : i32
            %dma_start3A_272 = tpu.memref_slice %arg11[%mul3A_254, %dma_start3A_271] : memref<256x128xf32, #tpu.memory_space<vmem>> -> memref<128x128xf32, #tpu.memory_space<vmem>>
            %dma_start3A_273 = arith.constant 0 : i32
            %dma_start3A_274 = tpu.memref_slice %arg10[%select_n3A_270, %dma_start3A_273] : memref<32x128xi32, #tpu.memory_space<vmem>> -> memref<1x128xi32, #tpu.memory_space<vmem>>
            %dma_start3A_275 = tpu.memref_squeeze %dma_start3A_274 : memref<1x128xi32, #tpu.memory_space<vmem>> -> memref<128xi32, #tpu.memory_space<vmem>>
            %dma_start3A_276 = arith.constant 0 : i32
            %dma_start3A_277 = arith.constant 0 : i32
            %dma_start3A_278 = tpu.memref_slice %arg12[%dma_start3A_276, %dma_start3A_277] : memref<10248x128xf32, #tpu.memory_space<vmem_shared>> -> memref<10248x128xf32, #tpu.memory_space<vmem_shared>>
            %dma_start3A_279 = tpu.memref_slice %arg16[%select_n3A_238] : memref<2x!tpu.dma_semaphore, #tpu.memory_space<semaphore_mem>> -> memref<1x!tpu.dma_semaphore, #tpu.memory_space<semaphore_mem>>
            %dma_start3A_280 = tpu.memref_squeeze %dma_start3A_279 : memref<1x!tpu.dma_semaphore, #tpu.memory_space<semaphore_mem>> -> memref<!tpu.dma_semaphore, #tpu.memory_space<semaphore_mem>>
            tpu.enqueue_indirect_dma source(%dma_start3A_272 : memref<128x128xf32, #tpu.memory_space<vmem>>) target(%dma_start3A_278 : memref<10248x128xf32, #tpu.memory_space<vmem_shared>>) offsets(%dma_start3A_275 : memref<128xi32, #tpu.memory_space<vmem>>) semaphore(%dma_start3A_280 : memref<!tpu.dma_semaphore, #tpu.memory_space<semaphore_mem>>) {add = true}
          } else {
          }
        }
        scf.yield %scan3A_146 : i32
      }
      %scan3A_52 = arith.constant 98 : i32
      %shift_right_logical3A = arith.constant 7 : i32
      %shift_right_logical3A_53 = arith.shrui %scan3A_51, %shift_right_logical3A : i32
      %ge3A = arith.constant 1 : i32
      %ge3A_54 = arith.cmpi sge, %shift_right_logical3A_53, %ge3A : i32
      %convert_element_type3A = arith.extui %ge3A_54 : i1 to i32
      %cond3A = arith.constant 0 : i32
      %cond3A_55 = arith.cmpi ne, %convert_element_type3A, %cond3A : i32
      scf.if %cond3A_55 {
        %sub3A = arith.constant 1 : i32
        %sub3A_106 = arith.subi %shift_right_logical3A_53, %sub3A : i32
        %jit3A_107 = arith.constant 2 : i32
        %eq3A = arith.constant 0 : i32
        %eq3A_108 = arith.cmpi eq, %jit3A_107, %eq3A : i32
        %jit3A_109 = arith.constant 1 : i32
        %select_n3A_110 = arith.select %eq3A_108, %jit3A_109, %jit3A_107 : i32
        %rem3A = arith.remsi %sub3A_106, %select_n3A_110 : i32
        %ne3A = arith.constant 0 : i32
        %ne3A_111 = arith.cmpi ne, %rem3A, %ne3A : i32
        %lt3A = arith.constant 0 : i32
        %lt3A_112 = arith.cmpi slt, %rem3A, %lt3A : i32
        %lt3A_113 = arith.constant 0 : i32
        %lt3A_114 = arith.cmpi slt, %select_n3A_110, %lt3A_113 : i32
        %ne3A_115 = arith.xori %lt3A_112, %lt3A_114 : i1
        %and3A_116 = arith.andi %ne3A_115, %ne3A_111 : i1
        %add3A_117 = arith.addi %rem3A, %select_n3A_110 : i32
        %select_n3A_118 = arith.select %and3A_116, %add3A_117, %rem3A : i32
        %dma_wait3A = arith.constant 0 : i32
        %dma_wait3A_119 = arith.constant 0 : i32
        %dma_wait3A_120 = tpu.memref_slice %arg11[%dma_wait3A, %dma_wait3A_119] : memref<256x128xf32, #tpu.memory_space<vmem>> -> memref<128x128xf32, #tpu.memory_space<vmem>>
        %dma_wait3A_121 = arith.constant 0 : i32
        %dma_wait3A_122 = arith.constant 0 : i32
        %dma_wait3A_123 = tpu.memref_slice %arg4[%dma_wait3A_121, %dma_wait3A_122] : memref<102400x128xf32, #tpu.memory_space<hbm>> -> memref<128x128xf32, #tpu.memory_space<hbm>>
        %dma_wait3A_124 = tpu.memref_slice %arg15[%select_n3A_118] : memref<2x!tpu.dma_semaphore, #tpu.memory_space<semaphore_mem>> -> memref<1x!tpu.dma_semaphore, #tpu.memory_space<semaphore_mem>>
        %dma_wait3A_125 = tpu.memref_squeeze %dma_wait3A_124 : memref<1x!tpu.dma_semaphore, #tpu.memory_space<semaphore_mem>> -> memref<!tpu.dma_semaphore, #tpu.memory_space<semaphore_mem>>
        %dma_wait3A_126 = arith.constant 0 : i32
        %dma_wait3A_127 = arith.constant 0 : i32
        %dma_wait3A_128 = tpu.memref_slice %arg11[%dma_wait3A_126, %dma_wait3A_127] : memref<256x128xf32, #tpu.memory_space<vmem>> -> memref<128x128xf32, #tpu.memory_space<vmem>>
        %dma_wait3A_129 = arith.constant 0 : i32
        %dma_wait3A_130 = arith.constant 0 : i32
        %dma_wait3A_131 = tpu.memref_slice %arg4[%dma_wait3A_129, %dma_wait3A_130] : memref<102400x128xf32, #tpu.memory_space<hbm>> -> memref<128x128xf32, #tpu.memory_space<hbm>>
        tpu.wait_dma2 semaphore(%dma_wait3A_125 : memref<!tpu.dma_semaphore, #tpu.memory_space<semaphore_mem>>) src(%dma_wait3A_131 : memref<128x128xf32, #tpu.memory_space<hbm>>) dst(%dma_wait3A_128 : memref<128x128xf32, #tpu.memory_space<vmem>>)
        %mul3A_132 = arith.constant 128 : i32
        %mul3A_133 = arith.muli %select_n3A_118, %mul3A_132 : i32
        %jit3A_134 = arith.constant 32 : i32
        %eq3A_135 = arith.constant 0 : i32
        %eq3A_136 = arith.cmpi eq, %jit3A_134, %eq3A_135 : i32
        %jit3A_137 = arith.constant 1 : i32
        %select_n3A_138 = arith.select %eq3A_136, %jit3A_137, %jit3A_134 : i32
        %rem3A_139 = arith.remsi %sub3A_106, %select_n3A_138 : i32
        %ne3A_140 = arith.constant 0 : i32
        %ne3A_141 = arith.cmpi ne, %rem3A_139, %ne3A_140 : i32
        %lt3A_142 = arith.constant 0 : i32
        %lt3A_143 = arith.cmpi slt, %rem3A_139, %lt3A_142 : i32
        %lt3A_144 = arith.constant 0 : i32
        %lt3A_145 = arith.cmpi slt, %select_n3A_138, %lt3A_144 : i32
        %ne3A_146 = arith.xori %lt3A_143, %lt3A_145 : i1
        %and3A_147 = arith.andi %ne3A_146, %ne3A_141 : i1
        %add3A_148 = arith.addi %rem3A_139, %select_n3A_138 : i32
        %select_n3A_149 = arith.select %and3A_147, %add3A_148, %rem3A_139 : i32
        %dma_start3A_150 = arith.constant 0 : i32
        %dma_start3A_151 = tpu.memref_slice %arg11[%mul3A_133, %dma_start3A_150] : memref<256x128xf32, #tpu.memory_space<vmem>> -> memref<128x128xf32, #tpu.memory_space<vmem>>
        %dma_start3A_152 = arith.constant 0 : i32
        %dma_start3A_153 = tpu.memref_slice %arg10[%select_n3A_149, %dma_start3A_152] : memref<32x128xi32, #tpu.memory_space<vmem>> -> memref<1x128xi32, #tpu.memory_space<vmem>>
        %dma_start3A_154 = tpu.memref_squeeze %dma_start3A_153 : memref<1x128xi32, #tpu.memory_space<vmem>> -> memref<128xi32, #tpu.memory_space<vmem>>
        %dma_start3A_155 = arith.constant 0 : i32
        %dma_start3A_156 = arith.constant 0 : i32
        %dma_start3A_157 = tpu.memref_slice %arg12[%dma_start3A_155, %dma_start3A_156] : memref<10248x128xf32, #tpu.memory_space<vmem_shared>> -> memref<10248x128xf32, #tpu.memory_space<vmem_shared>>
        %dma_start3A_158 = tpu.memref_slice %arg16[%select_n3A_118] : memref<2x!tpu.dma_semaphore, #tpu.memory_space<semaphore_mem>> -> memref<1x!tpu.dma_semaphore, #tpu.memory_space<semaphore_mem>>
        %dma_start3A_159 = tpu.memref_squeeze %dma_start3A_158 : memref<1x!tpu.dma_semaphore, #tpu.memory_space<semaphore_mem>> -> memref<!tpu.dma_semaphore, #tpu.memory_space<semaphore_mem>>
        tpu.enqueue_indirect_dma source(%dma_start3A_151 : memref<128x128xf32, #tpu.memory_space<vmem>>) target(%dma_start3A_157 : memref<10248x128xf32, #tpu.memory_space<vmem_shared>>) offsets(%dma_start3A_154 : memref<128xi32, #tpu.memory_space<vmem>>) semaphore(%dma_start3A_159 : memref<!tpu.dma_semaphore, #tpu.memory_space<semaphore_mem>>) {add = true}
      } else {
      }
      %and3A = arith.constant 127 : i32
      %and3A_56 = arith.andi %scan3A_51, %and3A : i32
      %gt3A = arith.constant 0 : i32
      %gt3A_57 = arith.cmpi sgt, %and3A_56, %gt3A : i32
      %convert_element_type3A_58 = arith.extui %gt3A_57 : i1 to i32
      %cond3A_59 = arith.constant 0 : i32
      %cond3A_60 = arith.cmpi ne, %convert_element_type3A_58, %cond3A_59 : i32
      scf.if %cond3A_60 {
        %add3A_106 = arith.constant 0 : i32
        %add3A_107 = arith.addi %scan3A_51, %add3A_106 : i32
        %add3A_108 = vector.broadcast %add3A_107 : i32 to vector<16xi32>
        %add3A_109 = arith.addi %add3A_108, %iota3A : vector<16xi32>
        %and3A_110 = arith.constant 4095 : i32
        %and3A_111 = vector.broadcast %and3A_110 : i32 to vector<16xi32>
        %and3A_112 = arith.andi %add3A_109, %and3A_111 : vector<16xi32>
        tpu.vector_store_idx %arg9[%and3A_112], %add3A_4 : memref<4096xi32, #tpu.memory_space<vmem>>[vector<16xi32>], vector<16xi32>,
        %shift_right_logical3A_113 = arith.constant 7 : i32
        %shift_right_logical3A_114 = vector.broadcast %shift_right_logical3A_113 : i32 to vector<16xi32>
        %shift_right_logical3A_115 = arith.shrui %and3A_112, %shift_right_logical3A_114 : vector<16xi32>
        %and3A_116 = arith.constant 31 : i32
        %and3A_117 = vector.broadcast %and3A_116 : i32 to vector<16xi32>
        %and3A_118 = arith.andi %shift_right_logical3A_115, %and3A_117 : vector<16xi32>
        %and3A_119 = arith.constant 127 : i32
        %and3A_120 = vector.broadcast %and3A_119 : i32 to vector<16xi32>
        %and3A_121 = arith.andi %and3A_112, %and3A_120 : vector<16xi32>
        tpu.vector_store_idx %arg10[%and3A_118, %and3A_121], %add3A_31 : memref<32x128xi32, #tpu.memory_space<vmem>>[vector<16xi32>, vector<16xi32>], vector<16xi32>,
        %add3A_122 = arith.constant 16 : i32
        %add3A_123 = arith.addi %scan3A_51, %add3A_122 : i32
        %add3A_124 = vector.broadcast %add3A_123 : i32 to vector<16xi32>
        %add3A_125 = arith.addi %add3A_124, %iota3A : vector<16xi32>
        %and3A_126 = arith.constant 4095 : i32
        %and3A_127 = vector.broadcast %and3A_126 : i32 to vector<16xi32>
        %and3A_128 = arith.andi %add3A_125, %and3A_127 : vector<16xi32>
        tpu.vector_store_idx %arg9[%and3A_128], %add3A_4 : memref<4096xi32, #tpu.memory_space<vmem>>[vector<16xi32>], vector<16xi32>,
        %shift_right_logical3A_129 = arith.constant 7 : i32
        %shift_right_logical3A_130 = vector.broadcast %shift_right_logical3A_129 : i32 to vector<16xi32>
        %shift_right_logical3A_131 = arith.shrui %and3A_128, %shift_right_logical3A_130 : vector<16xi32>
        %and3A_132 = arith.constant 31 : i32
        %and3A_133 = vector.broadcast %and3A_132 : i32 to vector<16xi32>
        %and3A_134 = arith.andi %shift_right_logical3A_131, %and3A_133 : vector<16xi32>
        %and3A_135 = arith.constant 127 : i32
        %and3A_136 = vector.broadcast %and3A_135 : i32 to vector<16xi32>
        %and3A_137 = arith.andi %and3A_128, %and3A_136 : vector<16xi32>
        tpu.vector_store_idx %arg10[%and3A_134, %and3A_137], %add3A_31 : memref<32x128xi32, #tpu.memory_space<vmem>>[vector<16xi32>, vector<16xi32>], vector<16xi32>,
        %add3A_138 = arith.constant 32 : i32
        %add3A_139 = arith.addi %scan3A_51, %add3A_138 : i32
        %add3A_140 = vector.broadcast %add3A_139 : i32 to vector<16xi32>
        %add3A_141 = arith.addi %add3A_140, %iota3A : vector<16xi32>
        %and3A_142 = arith.constant 4095 : i32
        %and3A_143 = vector.broadcast %and3A_142 : i32 to vector<16xi32>
        %and3A_144 = arith.andi %add3A_141, %and3A_143 : vector<16xi32>
        tpu.vector_store_idx %arg9[%and3A_144], %add3A_4 : memref<4096xi32, #tpu.memory_space<vmem>>[vector<16xi32>], vector<16xi32>,
        %shift_right_logical3A_145 = arith.constant 7 : i32
        %shift_right_logical3A_146 = vector.broadcast %shift_right_logical3A_145 : i32 to vector<16xi32>
        %shift_right_logical3A_147 = arith.shrui %and3A_144, %shift_right_logical3A_146 : vector<16xi32>
        %and3A_148 = arith.constant 31 : i32
        %and3A_149 = vector.broadcast %and3A_148 : i32 to vector<16xi32>
        %and3A_150 = arith.andi %shift_right_logical3A_147, %and3A_149 : vector<16xi32>
        %and3A_151 = arith.constant 127 : i32
        %and3A_152 = vector.broadcast %and3A_151 : i32 to vector<16xi32>
        %and3A_153 = arith.andi %and3A_144, %and3A_152 : vector<16xi32>
        tpu.vector_store_idx %arg10[%and3A_150, %and3A_153], %add3A_31 : memref<32x128xi32, #tpu.memory_space<vmem>>[vector<16xi32>, vector<16xi32>], vector<16xi32>,
        %add3A_154 = arith.constant 48 : i32
        %add3A_155 = arith.addi %scan3A_51, %add3A_154 : i32
        %add3A_156 = vector.broadcast %add3A_155 : i32 to vector<16xi32>
        %add3A_157 = arith.addi %add3A_156, %iota3A : vector<16xi32>
        %and3A_158 = arith.constant 4095 : i32
        %and3A_159 = vector.broadcast %and3A_158 : i32 to vector<16xi32>
        %and3A_160 = arith.andi %add3A_157, %and3A_159 : vector<16xi32>
        tpu.vector_store_idx %arg9[%and3A_160], %add3A_4 : memref<4096xi32, #tpu.memory_space<vmem>>[vector<16xi32>], vector<16xi32>,
        %shift_right_logical3A_161 = arith.constant 7 : i32
        %shift_right_logical3A_162 = vector.broadcast %shift_right_logical3A_161 : i32 to vector<16xi32>
        %shift_right_logical3A_163 = arith.shrui %and3A_160, %shift_right_logical3A_162 : vector<16xi32>
        %and3A_164 = arith.constant 31 : i32
        %and3A_165 = vector.broadcast %and3A_164 : i32 to vector<16xi32>
        %and3A_166 = arith.andi %shift_right_logical3A_163, %and3A_165 : vector<16xi32>
        %and3A_167 = arith.constant 127 : i32
        %and3A_168 = vector.broadcast %and3A_167 : i32 to vector<16xi32>
        %and3A_169 = arith.andi %and3A_160, %and3A_168 : vector<16xi32>
        tpu.vector_store_idx %arg10[%and3A_166, %and3A_169], %add3A_31 : memref<32x128xi32, #tpu.memory_space<vmem>>[vector<16xi32>, vector<16xi32>], vector<16xi32>,
        %add3A_170 = arith.constant 64 : i32
        %add3A_171 = arith.addi %scan3A_51, %add3A_170 : i32
        %add3A_172 = vector.broadcast %add3A_171 : i32 to vector<16xi32>
        %add3A_173 = arith.addi %add3A_172, %iota3A : vector<16xi32>
        %and3A_174 = arith.constant 4095 : i32
        %and3A_175 = vector.broadcast %and3A_174 : i32 to vector<16xi32>
        %and3A_176 = arith.andi %add3A_173, %and3A_175 : vector<16xi32>
        tpu.vector_store_idx %arg9[%and3A_176], %add3A_4 : memref<4096xi32, #tpu.memory_space<vmem>>[vector<16xi32>], vector<16xi32>,
        %shift_right_logical3A_177 = arith.constant 7 : i32
        %shift_right_logical3A_178 = vector.broadcast %shift_right_logical3A_177 : i32 to vector<16xi32>
        %shift_right_logical3A_179 = arith.shrui %and3A_176, %shift_right_logical3A_178 : vector<16xi32>
        %and3A_180 = arith.constant 31 : i32
        %and3A_181 = vector.broadcast %and3A_180 : i32 to vector<16xi32>
        %and3A_182 = arith.andi %shift_right_logical3A_179, %and3A_181 : vector<16xi32>
        %and3A_183 = arith.constant 127 : i32
        %and3A_184 = vector.broadcast %and3A_183 : i32 to vector<16xi32>
        %and3A_185 = arith.andi %and3A_176, %and3A_184 : vector<16xi32>
        tpu.vector_store_idx %arg10[%and3A_182, %and3A_185], %add3A_31 : memref<32x128xi32, #tpu.memory_space<vmem>>[vector<16xi32>, vector<16xi32>], vector<16xi32>,
        %add3A_186 = arith.constant 80 : i32
        %add3A_187 = arith.addi %scan3A_51, %add3A_186 : i32
        %add3A_188 = vector.broadcast %add3A_187 : i32 to vector<16xi32>
        %add3A_189 = arith.addi %add3A_188, %iota3A : vector<16xi32>
        %and3A_190 = arith.constant 4095 : i32
        %and3A_191 = vector.broadcast %and3A_190 : i32 to vector<16xi32>
        %and3A_192 = arith.andi %add3A_189, %and3A_191 : vector<16xi32>
        tpu.vector_store_idx %arg9[%and3A_192], %add3A_4 : memref<4096xi32, #tpu.memory_space<vmem>>[vector<16xi32>], vector<16xi32>,
        %shift_right_logical3A_193 = arith.constant 7 : i32
        %shift_right_logical3A_194 = vector.broadcast %shift_right_logical3A_193 : i32 to vector<16xi32>
        %shift_right_logical3A_195 = arith.shrui %and3A_192, %shift_right_logical3A_194 : vector<16xi32>
        %and3A_196 = arith.constant 31 : i32
        %and3A_197 = vector.broadcast %and3A_196 : i32 to vector<16xi32>
        %and3A_198 = arith.andi %shift_right_logical3A_195, %and3A_197 : vector<16xi32>
        %and3A_199 = arith.constant 127 : i32
        %and3A_200 = vector.broadcast %and3A_199 : i32 to vector<16xi32>
        %and3A_201 = arith.andi %and3A_192, %and3A_200 : vector<16xi32>
        tpu.vector_store_idx %arg10[%and3A_198, %and3A_201], %add3A_31 : memref<32x128xi32, #tpu.memory_space<vmem>>[vector<16xi32>, vector<16xi32>], vector<16xi32>,
        %add3A_202 = arith.constant 96 : i32
        %add3A_203 = arith.addi %scan3A_51, %add3A_202 : i32
        %add3A_204 = vector.broadcast %add3A_203 : i32 to vector<16xi32>
        %add3A_205 = arith.addi %add3A_204, %iota3A : vector<16xi32>
        %and3A_206 = arith.constant 4095 : i32
        %and3A_207 = vector.broadcast %and3A_206 : i32 to vector<16xi32>
        %and3A_208 = arith.andi %add3A_205, %and3A_207 : vector<16xi32>
        tpu.vector_store_idx %arg9[%and3A_208], %add3A_4 : memref<4096xi32, #tpu.memory_space<vmem>>[vector<16xi32>], vector<16xi32>,
        %shift_right_logical3A_209 = arith.constant 7 : i32
        %shift_right_logical3A_210 = vector.broadcast %shift_right_logical3A_209 : i32 to vector<16xi32>
        %shift_right_logical3A_211 = arith.shrui %and3A_208, %shift_right_logical3A_210 : vector<16xi32>
        %and3A_212 = arith.constant 31 : i32
        %and3A_213 = vector.broadcast %and3A_212 : i32 to vector<16xi32>
        %and3A_214 = arith.andi %shift_right_logical3A_211, %and3A_213 : vector<16xi32>
        %and3A_215 = arith.constant 127 : i32
        %and3A_216 = vector.broadcast %and3A_215 : i32 to vector<16xi32>
        %and3A_217 = arith.andi %and3A_208, %and3A_216 : vector<16xi32>
        tpu.vector_store_idx %arg10[%and3A_214, %and3A_217], %add3A_31 : memref<32x128xi32, #tpu.memory_space<vmem>>[vector<16xi32>, vector<16xi32>], vector<16xi32>,
        %add3A_218 = arith.constant 112 : i32
        %add3A_219 = arith.addi %scan3A_51, %add3A_218 : i32
        %add3A_220 = vector.broadcast %add3A_219 : i32 to vector<16xi32>
        %add3A_221 = arith.addi %add3A_220, %iota3A : vector<16xi32>
        %and3A_222 = arith.constant 4095 : i32
        %and3A_223 = vector.broadcast %and3A_222 : i32 to vector<16xi32>
        %and3A_224 = arith.andi %add3A_221, %and3A_223 : vector<16xi32>
        tpu.vector_store_idx %arg9[%and3A_224], %add3A_4 : memref<4096xi32, #tpu.memory_space<vmem>>[vector<16xi32>], vector<16xi32>,
        %shift_right_logical3A_225 = arith.constant 7 : i32
        %shift_right_logical3A_226 = vector.broadcast %shift_right_logical3A_225 : i32 to vector<16xi32>
        %shift_right_logical3A_227 = arith.shrui %and3A_224, %shift_right_logical3A_226 : vector<16xi32>
        %and3A_228 = arith.constant 31 : i32
        %and3A_229 = vector.broadcast %and3A_228 : i32 to vector<16xi32>
        %and3A_230 = arith.andi %shift_right_logical3A_227, %and3A_229 : vector<16xi32>
        %and3A_231 = arith.constant 127 : i32
        %and3A_232 = vector.broadcast %and3A_231 : i32 to vector<16xi32>
        %and3A_233 = arith.andi %and3A_224, %and3A_232 : vector<16xi32>
        tpu.vector_store_idx %arg10[%and3A_230, %and3A_233], %add3A_31 : memref<32x128xi32, #tpu.memory_space<vmem>>[vector<16xi32>, vector<16xi32>], vector<16xi32>,
        %jit3A_234 = arith.constant 2 : i32
        %eq3A = arith.constant 0 : i32
        %eq3A_235 = arith.cmpi eq, %jit3A_234, %eq3A : i32
        %jit3A_236 = arith.constant 1 : i32
        %select_n3A_237 = arith.select %eq3A_235, %jit3A_236, %jit3A_234 : i32
        %rem3A = arith.remsi %shift_right_logical3A_53, %select_n3A_237 : i32
        %ne3A = arith.constant 0 : i32
        %ne3A_238 = arith.cmpi ne, %rem3A, %ne3A : i32
        %lt3A = arith.constant 0 : i32
        %lt3A_239 = arith.cmpi slt, %rem3A, %lt3A : i32
        %lt3A_240 = arith.constant 0 : i32
        %lt3A_241 = arith.cmpi slt, %select_n3A_237, %lt3A_240 : i32
        %ne3A_242 = arith.xori %lt3A_239, %lt3A_241 : i1
        %and3A_243 = arith.andi %ne3A_242, %ne3A_238 : i1
        %add3A_244 = arith.addi %rem3A, %select_n3A_237 : i32
        %select_n3A_245 = arith.select %and3A_243, %add3A_244, %rem3A : i32
        %ge3A_246 = arith.constant 2 : i32
        %ge3A_247 = arith.cmpi sge, %shift_right_logical3A_53, %ge3A_246 : i32
        %convert_element_type3A_248 = arith.extui %ge3A_247 : i1 to i32
        %cond3A_249 = arith.constant 0 : i32
        %cond3A_250 = arith.cmpi ne, %convert_element_type3A_248, %cond3A_249 : i32
        scf.if %cond3A_250 {
          %dma_wait3A_336 = arith.constant 0 : i32
          %dma_wait3A_337 = arith.constant 0 : i32
          %dma_wait3A_338 = tpu.memref_slice %arg11[%dma_wait3A_336, %dma_wait3A_337] : memref<256x128xf32, #tpu.memory_space<vmem>> -> memref<128x128xf32, #tpu.memory_space<vmem>>
          %dma_wait3A_339 = arith.constant 0 : i32
          %dma_wait3A_340 = arith.constant 0 : i32
          %dma_wait3A_341 = tpu.memref_slice %arg12[%dma_wait3A_339, %dma_wait3A_340] : memref<10248x128xf32, #tpu.memory_space<vmem_shared>> -> memref<128x128xf32, #tpu.memory_space<vmem_shared>>
          %dma_wait3A_342 = tpu.memref_slice %arg16[%select_n3A_245] : memref<2x!tpu.dma_semaphore, #tpu.memory_space<semaphore_mem>> -> memref<1x!tpu.dma_semaphore, #tpu.memory_space<semaphore_mem>>
          %dma_wait3A_343 = tpu.memref_squeeze %dma_wait3A_342 : memref<1x!tpu.dma_semaphore, #tpu.memory_space<semaphore_mem>> -> memref<!tpu.dma_semaphore, #tpu.memory_space<semaphore_mem>>
          %dma_wait3A_344 = arith.constant 0 : i32
          %dma_wait3A_345 = arith.constant 0 : i32
          %dma_wait3A_346 = tpu.memref_slice %arg12[%dma_wait3A_344, %dma_wait3A_345] : memref<10248x128xf32, #tpu.memory_space<vmem_shared>> -> memref<128x128xf32, #tpu.memory_space<vmem_shared>>
          %dma_wait3A_347 = arith.constant 0 : i32
          %dma_wait3A_348 = arith.constant 0 : i32
          %dma_wait3A_349 = tpu.memref_slice %arg11[%dma_wait3A_347, %dma_wait3A_348] : memref<256x128xf32, #tpu.memory_space<vmem>> -> memref<128x128xf32, #tpu.memory_space<vmem>>
          tpu.wait_dma2 semaphore(%dma_wait3A_343 : memref<!tpu.dma_semaphore, #tpu.memory_space<semaphore_mem>>) src(%dma_wait3A_349 : memref<128x128xf32, #tpu.memory_space<vmem>>) dst(%dma_wait3A_346 : memref<128x128xf32, #tpu.memory_space<vmem_shared>>)
        } else {
        }
        %jit3A_251 = arith.constant 32 : i32
        %eq3A_252 = arith.constant 0 : i32
        %eq3A_253 = arith.cmpi eq, %jit3A_251, %eq3A_252 : i32
        %jit3A_254 = arith.constant 1 : i32
        %select_n3A_255 = arith.select %eq3A_253, %jit3A_254, %jit3A_251 : i32
        %rem3A_256 = arith.remsi %shift_right_logical3A_53, %select_n3A_255 : i32
        %ne3A_257 = arith.constant 0 : i32
        %ne3A_258 = arith.cmpi ne, %rem3A_256, %ne3A_257 : i32
        %lt3A_259 = arith.constant 0 : i32
        %lt3A_260 = arith.cmpi slt, %rem3A_256, %lt3A_259 : i32
        %lt3A_261 = arith.constant 0 : i32
        %lt3A_262 = arith.cmpi slt, %select_n3A_255, %lt3A_261 : i32
        %ne3A_263 = arith.xori %lt3A_260, %lt3A_262 : i1
        %and3A_264 = arith.andi %ne3A_263, %ne3A_258 : i1
        %add3A_265 = arith.addi %rem3A_256, %select_n3A_255 : i32
        %select_n3A_266 = arith.select %and3A_264, %add3A_265, %rem3A_256 : i32
        %mul3A_267 = arith.constant 128 : i32
        %mul3A_268 = arith.muli %select_n3A_266, %mul3A_267 : i32
        %mul3A_269 = arith.constant 128 : i32
        %mul3A_270 = arith.muli %select_n3A_245, %mul3A_269 : i32
        %dma_start3A_271 = arith.constant 0 : i32
        %dma_start3A_272 = tpu.memref_slice %arg11[%mul3A_270, %dma_start3A_271] : memref<256x128xf32, #tpu.memory_space<vmem>> -> memref<128x128xf32, #tpu.memory_space<vmem>>
        %dma_start3A_273 = tpu.memref_slice %arg9[%mul3A_268] : memref<4096xi32, #tpu.memory_space<vmem>> -> memref<128xi32, #tpu.memory_space<vmem>>
        %dma_start3A_274 = arith.constant 0 : i32
        %dma_start3A_275 = arith.constant 0 : i32
        %dma_start3A_276 = tpu.memref_slice %arg4[%dma_start3A_274, %dma_start3A_275] : memref<102400x128xf32, #tpu.memory_space<hbm>> -> memref<102400x128xf32, #tpu.memory_space<hbm>>
        %dma_start3A_277 = tpu.memref_slice %arg15[%select_n3A_245] : memref<2x!tpu.dma_semaphore, #tpu.memory_space<semaphore_mem>> -> memref<1x!tpu.dma_semaphore, #tpu.memory_space<semaphore_mem>>
        %dma_start3A_278 = tpu.memref_squeeze %dma_start3A_277 : memref<1x!tpu.dma_semaphore, #tpu.memory_space<semaphore_mem>> -> memref<!tpu.dma_semaphore, #tpu.memory_space<semaphore_mem>>
        tpu.enqueue_indirect_dma source(%dma_start3A_276 : memref<102400x128xf32, #tpu.memory_space<hbm>>) target(%dma_start3A_272 : memref<128x128xf32, #tpu.memory_space<vmem>>) offsets(%dma_start3A_273 : memref<128xi32, #tpu.memory_space<vmem>>) semaphore(%dma_start3A_278 : memref<!tpu.dma_semaphore, #tpu.memory_space<semaphore_mem>>)
        %jit3A_279 = arith.constant 2 : i32
        %eq3A_280 = arith.constant 0 : i32
        %eq3A_281 = arith.cmpi eq, %jit3A_279, %eq3A_280 : i32
        %jit3A_282 = arith.constant 1 : i32
        %select_n3A_283 = arith.select %eq3A_281, %jit3A_282, %jit3A_279 : i32
        %rem3A_284 = arith.remsi %shift_right_logical3A_53, %select_n3A_283 : i32
        %ne3A_285 = arith.constant 0 : i32
        %ne3A_286 = arith.cmpi ne, %rem3A_284, %ne3A_285 : i32
        %lt3A_287 = arith.constant 0 : i32
        %lt3A_288 = arith.cmpi slt, %rem3A_284, %lt3A_287 : i32
        %lt3A_289 = arith.constant 0 : i32
        %lt3A_290 = arith.cmpi slt, %select_n3A_283, %lt3A_289 : i32
        %ne3A_291 = arith.xori %lt3A_288, %lt3A_290 : i1
        %and3A_292 = arith.andi %ne3A_291, %ne3A_286 : i1
        %add3A_293 = arith.addi %rem3A_284, %select_n3A_283 : i32
        %select_n3A_294 = arith.select %and3A_292, %add3A_293, %rem3A_284 : i32
        %dma_wait3A = arith.constant 0 : i32
        %dma_wait3A_295 = arith.constant 0 : i32
        %dma_wait3A_296 = tpu.memref_slice %arg11[%dma_wait3A, %dma_wait3A_295] : memref<256x128xf32, #tpu.memory_space<vmem>> -> memref<128x128xf32, #tpu.memory_space<vmem>>
        %dma_wait3A_297 = arith.constant 0 : i32
        %dma_wait3A_298 = arith.constant 0 : i32
        %dma_wait3A_299 = tpu.memref_slice %arg4[%dma_wait3A_297, %dma_wait3A_298] : memref<102400x128xf32, #tpu.memory_space<hbm>> -> memref<128x128xf32, #tpu.memory_space<hbm>>
        %dma_wait3A_300 = tpu.memref_slice %arg15[%select_n3A_294] : memref<2x!tpu.dma_semaphore, #tpu.memory_space<semaphore_mem>> -> memref<1x!tpu.dma_semaphore, #tpu.memory_space<semaphore_mem>>
        %dma_wait3A_301 = tpu.memref_squeeze %dma_wait3A_300 : memref<1x!tpu.dma_semaphore, #tpu.memory_space<semaphore_mem>> -> memref<!tpu.dma_semaphore, #tpu.memory_space<semaphore_mem>>
        %dma_wait3A_302 = arith.constant 0 : i32
        %dma_wait3A_303 = arith.constant 0 : i32
        %dma_wait3A_304 = tpu.memref_slice %arg11[%dma_wait3A_302, %dma_wait3A_303] : memref<256x128xf32, #tpu.memory_space<vmem>> -> memref<128x128xf32, #tpu.memory_space<vmem>>
        %dma_wait3A_305 = arith.constant 0 : i32
        %dma_wait3A_306 = arith.constant 0 : i32
        %dma_wait3A_307 = tpu.memref_slice %arg4[%dma_wait3A_305, %dma_wait3A_306] : memref<102400x128xf32, #tpu.memory_space<hbm>> -> memref<128x128xf32, #tpu.memory_space<hbm>>
        tpu.wait_dma2 semaphore(%dma_wait3A_301 : memref<!tpu.dma_semaphore, #tpu.memory_space<semaphore_mem>>) src(%dma_wait3A_307 : memref<128x128xf32, #tpu.memory_space<hbm>>) dst(%dma_wait3A_304 : memref<128x128xf32, #tpu.memory_space<vmem>>)
        %mul3A_308 = arith.constant 128 : i32
        %mul3A_309 = arith.muli %select_n3A_294, %mul3A_308 : i32
        %jit3A_310 = arith.constant 32 : i32
        %eq3A_311 = arith.constant 0 : i32
        %eq3A_312 = arith.cmpi eq, %jit3A_310, %eq3A_311 : i32
        %jit3A_313 = arith.constant 1 : i32
        %select_n3A_314 = arith.select %eq3A_312, %jit3A_313, %jit3A_310 : i32
        %rem3A_315 = arith.remsi %shift_right_logical3A_53, %select_n3A_314 : i32
        %ne3A_316 = arith.constant 0 : i32
        %ne3A_317 = arith.cmpi ne, %rem3A_315, %ne3A_316 : i32
        %lt3A_318 = arith.constant 0 : i32
        %lt3A_319 = arith.cmpi slt, %rem3A_315, %lt3A_318 : i32
        %lt3A_320 = arith.constant 0 : i32
        %lt3A_321 = arith.cmpi slt, %select_n3A_314, %lt3A_320 : i32
        %ne3A_322 = arith.xori %lt3A_319, %lt3A_321 : i1
        %and3A_323 = arith.andi %ne3A_322, %ne3A_317 : i1
        %add3A_324 = arith.addi %rem3A_315, %select_n3A_314 : i32
        %select_n3A_325 = arith.select %and3A_323, %add3A_324, %rem3A_315 : i32
        %dma_start3A_326 = arith.constant 0 : i32
        %dma_start3A_327 = tpu.memref_slice %arg11[%mul3A_309, %dma_start3A_326] : memref<256x128xf32, #tpu.memory_space<vmem>> -> memref<128x128xf32, #tpu.memory_space<vmem>>
        %dma_start3A_328 = arith.constant 0 : i32
        %dma_start3A_329 = tpu.memref_slice %arg10[%select_n3A_325, %dma_start3A_328] : memref<32x128xi32, #tpu.memory_space<vmem>> -> memref<1x128xi32, #tpu.memory_space<vmem>>
        %dma_start3A_330 = tpu.memref_squeeze %dma_start3A_329 : memref<1x128xi32, #tpu.memory_space<vmem>> -> memref<128xi32, #tpu.memory_space<vmem>>
        %dma_start3A_331 = arith.constant 0 : i32
        %dma_start3A_332 = arith.constant 0 : i32
        %dma_start3A_333 = tpu.memref_slice %arg12[%dma_start3A_331, %dma_start3A_332] : memref<10248x128xf32, #tpu.memory_space<vmem_shared>> -> memref<10248x128xf32, #tpu.memory_space<vmem_shared>>
        %dma_start3A_334 = tpu.memref_slice %arg16[%select_n3A_294] : memref<2x!tpu.dma_semaphore, #tpu.memory_space<semaphore_mem>> -> memref<1x!tpu.dma_semaphore, #tpu.memory_space<semaphore_mem>>
        %dma_start3A_335 = tpu.memref_squeeze %dma_start3A_334 : memref<1x!tpu.dma_semaphore, #tpu.memory_space<semaphore_mem>> -> memref<!tpu.dma_semaphore, #tpu.memory_space<semaphore_mem>>
        tpu.enqueue_indirect_dma source(%dma_start3A_327 : memref<128x128xf32, #tpu.memory_space<vmem>>) target(%dma_start3A_333 : memref<10248x128xf32, #tpu.memory_space<vmem_shared>>) offsets(%dma_start3A_330 : memref<128xi32, #tpu.memory_space<vmem>>) semaphore(%dma_start3A_335 : memref<!tpu.dma_semaphore, #tpu.memory_space<semaphore_mem>>) {add = true}
      } else {
      }
      %and3A_61 = arith.constant 127 : i32
      %and3A_62 = arith.andi %scan3A_51, %and3A_61 : i32
      %gt3A_63 = arith.constant 0 : i32
      %gt3A_64 = arith.cmpi sgt, %and3A_62, %gt3A_63 : i32
      %jit3A = arith.constant 1 : i32
      %jit3A_65 = arith.constant 0 : i32
      %select_n3A = arith.select %gt3A_64, %jit3A, %jit3A_65 : i32
      %add3A_66 = arith.addi %shift_right_logical3A_53, %select_n3A : i32
      %ge3A_67 = arith.constant 1 : i32
      %ge3A_68 = arith.cmpi sge, %add3A_66, %ge3A_67 : i32
      %convert_element_type3A_69 = arith.extui %ge3A_68 : i1 to i32
      %cond3A_70 = arith.constant 0 : i32
      %cond3A_71 = arith.cmpi ne, %convert_element_type3A_69, %cond3A_70 : i32
      scf.if %cond3A_71 {
        %sub3A = arith.constant 1 : i32
        %sub3A_106 = arith.subi %add3A_66, %sub3A : i32
        %jit3A_107 = arith.constant 2 : i32
        %eq3A = arith.constant 0 : i32
        %eq3A_108 = arith.cmpi eq, %jit3A_107, %eq3A : i32
        %jit3A_109 = arith.constant 1 : i32
        %select_n3A_110 = arith.select %eq3A_108, %jit3A_109, %jit3A_107 : i32
        %rem3A = arith.remsi %sub3A_106, %select_n3A_110 : i32
        %ne3A = arith.constant 0 : i32
        %ne3A_111 = arith.cmpi ne, %rem3A, %ne3A : i32
        %lt3A = arith.constant 0 : i32
        %lt3A_112 = arith.cmpi slt, %rem3A, %lt3A : i32
        %lt3A_113 = arith.constant 0 : i32
        %lt3A_114 = arith.cmpi slt, %select_n3A_110, %lt3A_113 : i32
        %ne3A_115 = arith.xori %lt3A_112, %lt3A_114 : i1
        %and3A_116 = arith.andi %ne3A_115, %ne3A_111 : i1
        %add3A_117 = arith.addi %rem3A, %select_n3A_110 : i32
        %select_n3A_118 = arith.select %and3A_116, %add3A_117, %rem3A : i32
        %dma_wait3A = arith.constant 0 : i32
        %dma_wait3A_119 = arith.constant 0 : i32
        %dma_wait3A_120 = tpu.memref_slice %arg11[%dma_wait3A, %dma_wait3A_119] : memref<256x128xf32, #tpu.memory_space<vmem>> -> memref<128x128xf32, #tpu.memory_space<vmem>>
        %dma_wait3A_121 = arith.constant 0 : i32
        %dma_wait3A_122 = arith.constant 0 : i32
        %dma_wait3A_123 = tpu.memref_slice %arg12[%dma_wait3A_121, %dma_wait3A_122] : memref<10248x128xf32, #tpu.memory_space<vmem_shared>> -> memref<128x128xf32, #tpu.memory_space<vmem_shared>>
        %dma_wait3A_124 = tpu.memref_slice %arg16[%select_n3A_118] : memref<2x!tpu.dma_semaphore, #tpu.memory_space<semaphore_mem>> -> memref<1x!tpu.dma_semaphore, #tpu.memory_space<semaphore_mem>>
        %dma_wait3A_125 = tpu.memref_squeeze %dma_wait3A_124 : memref<1x!tpu.dma_semaphore, #tpu.memory_space<semaphore_mem>> -> memref<!tpu.dma_semaphore, #tpu.memory_space<semaphore_mem>>
        %dma_wait3A_126 = arith.constant 0 : i32
        %dma_wait3A_127 = arith.constant 0 : i32
        %dma_wait3A_128 = tpu.memref_slice %arg12[%dma_wait3A_126, %dma_wait3A_127] : memref<10248x128xf32, #tpu.memory_space<vmem_shared>> -> memref<128x128xf32, #tpu.memory_space<vmem_shared>>
        %dma_wait3A_129 = arith.constant 0 : i32
        %dma_wait3A_130 = arith.constant 0 : i32
        %dma_wait3A_131 = tpu.memref_slice %arg11[%dma_wait3A_129, %dma_wait3A_130] : memref<256x128xf32, #tpu.memory_space<vmem>> -> memref<128x128xf32, #tpu.memory_space<vmem>>
        tpu.wait_dma2 semaphore(%dma_wait3A_125 : memref<!tpu.dma_semaphore, #tpu.memory_space<semaphore_mem>>) src(%dma_wait3A_131 : memref<128x128xf32, #tpu.memory_space<vmem>>) dst(%dma_wait3A_128 : memref<128x128xf32, #tpu.memory_space<vmem_shared>>)
      } else {
      }
      %ge3A_72 = arith.constant 2 : i32
      %ge3A_73 = arith.cmpi sge, %add3A_66, %ge3A_72 : i32
      %convert_element_type3A_74 = arith.extui %ge3A_73 : i1 to i32
      %cond3A_75 = arith.constant 0 : i32
      %cond3A_76 = arith.cmpi ne, %convert_element_type3A_74, %cond3A_75 : i32
      scf.if %cond3A_76 {
        %sub3A = arith.constant 2 : i32
        %sub3A_106 = arith.subi %add3A_66, %sub3A : i32
        %jit3A_107 = arith.constant 2 : i32
        %eq3A = arith.constant 0 : i32
        %eq3A_108 = arith.cmpi eq, %jit3A_107, %eq3A : i32
        %jit3A_109 = arith.constant 1 : i32
        %select_n3A_110 = arith.select %eq3A_108, %jit3A_109, %jit3A_107 : i32
        %rem3A = arith.remsi %sub3A_106, %select_n3A_110 : i32
        %ne3A = arith.constant 0 : i32
        %ne3A_111 = arith.cmpi ne, %rem3A, %ne3A : i32
        %lt3A = arith.constant 0 : i32
        %lt3A_112 = arith.cmpi slt, %rem3A, %lt3A : i32
        %lt3A_113 = arith.constant 0 : i32
        %lt3A_114 = arith.cmpi slt, %select_n3A_110, %lt3A_113 : i32
        %ne3A_115 = arith.xori %lt3A_112, %lt3A_114 : i1
        %and3A_116 = arith.andi %ne3A_115, %ne3A_111 : i1
        %add3A_117 = arith.addi %rem3A, %select_n3A_110 : i32
        %select_n3A_118 = arith.select %and3A_116, %add3A_117, %rem3A : i32
        %dma_wait3A = arith.constant 0 : i32
        %dma_wait3A_119 = arith.constant 0 : i32
        %dma_wait3A_120 = tpu.memref_slice %arg11[%dma_wait3A, %dma_wait3A_119] : memref<256x128xf32, #tpu.memory_space<vmem>> -> memref<128x128xf32, #tpu.memory_space<vmem>>
        %dma_wait3A_121 = arith.constant 0 : i32
        %dma_wait3A_122 = arith.constant 0 : i32
        %dma_wait3A_123 = tpu.memref_slice %arg12[%dma_wait3A_121, %dma_wait3A_122] : memref<10248x128xf32, #tpu.memory_space<vmem_shared>> -> memref<128x128xf32, #tpu.memory_space<vmem_shared>>
        %dma_wait3A_124 = tpu.memref_slice %arg16[%select_n3A_118] : memref<2x!tpu.dma_semaphore, #tpu.memory_space<semaphore_mem>> -> memref<1x!tpu.dma_semaphore, #tpu.memory_space<semaphore_mem>>
        %dma_wait3A_125 = tpu.memref_squeeze %dma_wait3A_124 : memref<1x!tpu.dma_semaphore, #tpu.memory_space<semaphore_mem>> -> memref<!tpu.dma_semaphore, #tpu.memory_space<semaphore_mem>>
        %dma_wait3A_126 = arith.constant 0 : i32
        %dma_wait3A_127 = arith.constant 0 : i32
        %dma_wait3A_128 = tpu.memref_slice %arg12[%dma_wait3A_126, %dma_wait3A_127] : memref<10248x128xf32, #tpu.memory_space<vmem_shared>> -> memref<128x128xf32, #tpu.memory_space<vmem_shared>>
        %dma_wait3A_129 = arith.constant 0 : i32
        %dma_wait3A_130 = arith.constant 0 : i32
        %dma_wait3A_131 = tpu.memref_slice %arg11[%dma_wait3A_129, %dma_wait3A_130] : memref<256x128xf32, #tpu.memory_space<vmem>> -> memref<128x128xf32, #tpu.memory_space<vmem>>
        tpu.wait_dma2 semaphore(%dma_wait3A_125 : memref<!tpu.dma_semaphore, #tpu.memory_space<semaphore_mem>>) src(%dma_wait3A_131 : memref<128x128xf32, #tpu.memory_space<vmem>>) dst(%dma_wait3A_128 : memref<128x128xf32, #tpu.memory_space<vmem_shared>>)
      } else {
      }
      %barrier3A_77 = arith.constant 0 : index
      tpu.barrier barrier_id(%barrier3A_77)
      %mul3A_78 = arith.constant 640 : i32
      %mul3A_79 = arith.muli %arg1, %mul3A_78 : i32
      %add3A_80 = arith.constant 0 : i32
      %add3A_81 = arith.addi %mul3A_79, %add3A_80 : i32
      "tpu.region"() ({
        %run_scoped3A = tpu.sem_alloc : memref<!tpu.dma_semaphore, #tpu.memory_space<semaphore_mem>>
        %dma_start3A_106 = arith.constant 0 : i32
        %dma_start3A_107 = arith.constant 0 : i32
        %dma_start3A_108 = tpu.memref_slice %arg11[%dma_start3A_106, %dma_start3A_107] : memref<256x128xf32, #tpu.memory_space<vmem>> -> memref<128x128xf32, #tpu.memory_space<vmem>>
        %dma_start3A_109 = arith.constant 0 : i32
        %dma_start3A_110 = tpu.memref_slice %arg12[%add3A_81, %dma_start3A_109] : memref<10248x128xf32, #tpu.memory_space<vmem_shared>> -> memref<128x128xf32, #tpu.memory_space<vmem_shared>>
        %dma_start3A_111 = arith.constant 0 : i32
        %dma_start3A_112 = arith.constant 0 : i32
        %dma_start3A_113 = tpu.memref_slice %arg11[%dma_start3A_111, %dma_start3A_112] : memref<256x128xf32, #tpu.memory_space<vmem>> -> memref<128x128xf32, #tpu.memory_space<vmem>>
        %dma_start3A_114 = arith.constant 0 : i32
        %dma_start3A_115 = tpu.memref_slice %arg12[%add3A_81, %dma_start3A_114] : memref<10248x128xf32, #tpu.memory_space<vmem_shared>> -> memref<128x128xf32, #tpu.memory_space<vmem_shared>>
        tpu.enqueue_dma source(%dma_start3A_115 : memref<128x128xf32, #tpu.memory_space<vmem_shared>>) target(%dma_start3A_113 : memref<128x128xf32, #tpu.memory_space<vmem>>) target_semaphore(%run_scoped3A : memref<!tpu.dma_semaphore, #tpu.memory_space<semaphore_mem>>)
        %dma_wait3A = arith.constant 0 : i32
        %dma_wait3A_116 = arith.constant 0 : i32
        %dma_wait3A_117 = tpu.memref_slice %arg11[%dma_wait3A, %dma_wait3A_116] : memref<256x128xf32, #tpu.memory_space<vmem>> -> memref<128x128xf32, #tpu.memory_space<vmem>>
        %dma_wait3A_118 = arith.constant 0 : i32
        %dma_wait3A_119 = tpu.memref_slice %arg12[%add3A_81, %dma_wait3A_118] : memref<10248x128xf32, #tpu.memory_space<vmem_shared>> -> memref<128x128xf32, #tpu.memory_space<vmem_shared>>
        %dma_wait3A_120 = arith.constant 0 : i32
        %dma_wait3A_121 = arith.constant 0 : i32
        %dma_wait3A_122 = tpu.memref_slice %arg11[%dma_wait3A_120, %dma_wait3A_121] : memref<256x128xf32, #tpu.memory_space<vmem>> -> memref<128x128xf32, #tpu.memory_space<vmem>>
        %dma_wait3A_123 = arith.constant 0 : i32
        %dma_wait3A_124 = tpu.memref_slice %arg12[%add3A_81, %dma_wait3A_123] : memref<10248x128xf32, #tpu.memory_space<vmem_shared>> -> memref<128x128xf32, #tpu.memory_space<vmem_shared>>
        tpu.wait_dma2 semaphore(%run_scoped3A : memref<!tpu.dma_semaphore, #tpu.memory_space<semaphore_mem>>) src(%dma_wait3A_124 : memref<128x128xf32, #tpu.memory_space<vmem_shared>>) dst(%dma_wait3A_122 : memref<128x128xf32, #tpu.memory_space<vmem>>)
        tpu.yield
      }) : () -> ()
      %add3A_82 = arith.addi %mul3A_15, %mul3A_79 : i32
      %add3A_83 = arith.constant 0 : i32
      %add3A_84 = arith.addi %add3A_82, %add3A_83 : i32
      "tpu.region"() ({
        %run_scoped3A = tpu.sem_alloc : memref<!tpu.dma_semaphore, #tpu.memory_space<semaphore_mem>>
        %dma_start3A_106 = arith.constant 0 : i32
        %dma_start3A_107 = arith.constant 0 : i32
        %dma_start3A_108 = tpu.memref_slice %arg11[%dma_start3A_106, %dma_start3A_107] : memref<256x128xf32, #tpu.memory_space<vmem>> -> memref<128x128xf32, #tpu.memory_space<vmem>>
        %dma_start3A_109 = arith.constant 0 : i32
        %dma_start3A_110 = tpu.memref_slice %arg6[%add3A_84, %dma_start3A_109] : memref<102400x128xf32, #tpu.memory_space<hbm>> -> memref<128x128xf32, #tpu.memory_space<hbm>>
        %dma_start3A_111 = arith.constant 0 : i32
        %dma_start3A_112 = tpu.memref_slice %arg6[%add3A_84, %dma_start3A_111] : memref<102400x128xf32, #tpu.memory_space<hbm>> -> memref<128x128xf32, #tpu.memory_space<hbm>>
        %dma_start3A_113 = arith.constant 0 : i32
        %dma_start3A_114 = arith.constant 0 : i32
        %dma_start3A_115 = tpu.memref_slice %arg11[%dma_start3A_113, %dma_start3A_114] : memref<256x128xf32, #tpu.memory_space<vmem>> -> memref<128x128xf32, #tpu.memory_space<vmem>>
        tpu.enqueue_dma source(%dma_start3A_115 : memref<128x128xf32, #tpu.memory_space<vmem>>) target(%dma_start3A_112 : memref<128x128xf32, #tpu.memory_space<hbm>>) target_semaphore(%run_scoped3A : memref<!tpu.dma_semaphore, #tpu.memory_space<semaphore_mem>>)
        %dma_wait3A = arith.constant 0 : i32
        %dma_wait3A_116 = arith.constant 0 : i32
        %dma_wait3A_117 = tpu.memref_slice %arg11[%dma_wait3A, %dma_wait3A_116] : memref<256x128xf32, #tpu.memory_space<vmem>> -> memref<128x128xf32, #tpu.memory_space<vmem>>
        %dma_wait3A_118 = arith.constant 0 : i32
        %dma_wait3A_119 = tpu.memref_slice %arg6[%add3A_84, %dma_wait3A_118] : memref<102400x128xf32, #tpu.memory_space<hbm>> -> memref<128x128xf32, #tpu.memory_space<hbm>>
        %dma_wait3A_120 = arith.constant 0 : i32
        %dma_wait3A_121 = tpu.memref_slice %arg6[%add3A_84, %dma_wait3A_120] : memref<102400x128xf32, #tpu.memory_space<hbm>> -> memref<128x128xf32, #tpu.memory_space<hbm>>
        %dma_wait3A_122 = arith.constant 0 : i32
        %dma_wait3A_123 = arith.constant 0 : i32
        %dma_wait3A_124 = tpu.memref_slice %arg11[%dma_wait3A_122, %dma_wait3A_123] : memref<256x128xf32, #tpu.memory_space<vmem>> -> memref<128x128xf32, #tpu.memory_space<vmem>>
        tpu.wait_dma2 semaphore(%run_scoped3A : memref<!tpu.dma_semaphore, #tpu.memory_space<semaphore_mem>>) src(%dma_wait3A_124 : memref<128x128xf32, #tpu.memory_space<vmem>>) dst(%dma_wait3A_121 : memref<128x128xf32, #tpu.memory_space<hbm>>)
        tpu.yield
      }) : () -> ()
      %add3A_85 = arith.constant 128 : i32
      %add3A_86 = arith.addi %mul3A_79, %add3A_85 : i32
      "tpu.region"() ({
        %run_scoped3A = tpu.sem_alloc : memref<!tpu.dma_semaphore, #tpu.memory_space<semaphore_mem>>
        %dma_start3A_106 = arith.constant 0 : i32
        %dma_start3A_107 = arith.constant 0 : i32
        %dma_start3A_108 = tpu.memref_slice %arg11[%dma_start3A_106, %dma_start3A_107] : memref<256x128xf32, #tpu.memory_space<vmem>> -> memref<128x128xf32, #tpu.memory_space<vmem>>
        %dma_start3A_109 = arith.constant 0 : i32
        %dma_start3A_110 = tpu.memref_slice %arg12[%add3A_86, %dma_start3A_109] : memref<10248x128xf32, #tpu.memory_space<vmem_shared>> -> memref<128x128xf32, #tpu.memory_space<vmem_shared>>
        %dma_start3A_111 = arith.constant 0 : i32
        %dma_start3A_112 = arith.constant 0 : i32
        %dma_start3A_113 = tpu.memref_slice %arg11[%dma_start3A_111, %dma_start3A_112] : memref<256x128xf32, #tpu.memory_space<vmem>> -> memref<128x128xf32, #tpu.memory_space<vmem>>
        %dma_start3A_114 = arith.constant 0 : i32
        %dma_start3A_115 = tpu.memref_slice %arg12[%add3A_86, %dma_start3A_114] : memref<10248x128xf32, #tpu.memory_space<vmem_shared>> -> memref<128x128xf32, #tpu.memory_space<vmem_shared>>
        tpu.enqueue_dma source(%dma_start3A_115 : memref<128x128xf32, #tpu.memory_space<vmem_shared>>) target(%dma_start3A_113 : memref<128x128xf32, #tpu.memory_space<vmem>>) target_semaphore(%run_scoped3A : memref<!tpu.dma_semaphore, #tpu.memory_space<semaphore_mem>>)
        %dma_wait3A = arith.constant 0 : i32
        %dma_wait3A_116 = arith.constant 0 : i32
        %dma_wait3A_117 = tpu.memref_slice %arg11[%dma_wait3A, %dma_wait3A_116] : memref<256x128xf32, #tpu.memory_space<vmem>> -> memref<128x128xf32, #tpu.memory_space<vmem>>
        %dma_wait3A_118 = arith.constant 0 : i32
        %dma_wait3A_119 = tpu.memref_slice %arg12[%add3A_86, %dma_wait3A_118] : memref<10248x128xf32, #tpu.memory_space<vmem_shared>> -> memref<128x128xf32, #tpu.memory_space<vmem_shared>>
        %dma_wait3A_120 = arith.constant 0 : i32
        %dma_wait3A_121 = arith.constant 0 : i32
        %dma_wait3A_122 = tpu.memref_slice %arg11[%dma_wait3A_120, %dma_wait3A_121] : memref<256x128xf32, #tpu.memory_space<vmem>> -> memref<128x128xf32, #tpu.memory_space<vmem>>
        %dma_wait3A_123 = arith.constant 0 : i32
        %dma_wait3A_124 = tpu.memref_slice %arg12[%add3A_86, %dma_wait3A_123] : memref<10248x128xf32, #tpu.memory_space<vmem_shared>> -> memref<128x128xf32, #tpu.memory_space<vmem_shared>>
        tpu.wait_dma2 semaphore(%run_scoped3A : memref<!tpu.dma_semaphore, #tpu.memory_space<semaphore_mem>>) src(%dma_wait3A_124 : memref<128x128xf32, #tpu.memory_space<vmem_shared>>) dst(%dma_wait3A_122 : memref<128x128xf32, #tpu.memory_space<vmem>>)
        tpu.yield
      }) : () -> ()
      %add3A_87 = arith.addi %mul3A_15, %mul3A_79 : i32
      %add3A_88 = arith.constant 128 : i32
      %add3A_89 = arith.addi %add3A_87, %add3A_88 : i32
      "tpu.region"() ({
        %run_scoped3A = tpu.sem_alloc : memref<!tpu.dma_semaphore, #tpu.memory_space<semaphore_mem>>
        %dma_start3A_106 = arith.constant 0 : i32
        %dma_start3A_107 = arith.constant 0 : i32
        %dma_start3A_108 = tpu.memref_slice %arg11[%dma_start3A_106, %dma_start3A_107] : memref<256x128xf32, #tpu.memory_space<vmem>> -> memref<128x128xf32, #tpu.memory_space<vmem>>
        %dma_start3A_109 = arith.constant 0 : i32
        %dma_start3A_110 = tpu.memref_slice %arg6[%add3A_89, %dma_start3A_109] : memref<102400x128xf32, #tpu.memory_space<hbm>> -> memref<128x128xf32, #tpu.memory_space<hbm>>
        %dma_start3A_111 = arith.constant 0 : i32
        %dma_start3A_112 = tpu.memref_slice %arg6[%add3A_89, %dma_start3A_111] : memref<102400x128xf32, #tpu.memory_space<hbm>> -> memref<128x128xf32, #tpu.memory_space<hbm>>
        %dma_start3A_113 = arith.constant 0 : i32
        %dma_start3A_114 = arith.constant 0 : i32
        %dma_start3A_115 = tpu.memref_slice %arg11[%dma_start3A_113, %dma_start3A_114] : memref<256x128xf32, #tpu.memory_space<vmem>> -> memref<128x128xf32, #tpu.memory_space<vmem>>
        tpu.enqueue_dma source(%dma_start3A_115 : memref<128x128xf32, #tpu.memory_space<vmem>>) target(%dma_start3A_112 : memref<128x128xf32, #tpu.memory_space<hbm>>) target_semaphore(%run_scoped3A : memref<!tpu.dma_semaphore, #tpu.memory_space<semaphore_mem>>)
        %dma_wait3A = arith.constant 0 : i32
        %dma_wait3A_116 = arith.constant 0 : i32
        %dma_wait3A_117 = tpu.memref_slice %arg11[%dma_wait3A, %dma_wait3A_116] : memref<256x128xf32, #tpu.memory_space<vmem>> -> memref<128x128xf32, #tpu.memory_space<vmem>>
        %dma_wait3A_118 = arith.constant 0 : i32
        %dma_wait3A_119 = tpu.memref_slice %arg6[%add3A_89, %dma_wait3A_118] : memref<102400x128xf32, #tpu.memory_space<hbm>> -> memref<128x128xf32, #tpu.memory_space<hbm>>
        %dma_wait3A_120 = arith.constant 0 : i32
        %dma_wait3A_121 = tpu.memref_slice %arg6[%add3A_89, %dma_wait3A_120] : memref<102400x128xf32, #tpu.memory_space<hbm>> -> memref<128x128xf32, #tpu.memory_space<hbm>>
        %dma_wait3A_122 = arith.constant 0 : i32
        %dma_wait3A_123 = arith.constant 0 : i32
        %dma_wait3A_124 = tpu.memref_slice %arg11[%dma_wait3A_122, %dma_wait3A_123] : memref<256x128xf32, #tpu.memory_space<vmem>> -> memref<128x128xf32, #tpu.memory_space<vmem>>
        tpu.wait_dma2 semaphore(%run_scoped3A : memref<!tpu.dma_semaphore, #tpu.memory_space<semaphore_mem>>) src(%dma_wait3A_124 : memref<128x128xf32, #tpu.memory_space<vmem>>) dst(%dma_wait3A_121 : memref<128x128xf32, #tpu.memory_space<hbm>>)
        tpu.yield
      }) : () -> ()
      %add3A_90 = arith.constant 256 : i32
      %add3A_91 = arith.addi %mul3A_79, %add3A_90 : i32
      "tpu.region"() ({
        %run_scoped3A = tpu.sem_alloc : memref<!tpu.dma_semaphore, #tpu.memory_space<semaphore_mem>>
        %dma_start3A_106 = arith.constant 0 : i32
        %dma_start3A_107 = arith.constant 0 : i32
        %dma_start3A_108 = tpu.memref_slice %arg11[%dma_start3A_106, %dma_start3A_107] : memref<256x128xf32, #tpu.memory_space<vmem>> -> memref<128x128xf32, #tpu.memory_space<vmem>>
        %dma_start3A_109 = arith.constant 0 : i32
        %dma_start3A_110 = tpu.memref_slice %arg12[%add3A_91, %dma_start3A_109] : memref<10248x128xf32, #tpu.memory_space<vmem_shared>> -> memref<128x128xf32, #tpu.memory_space<vmem_shared>>
        %dma_start3A_111 = arith.constant 0 : i32
        %dma_start3A_112 = arith.constant 0 : i32
        %dma_start3A_113 = tpu.memref_slice %arg11[%dma_start3A_111, %dma_start3A_112] : memref<256x128xf32, #tpu.memory_space<vmem>> -> memref<128x128xf32, #tpu.memory_space<vmem>>
        %dma_start3A_114 = arith.constant 0 : i32
        %dma_start3A_115 = tpu.memref_slice %arg12[%add3A_91, %dma_start3A_114] : memref<10248x128xf32, #tpu.memory_space<vmem_shared>> -> memref<128x128xf32, #tpu.memory_space<vmem_shared>>
        tpu.enqueue_dma source(%dma_start3A_115 : memref<128x128xf32, #tpu.memory_space<vmem_shared>>) target(%dma_start3A_113 : memref<128x128xf32, #tpu.memory_space<vmem>>) target_semaphore(%run_scoped3A : memref<!tpu.dma_semaphore, #tpu.memory_space<semaphore_mem>>)
        %dma_wait3A = arith.constant 0 : i32
        %dma_wait3A_116 = arith.constant 0 : i32
        %dma_wait3A_117 = tpu.memref_slice %arg11[%dma_wait3A, %dma_wait3A_116] : memref<256x128xf32, #tpu.memory_space<vmem>> -> memref<128x128xf32, #tpu.memory_space<vmem>>
        %dma_wait3A_118 = arith.constant 0 : i32
        %dma_wait3A_119 = tpu.memref_slice %arg12[%add3A_91, %dma_wait3A_118] : memref<10248x128xf32, #tpu.memory_space<vmem_shared>> -> memref<128x128xf32, #tpu.memory_space<vmem_shared>>
        %dma_wait3A_120 = arith.constant 0 : i32
        %dma_wait3A_121 = arith.constant 0 : i32
        %dma_wait3A_122 = tpu.memref_slice %arg11[%dma_wait3A_120, %dma_wait3A_121] : memref<256x128xf32, #tpu.memory_space<vmem>> -> memref<128x128xf32, #tpu.memory_space<vmem>>
        %dma_wait3A_123 = arith.constant 0 : i32
        %dma_wait3A_124 = tpu.memref_slice %arg12[%add3A_91, %dma_wait3A_123] : memref<10248x128xf32, #tpu.memory_space<vmem_shared>> -> memref<128x128xf32, #tpu.memory_space<vmem_shared>>
        tpu.wait_dma2 semaphore(%run_scoped3A : memref<!tpu.dma_semaphore, #tpu.memory_space<semaphore_mem>>) src(%dma_wait3A_124 : memref<128x128xf32, #tpu.memory_space<vmem_shared>>) dst(%dma_wait3A_122 : memref<128x128xf32, #tpu.memory_space<vmem>>)
        tpu.yield
      }) : () -> ()
      %add3A_92 = arith.addi %mul3A_15, %mul3A_79 : i32
      %add3A_93 = arith.constant 256 : i32
      %add3A_94 = arith.addi %add3A_92, %add3A_93 : i32
      "tpu.region"() ({
        %run_scoped3A = tpu.sem_alloc : memref<!tpu.dma_semaphore, #tpu.memory_space<semaphore_mem>>
        %dma_start3A_106 = arith.constant 0 : i32
        %dma_start3A_107 = arith.constant 0 : i32
        %dma_start3A_108 = tpu.memref_slice %arg11[%dma_start3A_106, %dma_start3A_107] : memref<256x128xf32, #tpu.memory_space<vmem>> -> memref<128x128xf32, #tpu.memory_space<vmem>>
        %dma_start3A_109 = arith.constant 0 : i32
        %dma_start3A_110 = tpu.memref_slice %arg6[%add3A_94, %dma_start3A_109] : memref<102400x128xf32, #tpu.memory_space<hbm>> -> memref<128x128xf32, #tpu.memory_space<hbm>>
        %dma_start3A_111 = arith.constant 0 : i32
        %dma_start3A_112 = tpu.memref_slice %arg6[%add3A_94, %dma_start3A_111] : memref<102400x128xf32, #tpu.memory_space<hbm>> -> memref<128x128xf32, #tpu.memory_space<hbm>>
        %dma_start3A_113 = arith.constant 0 : i32
        %dma_start3A_114 = arith.constant 0 : i32
        %dma_start3A_115 = tpu.memref_slice %arg11[%dma_start3A_113, %dma_start3A_114] : memref<256x128xf32, #tpu.memory_space<vmem>> -> memref<128x128xf32, #tpu.memory_space<vmem>>
        tpu.enqueue_dma source(%dma_start3A_115 : memref<128x128xf32, #tpu.memory_space<vmem>>) target(%dma_start3A_112 : memref<128x128xf32, #tpu.memory_space<hbm>>) target_semaphore(%run_scoped3A : memref<!tpu.dma_semaphore, #tpu.memory_space<semaphore_mem>>)
        %dma_wait3A = arith.constant 0 : i32
        %dma_wait3A_116 = arith.constant 0 : i32
        %dma_wait3A_117 = tpu.memref_slice %arg11[%dma_wait3A, %dma_wait3A_116] : memref<256x128xf32, #tpu.memory_space<vmem>> -> memref<128x128xf32, #tpu.memory_space<vmem>>
        %dma_wait3A_118 = arith.constant 0 : i32
        %dma_wait3A_119 = tpu.memref_slice %arg6[%add3A_94, %dma_wait3A_118] : memref<102400x128xf32, #tpu.memory_space<hbm>> -> memref<128x128xf32, #tpu.memory_space<hbm>>
        %dma_wait3A_120 = arith.constant 0 : i32
        %dma_wait3A_121 = tpu.memref_slice %arg6[%add3A_94, %dma_wait3A_120] : memref<102400x128xf32, #tpu.memory_space<hbm>> -> memref<128x128xf32, #tpu.memory_space<hbm>>
        %dma_wait3A_122 = arith.constant 0 : i32
        %dma_wait3A_123 = arith.constant 0 : i32
        %dma_wait3A_124 = tpu.memref_slice %arg11[%dma_wait3A_122, %dma_wait3A_123] : memref<256x128xf32, #tpu.memory_space<vmem>> -> memref<128x128xf32, #tpu.memory_space<vmem>>
        tpu.wait_dma2 semaphore(%run_scoped3A : memref<!tpu.dma_semaphore, #tpu.memory_space<semaphore_mem>>) src(%dma_wait3A_124 : memref<128x128xf32, #tpu.memory_space<vmem>>) dst(%dma_wait3A_121 : memref<128x128xf32, #tpu.memory_space<hbm>>)
        tpu.yield
      }) : () -> ()
      %add3A_95 = arith.constant 384 : i32
      %add3A_96 = arith.addi %mul3A_79, %add3A_95 : i32
      "tpu.region"() ({
        %run_scoped3A = tpu.sem_alloc : memref<!tpu.dma_semaphore, #tpu.memory_space<semaphore_mem>>
        %dma_start3A_106 = arith.constant 0 : i32
        %dma_start3A_107 = arith.constant 0 : i32
        %dma_start3A_108 = tpu.memref_slice %arg11[%dma_start3A_106, %dma_start3A_107] : memref<256x128xf32, #tpu.memory_space<vmem>> -> memref<128x128xf32, #tpu.memory_space<vmem>>
        %dma_start3A_109 = arith.constant 0 : i32
        %dma_start3A_110 = tpu.memref_slice %arg12[%add3A_96, %dma_start3A_109] : memref<10248x128xf32, #tpu.memory_space<vmem_shared>> -> memref<128x128xf32, #tpu.memory_space<vmem_shared>>
        %dma_start3A_111 = arith.constant 0 : i32
        %dma_start3A_112 = arith.constant 0 : i32
        %dma_start3A_113 = tpu.memref_slice %arg11[%dma_start3A_111, %dma_start3A_112] : memref<256x128xf32, #tpu.memory_space<vmem>> -> memref<128x128xf32, #tpu.memory_space<vmem>>
        %dma_start3A_114 = arith.constant 0 : i32
        %dma_start3A_115 = tpu.memref_slice %arg12[%add3A_96, %dma_start3A_114] : memref<10248x128xf32, #tpu.memory_space<vmem_shared>> -> memref<128x128xf32, #tpu.memory_space<vmem_shared>>
        tpu.enqueue_dma source(%dma_start3A_115 : memref<128x128xf32, #tpu.memory_space<vmem_shared>>) target(%dma_start3A_113 : memref<128x128xf32, #tpu.memory_space<vmem>>) target_semaphore(%run_scoped3A : memref<!tpu.dma_semaphore, #tpu.memory_space<semaphore_mem>>)
        %dma_wait3A = arith.constant 0 : i32
        %dma_wait3A_116 = arith.constant 0 : i32
        %dma_wait3A_117 = tpu.memref_slice %arg11[%dma_wait3A, %dma_wait3A_116] : memref<256x128xf32, #tpu.memory_space<vmem>> -> memref<128x128xf32, #tpu.memory_space<vmem>>
        %dma_wait3A_118 = arith.constant 0 : i32
        %dma_wait3A_119 = tpu.memref_slice %arg12[%add3A_96, %dma_wait3A_118] : memref<10248x128xf32, #tpu.memory_space<vmem_shared>> -> memref<128x128xf32, #tpu.memory_space<vmem_shared>>
        %dma_wait3A_120 = arith.constant 0 : i32
        %dma_wait3A_121 = arith.constant 0 : i32
        %dma_wait3A_122 = tpu.memref_slice %arg11[%dma_wait3A_120, %dma_wait3A_121] : memref<256x128xf32, #tpu.memory_space<vmem>> -> memref<128x128xf32, #tpu.memory_space<vmem>>
        %dma_wait3A_123 = arith.constant 0 : i32
        %dma_wait3A_124 = tpu.memref_slice %arg12[%add3A_96, %dma_wait3A_123] : memref<10248x128xf32, #tpu.memory_space<vmem_shared>> -> memref<128x128xf32, #tpu.memory_space<vmem_shared>>
        tpu.wait_dma2 semaphore(%run_scoped3A : memref<!tpu.dma_semaphore, #tpu.memory_space<semaphore_mem>>) src(%dma_wait3A_124 : memref<128x128xf32, #tpu.memory_space<vmem_shared>>) dst(%dma_wait3A_122 : memref<128x128xf32, #tpu.memory_space<vmem>>)
        tpu.yield
      }) : () -> ()
      %add3A_97 = arith.addi %mul3A_15, %mul3A_79 : i32
      %add3A_98 = arith.constant 384 : i32
      %add3A_99 = arith.addi %add3A_97, %add3A_98 : i32
      "tpu.region"() ({
        %run_scoped3A = tpu.sem_alloc : memref<!tpu.dma_semaphore, #tpu.memory_space<semaphore_mem>>
        %dma_start3A_106 = arith.constant 0 : i32
        %dma_start3A_107 = arith.constant 0 : i32
        %dma_start3A_108 = tpu.memref_slice %arg11[%dma_start3A_106, %dma_start3A_107] : memref<256x128xf32, #tpu.memory_space<vmem>> -> memref<128x128xf32, #tpu.memory_space<vmem>>
        %dma_start3A_109 = arith.constant 0 : i32
        %dma_start3A_110 = tpu.memref_slice %arg6[%add3A_99, %dma_start3A_109] : memref<102400x128xf32, #tpu.memory_space<hbm>> -> memref<128x128xf32, #tpu.memory_space<hbm>>
        %dma_start3A_111 = arith.constant 0 : i32
        %dma_start3A_112 = tpu.memref_slice %arg6[%add3A_99, %dma_start3A_111] : memref<102400x128xf32, #tpu.memory_space<hbm>> -> memref<128x128xf32, #tpu.memory_space<hbm>>
        %dma_start3A_113 = arith.constant 0 : i32
        %dma_start3A_114 = arith.constant 0 : i32
        %dma_start3A_115 = tpu.memref_slice %arg11[%dma_start3A_113, %dma_start3A_114] : memref<256x128xf32, #tpu.memory_space<vmem>> -> memref<128x128xf32, #tpu.memory_space<vmem>>
        tpu.enqueue_dma source(%dma_start3A_115 : memref<128x128xf32, #tpu.memory_space<vmem>>) target(%dma_start3A_112 : memref<128x128xf32, #tpu.memory_space<hbm>>) target_semaphore(%run_scoped3A : memref<!tpu.dma_semaphore, #tpu.memory_space<semaphore_mem>>)
        %dma_wait3A = arith.constant 0 : i32
        %dma_wait3A_116 = arith.constant 0 : i32
        %dma_wait3A_117 = tpu.memref_slice %arg11[%dma_wait3A, %dma_wait3A_116] : memref<256x128xf32, #tpu.memory_space<vmem>> -> memref<128x128xf32, #tpu.memory_space<vmem>>
        %dma_wait3A_118 = arith.constant 0 : i32
        %dma_wait3A_119 = tpu.memref_slice %arg6[%add3A_99, %dma_wait3A_118] : memref<102400x128xf32, #tpu.memory_space<hbm>> -> memref<128x128xf32, #tpu.memory_space<hbm>>
        %dma_wait3A_120 = arith.constant 0 : i32
        %dma_wait3A_121 = tpu.memref_slice %arg6[%add3A_99, %dma_wait3A_120] : memref<102400x128xf32, #tpu.memory_space<hbm>> -> memref<128x128xf32, #tpu.memory_space<hbm>>
        %dma_wait3A_122 = arith.constant 0 : i32
        %dma_wait3A_123 = arith.constant 0 : i32
        %dma_wait3A_124 = tpu.memref_slice %arg11[%dma_wait3A_122, %dma_wait3A_123] : memref<256x128xf32, #tpu.memory_space<vmem>> -> memref<128x128xf32, #tpu.memory_space<vmem>>
        tpu.wait_dma2 semaphore(%run_scoped3A : memref<!tpu.dma_semaphore, #tpu.memory_space<semaphore_mem>>) src(%dma_wait3A_124 : memref<128x128xf32, #tpu.memory_space<vmem>>) dst(%dma_wait3A_121 : memref<128x128xf32, #tpu.memory_space<hbm>>)
        tpu.yield
      }) : () -> ()
      %add3A_100 = arith.constant 512 : i32
      %add3A_101 = arith.addi %mul3A_79, %add3A_100 : i32
      "tpu.region"() ({
        %run_scoped3A = tpu.sem_alloc : memref<!tpu.dma_semaphore, #tpu.memory_space<semaphore_mem>>
        %dma_start3A_106 = arith.constant 0 : i32
        %dma_start3A_107 = arith.constant 0 : i32
        %dma_start3A_108 = tpu.memref_slice %arg11[%dma_start3A_106, %dma_start3A_107] : memref<256x128xf32, #tpu.memory_space<vmem>> -> memref<128x128xf32, #tpu.memory_space<vmem>>
        %dma_start3A_109 = arith.constant 0 : i32
        %dma_start3A_110 = tpu.memref_slice %arg12[%add3A_101, %dma_start3A_109] : memref<10248x128xf32, #tpu.memory_space<vmem_shared>> -> memref<128x128xf32, #tpu.memory_space<vmem_shared>>
        %dma_start3A_111 = arith.constant 0 : i32
        %dma_start3A_112 = arith.constant 0 : i32
        %dma_start3A_113 = tpu.memref_slice %arg11[%dma_start3A_111, %dma_start3A_112] : memref<256x128xf32, #tpu.memory_space<vmem>> -> memref<128x128xf32, #tpu.memory_space<vmem>>
        %dma_start3A_114 = arith.constant 0 : i32
        %dma_start3A_115 = tpu.memref_slice %arg12[%add3A_101, %dma_start3A_114] : memref<10248x128xf32, #tpu.memory_space<vmem_shared>> -> memref<128x128xf32, #tpu.memory_space<vmem_shared>>
        tpu.enqueue_dma source(%dma_start3A_115 : memref<128x128xf32, #tpu.memory_space<vmem_shared>>) target(%dma_start3A_113 : memref<128x128xf32, #tpu.memory_space<vmem>>) target_semaphore(%run_scoped3A : memref<!tpu.dma_semaphore, #tpu.memory_space<semaphore_mem>>)
        %dma_wait3A = arith.constant 0 : i32
        %dma_wait3A_116 = arith.constant 0 : i32
        %dma_wait3A_117 = tpu.memref_slice %arg11[%dma_wait3A, %dma_wait3A_116] : memref<256x128xf32, #tpu.memory_space<vmem>> -> memref<128x128xf32, #tpu.memory_space<vmem>>
        %dma_wait3A_118 = arith.constant 0 : i32
        %dma_wait3A_119 = tpu.memref_slice %arg12[%add3A_101, %dma_wait3A_118] : memref<10248x128xf32, #tpu.memory_space<vmem_shared>> -> memref<128x128xf32, #tpu.memory_space<vmem_shared>>
        %dma_wait3A_120 = arith.constant 0 : i32
        %dma_wait3A_121 = arith.constant 0 : i32
        %dma_wait3A_122 = tpu.memref_slice %arg11[%dma_wait3A_120, %dma_wait3A_121] : memref<256x128xf32, #tpu.memory_space<vmem>> -> memref<128x128xf32, #tpu.memory_space<vmem>>
        %dma_wait3A_123 = arith.constant 0 : i32
        %dma_wait3A_124 = tpu.memref_slice %arg12[%add3A_101, %dma_wait3A_123] : memref<10248x128xf32, #tpu.memory_space<vmem_shared>> -> memref<128x128xf32, #tpu.memory_space<vmem_shared>>
        tpu.wait_dma2 semaphore(%run_scoped3A : memref<!tpu.dma_semaphore, #tpu.memory_space<semaphore_mem>>) src(%dma_wait3A_124 : memref<128x128xf32, #tpu.memory_space<vmem_shared>>) dst(%dma_wait3A_122 : memref<128x128xf32, #tpu.memory_space<vmem>>)
        tpu.yield
      }) : () -> ()
      %add3A_102 = arith.addi %mul3A_15, %mul3A_79 : i32
      %add3A_103 = arith.constant 512 : i32
      %add3A_104 = arith.addi %add3A_102, %add3A_103 : i32
      "tpu.region"() ({
        %run_scoped3A = tpu.sem_alloc : memref<!tpu.dma_semaphore, #tpu.memory_space<semaphore_mem>>
        %dma_start3A_106 = arith.constant 0 : i32
        %dma_start3A_107 = arith.constant 0 : i32
        %dma_start3A_108 = tpu.memref_slice %arg11[%dma_start3A_106, %dma_start3A_107] : memref<256x128xf32, #tpu.memory_space<vmem>> -> memref<128x128xf32, #tpu.memory_space<vmem>>
        %dma_start3A_109 = arith.constant 0 : i32
        %dma_start3A_110 = tpu.memref_slice %arg6[%add3A_104, %dma_start3A_109] : memref<102400x128xf32, #tpu.memory_space<hbm>> -> memref<128x128xf32, #tpu.memory_space<hbm>>
        %dma_start3A_111 = arith.constant 0 : i32
        %dma_start3A_112 = tpu.memref_slice %arg6[%add3A_104, %dma_start3A_111] : memref<102400x128xf32, #tpu.memory_space<hbm>> -> memref<128x128xf32, #tpu.memory_space<hbm>>
        %dma_start3A_113 = arith.constant 0 : i32
        %dma_start3A_114 = arith.constant 0 : i32
        %dma_start3A_115 = tpu.memref_slice %arg11[%dma_start3A_113, %dma_start3A_114] : memref<256x128xf32, #tpu.memory_space<vmem>> -> memref<128x128xf32, #tpu.memory_space<vmem>>
        tpu.enqueue_dma source(%dma_start3A_115 : memref<128x128xf32, #tpu.memory_space<vmem>>) target(%dma_start3A_112 : memref<128x128xf32, #tpu.memory_space<hbm>>) target_semaphore(%run_scoped3A : memref<!tpu.dma_semaphore, #tpu.memory_space<semaphore_mem>>)
        %dma_wait3A = arith.constant 0 : i32
        %dma_wait3A_116 = arith.constant 0 : i32
        %dma_wait3A_117 = tpu.memref_slice %arg11[%dma_wait3A, %dma_wait3A_116] : memref<256x128xf32, #tpu.memory_space<vmem>> -> memref<128x128xf32, #tpu.memory_space<vmem>>
        %dma_wait3A_118 = arith.constant 0 : i32
        %dma_wait3A_119 = tpu.memref_slice %arg6[%add3A_104, %dma_wait3A_118] : memref<102400x128xf32, #tpu.memory_space<hbm>> -> memref<128x128xf32, #tpu.memory_space<hbm>>
        %dma_wait3A_120 = arith.constant 0 : i32
        %dma_wait3A_121 = tpu.memref_slice %arg6[%add3A_104, %dma_wait3A_120] : memref<102400x128xf32, #tpu.memory_space<hbm>> -> memref<128x128xf32, #tpu.memory_space<hbm>>
        %dma_wait3A_122 = arith.constant 0 : i32
        %dma_wait3A_123 = arith.constant 0 : i32
        %dma_wait3A_124 = tpu.memref_slice %arg11[%dma_wait3A_122, %dma_wait3A_123] : memref<256x128xf32, #tpu.memory_space<vmem>> -> memref<128x128xf32, #tpu.memory_space<vmem>>
        tpu.wait_dma2 semaphore(%run_scoped3A : memref<!tpu.dma_semaphore, #tpu.memory_space<semaphore_mem>>) src(%dma_wait3A_124 : memref<128x128xf32, #tpu.memory_space<vmem>>) dst(%dma_wait3A_121 : memref<128x128xf32, #tpu.memory_space<hbm>>)
        tpu.yield
      }) : () -> ()
      %barrier3A_105 = arith.constant 0 : index
      tpu.barrier barrier_id(%barrier3A_105)
    }
    %scan3A_9 = arith.constant 5 : i32
    return
  }
}

#map = affine_map<(d0, d1) -> (0)>
#map1 = affine_map<(d0, d1) -> (0, 0)>
module attributes {stable_mosaic.version = 14 : i64} {
  func.func @_seg_body(%arg0: i32, %arg1: i32, %arg2: memref<3211264xi32, #tpu.memory_space<hbm>>, %arg3: memref<3211264xi32, #tpu.memory_space<hbm>>, %arg4: memref<102400x128xf32, #tpu.memory_space<hbm>>, %arg5: memref<128x128xf32, #tpu.memory_space<hbm>>, %arg6: memref<102400x128xf32, #tpu.memory_space<hbm>>, %arg7: memref<2048xi32, #tpu.memory_space<vmem>>, %arg8: memref<4096xi32, #tpu.memory_space<vmem>>, %arg9: memref<4096xi32, #tpu.memory_space<vmem>>, %arg10: memref<32x128xi32, #tpu.memory_space<vmem>>, %arg11: memref<256x128xf32, #tpu.memory_space<vmem>>, %arg12: memref<10248x128xf32, #tpu.memory_space<vmem_shared>>, %arg13: memref<2x!tpu.dma_semaphore, #tpu.memory_space<semaphore_mem>>, %arg14: memref<!tpu.dma_semaphore, #tpu.memory_space<semaphore_mem>>, %arg15: memref<2x!tpu.dma_semaphore, #tpu.memory_space<semaphore_mem>>, %arg16: memref<2x!tpu.dma_semaphore, #tpu.memory_space<semaphore_mem>>) attributes {dimension_semantics = [#tpu.dimension_semantics<core_parallel>, #tpu.dimension_semantics<subcore_parallel>], iteration_bounds = array<i64: 2, 16>, scalar_prefetch = 0 : i64, scratch_operands = 10 : i64, tpu.core_type = #tpu.core_type<sc_vector_subcore>, window_params = [{transform_indices = #map}, {transform_indices = #map}, {transform_indices = #map1}, {transform_indices = #map1}, {transform_indices = #map1}]} {
    %iota3A = tpu.iota {dimensions = array<i32: 0>} : vector<16xi32>
    %mul3A = arith.constant 397 : i32
    %mul3A_0 = vector.broadcast %mul3A : i32 to vector<16xi32>
    %mul3A_1 = arith.muli %iota3A, %mul3A_0 : vector<16xi32>
    %mul3A_2 = arith.constant 16 : i32
    %mul3A_3 = arith.muli %arg1, %mul3A_2 : i32
    %add3A = vector.broadcast %mul3A_3 : i32 to vector<16xi32>
    %add3A_4 = arith.addi %mul3A_1, %add3A : vector<16xi32>
    %scan3A = arith.constant 0 : i32
    %scan3A_5 = arith.constant 0 : i32
    %scan3A_6 = arith.constant 5 : i32
    %scan3A_7 = arith.addi %scan3A_5, %scan3A_6 : i32
    %scan3A_8 = arith.constant 1 : i32
    scf.for %scan3A_10 = %scan3A_5 to %scan3A_7 step %scan3A_8  : i32 {
      %mul3A_11 = arith.constant 2 : i32
      %mul3A_12 = arith.muli %mul3A_11, %scan3A_10 : i32
      %add3A_13 = arith.addi %mul3A_12, %arg0 : i32
      %mul3A_14 = arith.constant 10240 : i32
      %mul3A_15 = arith.muli %add3A_13, %mul3A_14 : i32
      "tpu.region"() ({
        %run_scoped3A = tpu.sem_alloc : memref<!tpu.dma_semaphore, #tpu.memory_space<semaphore_mem>>
        %dma_start3A_106 = arith.constant 0 : i32
        %dma_start3A_107 = arith.constant 0 : i32
        %dma_start3A_108 = tpu.memref_slice %arg11[%dma_start3A_106, %dma_start3A_107] : memref<256x128xf32, #tpu.memory_space<vmem>> -> memref<128x128xf32, #tpu.memory_space<vmem>>
        %dma_start3A_109 = arith.constant 0 : i32
        %dma_start3A_110 = arith.constant 0 : i32
        %dma_start3A_111 = tpu.memref_slice %arg11[%dma_start3A_109, %dma_start3A_110] : memref<256x128xf32, #tpu.memory_space<vmem>> -> memref<128x128xf32, #tpu.memory_space<vmem>>
        tpu.enqueue_dma source(%arg5 : memref<128x128xf32, #tpu.memory_space<hbm>>) target(%dma_start3A_111 : memref<128x128xf32, #tpu.memory_space<vmem>>) target_semaphore(%run_scoped3A : memref<!tpu.dma_semaphore, #tpu.memory_space<semaphore_mem>>)
        %dma_wait3A = arith.constant 0 : i32
        %dma_wait3A_112 = arith.constant 0 : i32
        %dma_wait3A_113 = tpu.memref_slice %arg11[%dma_wait3A, %dma_wait3A_112] : memref<256x128xf32, #tpu.memory_space<vmem>> -> memref<128x128xf32, #tpu.memory_space<vmem>>
        %dma_wait3A_114 = arith.constant 0 : i32
        %dma_wait3A_115 = arith.constant 0 : i32
        %dma_wait3A_116 = tpu.memref_slice %arg11[%dma_wait3A_114, %dma_wait3A_115] : memref<256x128xf32, #tpu.memory_space<vmem>> -> memref<128x128xf32, #tpu.memory_space<vmem>>
        tpu.wait_dma2 semaphore(%run_scoped3A : memref<!tpu.dma_semaphore, #tpu.memory_space<semaphore_mem>>) src(%arg5 : memref<128x128xf32, #tpu.memory_space<hbm>>) dst(%dma_wait3A_116 : memref<128x128xf32, #tpu.memory_space<vmem>>)
        tpu.yield
      }) : () -> ()
      %mul3A_16 = arith.constant 640 : i32
      %mul3A_17 = arith.muli %arg1, %mul3A_16 : i32
      %add3A_18 = arith.constant 0 : i32
      %add3A_19 = arith.addi %mul3A_17, %add3A_18 : i32
      "tpu.region"() ({
        %run_scoped3A = tpu.sem_alloc : memref<!tpu.dma_semaphore, #tpu.memory_space<semaphore_mem>>
        %dma_start3A_106 = arith.constant 0 : i32
        %dma_start3A_107 = arith.constant 0 : i32
        %dma_start3A_108 = tpu.memref_slice %arg11[%dma_start3A_106, %dma_start3A_107] : memref<256x128xf32, #tpu.memory_space<vmem>> -> memref<128x128xf32, #tpu.memory_space<vmem>>
        %dma_start3A_109 = arith.constant 0 : i32
        %dma_start3A_110 = tpu.memref_slice %arg12[%add3A_19, %dma_start3A_109] : memref<10248x128xf32, #tpu.memory_space<vmem_shared>> -> memref<128x128xf32, #tpu.memory_space<vmem_shared>>
        %dma_start3A_111 = arith.constant 0 : i32
        %dma_start3A_112 = tpu.memref_slice %arg12[%add3A_19, %dma_start3A_111] : memref<10248x128xf32, #tpu.memory_space<vmem_shared>> -> memref<128x128xf32, #tpu.memory_space<vmem_shared>>
        %dma_start3A_113 = arith.constant 0 : i32
        %dma_start3A_114 = arith.constant 0 : i32
        %dma_start3A_115 = tpu.memref_slice %arg11[%dma_start3A_113, %dma_start3A_114] : memref<256x128xf32, #tpu.memory_space<vmem>> -> memref<128x128xf32, #tpu.memory_space<vmem>>
        tpu.enqueue_dma source(%dma_start3A_115 : memref<128x128xf32, #tpu.memory_space<vmem>>) target(%dma_start3A_112 : memref<128x128xf32, #tpu.memory_space<vmem_shared>>) target_semaphore(%run_scoped3A : memref<!tpu.dma_semaphore, #tpu.memory_space<semaphore_mem>>)
        %dma_wait3A = arith.constant 0 : i32
        %dma_wait3A_116 = arith.constant 0 : i32
        %dma_wait3A_117 = tpu.memref_slice %arg11[%dma_wait3A, %dma_wait3A_116] : memref<256x128xf32, #tpu.memory_space<vmem>> -> memref<128x128xf32, #tpu.memory_space<vmem>>
        %dma_wait3A_118 = arith.constant 0 : i32
        %dma_wait3A_119 = tpu.memref_slice %arg12[%add3A_19, %dma_wait3A_118] : memref<10248x128xf32, #tpu.memory_space<vmem_shared>> -> memref<128x128xf32, #tpu.memory_space<vmem_shared>>
        %dma_wait3A_120 = arith.constant 0 : i32
        %dma_wait3A_121 = tpu.memref_slice %arg12[%add3A_19, %dma_wait3A_120] : memref<10248x128xf32, #tpu.memory_space<vmem_shared>> -> memref<128x128xf32, #tpu.memory_space<vmem_shared>>
        %dma_wait3A_122 = arith.constant 0 : i32
        %dma_wait3A_123 = arith.constant 0 : i32
        %dma_wait3A_124 = tpu.memref_slice %arg11[%dma_wait3A_122, %dma_wait3A_123] : memref<256x128xf32, #tpu.memory_space<vmem>> -> memref<128x128xf32, #tpu.memory_space<vmem>>
        tpu.wait_dma2 semaphore(%run_scoped3A : memref<!tpu.dma_semaphore, #tpu.memory_space<semaphore_mem>>) src(%dma_wait3A_124 : memref<128x128xf32, #tpu.memory_space<vmem>>) dst(%dma_wait3A_121 : memref<128x128xf32, #tpu.memory_space<vmem_shared>>)
        tpu.yield
      }) : () -> ()
      %add3A_20 = arith.constant 128 : i32
      %add3A_21 = arith.addi %mul3A_17, %add3A_20 : i32
      "tpu.region"() ({
        %run_scoped3A = tpu.sem_alloc : memref<!tpu.dma_semaphore, #tpu.memory_space<semaphore_mem>>
        %dma_start3A_106 = arith.constant 0 : i32
        %dma_start3A_107 = arith.constant 0 : i32
        %dma_start3A_108 = tpu.memref_slice %arg11[%dma_start3A_106, %dma_start3A_107] : memref<256x128xf32, #tpu.memory_space<vmem>> -> memref<128x128xf32, #tpu.memory_space<vmem>>
        %dma_start3A_109 = arith.constant 0 : i32
        %dma_start3A_110 = tpu.memref_slice %arg12[%add3A_21, %dma_start3A_109] : memref<10248x128xf32, #tpu.memory_space<vmem_shared>> -> memref<128x128xf32, #tpu.memory_space<vmem_shared>>
        %dma_start3A_111 = arith.constant 0 : i32
        %dma_start3A_112 = tpu.memref_slice %arg12[%add3A_21, %dma_start3A_111] : memref<10248x128xf32, #tpu.memory_space<vmem_shared>> -> memref<128x128xf32, #tpu.memory_space<vmem_shared>>
        %dma_start3A_113 = arith.constant 0 : i32
        %dma_start3A_114 = arith.constant 0 : i32
        %dma_start3A_115 = tpu.memref_slice %arg11[%dma_start3A_113, %dma_start3A_114] : memref<256x128xf32, #tpu.memory_space<vmem>> -> memref<128x128xf32, #tpu.memory_space<vmem>>
        tpu.enqueue_dma source(%dma_start3A_115 : memref<128x128xf32, #tpu.memory_space<vmem>>) target(%dma_start3A_112 : memref<128x128xf32, #tpu.memory_space<vmem_shared>>) target_semaphore(%run_scoped3A : memref<!tpu.dma_semaphore, #tpu.memory_space<semaphore_mem>>)
        %dma_wait3A = arith.constant 0 : i32
        %dma_wait3A_116 = arith.constant 0 : i32
        %dma_wait3A_117 = tpu.memref_slice %arg11[%dma_wait3A, %dma_wait3A_116] : memref<256x128xf32, #tpu.memory_space<vmem>> -> memref<128x128xf32, #tpu.memory_space<vmem>>
        %dma_wait3A_118 = arith.constant 0 : i32
        %dma_wait3A_119 = tpu.memref_slice %arg12[%add3A_21, %dma_wait3A_118] : memref<10248x128xf32, #tpu.memory_space<vmem_shared>> -> memref<128x128xf32, #tpu.memory_space<vmem_shared>>
        %dma_wait3A_120 = arith.constant 0 : i32
        %dma_wait3A_121 = tpu.memref_slice %arg12[%add3A_21, %dma_wait3A_120] : memref<10248x128xf32, #tpu.memory_space<vmem_shared>> -> memref<128x128xf32, #tpu.memory_space<vmem_shared>>
        %dma_wait3A_122 = arith.constant 0 : i32
        %dma_wait3A_123 = arith.constant 0 : i32
        %dma_wait3A_124 = tpu.memref_slice %arg11[%dma_wait3A_122, %dma_wait3A_123] : memref<256x128xf32, #tpu.memory_space<vmem>> -> memref<128x128xf32, #tpu.memory_space<vmem>>
        tpu.wait_dma2 semaphore(%run_scoped3A : memref<!tpu.dma_semaphore, #tpu.memory_space<semaphore_mem>>) src(%dma_wait3A_124 : memref<128x128xf32, #tpu.memory_space<vmem>>) dst(%dma_wait3A_121 : memref<128x128xf32, #tpu.memory_space<vmem_shared>>)
        tpu.yield
      }) : () -> ()
      %add3A_22 = arith.constant 256 : i32
      %add3A_23 = arith.addi %mul3A_17, %add3A_22 : i32
      "tpu.region"() ({
        %run_scoped3A = tpu.sem_alloc : memref<!tpu.dma_semaphore, #tpu.memory_space<semaphore_mem>>
        %dma_start3A_106 = arith.constant 0 : i32
        %dma_start3A_107 = arith.constant 0 : i32
        %dma_start3A_108 = tpu.memref_slice %arg11[%dma_start3A_106, %dma_start3A_107] : memref<256x128xf32, #tpu.memory_space<vmem>> -> memref<128x128xf32, #tpu.memory_space<vmem>>
        %dma_start3A_109 = arith.constant 0 : i32
        %dma_start3A_110 = tpu.memref_slice %arg12[%add3A_23, %dma_start3A_109] : memref<10248x128xf32, #tpu.memory_space<vmem_shared>> -> memref<128x128xf32, #tpu.memory_space<vmem_shared>>
        %dma_start3A_111 = arith.constant 0 : i32
        %dma_start3A_112 = tpu.memref_slice %arg12[%add3A_23, %dma_start3A_111] : memref<10248x128xf32, #tpu.memory_space<vmem_shared>> -> memref<128x128xf32, #tpu.memory_space<vmem_shared>>
        %dma_start3A_113 = arith.constant 0 : i32
        %dma_start3A_114 = arith.constant 0 : i32
        %dma_start3A_115 = tpu.memref_slice %arg11[%dma_start3A_113, %dma_start3A_114] : memref<256x128xf32, #tpu.memory_space<vmem>> -> memref<128x128xf32, #tpu.memory_space<vmem>>
        tpu.enqueue_dma source(%dma_start3A_115 : memref<128x128xf32, #tpu.memory_space<vmem>>) target(%dma_start3A_112 : memref<128x128xf32, #tpu.memory_space<vmem_shared>>) target_semaphore(%run_scoped3A : memref<!tpu.dma_semaphore, #tpu.memory_space<semaphore_mem>>)
        %dma_wait3A = arith.constant 0 : i32
        %dma_wait3A_116 = arith.constant 0 : i32
        %dma_wait3A_117 = tpu.memref_slice %arg11[%dma_wait3A, %dma_wait3A_116] : memref<256x128xf32, #tpu.memory_space<vmem>> -> memref<128x128xf32, #tpu.memory_space<vmem>>
        %dma_wait3A_118 = arith.constant 0 : i32
        %dma_wait3A_119 = tpu.memref_slice %arg12[%add3A_23, %dma_wait3A_118] : memref<10248x128xf32, #tpu.memory_space<vmem_shared>> -> memref<128x128xf32, #tpu.memory_space<vmem_shared>>
        %dma_wait3A_120 = arith.constant 0 : i32
        %dma_wait3A_121 = tpu.memref_slice %arg12[%add3A_23, %dma_wait3A_120] : memref<10248x128xf32, #tpu.memory_space<vmem_shared>> -> memref<128x128xf32, #tpu.memory_space<vmem_shared>>
        %dma_wait3A_122 = arith.constant 0 : i32
        %dma_wait3A_123 = arith.constant 0 : i32
        %dma_wait3A_124 = tpu.memref_slice %arg11[%dma_wait3A_122, %dma_wait3A_123] : memref<256x128xf32, #tpu.memory_space<vmem>> -> memref<128x128xf32, #tpu.memory_space<vmem>>
        tpu.wait_dma2 semaphore(%run_scoped3A : memref<!tpu.dma_semaphore, #tpu.memory_space<semaphore_mem>>) src(%dma_wait3A_124 : memref<128x128xf32, #tpu.memory_space<vmem>>) dst(%dma_wait3A_121 : memref<128x128xf32, #tpu.memory_space<vmem_shared>>)
        tpu.yield
      }) : () -> ()
      %add3A_24 = arith.constant 384 : i32
      %add3A_25 = arith.addi %mul3A_17, %add3A_24 : i32
      "tpu.region"() ({
        %run_scoped3A = tpu.sem_alloc : memref<!tpu.dma_semaphore, #tpu.memory_space<semaphore_mem>>
        %dma_start3A_106 = arith.constant 0 : i32
        %dma_start3A_107 = arith.constant 0 : i32
        %dma_start3A_108 = tpu.memref_slice %arg11[%dma_start3A_106, %dma_start3A_107] : memref<256x128xf32, #tpu.memory_space<vmem>> -> memref<128x128xf32, #tpu.memory_space<vmem>>
        %dma_start3A_109 = arith.constant 0 : i32
        %dma_start3A_110 = tpu.memref_slice %arg12[%add3A_25, %dma_start3A_109] : memref<10248x128xf32, #tpu.memory_space<vmem_shared>> -> memref<128x128xf32, #tpu.memory_space<vmem_shared>>
        %dma_start3A_111 = arith.constant 0 : i32
        %dma_start3A_112 = tpu.memref_slice %arg12[%add3A_25, %dma_start3A_111] : memref<10248x128xf32, #tpu.memory_space<vmem_shared>> -> memref<128x128xf32, #tpu.memory_space<vmem_shared>>
        %dma_start3A_113 = arith.constant 0 : i32
        %dma_start3A_114 = arith.constant 0 : i32
        %dma_start3A_115 = tpu.memref_slice %arg11[%dma_start3A_113, %dma_start3A_114] : memref<256x128xf32, #tpu.memory_space<vmem>> -> memref<128x128xf32, #tpu.memory_space<vmem>>
        tpu.enqueue_dma source(%dma_start3A_115 : memref<128x128xf32, #tpu.memory_space<vmem>>) target(%dma_start3A_112 : memref<128x128xf32, #tpu.memory_space<vmem_shared>>) target_semaphore(%run_scoped3A : memref<!tpu.dma_semaphore, #tpu.memory_space<semaphore_mem>>)
        %dma_wait3A = arith.constant 0 : i32
        %dma_wait3A_116 = arith.constant 0 : i32
        %dma_wait3A_117 = tpu.memref_slice %arg11[%dma_wait3A, %dma_wait3A_116] : memref<256x128xf32, #tpu.memory_space<vmem>> -> memref<128x128xf32, #tpu.memory_space<vmem>>
        %dma_wait3A_118 = arith.constant 0 : i32
        %dma_wait3A_119 = tpu.memref_slice %arg12[%add3A_25, %dma_wait3A_118] : memref<10248x128xf32, #tpu.memory_space<vmem_shared>> -> memref<128x128xf32, #tpu.memory_space<vmem_shared>>
        %dma_wait3A_120 = arith.constant 0 : i32
        %dma_wait3A_121 = tpu.memref_slice %arg12[%add3A_25, %dma_wait3A_120] : memref<10248x128xf32, #tpu.memory_space<vmem_shared>> -> memref<128x128xf32, #tpu.memory_space<vmem_shared>>
        %dma_wait3A_122 = arith.constant 0 : i32
        %dma_wait3A_123 = arith.constant 0 : i32
        %dma_wait3A_124 = tpu.memref_slice %arg11[%dma_wait3A_122, %dma_wait3A_123] : memref<256x128xf32, #tpu.memory_space<vmem>> -> memref<128x128xf32, #tpu.memory_space<vmem>>
        tpu.wait_dma2 semaphore(%run_scoped3A : memref<!tpu.dma_semaphore, #tpu.memory_space<semaphore_mem>>) src(%dma_wait3A_124 : memref<128x128xf32, #tpu.memory_space<vmem>>) dst(%dma_wait3A_121 : memref<128x128xf32, #tpu.memory_space<vmem_shared>>)
        tpu.yield
      }) : () -> ()
      %add3A_26 = arith.constant 512 : i32
      %add3A_27 = arith.addi %mul3A_17, %add3A_26 : i32
      "tpu.region"() ({
        %run_scoped3A = tpu.sem_alloc : memref<!tpu.dma_semaphore, #tpu.memory_space<semaphore_mem>>
        %dma_start3A_106 = arith.constant 0 : i32
        %dma_start3A_107 = arith.constant 0 : i32
        %dma_start3A_108 = tpu.memref_slice %arg11[%dma_start3A_106, %dma_start3A_107] : memref<256x128xf32, #tpu.memory_space<vmem>> -> memref<128x128xf32, #tpu.memory_space<vmem>>
        %dma_start3A_109 = arith.constant 0 : i32
        %dma_start3A_110 = tpu.memref_slice %arg12[%add3A_27, %dma_start3A_109] : memref<10248x128xf32, #tpu.memory_space<vmem_shared>> -> memref<128x128xf32, #tpu.memory_space<vmem_shared>>
        %dma_start3A_111 = arith.constant 0 : i32
        %dma_start3A_112 = tpu.memref_slice %arg12[%add3A_27, %dma_start3A_111] : memref<10248x128xf32, #tpu.memory_space<vmem_shared>> -> memref<128x128xf32, #tpu.memory_space<vmem_shared>>
        %dma_start3A_113 = arith.constant 0 : i32
        %dma_start3A_114 = arith.constant 0 : i32
        %dma_start3A_115 = tpu.memref_slice %arg11[%dma_start3A_113, %dma_start3A_114] : memref<256x128xf32, #tpu.memory_space<vmem>> -> memref<128x128xf32, #tpu.memory_space<vmem>>
        tpu.enqueue_dma source(%dma_start3A_115 : memref<128x128xf32, #tpu.memory_space<vmem>>) target(%dma_start3A_112 : memref<128x128xf32, #tpu.memory_space<vmem_shared>>) target_semaphore(%run_scoped3A : memref<!tpu.dma_semaphore, #tpu.memory_space<semaphore_mem>>)
        %dma_wait3A = arith.constant 0 : i32
        %dma_wait3A_116 = arith.constant 0 : i32
        %dma_wait3A_117 = tpu.memref_slice %arg11[%dma_wait3A, %dma_wait3A_116] : memref<256x128xf32, #tpu.memory_space<vmem>> -> memref<128x128xf32, #tpu.memory_space<vmem>>
        %dma_wait3A_118 = arith.constant 0 : i32
        %dma_wait3A_119 = tpu.memref_slice %arg12[%add3A_27, %dma_wait3A_118] : memref<10248x128xf32, #tpu.memory_space<vmem_shared>> -> memref<128x128xf32, #tpu.memory_space<vmem_shared>>
        %dma_wait3A_120 = arith.constant 0 : i32
        %dma_wait3A_121 = tpu.memref_slice %arg12[%add3A_27, %dma_wait3A_120] : memref<10248x128xf32, #tpu.memory_space<vmem_shared>> -> memref<128x128xf32, #tpu.memory_space<vmem_shared>>
        %dma_wait3A_122 = arith.constant 0 : i32
        %dma_wait3A_123 = arith.constant 0 : i32
        %dma_wait3A_124 = tpu.memref_slice %arg11[%dma_wait3A_122, %dma_wait3A_123] : memref<256x128xf32, #tpu.memory_space<vmem>> -> memref<128x128xf32, #tpu.memory_space<vmem>>
        tpu.wait_dma2 semaphore(%run_scoped3A : memref<!tpu.dma_semaphore, #tpu.memory_space<semaphore_mem>>) src(%dma_wait3A_124 : memref<128x128xf32, #tpu.memory_space<vmem>>) dst(%dma_wait3A_121 : memref<128x128xf32, #tpu.memory_space<vmem_shared>>)
        tpu.yield
      }) : () -> ()
      %barrier3A = arith.constant 0 : index
      tpu.barrier barrier_id(%barrier3A)
      %broadcast_in_dim3A = arith.constant 0 : i32
      %broadcast_in_dim3A_28 = vector.broadcast %broadcast_in_dim3A : i32 to vector<16xi32>
      %add3A_29 = arith.constant 10240 : i32
      %add3A_30 = vector.broadcast %add3A_29 : i32 to vector<16xi32>
      %add3A_31 = arith.addi %broadcast_in_dim3A_28, %add3A_30 : vector<16xi32>
      %mul3A_32 = arith.constant 98 : i32
      %mul3A_33 = arith.muli %arg1, %mul3A_32 : i32
      %mul3A_34 = arith.constant 2048 : i32
      %mul3A_35 = arith.muli %mul3A_33, %mul3A_34 : i32
      %dma_start3A = tpu.memref_slice %arg2[%mul3A_35] : memref<3211264xi32, #tpu.memory_space<hbm>> -> memref<2048xi32, #tpu.memory_space<hbm>>
      %dma_start3A_36 = tpu.memref_slice %arg2[%mul3A_35] : memref<3211264xi32, #tpu.memory_space<hbm>> -> memref<2048xi32, #tpu.memory_space<hbm>>
      tpu.enqueue_dma source(%dma_start3A_36 : memref<2048xi32, #tpu.memory_space<hbm>>) target(%arg7 : memref<2048xi32, #tpu.memory_space<vmem>>) target_semaphore(%arg14 : memref<!tpu.dma_semaphore, #tpu.memory_space<semaphore_mem>>)
      %dma_start3A_37 = arith.constant 0 : i32
      %dma_start3A_38 = arith.constant 0 : i32
      %dma_start3A_39 = tpu.memref_slice %arg8[%dma_start3A_38] : memref<4096xi32, #tpu.memory_space<vmem>> -> memref<2048xi32, #tpu.memory_space<vmem>>
      %dma_start3A_40 = tpu.memref_slice %arg3[%mul3A_35] : memref<3211264xi32, #tpu.memory_space<hbm>> -> memref<2048xi32, #tpu.memory_space<hbm>>
      %dma_start3A_41 = tpu.memref_slice %arg13[%dma_start3A_37] : memref<2x!tpu.dma_semaphore, #tpu.memory_space<semaphore_mem>> -> memref<1x!tpu.dma_semaphore, #tpu.memory_space<semaphore_mem>>
      %dma_start3A_42 = tpu.memref_squeeze %dma_start3A_41 : memref<1x!tpu.dma_semaphore, #tpu.memory_space<semaphore_mem>> -> memref<!tpu.dma_semaphore, #tpu.memory_space<semaphore_mem>>
      %dma_start3A_43 = arith.constant 0 : i32
      %dma_start3A_44 = tpu.memref_slice %arg8[%dma_start3A_43] : memref<4096xi32, #tpu.memory_space<vmem>> -> memref<2048xi32, #tpu.memory_space<vmem>>
      %dma_start3A_45 = tpu.memref_slice %arg3[%mul3A_35] : memref<3211264xi32, #tpu.memory_space<hbm>> -> memref<2048xi32, #tpu.memory_space<hbm>>
      tpu.enqueue_dma source(%dma_start3A_45 : memref<2048xi32, #tpu.memory_space<hbm>>) target(%dma_start3A_44 : memref<2048xi32, #tpu.memory_space<vmem>>) target_semaphore(%dma_start3A_42 : memref<!tpu.dma_semaphore, #tpu.memory_space<semaphore_mem>>)
      %scan3A_46 = arith.constant 0 : i32
      %scan3A_47 = arith.constant 0 : i32
      %scan3A_48 = arith.constant 98 : i32
      %scan3A_49 = arith.addi %scan3A_47, %scan3A_48 : i32
      %scan3A_50 = arith.constant 1 : i32
      %scan3A_51 = scf.for %scan3A_106 = %scan3A_47 to %scan3A_49 step %scan3A_50 iter_args(%scan3A_107 = %scan3A_46) -> (i32)  : i32 {
        %jit3A_108 = arith.constant 2 : i32
        %eq3A = arith.constant 0 : i32
        %eq3A_109 = arith.cmpi eq, %jit3A_108, %eq3A : i32
        %jit3A_110 = arith.constant 1 : i32
        %select_n3A_111 = arith.select %eq3A_109, %jit3A_110, %jit3A_108 : i32
        %rem3A = arith.remsi %scan3A_106, %select_n3A_111 : i32
        %ne3A = arith.constant 0 : i32
        %ne3A_112 = arith.cmpi ne, %rem3A, %ne3A : i32
        %lt3A = arith.constant 0 : i32
        %lt3A_113 = arith.cmpi slt, %rem3A, %lt3A : i32
        %lt3A_114 = arith.constant 0 : i32
        %lt3A_115 = arith.cmpi slt, %select_n3A_111, %lt3A_114 : i32
        %ne3A_116 = arith.xori %lt3A_113, %lt3A_115 : i1
        %and3A_117 = arith.andi %ne3A_116, %ne3A_112 : i1
        %add3A_118 = arith.addi %rem3A, %select_n3A_111 : i32
        %select_n3A_119 = arith.select %and3A_117, %add3A_118, %rem3A : i32
        %mul3A_120 = arith.constant 2048 : i32
        %mul3A_121 = arith.muli %select_n3A_119, %mul3A_120 : i32
        %dma_wait3A = arith.constant 0 : i32
        %dma_wait3A_122 = tpu.memref_slice %arg2[%dma_wait3A] : memref<3211264xi32, #tpu.memory_space<hbm>> -> memref<2048xi32, #tpu.memory_space<hbm>>
        %dma_wait3A_123 = arith.constant 0 : i32
        %dma_wait3A_124 = tpu.memref_slice %arg2[%dma_wait3A_123] : memref<3211264xi32, #tpu.memory_space<hbm>> -> memref<2048xi32, #tpu.memory_space<hbm>>
        tpu.wait_dma2 semaphore(%arg14 : memref<!tpu.dma_semaphore, #tpu.memory_space<semaphore_mem>>) src(%dma_wait3A_124 : memref<2048xi32, #tpu.memory_space<hbm>>) dst(%arg7 : memref<2048xi32, #tpu.memory_space<vmem>>)
        %dma_wait3A_125 = arith.constant 0 : i32
        %dma_wait3A_126 = tpu.memref_slice %arg8[%dma_wait3A_125] : memref<4096xi32, #tpu.memory_space<vmem>> -> memref<2048xi32, #tpu.memory_space<vmem>>
        %dma_wait3A_127 = arith.constant 0 : i32
        %dma_wait3A_128 = tpu.memref_slice %arg2[%dma_wait3A_127] : memref<3211264xi32, #tpu.memory_space<hbm>> -> memref<2048xi32, #tpu.memory_space<hbm>>
        %dma_wait3A_129 = tpu.memref_slice %arg13[%select_n3A_119] : memref<2x!tpu.dma_semaphore, #tpu.memory_space<semaphore_mem>> -> memref<1x!tpu.dma_semaphore, #tpu.memory_space<semaphore_mem>>
        %dma_wait3A_130 = tpu.memref_squeeze %dma_wait3A_129 : memref<1x!tpu.dma_semaphore, #tpu.memory_space<semaphore_mem>> -> memref<!tpu.dma_semaphore, #tpu.memory_space<semaphore_mem>>
        %dma_wait3A_131 = arith.constant 0 : i32
        %dma_wait3A_132 = tpu.memref_slice %arg8[%dma_wait3A_131] : memref<4096xi32, #tpu.memory_space<vmem>> -> memref<2048xi32, #tpu.memory_space<vmem>>
        %dma_wait3A_133 = arith.constant 0 : i32
        %dma_wait3A_134 = tpu.memref_slice %arg2[%dma_wait3A_133] : memref<3211264xi32, #tpu.memory_space<hbm>> -> memref<2048xi32, #tpu.memory_space<hbm>>
        tpu.wait_dma2 semaphore(%dma_wait3A_130 : memref<!tpu.dma_semaphore, #tpu.memory_space<semaphore_mem>>) src(%dma_wait3A_134 : memref<2048xi32, #tpu.memory_space<hbm>>) dst(%dma_wait3A_132 : memref<2048xi32, #tpu.memory_space<vmem>>)
        %add3A_135 = arith.constant 1 : i32
        %add3A_136 = arith.addi %scan3A_106, %add3A_135 : i32
        %lt3A_137 = arith.constant 98 : i32
        %lt3A_138 = arith.cmpi slt, %add3A_136, %lt3A_137 : i32
        %convert_element_type3A_139 = arith.extui %lt3A_138 : i1 to i32
        %cond3A_140 = arith.constant 0 : i32
        %cond3A_141 = arith.cmpi ne, %convert_element_type3A_139, %cond3A_140 : i32
        scf.if %cond3A_141 {
          %mul3A_167 = arith.constant 98 : i32
          %mul3A_168 = arith.muli %arg1, %mul3A_167 : i32
          %add3A_169 = arith.addi %mul3A_168, %scan3A_106 : i32
          %add3A_170 = arith.constant 1 : i32
          %add3A_171 = arith.addi %add3A_169, %add3A_170 : i32
          %mul3A_172 = arith.constant 2048 : i32
          %mul3A_173 = arith.muli %add3A_171, %mul3A_172 : i32
          %sub3A = arith.constant 1 : i32
          %sub3A_174 = arith.subi %sub3A, %select_n3A_119 : i32
          %mul3A_175 = arith.constant 2048 : i32
          %mul3A_176 = arith.muli %sub3A_174, %mul3A_175 : i32
          %sub3A_177 = arith.constant 1 : i32
          %sub3A_178 = arith.subi %sub3A_177, %select_n3A_119 : i32
          %dma_start3A_179 = tpu.memref_slice %arg8[%mul3A_176] : memref<4096xi32, #tpu.memory_space<vmem>> -> memref<2048xi32, #tpu.memory_space<vmem>>
          %dma_start3A_180 = tpu.memref_slice %arg3[%mul3A_173] : memref<3211264xi32, #tpu.memory_space<hbm>> -> memref<2048xi32, #tpu.memory_space<hbm>>
          %dma_start3A_181 = tpu.memref_slice %arg13[%sub3A_178] : memref<2x!tpu.dma_semaphore, #tpu.memory_space<semaphore_mem>> -> memref<1x!tpu.dma_semaphore, #tpu.memory_space<semaphore_mem>>
          %dma_start3A_182 = tpu.memref_squeeze %dma_start3A_181 : memref<1x!tpu.dma_semaphore, #tpu.memory_space<semaphore_mem>> -> memref<!tpu.dma_semaphore, #tpu.memory_space<semaphore_mem>>
          %dma_start3A_183 = tpu.memref_slice %arg8[%mul3A_176] : memref<4096xi32, #tpu.memory_space<vmem>> -> memref<2048xi32, #tpu.memory_space<vmem>>
          %dma_start3A_184 = tpu.memref_slice %arg3[%mul3A_173] : memref<3211264xi32, #tpu.memory_space<hbm>> -> memref<2048xi32, #tpu.memory_space<hbm>>
          tpu.enqueue_dma source(%dma_start3A_184 : memref<2048xi32, #tpu.memory_space<hbm>>) target(%dma_start3A_183 : memref<2048xi32, #tpu.memory_space<vmem>>) target_semaphore(%dma_start3A_182 : memref<!tpu.dma_semaphore, #tpu.memory_space<semaphore_mem>>)
        } else {
        }
        %scan3A_142 = arith.constant 0 : i32
        %scan3A_143 = arith.constant 64 : i32
        %scan3A_144 = arith.addi %scan3A_142, %scan3A_143 : i32
        %scan3A_145 = arith.constant 1 : i32
        %scan3A_146 = scf.for %scan3A_167 = %scan3A_142 to %scan3A_144 step %scan3A_145 iter_args(%scan3A_168 = %scan3A_107) -> (i32)  : i32 {
          %mul3A_169 = arith.constant 32 : i32
          %mul3A_170 = arith.muli %scan3A_167, %mul3A_169 : i32
          %add3A_171 = arith.constant 0 : i32
          %add3A_172 = arith.addi %mul3A_170, %add3A_171 : i32
          %add3A_173 = arith.addi %mul3A_121, %add3A_172 : i32
          %get3A = arith.index_cast %add3A_173 : i32 to index
          %get3A_174 = tpu.vector_load %arg8[%get3A] {strides = array<i32>} : memref<4096xi32, #tpu.memory_space<vmem>>, vector<16xi32>,
          %get3A_175 = arith.index_cast %add3A_172 : i32 to index
          %get3A_176 = tpu.vector_load %arg7[%get3A_175] {strides = array<i32>} : memref<2048xi32, #tpu.memory_space<vmem>>, vector<16xi32>,
          %ge3A_177 = vector.broadcast %mul3A_15 : i32 to vector<16xi32>
          %ge3A_178 = arith.cmpi sge, %get3A_174, %ge3A_177 : vector<16xi32>
          %add3A_179 = arith.constant 10240 : i32
          %add3A_180 = arith.addi %mul3A_15, %add3A_179 : i32
          %lt3A_181 = vector.broadcast %add3A_180 : i32 to vector<16xi32>
          %lt3A_182 = arith.cmpi slt, %get3A_174, %lt3A_181 : vector<16xi32>
          %and3A_183 = arith.andi %ge3A_178, %lt3A_182 : vector<16xi1>
          %convert_element_type3A_184 = arith.extui %and3A_183 : vector<16xi1> to vector<16xi32>
          %broadcast_in_dim3A_185 = arith.constant true
          %broadcast_in_dim3A_186 = vector.broadcast %broadcast_in_dim3A_185 : i1 to vector<16xi1>
          %masked_cumsum3A = tpu.scan <sum>, %convert_element_type3A_184 masked %broadcast_in_dim3A_186 : vector<16xi32>, vector<16xi1> -> vector<16xi32>
          %add3A_187 = vector.broadcast %scan3A_168 : i32 to vector<16xi32>
          %add3A_188 = arith.addi %add3A_187, %masked_cumsum3A : vector<16xi32>
          %sub3A = arith.constant 1 : i32
          %sub3A_189 = vector.broadcast %sub3A : i32 to vector<16xi32>
          %sub3A_190 = arith.subi %add3A_188, %sub3A_189 : vector<16xi32>
          %and3A_191 = arith.constant 4095 : i32
          %and3A_192 = vector.broadcast %and3A_191 : i32 to vector<16xi32>
          %and3A_193 = arith.andi %sub3A_190, %and3A_192 : vector<16xi32>
          tpu.vector_store_idx %arg9[%and3A_193], %get3A_176 masked %and3A_183 : memref<4096xi32, #tpu.memory_space<vmem>>[vector<16xi32>], vector<16xi32>, vector<16xi1>
          %shift_right_logical3A_194 = arith.constant 7 : i32
          %shift_right_logical3A_195 = vector.broadcast %shift_right_logical3A_194 : i32 to vector<16xi32>
          %shift_right_logical3A_196 = arith.shrui %and3A_193, %shift_right_logical3A_195 : vector<16xi32>
          %and3A_197 = arith.constant 31 : i32
          %and3A_198 = vector.broadcast %and3A_197 : i32 to vector<16xi32>
          %and3A_199 = arith.andi %shift_right_logical3A_196, %and3A_198 : vector<16xi32>
          %and3A_200 = arith.constant 127 : i32
          %and3A_201 = vector.broadcast %and3A_200 : i32 to vector<16xi32>
          %and3A_202 = arith.andi %and3A_193, %and3A_201 : vector<16xi32>
          %sub3A_203 = vector.broadcast %mul3A_15 : i32 to vector<16xi32>
          %sub3A_204 = arith.subi %get3A_174, %sub3A_203 : vector<16xi32>
          tpu.vector_store_idx %arg10[%and3A_199, %and3A_202], %sub3A_204 masked %and3A_183 : memref<32x128xi32, #tpu.memory_space<vmem>>[vector<16xi32>, vector<16xi32>], vector<16xi32>, vector<16xi1>
          %slice3A = vector.extract_strided_slice %masked_cumsum3A {offsets = [15], sizes = [1], strides = [1]} : vector<16xi32> to vector<1xi32>
          %squeeze3A = vector.extract %slice3A[0] : i32 from vector<1xi32>
          %add3A_205 = arith.addi %scan3A_168, %squeeze3A : i32
          %mul3A_206 = arith.constant 32 : i32
          %mul3A_207 = arith.muli %scan3A_167, %mul3A_206 : i32
          %add3A_208 = arith.constant 16 : i32
          %add3A_209 = arith.addi %mul3A_207, %add3A_208 : i32
          %add3A_210 = arith.addi %mul3A_121, %add3A_209 : i32
          %get3A_211 = arith.index_cast %add3A_210 : i32 to index
          %get3A_212 = tpu.vector_load %arg8[%get3A_211] {strides = array<i32>} : memref<4096xi32, #tpu.memory_space<vmem>>, vector<16xi32>,
          %get3A_213 = arith.index_cast %add3A_209 : i32 to index
          %get3A_214 = tpu.vector_load %arg7[%get3A_213] {strides = array<i32>} : memref<2048xi32, #tpu.memory_space<vmem>>, vector<16xi32>,
          %ge3A_215 = vector.broadcast %mul3A_15 : i32 to vector<16xi32>
          %ge3A_216 = arith.cmpi sge, %get3A_212, %ge3A_215 : vector<16xi32>
          %add3A_217 = arith.constant 10240 : i32
          %add3A_218 = arith.addi %mul3A_15, %add3A_217 : i32
          %lt3A_219 = vector.broadcast %add3A_218 : i32 to vector<16xi32>
          %lt3A_220 = arith.cmpi slt, %get3A_212, %lt3A_219 : vector<16xi32>
          %and3A_221 = arith.andi %ge3A_216, %lt3A_220 : vector<16xi1>
          %convert_element_type3A_222 = arith.extui %and3A_221 : vector<16xi1> to vector<16xi32>
          %broadcast_in_dim3A_223 = arith.constant true
          %broadcast_in_dim3A_224 = vector.broadcast %broadcast_in_dim3A_223 : i1 to vector<16xi1>
          %masked_cumsum3A_225 = tpu.scan <sum>, %convert_element_type3A_222 masked %broadcast_in_dim3A_224 : vector<16xi32>, vector<16xi1> -> vector<16xi32>
          %add3A_226 = vector.broadcast %add3A_205 : i32 to vector<16xi32>
          %add3A_227 = arith.addi %add3A_226, %masked_cumsum3A_225 : vector<16xi32>
          %sub3A_228 = arith.constant 1 : i32
          %sub3A_229 = vector.broadcast %sub3A_228 : i32 to vector<16xi32>
          %sub3A_230 = arith.subi %add3A_227, %sub3A_229 : vector<16xi32>
          %and3A_231 = arith.constant 4095 : i32
          %and3A_232 = vector.broadcast %and3A_231 : i32 to vector<16xi32>
          %and3A_233 = arith.andi %sub3A_230, %and3A_232 : vector<16xi32>
          tpu.vector_store_idx %arg9[%and3A_233], %get3A_214 masked %and3A_221 : memref<4096xi32, #tpu.memory_space<vmem>>[vector<16xi32>], vector<16xi32>, vector<16xi1>
          %shift_right_logical3A_234 = arith.constant 7 : i32
          %shift_right_logical3A_235 = vector.broadcast %shift_right_logical3A_234 : i32 to vector<16xi32>
          %shift_right_logical3A_236 = arith.shrui %and3A_233, %shift_right_logical3A_235 : vector<16xi32>
          %and3A_237 = arith.constant 31 : i32
          %and3A_238 = vector.broadcast %and3A_237 : i32 to vector<16xi32>
          %and3A_239 = arith.andi %shift_right_logical3A_236, %and3A_238 : vector<16xi32>
          %and3A_240 = arith.constant 127 : i32
          %and3A_241 = vector.broadcast %and3A_240 : i32 to vector<16xi32>
          %and3A_242 = arith.andi %and3A_233, %and3A_241 : vector<16xi32>
          %sub3A_243 = vector.broadcast %mul3A_15 : i32 to vector<16xi32>
          %sub3A_244 = arith.subi %get3A_212, %sub3A_243 : vector<16xi32>
          tpu.vector_store_idx %arg10[%and3A_239, %and3A_242], %sub3A_244 masked %and3A_221 : memref<32x128xi32, #tpu.memory_space<vmem>>[vector<16xi32>, vector<16xi32>], vector<16xi32>, vector<16xi1>
          %slice3A_245 = vector.extract_strided_slice %masked_cumsum3A_225 {offsets = [15], sizes = [1], strides = [1]} : vector<16xi32> to vector<1xi32>
          %squeeze3A_246 = vector.extract %slice3A_245[0] : i32 from vector<1xi32>
          %add3A_247 = arith.addi %add3A_205, %squeeze3A_246 : i32
          scf.yield %add3A_247 : i32
        }
        %scan3A_147 = arith.constant 64 : i32
        %add3A_148 = arith.constant 1 : i32
        %add3A_149 = arith.addi %scan3A_106, %add3A_148 : i32
        %lt3A_150 = arith.constant 98 : i32
        %lt3A_151 = arith.cmpi slt, %add3A_149, %lt3A_150 : i32
        %convert_element_type3A_152 = arith.extui %lt3A_151 : i1 to i32
        %cond3A_153 = arith.constant 0 : i32
        %cond3A_154 = arith.cmpi ne, %convert_element_type3A_152, %cond3A_153 : i32
        scf.if %cond3A_154 {
          %mul3A_167 = arith.constant 98 : i32
          %mul3A_168 = arith.muli %arg1, %mul3A_167 : i32
          %add3A_169 = arith.addi %mul3A_168, %scan3A_106 : i32
          %add3A_170 = arith.constant 1 : i32
          %add3A_171 = arith.addi %add3A_169, %add3A_170 : i32
          %mul3A_172 = arith.constant 2048 : i32
          %mul3A_173 = arith.muli %add3A_171, %mul3A_172 : i32
          %dma_start3A_174 = tpu.memref_slice %arg2[%mul3A_173] : memref<3211264xi32, #tpu.memory_space<hbm>> -> memref<2048xi32, #tpu.memory_space<hbm>>
          %dma_start3A_175 = tpu.memref_slice %arg2[%mul3A_173] : memref<3211264xi32, #tpu.memory_space<hbm>> -> memref<2048xi32, #tpu.memory_space<hbm>>
          tpu.enqueue_dma source(%dma_start3A_175 : memref<2048xi32, #tpu.memory_space<hbm>>) target(%arg7 : memref<2048xi32, #tpu.memory_space<vmem>>) target_semaphore(%arg14 : memref<!tpu.dma_semaphore, #tpu.memory_space<semaphore_mem>>)
        } else {
        }
        %shift_right_logical3A_155 = arith.constant 7 : i32
        %shift_right_logical3A_156 = arith.shrui %scan3A_107, %shift_right_logical3A_155 : i32
        %shift_right_logical3A_157 = arith.constant 7 : i32
        %shift_right_logical3A_158 = arith.shrui %scan3A_146, %shift_right_logical3A_157 : i32
        %while3A = arith.constant 0 : i32
        %while3A_159 = arith.subi %shift_right_logical3A_158, %shift_right_logical3A_156 : i32
        %while3A_160 = arith.addi %shift_right_logical3A_156, %while3A_159 : i32
        %while3A_161 = arith.constant 1 : i32
        %while3A_162 = arith.divsi %while3A_159, %while3A_161 : i32
        %while3A_163 = arith.muli %while3A_162, %while3A_161 : i32
        %while3A_164 = arith.addi %shift_right_logical3A_156, %while3A_163 : i32
        %while3A_165 = arith.constant 1 : i32
        scf.for %while3A_167 = %shift_right_logical3A_156 to %while3A_164 step %while3A_165  : i32 {
          %jit3A_168 = arith.constant 2 : i32
          %eq3A_169 = arith.constant 0 : i32
          %eq3A_170 = arith.cmpi eq, %jit3A_168, %eq3A_169 : i32
          %jit3A_171 = arith.constant 1 : i32
          %select_n3A_172 = arith.select %eq3A_170, %jit3A_171, %jit3A_168 : i32
          %rem3A_173 = arith.remsi %while3A_167, %select_n3A_172 : i32
          %ne3A_174 = arith.constant 0 : i32
          %ne3A_175 = arith.cmpi ne, %rem3A_173, %ne3A_174 : i32
          %lt3A_176 = arith.constant 0 : i32
          %lt3A_177 = arith.cmpi slt, %rem3A_173, %lt3A_176 : i32
          %lt3A_178 = arith.constant 0 : i32
          %lt3A_179 = arith.cmpi slt, %select_n3A_172, %lt3A_178 : i32
          %ne3A_180 = arith.xori %lt3A_177, %lt3A_179 : i1
          %and3A_181 = arith.andi %ne3A_180, %ne3A_175 : i1
          %add3A_182 = arith.addi %rem3A_173, %select_n3A_172 : i32
          %select_n3A_183 = arith.select %and3A_181, %add3A_182, %rem3A_173 : i32
          %ge3A_184 = arith.constant 2 : i32
          %ge3A_185 = arith.cmpi sge, %while3A_167, %ge3A_184 : i32
          %convert_element_type3A_186 = arith.extui %ge3A_185 : i1 to i32
          %cond3A_187 = arith.constant 0 : i32
          %cond3A_188 = arith.cmpi ne, %convert_element_type3A_186, %cond3A_187 : i32
          scf.if %cond3A_188 {
            %dma_wait3A_222 = arith.constant 0 : i32
            %dma_wait3A_223 = arith.constant 0 : i32
            %dma_wait3A_224 = tpu.memref_slice %arg11[%dma_wait3A_222, %dma_wait3A_223] : memref<256x128xf32, #tpu.memory_space<vmem>> -> memref<128x128xf32, #tpu.memory_space<vmem>>
            %dma_wait3A_225 = arith.constant 0 : i32
            %dma_wait3A_226 = arith.constant 0 : i32
            %dma_wait3A_227 = tpu.memref_slice %arg12[%dma_wait3A_225, %dma_wait3A_226] : memref<10248x128xf32, #tpu.memory_space<vmem_shared>> -> memref<128x128xf32, #tpu.memory_space<vmem_shared>>
            %dma_wait3A_228 = tpu.memref_slice %arg16[%select_n3A_183] : memref<2x!tpu.dma_semaphore, #tpu.memory_space<semaphore_mem>> -> memref<1x!tpu.dma_semaphore, #tpu.memory_space<semaphore_mem>>
            %dma_wait3A_229 = tpu.memref_squeeze %dma_wait3A_228 : memref<1x!tpu.dma_semaphore, #tpu.memory_space<semaphore_mem>> -> memref<!tpu.dma_semaphore, #tpu.memory_space<semaphore_mem>>
            %dma_wait3A_230 = arith.constant 0 : i32
            %dma_wait3A_231 = arith.constant 0 : i32
            %dma_wait3A_232 = tpu.memref_slice %arg12[%dma_wait3A_230, %dma_wait3A_231] : memref<10248x128xf32, #tpu.memory_space<vmem_shared>> -> memref<128x128xf32, #tpu.memory_space<vmem_shared>>
            %dma_wait3A_233 = arith.constant 0 : i32
            %dma_wait3A_234 = arith.constant 0 : i32
            %dma_wait3A_235 = tpu.memref_slice %arg11[%dma_wait3A_233, %dma_wait3A_234] : memref<256x128xf32, #tpu.memory_space<vmem>> -> memref<128x128xf32, #tpu.memory_space<vmem>>
            tpu.wait_dma2 semaphore(%dma_wait3A_229 : memref<!tpu.dma_semaphore, #tpu.memory_space<semaphore_mem>>) src(%dma_wait3A_235 : memref<128x128xf32, #tpu.memory_space<vmem>>) dst(%dma_wait3A_232 : memref<128x128xf32, #tpu.memory_space<vmem_shared>>)
          } else {
          }
          %jit3A_189 = arith.constant 32 : i32
          %eq3A_190 = arith.constant 0 : i32
          %eq3A_191 = arith.cmpi eq, %jit3A_189, %eq3A_190 : i32
          %jit3A_192 = arith.constant 1 : i32
          %select_n3A_193 = arith.select %eq3A_191, %jit3A_192, %jit3A_189 : i32
          %rem3A_194 = arith.remsi %while3A_167, %select_n3A_193 : i32
          %ne3A_195 = arith.constant 0 : i32
          %ne3A_196 = arith.cmpi ne, %rem3A_194, %ne3A_195 : i32
          %lt3A_197 = arith.constant 0 : i32
          %lt3A_198 = arith.cmpi slt, %rem3A_194, %lt3A_197 : i32
          %lt3A_199 = arith.constant 0 : i32
          %lt3A_200 = arith.cmpi slt, %select_n3A_193, %lt3A_199 : i32
          %ne3A_201 = arith.xori %lt3A_198, %lt3A_200 : i1
          %and3A_202 = arith.andi %ne3A_201, %ne3A_196 : i1
          %add3A_203 = arith.addi %rem3A_194, %select_n3A_193 : i32
          %select_n3A_204 = arith.select %and3A_202, %add3A_203, %rem3A_194 : i32
          %mul3A_205 = arith.constant 128 : i32
          %mul3A_206 = arith.muli %select_n3A_204, %mul3A_205 : i32
          %mul3A_207 = arith.constant 128 : i32
          %mul3A_208 = arith.muli %select_n3A_183, %mul3A_207 : i32
          %dma_start3A_209 = arith.constant 0 : i32
          %dma_start3A_210 = tpu.memref_slice %arg11[%mul3A_208, %dma_start3A_209] : memref<256x128xf32, #tpu.memory_space<vmem>> -> memref<128x128xf32, #tpu.memory_space<vmem>>
          %dma_start3A_211 = tpu.memref_slice %arg9[%mul3A_206] : memref<4096xi32, #tpu.memory_space<vmem>> -> memref<128xi32, #tpu.memory_space<vmem>>
          %dma_start3A_212 = arith.constant 0 : i32
          %dma_start3A_213 = arith.constant 0 : i32
          %dma_start3A_214 = tpu.memref_slice %arg4[%dma_start3A_212, %dma_start3A_213] : memref<102400x128xf32, #tpu.memory_space<hbm>> -> memref<102400x128xf32, #tpu.memory_space<hbm>>
          %dma_start3A_215 = tpu.memref_slice %arg15[%select_n3A_183] : memref<2x!tpu.dma_semaphore, #tpu.memory_space<semaphore_mem>> -> memref<1x!tpu.dma_semaphore, #tpu.memory_space<semaphore_mem>>
          %dma_start3A_216 = tpu.memref_squeeze %dma_start3A_215 : memref<1x!tpu.dma_semaphore, #tpu.memory_space<semaphore_mem>> -> memref<!tpu.dma_semaphore, #tpu.memory_space<semaphore_mem>>
          tpu.enqueue_indirect_dma source(%dma_start3A_214 : memref<102400x128xf32, #tpu.memory_space<hbm>>) target(%dma_start3A_210 : memref<128x128xf32, #tpu.memory_space<vmem>>) offsets(%dma_start3A_211 : memref<128xi32, #tpu.memory_space<vmem>>) semaphore(%dma_start3A_216 : memref<!tpu.dma_semaphore, #tpu.memory_space<semaphore_mem>>)
          %ge3A_217 = arith.constant 1 : i32
          %ge3A_218 = arith.cmpi sge, %while3A_167, %ge3A_217 : i32
          %convert_element_type3A_219 = arith.extui %ge3A_218 : i1 to i32
          %cond3A_220 = arith.constant 0 : i32
          %cond3A_221 = arith.cmpi ne, %convert_element_type3A_219, %cond3A_220 : i32
          scf.if %cond3A_221 {
            %sub3A = arith.constant 1 : i32
            %sub3A_222 = arith.subi %while3A_167, %sub3A : i32
            %jit3A_223 = arith.constant 2 : i32
            %eq3A_224 = arith.constant 0 : i32
            %eq3A_225 = arith.cmpi eq, %jit3A_223, %eq3A_224 : i32
            %jit3A_226 = arith.constant 1 : i32
            %select_n3A_227 = arith.select %eq3A_225, %jit3A_226, %jit3A_223 : i32
            %rem3A_228 = arith.remsi %sub3A_222, %select_n3A_227 : i32
            %ne3A_229 = arith.constant 0 : i32
            %ne3A_230 = arith.cmpi ne, %rem3A_228, %ne3A_229 : i32
            %lt3A_231 = arith.constant 0 : i32
            %lt3A_232 = arith.cmpi slt, %rem3A_228, %lt3A_231 : i32
            %lt3A_233 = arith.constant 0 : i32
            %lt3A_234 = arith.cmpi slt, %select_n3A_227, %lt3A_233 : i32
            %ne3A_235 = arith.xori %lt3A_232, %lt3A_234 : i1
            %and3A_236 = arith.andi %ne3A_235, %ne3A_230 : i1
            %add3A_237 = arith.addi %rem3A_228, %select_n3A_227 : i32
            %select_n3A_238 = arith.select %and3A_236, %add3A_237, %rem3A_228 : i32
            %dma_wait3A_239 = arith.constant 0 : i32
            %dma_wait3A_240 = arith.constant 0 : i32
            %dma_wait3A_241 = tpu.memref_slice %arg11[%dma_wait3A_239, %dma_wait3A_240] : memref<256x128xf32, #tpu.memory_space<vmem>> -> memref<128x128xf32, #tpu.memory_space<vmem>>
            %dma_wait3A_242 = arith.constant 0 : i32
            %dma_wait3A_243 = arith.constant 0 : i32
            %dma_wait3A_244 = tpu.memref_slice %arg4[%dma_wait3A_242, %dma_wait3A_243] : memref<102400x128xf32, #tpu.memory_space<hbm>> -> memref<128x128xf32, #tpu.memory_space<hbm>>
            %dma_wait3A_245 = tpu.memref_slice %arg15[%select_n3A_238] : memref<2x!tpu.dma_semaphore, #tpu.memory_space<semaphore_mem>> -> memref<1x!tpu.dma_semaphore, #tpu.memory_space<semaphore_mem>>
            %dma_wait3A_246 = tpu.memref_squeeze %dma_wait3A_245 : memref<1x!tpu.dma_semaphore, #tpu.memory_space<semaphore_mem>> -> memref<!tpu.dma_semaphore, #tpu.memory_space<semaphore_mem>>
            %dma_wait3A_247 = arith.constant 0 : i32
            %dma_wait3A_248 = arith.constant 0 : i32
            %dma_wait3A_249 = tpu.memref_slice %arg11[%dma_wait3A_247, %dma_wait3A_248] : memref<256x128xf32, #tpu.memory_space<vmem>> -> memref<128x128xf32, #tpu.memory_space<vmem>>
            %dma_wait3A_250 = arith.constant 0 : i32
            %dma_wait3A_251 = arith.constant 0 : i32
            %dma_wait3A_252 = tpu.memref_slice %arg4[%dma_wait3A_250, %dma_wait3A_251] : memref<102400x128xf32, #tpu.memory_space<hbm>> -> memref<128x128xf32, #tpu.memory_space<hbm>>
            tpu.wait_dma2 semaphore(%dma_wait3A_246 : memref<!tpu.dma_semaphore, #tpu.memory_space<semaphore_mem>>) src(%dma_wait3A_252 : memref<128x128xf32, #tpu.memory_space<hbm>>) dst(%dma_wait3A_249 : memref<128x128xf32, #tpu.memory_space<vmem>>)
            %mul3A_253 = arith.constant 128 : i32
            %mul3A_254 = arith.muli %select_n3A_238, %mul3A_253 : i32
            %jit3A_255 = arith.constant 32 : i32
            %eq3A_256 = arith.constant 0 : i32
            %eq3A_257 = arith.cmpi eq, %jit3A_255, %eq3A_256 : i32
            %jit3A_258 = arith.constant 1 : i32
            %select_n3A_259 = arith.select %eq3A_257, %jit3A_258, %jit3A_255 : i32
            %rem3A_260 = arith.remsi %sub3A_222, %select_n3A_259 : i32
            %ne3A_261 = arith.constant 0 : i32
            %ne3A_262 = arith.cmpi ne, %rem3A_260, %ne3A_261 : i32
            %lt3A_263 = arith.constant 0 : i32
            %lt3A_264 = arith.cmpi slt, %rem3A_260, %lt3A_263 : i32
            %lt3A_265 = arith.constant 0 : i32
            %lt3A_266 = arith.cmpi slt, %select_n3A_259, %lt3A_265 : i32
            %ne3A_267 = arith.xori %lt3A_264, %lt3A_266 : i1
            %and3A_268 = arith.andi %ne3A_267, %ne3A_262 : i1
            %add3A_269 = arith.addi %rem3A_260, %select_n3A_259 : i32
            %select_n3A_270 = arith.select %and3A_268, %add3A_269, %rem3A_260 : i32
            %dma_start3A_271 = arith.constant 0 : i32
            %dma_start3A_272 = tpu.memref_slice %arg11[%mul3A_254, %dma_start3A_271] : memref<256x128xf32, #tpu.memory_space<vmem>> -> memref<128x128xf32, #tpu.memory_space<vmem>>
            %dma_start3A_273 = arith.constant 0 : i32
            %dma_start3A_274 = tpu.memref_slice %arg10[%select_n3A_270, %dma_start3A_273] : memref<32x128xi32, #tpu.memory_space<vmem>> -> memref<1x128xi32, #tpu.memory_space<vmem>>
            %dma_start3A_275 = tpu.memref_squeeze %dma_start3A_274 : memref<1x128xi32, #tpu.memory_space<vmem>> -> memref<128xi32, #tpu.memory_space<vmem>>
            %dma_start3A_276 = arith.constant 0 : i32
            %dma_start3A_277 = arith.constant 0 : i32
            %dma_start3A_278 = tpu.memref_slice %arg12[%dma_start3A_276, %dma_start3A_277] : memref<10248x128xf32, #tpu.memory_space<vmem_shared>> -> memref<10248x128xf32, #tpu.memory_space<vmem_shared>>
            %dma_start3A_279 = tpu.memref_slice %arg16[%select_n3A_238] : memref<2x!tpu.dma_semaphore, #tpu.memory_space<semaphore_mem>> -> memref<1x!tpu.dma_semaphore, #tpu.memory_space<semaphore_mem>>
            %dma_start3A_280 = tpu.memref_squeeze %dma_start3A_279 : memref<1x!tpu.dma_semaphore, #tpu.memory_space<semaphore_mem>> -> memref<!tpu.dma_semaphore, #tpu.memory_space<semaphore_mem>>
            tpu.enqueue_indirect_dma source(%dma_start3A_272 : memref<128x128xf32, #tpu.memory_space<vmem>>) target(%dma_start3A_278 : memref<10248x128xf32, #tpu.memory_space<vmem_shared>>) offsets(%dma_start3A_275 : memref<128xi32, #tpu.memory_space<vmem>>) semaphore(%dma_start3A_280 : memref<!tpu.dma_semaphore, #tpu.memory_space<semaphore_mem>>) {add = true}
          } else {
          }
        }
        %while3A_166 = arith.constant 1 : i32
        scf.for %while3A_167 = %while3A_164 to %while3A_160 step %while3A_166  : i32 {
          %jit3A_168 = arith.constant 2 : i32
          %eq3A_169 = arith.constant 0 : i32
          %eq3A_170 = arith.cmpi eq, %jit3A_168, %eq3A_169 : i32
          %jit3A_171 = arith.constant 1 : i32
          %select_n3A_172 = arith.select %eq3A_170, %jit3A_171, %jit3A_168 : i32
          %rem3A_173 = arith.remsi %while3A_167, %select_n3A_172 : i32
          %ne3A_174 = arith.constant 0 : i32
          %ne3A_175 = arith.cmpi ne, %rem3A_173, %ne3A_174 : i32
          %lt3A_176 = arith.constant 0 : i32
          %lt3A_177 = arith.cmpi slt, %rem3A_173, %lt3A_176 : i32
          %lt3A_178 = arith.constant 0 : i32
          %lt3A_179 = arith.cmpi slt, %select_n3A_172, %lt3A_178 : i32
          %ne3A_180 = arith.xori %lt3A_177, %lt3A_179 : i1
          %and3A_181 = arith.andi %ne3A_180, %ne3A_175 : i1
          %add3A_182 = arith.addi %rem3A_173, %select_n3A_172 : i32
          %select_n3A_183 = arith.select %and3A_181, %add3A_182, %rem3A_173 : i32
          %ge3A_184 = arith.constant 2 : i32
          %ge3A_185 = arith.cmpi sge, %while3A_167, %ge3A_184 : i32
          %convert_element_type3A_186 = arith.extui %ge3A_185 : i1 to i32
          %cond3A_187 = arith.constant 0 : i32
          %cond3A_188 = arith.cmpi ne, %convert_element_type3A_186, %cond3A_187 : i32
          scf.if %cond3A_188 {
            %dma_wait3A_222 = arith.constant 0 : i32
            %dma_wait3A_223 = arith.constant 0 : i32
            %dma_wait3A_224 = tpu.memref_slice %arg11[%dma_wait3A_222, %dma_wait3A_223] : memref<256x128xf32, #tpu.memory_space<vmem>> -> memref<128x128xf32, #tpu.memory_space<vmem>>
            %dma_wait3A_225 = arith.constant 0 : i32
            %dma_wait3A_226 = arith.constant 0 : i32
            %dma_wait3A_227 = tpu.memref_slice %arg12[%dma_wait3A_225, %dma_wait3A_226] : memref<10248x128xf32, #tpu.memory_space<vmem_shared>> -> memref<128x128xf32, #tpu.memory_space<vmem_shared>>
            %dma_wait3A_228 = tpu.memref_slice %arg16[%select_n3A_183] : memref<2x!tpu.dma_semaphore, #tpu.memory_space<semaphore_mem>> -> memref<1x!tpu.dma_semaphore, #tpu.memory_space<semaphore_mem>>
            %dma_wait3A_229 = tpu.memref_squeeze %dma_wait3A_228 : memref<1x!tpu.dma_semaphore, #tpu.memory_space<semaphore_mem>> -> memref<!tpu.dma_semaphore, #tpu.memory_space<semaphore_mem>>
            %dma_wait3A_230 = arith.constant 0 : i32
            %dma_wait3A_231 = arith.constant 0 : i32
            %dma_wait3A_232 = tpu.memref_slice %arg12[%dma_wait3A_230, %dma_wait3A_231] : memref<10248x128xf32, #tpu.memory_space<vmem_shared>> -> memref<128x128xf32, #tpu.memory_space<vmem_shared>>
            %dma_wait3A_233 = arith.constant 0 : i32
            %dma_wait3A_234 = arith.constant 0 : i32
            %dma_wait3A_235 = tpu.memref_slice %arg11[%dma_wait3A_233, %dma_wait3A_234] : memref<256x128xf32, #tpu.memory_space<vmem>> -> memref<128x128xf32, #tpu.memory_space<vmem>>
            tpu.wait_dma2 semaphore(%dma_wait3A_229 : memref<!tpu.dma_semaphore, #tpu.memory_space<semaphore_mem>>) src(%dma_wait3A_235 : memref<128x128xf32, #tpu.memory_space<vmem>>) dst(%dma_wait3A_232 : memref<128x128xf32, #tpu.memory_space<vmem_shared>>)
          } else {
          }
          %jit3A_189 = arith.constant 32 : i32
          %eq3A_190 = arith.constant 0 : i32
          %eq3A_191 = arith.cmpi eq, %jit3A_189, %eq3A_190 : i32
          %jit3A_192 = arith.constant 1 : i32
          %select_n3A_193 = arith.select %eq3A_191, %jit3A_192, %jit3A_189 : i32
          %rem3A_194 = arith.remsi %while3A_167, %select_n3A_193 : i32
          %ne3A_195 = arith.constant 0 : i32
          %ne3A_196 = arith.cmpi ne, %rem3A_194, %ne3A_195 : i32
          %lt3A_197 = arith.constant 0 : i32
          %lt3A_198 = arith.cmpi slt, %rem3A_194, %lt3A_197 : i32
          %lt3A_199 = arith.constant 0 : i32
          %lt3A_200 = arith.cmpi slt, %select_n3A_193, %lt3A_199 : i32
          %ne3A_201 = arith.xori %lt3A_198, %lt3A_200 : i1
          %and3A_202 = arith.andi %ne3A_201, %ne3A_196 : i1
          %add3A_203 = arith.addi %rem3A_194, %select_n3A_193 : i32
          %select_n3A_204 = arith.select %and3A_202, %add3A_203, %rem3A_194 : i32
          %mul3A_205 = arith.constant 128 : i32
          %mul3A_206 = arith.muli %select_n3A_204, %mul3A_205 : i32
          %mul3A_207 = arith.constant 128 : i32
          %mul3A_208 = arith.muli %select_n3A_183, %mul3A_207 : i32
          %dma_start3A_209 = arith.constant 0 : i32
          %dma_start3A_210 = tpu.memref_slice %arg11[%mul3A_208, %dma_start3A_209] : memref<256x128xf32, #tpu.memory_space<vmem>> -> memref<128x128xf32, #tpu.memory_space<vmem>>
          %dma_start3A_211 = tpu.memref_slice %arg9[%mul3A_206] : memref<4096xi32, #tpu.memory_space<vmem>> -> memref<128xi32, #tpu.memory_space<vmem>>
          %dma_start3A_212 = arith.constant 0 : i32
          %dma_start3A_213 = arith.constant 0 : i32
          %dma_start3A_214 = tpu.memref_slice %arg4[%dma_start3A_212, %dma_start3A_213] : memref<102400x128xf32, #tpu.memory_space<hbm>> -> memref<102400x128xf32, #tpu.memory_space<hbm>>
          %dma_start3A_215 = tpu.memref_slice %arg15[%select_n3A_183] : memref<2x!tpu.dma_semaphore, #tpu.memory_space<semaphore_mem>> -> memref<1x!tpu.dma_semaphore, #tpu.memory_space<semaphore_mem>>
          %dma_start3A_216 = tpu.memref_squeeze %dma_start3A_215 : memref<1x!tpu.dma_semaphore, #tpu.memory_space<semaphore_mem>> -> memref<!tpu.dma_semaphore, #tpu.memory_space<semaphore_mem>>
          tpu.enqueue_indirect_dma source(%dma_start3A_214 : memref<102400x128xf32, #tpu.memory_space<hbm>>) target(%dma_start3A_210 : memref<128x128xf32, #tpu.memory_space<vmem>>) offsets(%dma_start3A_211 : memref<128xi32, #tpu.memory_space<vmem>>) semaphore(%dma_start3A_216 : memref<!tpu.dma_semaphore, #tpu.memory_space<semaphore_mem>>)
          %ge3A_217 = arith.constant 1 : i32
          %ge3A_218 = arith.cmpi sge, %while3A_167, %ge3A_217 : i32
          %convert_element_type3A_219 = arith.extui %ge3A_218 : i1 to i32
          %cond3A_220 = arith.constant 0 : i32
          %cond3A_221 = arith.cmpi ne, %convert_element_type3A_219, %cond3A_220 : i32
          scf.if %cond3A_221 {
            %sub3A = arith.constant 1 : i32
            %sub3A_222 = arith.subi %while3A_167, %sub3A : i32
            %jit3A_223 = arith.constant 2 : i32
            %eq3A_224 = arith.constant 0 : i32
            %eq3A_225 = arith.cmpi eq, %jit3A_223, %eq3A_224 : i32
            %jit3A_226 = arith.constant 1 : i32
            %select_n3A_227 = arith.select %eq3A_225, %jit3A_226, %jit3A_223 : i32
            %rem3A_228 = arith.remsi %sub3A_222, %select_n3A_227 : i32
            %ne3A_229 = arith.constant 0 : i32
            %ne3A_230 = arith.cmpi ne, %rem3A_228, %ne3A_229 : i32
            %lt3A_231 = arith.constant 0 : i32
            %lt3A_232 = arith.cmpi slt, %rem3A_228, %lt3A_231 : i32
            %lt3A_233 = arith.constant 0 : i32
            %lt3A_234 = arith.cmpi slt, %select_n3A_227, %lt3A_233 : i32
            %ne3A_235 = arith.xori %lt3A_232, %lt3A_234 : i1
            %and3A_236 = arith.andi %ne3A_235, %ne3A_230 : i1
            %add3A_237 = arith.addi %rem3A_228, %select_n3A_227 : i32
            %select_n3A_238 = arith.select %and3A_236, %add3A_237, %rem3A_228 : i32
            %dma_wait3A_239 = arith.constant 0 : i32
            %dma_wait3A_240 = arith.constant 0 : i32
            %dma_wait3A_241 = tpu.memref_slice %arg11[%dma_wait3A_239, %dma_wait3A_240] : memref<256x128xf32, #tpu.memory_space<vmem>> -> memref<128x128xf32, #tpu.memory_space<vmem>>
            %dma_wait3A_242 = arith.constant 0 : i32
            %dma_wait3A_243 = arith.constant 0 : i32
            %dma_wait3A_244 = tpu.memref_slice %arg4[%dma_wait3A_242, %dma_wait3A_243] : memref<102400x128xf32, #tpu.memory_space<hbm>> -> memref<128x128xf32, #tpu.memory_space<hbm>>
            %dma_wait3A_245 = tpu.memref_slice %arg15[%select_n3A_238] : memref<2x!tpu.dma_semaphore, #tpu.memory_space<semaphore_mem>> -> memref<1x!tpu.dma_semaphore, #tpu.memory_space<semaphore_mem>>
            %dma_wait3A_246 = tpu.memref_squeeze %dma_wait3A_245 : memref<1x!tpu.dma_semaphore, #tpu.memory_space<semaphore_mem>> -> memref<!tpu.dma_semaphore, #tpu.memory_space<semaphore_mem>>
            %dma_wait3A_247 = arith.constant 0 : i32
            %dma_wait3A_248 = arith.constant 0 : i32
            %dma_wait3A_249 = tpu.memref_slice %arg11[%dma_wait3A_247, %dma_wait3A_248] : memref<256x128xf32, #tpu.memory_space<vmem>> -> memref<128x128xf32, #tpu.memory_space<vmem>>
            %dma_wait3A_250 = arith.constant 0 : i32
            %dma_wait3A_251 = arith.constant 0 : i32
            %dma_wait3A_252 = tpu.memref_slice %arg4[%dma_wait3A_250, %dma_wait3A_251] : memref<102400x128xf32, #tpu.memory_space<hbm>> -> memref<128x128xf32, #tpu.memory_space<hbm>>
            tpu.wait_dma2 semaphore(%dma_wait3A_246 : memref<!tpu.dma_semaphore, #tpu.memory_space<semaphore_mem>>) src(%dma_wait3A_252 : memref<128x128xf32, #tpu.memory_space<hbm>>) dst(%dma_wait3A_249 : memref<128x128xf32, #tpu.memory_space<vmem>>)
            %mul3A_253 = arith.constant 128 : i32
            %mul3A_254 = arith.muli %select_n3A_238, %mul3A_253 : i32
            %jit3A_255 = arith.constant 32 : i32
            %eq3A_256 = arith.constant 0 : i32
            %eq3A_257 = arith.cmpi eq, %jit3A_255, %eq3A_256 : i32
            %jit3A_258 = arith.constant 1 : i32
            %select_n3A_259 = arith.select %eq3A_257, %jit3A_258, %jit3A_255 : i32
            %rem3A_260 = arith.remsi %sub3A_222, %select_n3A_259 : i32
            %ne3A_261 = arith.constant 0 : i32
            %ne3A_262 = arith.cmpi ne, %rem3A_260, %ne3A_261 : i32
            %lt3A_263 = arith.constant 0 : i32
            %lt3A_264 = arith.cmpi slt, %rem3A_260, %lt3A_263 : i32
            %lt3A_265 = arith.constant 0 : i32
            %lt3A_266 = arith.cmpi slt, %select_n3A_259, %lt3A_265 : i32
            %ne3A_267 = arith.xori %lt3A_264, %lt3A_266 : i1
            %and3A_268 = arith.andi %ne3A_267, %ne3A_262 : i1
            %add3A_269 = arith.addi %rem3A_260, %select_n3A_259 : i32
            %select_n3A_270 = arith.select %and3A_268, %add3A_269, %rem3A_260 : i32
            %dma_start3A_271 = arith.constant 0 : i32
            %dma_start3A_272 = tpu.memref_slice %arg11[%mul3A_254, %dma_start3A_271] : memref<256x128xf32, #tpu.memory_space<vmem>> -> memref<128x128xf32, #tpu.memory_space<vmem>>
            %dma_start3A_273 = arith.constant 0 : i32
            %dma_start3A_274 = tpu.memref_slice %arg10[%select_n3A_270, %dma_start3A_273] : memref<32x128xi32, #tpu.memory_space<vmem>> -> memref<1x128xi32, #tpu.memory_space<vmem>>
            %dma_start3A_275 = tpu.memref_squeeze %dma_start3A_274 : memref<1x128xi32, #tpu.memory_space<vmem>> -> memref<128xi32, #tpu.memory_space<vmem>>
            %dma_start3A_276 = arith.constant 0 : i32
            %dma_start3A_277 = arith.constant 0 : i32
            %dma_start3A_278 = tpu.memref_slice %arg12[%dma_start3A_276, %dma_start3A_277] : memref<10248x128xf32, #tpu.memory_space<vmem_shared>> -> memref<10248x128xf32, #tpu.memory_space<vmem_shared>>
            %dma_start3A_279 = tpu.memref_slice %arg16[%select_n3A_238] : memref<2x!tpu.dma_semaphore, #tpu.memory_space<semaphore_mem>> -> memref<1x!tpu.dma_semaphore, #tpu.memory_space<semaphore_mem>>
            %dma_start3A_280 = tpu.memref_squeeze %dma_start3A_279 : memref<1x!tpu.dma_semaphore, #tpu.memory_space<semaphore_mem>> -> memref<!tpu.dma_semaphore, #tpu.memory_space<semaphore_mem>>
            tpu.enqueue_indirect_dma source(%dma_start3A_272 : memref<128x128xf32, #tpu.memory_space<vmem>>) target(%dma_start3A_278 : memref<10248x128xf32, #tpu.memory_space<vmem_shared>>) offsets(%dma_start3A_275 : memref<128xi32, #tpu.memory_space<vmem>>) semaphore(%dma_start3A_280 : memref<!tpu.dma_semaphore, #tpu.memory_space<semaphore_mem>>) {add = true}
          } else {
          }
        }
        scf.yield %scan3A_146 : i32
      }
      %scan3A_52 = arith.constant 98 : i32
      %shift_right_logical3A = arith.constant 7 : i32
      %shift_right_logical3A_53 = arith.shrui %scan3A_51, %shift_right_logical3A : i32
      %ge3A = arith.constant 1 : i32
      %ge3A_54 = arith.cmpi sge, %shift_right_logical3A_53, %ge3A : i32
      %convert_element_type3A = arith.extui %ge3A_54 : i1 to i32
      %cond3A = arith.constant 0 : i32
      %cond3A_55 = arith.cmpi ne, %convert_element_type3A, %cond3A : i32
      scf.if %cond3A_55 {
        %sub3A = arith.constant 1 : i32
        %sub3A_106 = arith.subi %shift_right_logical3A_53, %sub3A : i32
        %jit3A_107 = arith.constant 2 : i32
        %eq3A = arith.constant 0 : i32
        %eq3A_108 = arith.cmpi eq, %jit3A_107, %eq3A : i32
        %jit3A_109 = arith.constant 1 : i32
        %select_n3A_110 = arith.select %eq3A_108, %jit3A_109, %jit3A_107 : i32
        %rem3A = arith.remsi %sub3A_106, %select_n3A_110 : i32
        %ne3A = arith.constant 0 : i32
        %ne3A_111 = arith.cmpi ne, %rem3A, %ne3A : i32
        %lt3A = arith.constant 0 : i32
        %lt3A_112 = arith.cmpi slt, %rem3A, %lt3A : i32
        %lt3A_113 = arith.constant 0 : i32
        %lt3A_114 = arith.cmpi slt, %select_n3A_110, %lt3A_113 : i32
        %ne3A_115 = arith.xori %lt3A_112, %lt3A_114 : i1
        %and3A_116 = arith.andi %ne3A_115, %ne3A_111 : i1
        %add3A_117 = arith.addi %rem3A, %select_n3A_110 : i32
        %select_n3A_118 = arith.select %and3A_116, %add3A_117, %rem3A : i32
        %dma_wait3A = arith.constant 0 : i32
        %dma_wait3A_119 = arith.constant 0 : i32
        %dma_wait3A_120 = tpu.memref_slice %arg11[%dma_wait3A, %dma_wait3A_119] : memref<256x128xf32, #tpu.memory_space<vmem>> -> memref<128x128xf32, #tpu.memory_space<vmem>>
        %dma_wait3A_121 = arith.constant 0 : i32
        %dma_wait3A_122 = arith.constant 0 : i32
        %dma_wait3A_123 = tpu.memref_slice %arg4[%dma_wait3A_121, %dma_wait3A_122] : memref<102400x128xf32, #tpu.memory_space<hbm>> -> memref<128x128xf32, #tpu.memory_space<hbm>>
        %dma_wait3A_124 = tpu.memref_slice %arg15[%select_n3A_118] : memref<2x!tpu.dma_semaphore, #tpu.memory_space<semaphore_mem>> -> memref<1x!tpu.dma_semaphore, #tpu.memory_space<semaphore_mem>>
        %dma_wait3A_125 = tpu.memref_squeeze %dma_wait3A_124 : memref<1x!tpu.dma_semaphore, #tpu.memory_space<semaphore_mem>> -> memref<!tpu.dma_semaphore, #tpu.memory_space<semaphore_mem>>
        %dma_wait3A_126 = arith.constant 0 : i32
        %dma_wait3A_127 = arith.constant 0 : i32
        %dma_wait3A_128 = tpu.memref_slice %arg11[%dma_wait3A_126, %dma_wait3A_127] : memref<256x128xf32, #tpu.memory_space<vmem>> -> memref<128x128xf32, #tpu.memory_space<vmem>>
        %dma_wait3A_129 = arith.constant 0 : i32
        %dma_wait3A_130 = arith.constant 0 : i32
        %dma_wait3A_131 = tpu.memref_slice %arg4[%dma_wait3A_129, %dma_wait3A_130] : memref<102400x128xf32, #tpu.memory_space<hbm>> -> memref<128x128xf32, #tpu.memory_space<hbm>>
        tpu.wait_dma2 semaphore(%dma_wait3A_125 : memref<!tpu.dma_semaphore, #tpu.memory_space<semaphore_mem>>) src(%dma_wait3A_131 : memref<128x128xf32, #tpu.memory_space<hbm>>) dst(%dma_wait3A_128 : memref<128x128xf32, #tpu.memory_space<vmem>>)
        %mul3A_132 = arith.constant 128 : i32
        %mul3A_133 = arith.muli %select_n3A_118, %mul3A_132 : i32
        %jit3A_134 = arith.constant 32 : i32
        %eq3A_135 = arith.constant 0 : i32
        %eq3A_136 = arith.cmpi eq, %jit3A_134, %eq3A_135 : i32
        %jit3A_137 = arith.constant 1 : i32
        %select_n3A_138 = arith.select %eq3A_136, %jit3A_137, %jit3A_134 : i32
        %rem3A_139 = arith.remsi %sub3A_106, %select_n3A_138 : i32
        %ne3A_140 = arith.constant 0 : i32
        %ne3A_141 = arith.cmpi ne, %rem3A_139, %ne3A_140 : i32
        %lt3A_142 = arith.constant 0 : i32
        %lt3A_143 = arith.cmpi slt, %rem3A_139, %lt3A_142 : i32
        %lt3A_144 = arith.constant 0 : i32
        %lt3A_145 = arith.cmpi slt, %select_n3A_138, %lt3A_144 : i32
        %ne3A_146 = arith.xori %lt3A_143, %lt3A_145 : i1
        %and3A_147 = arith.andi %ne3A_146, %ne3A_141 : i1
        %add3A_148 = arith.addi %rem3A_139, %select_n3A_138 : i32
        %select_n3A_149 = arith.select %and3A_147, %add3A_148, %rem3A_139 : i32
        %dma_start3A_150 = arith.constant 0 : i32
        %dma_start3A_151 = tpu.memref_slice %arg11[%mul3A_133, %dma_start3A_150] : memref<256x128xf32, #tpu.memory_space<vmem>> -> memref<128x128xf32, #tpu.memory_space<vmem>>
        %dma_start3A_152 = arith.constant 0 : i32
        %dma_start3A_153 = tpu.memref_slice %arg10[%select_n3A_149, %dma_start3A_152] : memref<32x128xi32, #tpu.memory_space<vmem>> -> memref<1x128xi32, #tpu.memory_space<vmem>>
        %dma_start3A_154 = tpu.memref_squeeze %dma_start3A_153 : memref<1x128xi32, #tpu.memory_space<vmem>> -> memref<128xi32, #tpu.memory_space<vmem>>
        %dma_start3A_155 = arith.constant 0 : i32
        %dma_start3A_156 = arith.constant 0 : i32
        %dma_start3A_157 = tpu.memref_slice %arg12[%dma_start3A_155, %dma_start3A_156] : memref<10248x128xf32, #tpu.memory_space<vmem_shared>> -> memref<10248x128xf32, #tpu.memory_space<vmem_shared>>
        %dma_start3A_158 = tpu.memref_slice %arg16[%select_n3A_118] : memref<2x!tpu.dma_semaphore, #tpu.memory_space<semaphore_mem>> -> memref<1x!tpu.dma_semaphore, #tpu.memory_space<semaphore_mem>>
        %dma_start3A_159 = tpu.memref_squeeze %dma_start3A_158 : memref<1x!tpu.dma_semaphore, #tpu.memory_space<semaphore_mem>> -> memref<!tpu.dma_semaphore, #tpu.memory_space<semaphore_mem>>
        tpu.enqueue_indirect_dma source(%dma_start3A_151 : memref<128x128xf32, #tpu.memory_space<vmem>>) target(%dma_start3A_157 : memref<10248x128xf32, #tpu.memory_space<vmem_shared>>) offsets(%dma_start3A_154 : memref<128xi32, #tpu.memory_space<vmem>>) semaphore(%dma_start3A_159 : memref<!tpu.dma_semaphore, #tpu.memory_space<semaphore_mem>>) {add = true}
      } else {
      }
      %and3A = arith.constant 127 : i32
      %and3A_56 = arith.andi %scan3A_51, %and3A : i32
      %gt3A = arith.constant 0 : i32
      %gt3A_57 = arith.cmpi sgt, %and3A_56, %gt3A : i32
      %convert_element_type3A_58 = arith.extui %gt3A_57 : i1 to i32
      %cond3A_59 = arith.constant 0 : i32
      %cond3A_60 = arith.cmpi ne, %convert_element_type3A_58, %cond3A_59 : i32
      scf.if %cond3A_60 {
        %add3A_106 = arith.constant 0 : i32
        %add3A_107 = arith.addi %scan3A_51, %add3A_106 : i32
        %add3A_108 = vector.broadcast %add3A_107 : i32 to vector<16xi32>
        %add3A_109 = arith.addi %add3A_108, %iota3A : vector<16xi32>
        %and3A_110 = arith.constant 4095 : i32
        %and3A_111 = vector.broadcast %and3A_110 : i32 to vector<16xi32>
        %and3A_112 = arith.andi %add3A_109, %and3A_111 : vector<16xi32>
        tpu.vector_store_idx %arg9[%and3A_112], %add3A_4 : memref<4096xi32, #tpu.memory_space<vmem>>[vector<16xi32>], vector<16xi32>,
        %shift_right_logical3A_113 = arith.constant 7 : i32
        %shift_right_logical3A_114 = vector.broadcast %shift_right_logical3A_113 : i32 to vector<16xi32>
        %shift_right_logical3A_115 = arith.shrui %and3A_112, %shift_right_logical3A_114 : vector<16xi32>
        %and3A_116 = arith.constant 31 : i32
        %and3A_117 = vector.broadcast %and3A_116 : i32 to vector<16xi32>
        %and3A_118 = arith.andi %shift_right_logical3A_115, %and3A_117 : vector<16xi32>
        %and3A_119 = arith.constant 127 : i32
        %and3A_120 = vector.broadcast %and3A_119 : i32 to vector<16xi32>
        %and3A_121 = arith.andi %and3A_112, %and3A_120 : vector<16xi32>
        tpu.vector_store_idx %arg10[%and3A_118, %and3A_121], %add3A_31 : memref<32x128xi32, #tpu.memory_space<vmem>>[vector<16xi32>, vector<16xi32>], vector<16xi32>,
        %add3A_122 = arith.constant 16 : i32
        %add3A_123 = arith.addi %scan3A_51, %add3A_122 : i32
        %add3A_124 = vector.broadcast %add3A_123 : i32 to vector<16xi32>
        %add3A_125 = arith.addi %add3A_124, %iota3A : vector<16xi32>
        %and3A_126 = arith.constant 4095 : i32
        %and3A_127 = vector.broadcast %and3A_126 : i32 to vector<16xi32>
        %and3A_128 = arith.andi %add3A_125, %and3A_127 : vector<16xi32>
        tpu.vector_store_idx %arg9[%and3A_128], %add3A_4 : memref<4096xi32, #tpu.memory_space<vmem>>[vector<16xi32>], vector<16xi32>,
        %shift_right_logical3A_129 = arith.constant 7 : i32
        %shift_right_logical3A_130 = vector.broadcast %shift_right_logical3A_129 : i32 to vector<16xi32>
        %shift_right_logical3A_131 = arith.shrui %and3A_128, %shift_right_logical3A_130 : vector<16xi32>
        %and3A_132 = arith.constant 31 : i32
        %and3A_133 = vector.broadcast %and3A_132 : i32 to vector<16xi32>
        %and3A_134 = arith.andi %shift_right_logical3A_131, %and3A_133 : vector<16xi32>
        %and3A_135 = arith.constant 127 : i32
        %and3A_136 = vector.broadcast %and3A_135 : i32 to vector<16xi32>
        %and3A_137 = arith.andi %and3A_128, %and3A_136 : vector<16xi32>
        tpu.vector_store_idx %arg10[%and3A_134, %and3A_137], %add3A_31 : memref<32x128xi32, #tpu.memory_space<vmem>>[vector<16xi32>, vector<16xi32>], vector<16xi32>,
        %add3A_138 = arith.constant 32 : i32
        %add3A_139 = arith.addi %scan3A_51, %add3A_138 : i32
        %add3A_140 = vector.broadcast %add3A_139 : i32 to vector<16xi32>
        %add3A_141 = arith.addi %add3A_140, %iota3A : vector<16xi32>
        %and3A_142 = arith.constant 4095 : i32
        %and3A_143 = vector.broadcast %and3A_142 : i32 to vector<16xi32>
        %and3A_144 = arith.andi %add3A_141, %and3A_143 : vector<16xi32>
        tpu.vector_store_idx %arg9[%and3A_144], %add3A_4 : memref<4096xi32, #tpu.memory_space<vmem>>[vector<16xi32>], vector<16xi32>,
        %shift_right_logical3A_145 = arith.constant 7 : i32
        %shift_right_logical3A_146 = vector.broadcast %shift_right_logical3A_145 : i32 to vector<16xi32>
        %shift_right_logical3A_147 = arith.shrui %and3A_144, %shift_right_logical3A_146 : vector<16xi32>
        %and3A_148 = arith.constant 31 : i32
        %and3A_149 = vector.broadcast %and3A_148 : i32 to vector<16xi32>
        %and3A_150 = arith.andi %shift_right_logical3A_147, %and3A_149 : vector<16xi32>
        %and3A_151 = arith.constant 127 : i32
        %and3A_152 = vector.broadcast %and3A_151 : i32 to vector<16xi32>
        %and3A_153 = arith.andi %and3A_144, %and3A_152 : vector<16xi32>
        tpu.vector_store_idx %arg10[%and3A_150, %and3A_153], %add3A_31 : memref<32x128xi32, #tpu.memory_space<vmem>>[vector<16xi32>, vector<16xi32>], vector<16xi32>,
        %add3A_154 = arith.constant 48 : i32
        %add3A_155 = arith.addi %scan3A_51, %add3A_154 : i32
        %add3A_156 = vector.broadcast %add3A_155 : i32 to vector<16xi32>
        %add3A_157 = arith.addi %add3A_156, %iota3A : vector<16xi32>
        %and3A_158 = arith.constant 4095 : i32
        %and3A_159 = vector.broadcast %and3A_158 : i32 to vector<16xi32>
        %and3A_160 = arith.andi %add3A_157, %and3A_159 : vector<16xi32>
        tpu.vector_store_idx %arg9[%and3A_160], %add3A_4 : memref<4096xi32, #tpu.memory_space<vmem>>[vector<16xi32>], vector<16xi32>,
        %shift_right_logical3A_161 = arith.constant 7 : i32
        %shift_right_logical3A_162 = vector.broadcast %shift_right_logical3A_161 : i32 to vector<16xi32>
        %shift_right_logical3A_163 = arith.shrui %and3A_160, %shift_right_logical3A_162 : vector<16xi32>
        %and3A_164 = arith.constant 31 : i32
        %and3A_165 = vector.broadcast %and3A_164 : i32 to vector<16xi32>
        %and3A_166 = arith.andi %shift_right_logical3A_163, %and3A_165 : vector<16xi32>
        %and3A_167 = arith.constant 127 : i32
        %and3A_168 = vector.broadcast %and3A_167 : i32 to vector<16xi32>
        %and3A_169 = arith.andi %and3A_160, %and3A_168 : vector<16xi32>
        tpu.vector_store_idx %arg10[%and3A_166, %and3A_169], %add3A_31 : memref<32x128xi32, #tpu.memory_space<vmem>>[vector<16xi32>, vector<16xi32>], vector<16xi32>,
        %add3A_170 = arith.constant 64 : i32
        %add3A_171 = arith.addi %scan3A_51, %add3A_170 : i32
        %add3A_172 = vector.broadcast %add3A_171 : i32 to vector<16xi32>
        %add3A_173 = arith.addi %add3A_172, %iota3A : vector<16xi32>
        %and3A_174 = arith.constant 4095 : i32
        %and3A_175 = vector.broadcast %and3A_174 : i32 to vector<16xi32>
        %and3A_176 = arith.andi %add3A_173, %and3A_175 : vector<16xi32>
        tpu.vector_store_idx %arg9[%and3A_176], %add3A_4 : memref<4096xi32, #tpu.memory_space<vmem>>[vector<16xi32>], vector<16xi32>,
        %shift_right_logical3A_177 = arith.constant 7 : i32
        %shift_right_logical3A_178 = vector.broadcast %shift_right_logical3A_177 : i32 to vector<16xi32>
        %shift_right_logical3A_179 = arith.shrui %and3A_176, %shift_right_logical3A_178 : vector<16xi32>
        %and3A_180 = arith.constant 31 : i32
        %and3A_181 = vector.broadcast %and3A_180 : i32 to vector<16xi32>
        %and3A_182 = arith.andi %shift_right_logical3A_179, %and3A_181 : vector<16xi32>
        %and3A_183 = arith.constant 127 : i32
        %and3A_184 = vector.broadcast %and3A_183 : i32 to vector<16xi32>
        %and3A_185 = arith.andi %and3A_176, %and3A_184 : vector<16xi32>
        tpu.vector_store_idx %arg10[%and3A_182, %and3A_185], %add3A_31 : memref<32x128xi32, #tpu.memory_space<vmem>>[vector<16xi32>, vector<16xi32>], vector<16xi32>,
        %add3A_186 = arith.constant 80 : i32
        %add3A_187 = arith.addi %scan3A_51, %add3A_186 : i32
        %add3A_188 = vector.broadcast %add3A_187 : i32 to vector<16xi32>
        %add3A_189 = arith.addi %add3A_188, %iota3A : vector<16xi32>
        %and3A_190 = arith.constant 4095 : i32
        %and3A_191 = vector.broadcast %and3A_190 : i32 to vector<16xi32>
        %and3A_192 = arith.andi %add3A_189, %and3A_191 : vector<16xi32>
        tpu.vector_store_idx %arg9[%and3A_192], %add3A_4 : memref<4096xi32, #tpu.memory_space<vmem>>[vector<16xi32>], vector<16xi32>,
        %shift_right_logical3A_193 = arith.constant 7 : i32
        %shift_right_logical3A_194 = vector.broadcast %shift_right_logical3A_193 : i32 to vector<16xi32>
        %shift_right_logical3A_195 = arith.shrui %and3A_192, %shift_right_logical3A_194 : vector<16xi32>
        %and3A_196 = arith.constant 31 : i32
        %and3A_197 = vector.broadcast %and3A_196 : i32 to vector<16xi32>
        %and3A_198 = arith.andi %shift_right_logical3A_195, %and3A_197 : vector<16xi32>
        %and3A_199 = arith.constant 127 : i32
        %and3A_200 = vector.broadcast %and3A_199 : i32 to vector<16xi32>
        %and3A_201 = arith.andi %and3A_192, %and3A_200 : vector<16xi32>
        tpu.vector_store_idx %arg10[%and3A_198, %and3A_201], %add3A_31 : memref<32x128xi32, #tpu.memory_space<vmem>>[vector<16xi32>, vector<16xi32>], vector<16xi32>,
        %add3A_202 = arith.constant 96 : i32
        %add3A_203 = arith.addi %scan3A_51, %add3A_202 : i32
        %add3A_204 = vector.broadcast %add3A_203 : i32 to vector<16xi32>
        %add3A_205 = arith.addi %add3A_204, %iota3A : vector<16xi32>
        %and3A_206 = arith.constant 4095 : i32
        %and3A_207 = vector.broadcast %and3A_206 : i32 to vector<16xi32>
        %and3A_208 = arith.andi %add3A_205, %and3A_207 : vector<16xi32>
        tpu.vector_store_idx %arg9[%and3A_208], %add3A_4 : memref<4096xi32, #tpu.memory_space<vmem>>[vector<16xi32>], vector<16xi32>,
        %shift_right_logical3A_209 = arith.constant 7 : i32
        %shift_right_logical3A_210 = vector.broadcast %shift_right_logical3A_209 : i32 to vector<16xi32>
        %shift_right_logical3A_211 = arith.shrui %and3A_208, %shift_right_logical3A_210 : vector<16xi32>
        %and3A_212 = arith.constant 31 : i32
        %and3A_213 = vector.broadcast %and3A_212 : i32 to vector<16xi32>
        %and3A_214 = arith.andi %shift_right_logical3A_211, %and3A_213 : vector<16xi32>
        %and3A_215 = arith.constant 127 : i32
        %and3A_216 = vector.broadcast %and3A_215 : i32 to vector<16xi32>
        %and3A_217 = arith.andi %and3A_208, %and3A_216 : vector<16xi32>
        tpu.vector_store_idx %arg10[%and3A_214, %and3A_217], %add3A_31 : memref<32x128xi32, #tpu.memory_space<vmem>>[vector<16xi32>, vector<16xi32>], vector<16xi32>,
        %add3A_218 = arith.constant 112 : i32
        %add3A_219 = arith.addi %scan3A_51, %add3A_218 : i32
        %add3A_220 = vector.broadcast %add3A_219 : i32 to vector<16xi32>
        %add3A_221 = arith.addi %add3A_220, %iota3A : vector<16xi32>
        %and3A_222 = arith.constant 4095 : i32
        %and3A_223 = vector.broadcast %and3A_222 : i32 to vector<16xi32>
        %and3A_224 = arith.andi %add3A_221, %and3A_223 : vector<16xi32>
        tpu.vector_store_idx %arg9[%and3A_224], %add3A_4 : memref<4096xi32, #tpu.memory_space<vmem>>[vector<16xi32>], vector<16xi32>,
        %shift_right_logical3A_225 = arith.constant 7 : i32
        %shift_right_logical3A_226 = vector.broadcast %shift_right_logical3A_225 : i32 to vector<16xi32>
        %shift_right_logical3A_227 = arith.shrui %and3A_224, %shift_right_logical3A_226 : vector<16xi32>
        %and3A_228 = arith.constant 31 : i32
        %and3A_229 = vector.broadcast %and3A_228 : i32 to vector<16xi32>
        %and3A_230 = arith.andi %shift_right_logical3A_227, %and3A_229 : vector<16xi32>
        %and3A_231 = arith.constant 127 : i32
        %and3A_232 = vector.broadcast %and3A_231 : i32 to vector<16xi32>
        %and3A_233 = arith.andi %and3A_224, %and3A_232 : vector<16xi32>
        tpu.vector_store_idx %arg10[%and3A_230, %and3A_233], %add3A_31 : memref<32x128xi32, #tpu.memory_space<vmem>>[vector<16xi32>, vector<16xi32>], vector<16xi32>,
        %jit3A_234 = arith.constant 2 : i32
        %eq3A = arith.constant 0 : i32
        %eq3A_235 = arith.cmpi eq, %jit3A_234, %eq3A : i32
        %jit3A_236 = arith.constant 1 : i32
        %select_n3A_237 = arith.select %eq3A_235, %jit3A_236, %jit3A_234 : i32
        %rem3A = arith.remsi %shift_right_logical3A_53, %select_n3A_237 : i32
        %ne3A = arith.constant 0 : i32
        %ne3A_238 = arith.cmpi ne, %rem3A, %ne3A : i32
        %lt3A = arith.constant 0 : i32
        %lt3A_239 = arith.cmpi slt, %rem3A, %lt3A : i32
        %lt3A_240 = arith.constant 0 : i32
        %lt3A_241 = arith.cmpi slt, %select_n3A_237, %lt3A_240 : i32
        %ne3A_242 = arith.xori %lt3A_239, %lt3A_241 : i1
        %and3A_243 = arith.andi %ne3A_242, %ne3A_238 : i1
        %add3A_244 = arith.addi %rem3A, %select_n3A_237 : i32
        %select_n3A_245 = arith.select %and3A_243, %add3A_244, %rem3A : i32
        %ge3A_246 = arith.constant 2 : i32
        %ge3A_247 = arith.cmpi sge, %shift_right_logical3A_53, %ge3A_246 : i32
        %convert_element_type3A_248 = arith.extui %ge3A_247 : i1 to i32
        %cond3A_249 = arith.constant 0 : i32
        %cond3A_250 = arith.cmpi ne, %convert_element_type3A_248, %cond3A_249 : i32
        scf.if %cond3A_250 {
          %dma_wait3A_336 = arith.constant 0 : i32
          %dma_wait3A_337 = arith.constant 0 : i32
          %dma_wait3A_338 = tpu.memref_slice %arg11[%dma_wait3A_336, %dma_wait3A_337] : memref<256x128xf32, #tpu.memory_space<vmem>> -> memref<128x128xf32, #tpu.memory_space<vmem>>
          %dma_wait3A_339 = arith.constant 0 : i32
          %dma_wait3A_340 = arith.constant 0 : i32
          %dma_wait3A_341 = tpu.memref_slice %arg12[%dma_wait3A_339, %dma_wait3A_340] : memref<10248x128xf32, #tpu.memory_space<vmem_shared>> -> memref<128x128xf32, #tpu.memory_space<vmem_shared>>
          %dma_wait3A_342 = tpu.memref_slice %arg16[%select_n3A_245] : memref<2x!tpu.dma_semaphore, #tpu.memory_space<semaphore_mem>> -> memref<1x!tpu.dma_semaphore, #tpu.memory_space<semaphore_mem>>
          %dma_wait3A_343 = tpu.memref_squeeze %dma_wait3A_342 : memref<1x!tpu.dma_semaphore, #tpu.memory_space<semaphore_mem>> -> memref<!tpu.dma_semaphore, #tpu.memory_space<semaphore_mem>>
          %dma_wait3A_344 = arith.constant 0 : i32
          %dma_wait3A_345 = arith.constant 0 : i32
          %dma_wait3A_346 = tpu.memref_slice %arg12[%dma_wait3A_344, %dma_wait3A_345] : memref<10248x128xf32, #tpu.memory_space<vmem_shared>> -> memref<128x128xf32, #tpu.memory_space<vmem_shared>>
          %dma_wait3A_347 = arith.constant 0 : i32
          %dma_wait3A_348 = arith.constant 0 : i32
          %dma_wait3A_349 = tpu.memref_slice %arg11[%dma_wait3A_347, %dma_wait3A_348] : memref<256x128xf32, #tpu.memory_space<vmem>> -> memref<128x128xf32, #tpu.memory_space<vmem>>
          tpu.wait_dma2 semaphore(%dma_wait3A_343 : memref<!tpu.dma_semaphore, #tpu.memory_space<semaphore_mem>>) src(%dma_wait3A_349 : memref<128x128xf32, #tpu.memory_space<vmem>>) dst(%dma_wait3A_346 : memref<128x128xf32, #tpu.memory_space<vmem_shared>>)
        } else {
        }
        %jit3A_251 = arith.constant 32 : i32
        %eq3A_252 = arith.constant 0 : i32
        %eq3A_253 = arith.cmpi eq, %jit3A_251, %eq3A_252 : i32
        %jit3A_254 = arith.constant 1 : i32
        %select_n3A_255 = arith.select %eq3A_253, %jit3A_254, %jit3A_251 : i32
        %rem3A_256 = arith.remsi %shift_right_logical3A_53, %select_n3A_255 : i32
        %ne3A_257 = arith.constant 0 : i32
        %ne3A_258 = arith.cmpi ne, %rem3A_256, %ne3A_257 : i32
        %lt3A_259 = arith.constant 0 : i32
        %lt3A_260 = arith.cmpi slt, %rem3A_256, %lt3A_259 : i32
        %lt3A_261 = arith.constant 0 : i32
        %lt3A_262 = arith.cmpi slt, %select_n3A_255, %lt3A_261 : i32
        %ne3A_263 = arith.xori %lt3A_260, %lt3A_262 : i1
        %and3A_264 = arith.andi %ne3A_263, %ne3A_258 : i1
        %add3A_265 = arith.addi %rem3A_256, %select_n3A_255 : i32
        %select_n3A_266 = arith.select %and3A_264, %add3A_265, %rem3A_256 : i32
        %mul3A_267 = arith.constant 128 : i32
        %mul3A_268 = arith.muli %select_n3A_266, %mul3A_267 : i32
        %mul3A_269 = arith.constant 128 : i32
        %mul3A_270 = arith.muli %select_n3A_245, %mul3A_269 : i32
        %dma_start3A_271 = arith.constant 0 : i32
        %dma_start3A_272 = tpu.memref_slice %arg11[%mul3A_270, %dma_start3A_271] : memref<256x128xf32, #tpu.memory_space<vmem>> -> memref<128x128xf32, #tpu.memory_space<vmem>>
        %dma_start3A_273 = tpu.memref_slice %arg9[%mul3A_268] : memref<4096xi32, #tpu.memory_space<vmem>> -> memref<128xi32, #tpu.memory_space<vmem>>
        %dma_start3A_274 = arith.constant 0 : i32
        %dma_start3A_275 = arith.constant 0 : i32
        %dma_start3A_276 = tpu.memref_slice %arg4[%dma_start3A_274, %dma_start3A_275] : memref<102400x128xf32, #tpu.memory_space<hbm>> -> memref<102400x128xf32, #tpu.memory_space<hbm>>
        %dma_start3A_277 = tpu.memref_slice %arg15[%select_n3A_245] : memref<2x!tpu.dma_semaphore, #tpu.memory_space<semaphore_mem>> -> memref<1x!tpu.dma_semaphore, #tpu.memory_space<semaphore_mem>>
        %dma_start3A_278 = tpu.memref_squeeze %dma_start3A_277 : memref<1x!tpu.dma_semaphore, #tpu.memory_space<semaphore_mem>> -> memref<!tpu.dma_semaphore, #tpu.memory_space<semaphore_mem>>
        tpu.enqueue_indirect_dma source(%dma_start3A_276 : memref<102400x128xf32, #tpu.memory_space<hbm>>) target(%dma_start3A_272 : memref<128x128xf32, #tpu.memory_space<vmem>>) offsets(%dma_start3A_273 : memref<128xi32, #tpu.memory_space<vmem>>) semaphore(%dma_start3A_278 : memref<!tpu.dma_semaphore, #tpu.memory_space<semaphore_mem>>)
        %jit3A_279 = arith.constant 2 : i32
        %eq3A_280 = arith.constant 0 : i32
        %eq3A_281 = arith.cmpi eq, %jit3A_279, %eq3A_280 : i32
        %jit3A_282 = arith.constant 1 : i32
        %select_n3A_283 = arith.select %eq3A_281, %jit3A_282, %jit3A_279 : i32
        %rem3A_284 = arith.remsi %shift_right_logical3A_53, %select_n3A_283 : i32
        %ne3A_285 = arith.constant 0 : i32
        %ne3A_286 = arith.cmpi ne, %rem3A_284, %ne3A_285 : i32
        %lt3A_287 = arith.constant 0 : i32
        %lt3A_288 = arith.cmpi slt, %rem3A_284, %lt3A_287 : i32
        %lt3A_289 = arith.constant 0 : i32
        %lt3A_290 = arith.cmpi slt, %select_n3A_283, %lt3A_289 : i32
        %ne3A_291 = arith.xori %lt3A_288, %lt3A_290 : i1
        %and3A_292 = arith.andi %ne3A_291, %ne3A_286 : i1
        %add3A_293 = arith.addi %rem3A_284, %select_n3A_283 : i32
        %select_n3A_294 = arith.select %and3A_292, %add3A_293, %rem3A_284 : i32
        %dma_wait3A = arith.constant 0 : i32
        %dma_wait3A_295 = arith.constant 0 : i32
        %dma_wait3A_296 = tpu.memref_slice %arg11[%dma_wait3A, %dma_wait3A_295] : memref<256x128xf32, #tpu.memory_space<vmem>> -> memref<128x128xf32, #tpu.memory_space<vmem>>
        %dma_wait3A_297 = arith.constant 0 : i32
        %dma_wait3A_298 = arith.constant 0 : i32
        %dma_wait3A_299 = tpu.memref_slice %arg4[%dma_wait3A_297, %dma_wait3A_298] : memref<102400x128xf32, #tpu.memory_space<hbm>> -> memref<128x128xf32, #tpu.memory_space<hbm>>
        %dma_wait3A_300 = tpu.memref_slice %arg15[%select_n3A_294] : memref<2x!tpu.dma_semaphore, #tpu.memory_space<semaphore_mem>> -> memref<1x!tpu.dma_semaphore, #tpu.memory_space<semaphore_mem>>
        %dma_wait3A_301 = tpu.memref_squeeze %dma_wait3A_300 : memref<1x!tpu.dma_semaphore, #tpu.memory_space<semaphore_mem>> -> memref<!tpu.dma_semaphore, #tpu.memory_space<semaphore_mem>>
        %dma_wait3A_302 = arith.constant 0 : i32
        %dma_wait3A_303 = arith.constant 0 : i32
        %dma_wait3A_304 = tpu.memref_slice %arg11[%dma_wait3A_302, %dma_wait3A_303] : memref<256x128xf32, #tpu.memory_space<vmem>> -> memref<128x128xf32, #tpu.memory_space<vmem>>
        %dma_wait3A_305 = arith.constant 0 : i32
        %dma_wait3A_306 = arith.constant 0 : i32
        %dma_wait3A_307 = tpu.memref_slice %arg4[%dma_wait3A_305, %dma_wait3A_306] : memref<102400x128xf32, #tpu.memory_space<hbm>> -> memref<128x128xf32, #tpu.memory_space<hbm>>
        tpu.wait_dma2 semaphore(%dma_wait3A_301 : memref<!tpu.dma_semaphore, #tpu.memory_space<semaphore_mem>>) src(%dma_wait3A_307 : memref<128x128xf32, #tpu.memory_space<hbm>>) dst(%dma_wait3A_304 : memref<128x128xf32, #tpu.memory_space<vmem>>)
        %mul3A_308 = arith.constant 128 : i32
        %mul3A_309 = arith.muli %select_n3A_294, %mul3A_308 : i32
        %jit3A_310 = arith.constant 32 : i32
        %eq3A_311 = arith.constant 0 : i32
        %eq3A_312 = arith.cmpi eq, %jit3A_310, %eq3A_311 : i32
        %jit3A_313 = arith.constant 1 : i32
        %select_n3A_314 = arith.select %eq3A_312, %jit3A_313, %jit3A_310 : i32
        %rem3A_315 = arith.remsi %shift_right_logical3A_53, %select_n3A_314 : i32
        %ne3A_316 = arith.constant 0 : i32
        %ne3A_317 = arith.cmpi ne, %rem3A_315, %ne3A_316 : i32
        %lt3A_318 = arith.constant 0 : i32
        %lt3A_319 = arith.cmpi slt, %rem3A_315, %lt3A_318 : i32
        %lt3A_320 = arith.constant 0 : i32
        %lt3A_321 = arith.cmpi slt, %select_n3A_314, %lt3A_320 : i32
        %ne3A_322 = arith.xori %lt3A_319, %lt3A_321 : i1
        %and3A_323 = arith.andi %ne3A_322, %ne3A_317 : i1
        %add3A_324 = arith.addi %rem3A_315, %select_n3A_314 : i32
        %select_n3A_325 = arith.select %and3A_323, %add3A_324, %rem3A_315 : i32
        %dma_start3A_326 = arith.constant 0 : i32
        %dma_start3A_327 = tpu.memref_slice %arg11[%mul3A_309, %dma_start3A_326] : memref<256x128xf32, #tpu.memory_space<vmem>> -> memref<128x128xf32, #tpu.memory_space<vmem>>
        %dma_start3A_328 = arith.constant 0 : i32
        %dma_start3A_329 = tpu.memref_slice %arg10[%select_n3A_325, %dma_start3A_328] : memref<32x128xi32, #tpu.memory_space<vmem>> -> memref<1x128xi32, #tpu.memory_space<vmem>>
        %dma_start3A_330 = tpu.memref_squeeze %dma_start3A_329 : memref<1x128xi32, #tpu.memory_space<vmem>> -> memref<128xi32, #tpu.memory_space<vmem>>
        %dma_start3A_331 = arith.constant 0 : i32
        %dma_start3A_332 = arith.constant 0 : i32
        %dma_start3A_333 = tpu.memref_slice %arg12[%dma_start3A_331, %dma_start3A_332] : memref<10248x128xf32, #tpu.memory_space<vmem_shared>> -> memref<10248x128xf32, #tpu.memory_space<vmem_shared>>
        %dma_start3A_334 = tpu.memref_slice %arg16[%select_n3A_294] : memref<2x!tpu.dma_semaphore, #tpu.memory_space<semaphore_mem>> -> memref<1x!tpu.dma_semaphore, #tpu.memory_space<semaphore_mem>>
        %dma_start3A_335 = tpu.memref_squeeze %dma_start3A_334 : memref<1x!tpu.dma_semaphore, #tpu.memory_space<semaphore_mem>> -> memref<!tpu.dma_semaphore, #tpu.memory_space<semaphore_mem>>
        tpu.enqueue_indirect_dma source(%dma_start3A_327 : memref<128x128xf32, #tpu.memory_space<vmem>>) target(%dma_start3A_333 : memref<10248x128xf32, #tpu.memory_space<vmem_shared>>) offsets(%dma_start3A_330 : memref<128xi32, #tpu.memory_space<vmem>>) semaphore(%dma_start3A_335 : memref<!tpu.dma_semaphore, #tpu.memory_space<semaphore_mem>>) {add = true}
      } else {
      }
      %and3A_61 = arith.constant 127 : i32
      %and3A_62 = arith.andi %scan3A_51, %and3A_61 : i32
      %gt3A_63 = arith.constant 0 : i32
      %gt3A_64 = arith.cmpi sgt, %and3A_62, %gt3A_63 : i32
      %jit3A = arith.constant 1 : i32
      %jit3A_65 = arith.constant 0 : i32
      %select_n3A = arith.select %gt3A_64, %jit3A, %jit3A_65 : i32
      %add3A_66 = arith.addi %shift_right_logical3A_53, %select_n3A : i32
      %ge3A_67 = arith.constant 1 : i32
      %ge3A_68 = arith.cmpi sge, %add3A_66, %ge3A_67 : i32
      %convert_element_type3A_69 = arith.extui %ge3A_68 : i1 to i32
      %cond3A_70 = arith.constant 0 : i32
      %cond3A_71 = arith.cmpi ne, %convert_element_type3A_69, %cond3A_70 : i32
      scf.if %cond3A_71 {
        %sub3A = arith.constant 1 : i32
        %sub3A_106 = arith.subi %add3A_66, %sub3A : i32
        %jit3A_107 = arith.constant 2 : i32
        %eq3A = arith.constant 0 : i32
        %eq3A_108 = arith.cmpi eq, %jit3A_107, %eq3A : i32
        %jit3A_109 = arith.constant 1 : i32
        %select_n3A_110 = arith.select %eq3A_108, %jit3A_109, %jit3A_107 : i32
        %rem3A = arith.remsi %sub3A_106, %select_n3A_110 : i32
        %ne3A = arith.constant 0 : i32
        %ne3A_111 = arith.cmpi ne, %rem3A, %ne3A : i32
        %lt3A = arith.constant 0 : i32
        %lt3A_112 = arith.cmpi slt, %rem3A, %lt3A : i32
        %lt3A_113 = arith.constant 0 : i32
        %lt3A_114 = arith.cmpi slt, %select_n3A_110, %lt3A_113 : i32
        %ne3A_115 = arith.xori %lt3A_112, %lt3A_114 : i1
        %and3A_116 = arith.andi %ne3A_115, %ne3A_111 : i1
        %add3A_117 = arith.addi %rem3A, %select_n3A_110 : i32
        %select_n3A_118 = arith.select %and3A_116, %add3A_117, %rem3A : i32
        %dma_wait3A = arith.constant 0 : i32
        %dma_wait3A_119 = arith.constant 0 : i32
        %dma_wait3A_120 = tpu.memref_slice %arg11[%dma_wait3A, %dma_wait3A_119] : memref<256x128xf32, #tpu.memory_space<vmem>> -> memref<128x128xf32, #tpu.memory_space<vmem>>
        %dma_wait3A_121 = arith.constant 0 : i32
        %dma_wait3A_122 = arith.constant 0 : i32
        %dma_wait3A_123 = tpu.memref_slice %arg12[%dma_wait3A_121, %dma_wait3A_122] : memref<10248x128xf32, #tpu.memory_space<vmem_shared>> -> memref<128x128xf32, #tpu.memory_space<vmem_shared>>
        %dma_wait3A_124 = tpu.memref_slice %arg16[%select_n3A_118] : memref<2x!tpu.dma_semaphore, #tpu.memory_space<semaphore_mem>> -> memref<1x!tpu.dma_semaphore, #tpu.memory_space<semaphore_mem>>
        %dma_wait3A_125 = tpu.memref_squeeze %dma_wait3A_124 : memref<1x!tpu.dma_semaphore, #tpu.memory_space<semaphore_mem>> -> memref<!tpu.dma_semaphore, #tpu.memory_space<semaphore_mem>>
        %dma_wait3A_126 = arith.constant 0 : i32
        %dma_wait3A_127 = arith.constant 0 : i32
        %dma_wait3A_128 = tpu.memref_slice %arg12[%dma_wait3A_126, %dma_wait3A_127] : memref<10248x128xf32, #tpu.memory_space<vmem_shared>> -> memref<128x128xf32, #tpu.memory_space<vmem_shared>>
        %dma_wait3A_129 = arith.constant 0 : i32
        %dma_wait3A_130 = arith.constant 0 : i32
        %dma_wait3A_131 = tpu.memref_slice %arg11[%dma_wait3A_129, %dma_wait3A_130] : memref<256x128xf32, #tpu.memory_space<vmem>> -> memref<128x128xf32, #tpu.memory_space<vmem>>
        tpu.wait_dma2 semaphore(%dma_wait3A_125 : memref<!tpu.dma_semaphore, #tpu.memory_space<semaphore_mem>>) src(%dma_wait3A_131 : memref<128x128xf32, #tpu.memory_space<vmem>>) dst(%dma_wait3A_128 : memref<128x128xf32, #tpu.memory_space<vmem_shared>>)
      } else {
      }
      %ge3A_72 = arith.constant 2 : i32
      %ge3A_73 = arith.cmpi sge, %add3A_66, %ge3A_72 : i32
      %convert_element_type3A_74 = arith.extui %ge3A_73 : i1 to i32
      %cond3A_75 = arith.constant 0 : i32
      %cond3A_76 = arith.cmpi ne, %convert_element_type3A_74, %cond3A_75 : i32
      scf.if %cond3A_76 {
        %sub3A = arith.constant 2 : i32
        %sub3A_106 = arith.subi %add3A_66, %sub3A : i32
        %jit3A_107 = arith.constant 2 : i32
        %eq3A = arith.constant 0 : i32
        %eq3A_108 = arith.cmpi eq, %jit3A_107, %eq3A : i32
        %jit3A_109 = arith.constant 1 : i32
        %select_n3A_110 = arith.select %eq3A_108, %jit3A_109, %jit3A_107 : i32
        %rem3A = arith.remsi %sub3A_106, %select_n3A_110 : i32
        %ne3A = arith.constant 0 : i32
        %ne3A_111 = arith.cmpi ne, %rem3A, %ne3A : i32
        %lt3A = arith.constant 0 : i32
        %lt3A_112 = arith.cmpi slt, %rem3A, %lt3A : i32
        %lt3A_113 = arith.constant 0 : i32
        %lt3A_114 = arith.cmpi slt, %select_n3A_110, %lt3A_113 : i32
        %ne3A_115 = arith.xori %lt3A_112, %lt3A_114 : i1
        %and3A_116 = arith.andi %ne3A_115, %ne3A_111 : i1
        %add3A_117 = arith.addi %rem3A, %select_n3A_110 : i32
        %select_n3A_118 = arith.select %and3A_116, %add3A_117, %rem3A : i32
        %dma_wait3A = arith.constant 0 : i32
        %dma_wait3A_119 = arith.constant 0 : i32
        %dma_wait3A_120 = tpu.memref_slice %arg11[%dma_wait3A, %dma_wait3A_119] : memref<256x128xf32, #tpu.memory_space<vmem>> -> memref<128x128xf32, #tpu.memory_space<vmem>>
        %dma_wait3A_121 = arith.constant 0 : i32
        %dma_wait3A_122 = arith.constant 0 : i32
        %dma_wait3A_123 = tpu.memref_slice %arg12[%dma_wait3A_121, %dma_wait3A_122] : memref<10248x128xf32, #tpu.memory_space<vmem_shared>> -> memref<128x128xf32, #tpu.memory_space<vmem_shared>>
        %dma_wait3A_124 = tpu.memref_slice %arg16[%select_n3A_118] : memref<2x!tpu.dma_semaphore, #tpu.memory_space<semaphore_mem>> -> memref<1x!tpu.dma_semaphore, #tpu.memory_space<semaphore_mem>>
        %dma_wait3A_125 = tpu.memref_squeeze %dma_wait3A_124 : memref<1x!tpu.dma_semaphore, #tpu.memory_space<semaphore_mem>> -> memref<!tpu.dma_semaphore, #tpu.memory_space<semaphore_mem>>
        %dma_wait3A_126 = arith.constant 0 : i32
        %dma_wait3A_127 = arith.constant 0 : i32
        %dma_wait3A_128 = tpu.memref_slice %arg12[%dma_wait3A_126, %dma_wait3A_127] : memref<10248x128xf32, #tpu.memory_space<vmem_shared>> -> memref<128x128xf32, #tpu.memory_space<vmem_shared>>
        %dma_wait3A_129 = arith.constant 0 : i32
        %dma_wait3A_130 = arith.constant 0 : i32
        %dma_wait3A_131 = tpu.memref_slice %arg11[%dma_wait3A_129, %dma_wait3A_130] : memref<256x128xf32, #tpu.memory_space<vmem>> -> memref<128x128xf32, #tpu.memory_space<vmem>>
        tpu.wait_dma2 semaphore(%dma_wait3A_125 : memref<!tpu.dma_semaphore, #tpu.memory_space<semaphore_mem>>) src(%dma_wait3A_131 : memref<128x128xf32, #tpu.memory_space<vmem>>) dst(%dma_wait3A_128 : memref<128x128xf32, #tpu.memory_space<vmem_shared>>)
      } else {
      }
      %barrier3A_77 = arith.constant 0 : index
      tpu.barrier barrier_id(%barrier3A_77)
      %mul3A_78 = arith.constant 640 : i32
      %mul3A_79 = arith.muli %arg1, %mul3A_78 : i32
      %add3A_80 = arith.constant 0 : i32
      %add3A_81 = arith.addi %mul3A_79, %add3A_80 : i32
      "tpu.region"() ({
        %run_scoped3A = tpu.sem_alloc : memref<!tpu.dma_semaphore, #tpu.memory_space<semaphore_mem>>
        %dma_start3A_106 = arith.constant 0 : i32
        %dma_start3A_107 = arith.constant 0 : i32
        %dma_start3A_108 = tpu.memref_slice %arg11[%dma_start3A_106, %dma_start3A_107] : memref<256x128xf32, #tpu.memory_space<vmem>> -> memref<128x128xf32, #tpu.memory_space<vmem>>
        %dma_start3A_109 = arith.constant 0 : i32
        %dma_start3A_110 = tpu.memref_slice %arg12[%add3A_81, %dma_start3A_109] : memref<10248x128xf32, #tpu.memory_space<vmem_shared>> -> memref<128x128xf32, #tpu.memory_space<vmem_shared>>
        %dma_start3A_111 = arith.constant 0 : i32
        %dma_start3A_112 = arith.constant 0 : i32
        %dma_start3A_113 = tpu.memref_slice %arg11[%dma_start3A_111, %dma_start3A_112] : memref<256x128xf32, #tpu.memory_space<vmem>> -> memref<128x128xf32, #tpu.memory_space<vmem>>
        %dma_start3A_114 = arith.constant 0 : i32
        %dma_start3A_115 = tpu.memref_slice %arg12[%add3A_81, %dma_start3A_114] : memref<10248x128xf32, #tpu.memory_space<vmem_shared>> -> memref<128x128xf32, #tpu.memory_space<vmem_shared>>
        tpu.enqueue_dma source(%dma_start3A_115 : memref<128x128xf32, #tpu.memory_space<vmem_shared>>) target(%dma_start3A_113 : memref<128x128xf32, #tpu.memory_space<vmem>>) target_semaphore(%run_scoped3A : memref<!tpu.dma_semaphore, #tpu.memory_space<semaphore_mem>>)
        %dma_wait3A = arith.constant 0 : i32
        %dma_wait3A_116 = arith.constant 0 : i32
        %dma_wait3A_117 = tpu.memref_slice %arg11[%dma_wait3A, %dma_wait3A_116] : memref<256x128xf32, #tpu.memory_space<vmem>> -> memref<128x128xf32, #tpu.memory_space<vmem>>
        %dma_wait3A_118 = arith.constant 0 : i32
        %dma_wait3A_119 = tpu.memref_slice %arg12[%add3A_81, %dma_wait3A_118] : memref<10248x128xf32, #tpu.memory_space<vmem_shared>> -> memref<128x128xf32, #tpu.memory_space<vmem_shared>>
        %dma_wait3A_120 = arith.constant 0 : i32
        %dma_wait3A_121 = arith.constant 0 : i32
        %dma_wait3A_122 = tpu.memref_slice %arg11[%dma_wait3A_120, %dma_wait3A_121] : memref<256x128xf32, #tpu.memory_space<vmem>> -> memref<128x128xf32, #tpu.memory_space<vmem>>
        %dma_wait3A_123 = arith.constant 0 : i32
        %dma_wait3A_124 = tpu.memref_slice %arg12[%add3A_81, %dma_wait3A_123] : memref<10248x128xf32, #tpu.memory_space<vmem_shared>> -> memref<128x128xf32, #tpu.memory_space<vmem_shared>>
        tpu.wait_dma2 semaphore(%run_scoped3A : memref<!tpu.dma_semaphore, #tpu.memory_space<semaphore_mem>>) src(%dma_wait3A_124 : memref<128x128xf32, #tpu.memory_space<vmem_shared>>) dst(%dma_wait3A_122 : memref<128x128xf32, #tpu.memory_space<vmem>>)
        tpu.yield
      }) : () -> ()
      %add3A_82 = arith.addi %mul3A_15, %mul3A_79 : i32
      %add3A_83 = arith.constant 0 : i32
      %add3A_84 = arith.addi %add3A_82, %add3A_83 : i32
      "tpu.region"() ({
        %run_scoped3A = tpu.sem_alloc : memref<!tpu.dma_semaphore, #tpu.memory_space<semaphore_mem>>
        %dma_start3A_106 = arith.constant 0 : i32
        %dma_start3A_107 = arith.constant 0 : i32
        %dma_start3A_108 = tpu.memref_slice %arg11[%dma_start3A_106, %dma_start3A_107] : memref<256x128xf32, #tpu.memory_space<vmem>> -> memref<128x128xf32, #tpu.memory_space<vmem>>
        %dma_start3A_109 = arith.constant 0 : i32
        %dma_start3A_110 = tpu.memref_slice %arg6[%add3A_84, %dma_start3A_109] : memref<102400x128xf32, #tpu.memory_space<hbm>> -> memref<128x128xf32, #tpu.memory_space<hbm>>
        %dma_start3A_111 = arith.constant 0 : i32
        %dma_start3A_112 = tpu.memref_slice %arg6[%add3A_84, %dma_start3A_111] : memref<102400x128xf32, #tpu.memory_space<hbm>> -> memref<128x128xf32, #tpu.memory_space<hbm>>
        %dma_start3A_113 = arith.constant 0 : i32
        %dma_start3A_114 = arith.constant 0 : i32
        %dma_start3A_115 = tpu.memref_slice %arg11[%dma_start3A_113, %dma_start3A_114] : memref<256x128xf32, #tpu.memory_space<vmem>> -> memref<128x128xf32, #tpu.memory_space<vmem>>
        tpu.enqueue_dma source(%dma_start3A_115 : memref<128x128xf32, #tpu.memory_space<vmem>>) target(%dma_start3A_112 : memref<128x128xf32, #tpu.memory_space<hbm>>) target_semaphore(%run_scoped3A : memref<!tpu.dma_semaphore, #tpu.memory_space<semaphore_mem>>)
        %dma_wait3A = arith.constant 0 : i32
        %dma_wait3A_116 = arith.constant 0 : i32
        %dma_wait3A_117 = tpu.memref_slice %arg11[%dma_wait3A, %dma_wait3A_116] : memref<256x128xf32, #tpu.memory_space<vmem>> -> memref<128x128xf32, #tpu.memory_space<vmem>>
        %dma_wait3A_118 = arith.constant 0 : i32
        %dma_wait3A_119 = tpu.memref_slice %arg6[%add3A_84, %dma_wait3A_118] : memref<102400x128xf32, #tpu.memory_space<hbm>> -> memref<128x128xf32, #tpu.memory_space<hbm>>
        %dma_wait3A_120 = arith.constant 0 : i32
        %dma_wait3A_121 = tpu.memref_slice %arg6[%add3A_84, %dma_wait3A_120] : memref<102400x128xf32, #tpu.memory_space<hbm>> -> memref<128x128xf32, #tpu.memory_space<hbm>>
        %dma_wait3A_122 = arith.constant 0 : i32
        %dma_wait3A_123 = arith.constant 0 : i32
        %dma_wait3A_124 = tpu.memref_slice %arg11[%dma_wait3A_122, %dma_wait3A_123] : memref<256x128xf32, #tpu.memory_space<vmem>> -> memref<128x128xf32, #tpu.memory_space<vmem>>
        tpu.wait_dma2 semaphore(%run_scoped3A : memref<!tpu.dma_semaphore, #tpu.memory_space<semaphore_mem>>) src(%dma_wait3A_124 : memref<128x128xf32, #tpu.memory_space<vmem>>) dst(%dma_wait3A_121 : memref<128x128xf32, #tpu.memory_space<hbm>>)
        tpu.yield
      }) : () -> ()
      %add3A_85 = arith.constant 128 : i32
      %add3A_86 = arith.addi %mul3A_79, %add3A_85 : i32
      "tpu.region"() ({
        %run_scoped3A = tpu.sem_alloc : memref<!tpu.dma_semaphore, #tpu.memory_space<semaphore_mem>>
        %dma_start3A_106 = arith.constant 0 : i32
        %dma_start3A_107 = arith.constant 0 : i32
        %dma_start3A_108 = tpu.memref_slice %arg11[%dma_start3A_106, %dma_start3A_107] : memref<256x128xf32, #tpu.memory_space<vmem>> -> memref<128x128xf32, #tpu.memory_space<vmem>>
        %dma_start3A_109 = arith.constant 0 : i32
        %dma_start3A_110 = tpu.memref_slice %arg12[%add3A_86, %dma_start3A_109] : memref<10248x128xf32, #tpu.memory_space<vmem_shared>> -> memref<128x128xf32, #tpu.memory_space<vmem_shared>>
        %dma_start3A_111 = arith.constant 0 : i32
        %dma_start3A_112 = arith.constant 0 : i32
        %dma_start3A_113 = tpu.memref_slice %arg11[%dma_start3A_111, %dma_start3A_112] : memref<256x128xf32, #tpu.memory_space<vmem>> -> memref<128x128xf32, #tpu.memory_space<vmem>>
        %dma_start3A_114 = arith.constant 0 : i32
        %dma_start3A_115 = tpu.memref_slice %arg12[%add3A_86, %dma_start3A_114] : memref<10248x128xf32, #tpu.memory_space<vmem_shared>> -> memref<128x128xf32, #tpu.memory_space<vmem_shared>>
        tpu.enqueue_dma source(%dma_start3A_115 : memref<128x128xf32, #tpu.memory_space<vmem_shared>>) target(%dma_start3A_113 : memref<128x128xf32, #tpu.memory_space<vmem>>) target_semaphore(%run_scoped3A : memref<!tpu.dma_semaphore, #tpu.memory_space<semaphore_mem>>)
        %dma_wait3A = arith.constant 0 : i32
        %dma_wait3A_116 = arith.constant 0 : i32
        %dma_wait3A_117 = tpu.memref_slice %arg11[%dma_wait3A, %dma_wait3A_116] : memref<256x128xf32, #tpu.memory_space<vmem>> -> memref<128x128xf32, #tpu.memory_space<vmem>>
        %dma_wait3A_118 = arith.constant 0 : i32
        %dma_wait3A_119 = tpu.memref_slice %arg12[%add3A_86, %dma_wait3A_118] : memref<10248x128xf32, #tpu.memory_space<vmem_shared>> -> memref<128x128xf32, #tpu.memory_space<vmem_shared>>
        %dma_wait3A_120 = arith.constant 0 : i32
        %dma_wait3A_121 = arith.constant 0 : i32
        %dma_wait3A_122 = tpu.memref_slice %arg11[%dma_wait3A_120, %dma_wait3A_121] : memref<256x128xf32, #tpu.memory_space<vmem>> -> memref<128x128xf32, #tpu.memory_space<vmem>>
        %dma_wait3A_123 = arith.constant 0 : i32
        %dma_wait3A_124 = tpu.memref_slice %arg12[%add3A_86, %dma_wait3A_123] : memref<10248x128xf32, #tpu.memory_space<vmem_shared>> -> memref<128x128xf32, #tpu.memory_space<vmem_shared>>
        tpu.wait_dma2 semaphore(%run_scoped3A : memref<!tpu.dma_semaphore, #tpu.memory_space<semaphore_mem>>) src(%dma_wait3A_124 : memref<128x128xf32, #tpu.memory_space<vmem_shared>>) dst(%dma_wait3A_122 : memref<128x128xf32, #tpu.memory_space<vmem>>)
        tpu.yield
      }) : () -> ()
      %add3A_87 = arith.addi %mul3A_15, %mul3A_79 : i32
      %add3A_88 = arith.constant 128 : i32
      %add3A_89 = arith.addi %add3A_87, %add3A_88 : i32
      "tpu.region"() ({
        %run_scoped3A = tpu.sem_alloc : memref<!tpu.dma_semaphore, #tpu.memory_space<semaphore_mem>>
        %dma_start3A_106 = arith.constant 0 : i32
        %dma_start3A_107 = arith.constant 0 : i32
        %dma_start3A_108 = tpu.memref_slice %arg11[%dma_start3A_106, %dma_start3A_107] : memref<256x128xf32, #tpu.memory_space<vmem>> -> memref<128x128xf32, #tpu.memory_space<vmem>>
        %dma_start3A_109 = arith.constant 0 : i32
        %dma_start3A_110 = tpu.memref_slice %arg6[%add3A_89, %dma_start3A_109] : memref<102400x128xf32, #tpu.memory_space<hbm>> -> memref<128x128xf32, #tpu.memory_space<hbm>>
        %dma_start3A_111 = arith.constant 0 : i32
        %dma_start3A_112 = tpu.memref_slice %arg6[%add3A_89, %dma_start3A_111] : memref<102400x128xf32, #tpu.memory_space<hbm>> -> memref<128x128xf32, #tpu.memory_space<hbm>>
        %dma_start3A_113 = arith.constant 0 : i32
        %dma_start3A_114 = arith.constant 0 : i32
        %dma_start3A_115 = tpu.memref_slice %arg11[%dma_start3A_113, %dma_start3A_114] : memref<256x128xf32, #tpu.memory_space<vmem>> -> memref<128x128xf32, #tpu.memory_space<vmem>>
        tpu.enqueue_dma source(%dma_start3A_115 : memref<128x128xf32, #tpu.memory_space<vmem>>) target(%dma_start3A_112 : memref<128x128xf32, #tpu.memory_space<hbm>>) target_semaphore(%run_scoped3A : memref<!tpu.dma_semaphore, #tpu.memory_space<semaphore_mem>>)
        %dma_wait3A = arith.constant 0 : i32
        %dma_wait3A_116 = arith.constant 0 : i32
        %dma_wait3A_117 = tpu.memref_slice %arg11[%dma_wait3A, %dma_wait3A_116] : memref<256x128xf32, #tpu.memory_space<vmem>> -> memref<128x128xf32, #tpu.memory_space<vmem>>
        %dma_wait3A_118 = arith.constant 0 : i32
        %dma_wait3A_119 = tpu.memref_slice %arg6[%add3A_89, %dma_wait3A_118] : memref<102400x128xf32, #tpu.memory_space<hbm>> -> memref<128x128xf32, #tpu.memory_space<hbm>>
        %dma_wait3A_120 = arith.constant 0 : i32
        %dma_wait3A_121 = tpu.memref_slice %arg6[%add3A_89, %dma_wait3A_120] : memref<102400x128xf32, #tpu.memory_space<hbm>> -> memref<128x128xf32, #tpu.memory_space<hbm>>
        %dma_wait3A_122 = arith.constant 0 : i32
        %dma_wait3A_123 = arith.constant 0 : i32
        %dma_wait3A_124 = tpu.memref_slice %arg11[%dma_wait3A_122, %dma_wait3A_123] : memref<256x128xf32, #tpu.memory_space<vmem>> -> memref<128x128xf32, #tpu.memory_space<vmem>>
        tpu.wait_dma2 semaphore(%run_scoped3A : memref<!tpu.dma_semaphore, #tpu.memory_space<semaphore_mem>>) src(%dma_wait3A_124 : memref<128x128xf32, #tpu.memory_space<vmem>>) dst(%dma_wait3A_121 : memref<128x128xf32, #tpu.memory_space<hbm>>)
        tpu.yield
      }) : () -> ()
      %add3A_90 = arith.constant 256 : i32
      %add3A_91 = arith.addi %mul3A_79, %add3A_90 : i32
      "tpu.region"() ({
        %run_scoped3A = tpu.sem_alloc : memref<!tpu.dma_semaphore, #tpu.memory_space<semaphore_mem>>
        %dma_start3A_106 = arith.constant 0 : i32
        %dma_start3A_107 = arith.constant 0 : i32
        %dma_start3A_108 = tpu.memref_slice %arg11[%dma_start3A_106, %dma_start3A_107] : memref<256x128xf32, #tpu.memory_space<vmem>> -> memref<128x128xf32, #tpu.memory_space<vmem>>
        %dma_start3A_109 = arith.constant 0 : i32
        %dma_start3A_110 = tpu.memref_slice %arg12[%add3A_91, %dma_start3A_109] : memref<10248x128xf32, #tpu.memory_space<vmem_shared>> -> memref<128x128xf32, #tpu.memory_space<vmem_shared>>
        %dma_start3A_111 = arith.constant 0 : i32
        %dma_start3A_112 = arith.constant 0 : i32
        %dma_start3A_113 = tpu.memref_slice %arg11[%dma_start3A_111, %dma_start3A_112] : memref<256x128xf32, #tpu.memory_space<vmem>> -> memref<128x128xf32, #tpu.memory_space<vmem>>
        %dma_start3A_114 = arith.constant 0 : i32
        %dma_start3A_115 = tpu.memref_slice %arg12[%add3A_91, %dma_start3A_114] : memref<10248x128xf32, #tpu.memory_space<vmem_shared>> -> memref<128x128xf32, #tpu.memory_space<vmem_shared>>
        tpu.enqueue_dma source(%dma_start3A_115 : memref<128x128xf32, #tpu.memory_space<vmem_shared>>) target(%dma_start3A_113 : memref<128x128xf32, #tpu.memory_space<vmem>>) target_semaphore(%run_scoped3A : memref<!tpu.dma_semaphore, #tpu.memory_space<semaphore_mem>>)
        %dma_wait3A = arith.constant 0 : i32
        %dma_wait3A_116 = arith.constant 0 : i32
        %dma_wait3A_117 = tpu.memref_slice %arg11[%dma_wait3A, %dma_wait3A_116] : memref<256x128xf32, #tpu.memory_space<vmem>> -> memref<128x128xf32, #tpu.memory_space<vmem>>
        %dma_wait3A_118 = arith.constant 0 : i32
        %dma_wait3A_119 = tpu.memref_slice %arg12[%add3A_91, %dma_wait3A_118] : memref<10248x128xf32, #tpu.memory_space<vmem_shared>> -> memref<128x128xf32, #tpu.memory_space<vmem_shared>>
        %dma_wait3A_120 = arith.constant 0 : i32
        %dma_wait3A_121 = arith.constant 0 : i32
        %dma_wait3A_122 = tpu.memref_slice %arg11[%dma_wait3A_120, %dma_wait3A_121] : memref<256x128xf32, #tpu.memory_space<vmem>> -> memref<128x128xf32, #tpu.memory_space<vmem>>
        %dma_wait3A_123 = arith.constant 0 : i32
        %dma_wait3A_124 = tpu.memref_slice %arg12[%add3A_91, %dma_wait3A_123] : memref<10248x128xf32, #tpu.memory_space<vmem_shared>> -> memref<128x128xf32, #tpu.memory_space<vmem_shared>>
        tpu.wait_dma2 semaphore(%run_scoped3A : memref<!tpu.dma_semaphore, #tpu.memory_space<semaphore_mem>>) src(%dma_wait3A_124 : memref<128x128xf32, #tpu.memory_space<vmem_shared>>) dst(%dma_wait3A_122 : memref<128x128xf32, #tpu.memory_space<vmem>>)
        tpu.yield
      }) : () -> ()
      %add3A_92 = arith.addi %mul3A_15, %mul3A_79 : i32
      %add3A_93 = arith.constant 256 : i32
      %add3A_94 = arith.addi %add3A_92, %add3A_93 : i32
      "tpu.region"() ({
        %run_scoped3A = tpu.sem_alloc : memref<!tpu.dma_semaphore, #tpu.memory_space<semaphore_mem>>
        %dma_start3A_106 = arith.constant 0 : i32
        %dma_start3A_107 = arith.constant 0 : i32
        %dma_start3A_108 = tpu.memref_slice %arg11[%dma_start3A_106, %dma_start3A_107] : memref<256x128xf32, #tpu.memory_space<vmem>> -> memref<128x128xf32, #tpu.memory_space<vmem>>
        %dma_start3A_109 = arith.constant 0 : i32
        %dma_start3A_110 = tpu.memref_slice %arg6[%add3A_94, %dma_start3A_109] : memref<102400x128xf32, #tpu.memory_space<hbm>> -> memref<128x128xf32, #tpu.memory_space<hbm>>
        %dma_start3A_111 = arith.constant 0 : i32
        %dma_start3A_112 = tpu.memref_slice %arg6[%add3A_94, %dma_start3A_111] : memref<102400x128xf32, #tpu.memory_space<hbm>> -> memref<128x128xf32, #tpu.memory_space<hbm>>
        %dma_start3A_113 = arith.constant 0 : i32
        %dma_start3A_114 = arith.constant 0 : i32
        %dma_start3A_115 = tpu.memref_slice %arg11[%dma_start3A_113, %dma_start3A_114] : memref<256x128xf32, #tpu.memory_space<vmem>> -> memref<128x128xf32, #tpu.memory_space<vmem>>
        tpu.enqueue_dma source(%dma_start3A_115 : memref<128x128xf32, #tpu.memory_space<vmem>>) target(%dma_start3A_112 : memref<128x128xf32, #tpu.memory_space<hbm>>) target_semaphore(%run_scoped3A : memref<!tpu.dma_semaphore, #tpu.memory_space<semaphore_mem>>)
        %dma_wait3A = arith.constant 0 : i32
        %dma_wait3A_116 = arith.constant 0 : i32
        %dma_wait3A_117 = tpu.memref_slice %arg11[%dma_wait3A, %dma_wait3A_116] : memref<256x128xf32, #tpu.memory_space<vmem>> -> memref<128x128xf32, #tpu.memory_space<vmem>>
        %dma_wait3A_118 = arith.constant 0 : i32
        %dma_wait3A_119 = tpu.memref_slice %arg6[%add3A_94, %dma_wait3A_118] : memref<102400x128xf32, #tpu.memory_space<hbm>> -> memref<128x128xf32, #tpu.memory_space<hbm>>
        %dma_wait3A_120 = arith.constant 0 : i32
        %dma_wait3A_121 = tpu.memref_slice %arg6[%add3A_94, %dma_wait3A_120] : memref<102400x128xf32, #tpu.memory_space<hbm>> -> memref<128x128xf32, #tpu.memory_space<hbm>>
        %dma_wait3A_122 = arith.constant 0 : i32
        %dma_wait3A_123 = arith.constant 0 : i32
        %dma_wait3A_124 = tpu.memref_slice %arg11[%dma_wait3A_122, %dma_wait3A_123] : memref<256x128xf32, #tpu.memory_space<vmem>> -> memref<128x128xf32, #tpu.memory_space<vmem>>
        tpu.wait_dma2 semaphore(%run_scoped3A : memref<!tpu.dma_semaphore, #tpu.memory_space<semaphore_mem>>) src(%dma_wait3A_124 : memref<128x128xf32, #tpu.memory_space<vmem>>) dst(%dma_wait3A_121 : memref<128x128xf32, #tpu.memory_space<hbm>>)
        tpu.yield
      }) : () -> ()
      %add3A_95 = arith.constant 384 : i32
      %add3A_96 = arith.addi %mul3A_79, %add3A_95 : i32
      "tpu.region"() ({
        %run_scoped3A = tpu.sem_alloc : memref<!tpu.dma_semaphore, #tpu.memory_space<semaphore_mem>>
        %dma_start3A_106 = arith.constant 0 : i32
        %dma_start3A_107 = arith.constant 0 : i32
        %dma_start3A_108 = tpu.memref_slice %arg11[%dma_start3A_106, %dma_start3A_107] : memref<256x128xf32, #tpu.memory_space<vmem>> -> memref<128x128xf32, #tpu.memory_space<vmem>>
        %dma_start3A_109 = arith.constant 0 : i32
        %dma_start3A_110 = tpu.memref_slice %arg12[%add3A_96, %dma_start3A_109] : memref<10248x128xf32, #tpu.memory_space<vmem_shared>> -> memref<128x128xf32, #tpu.memory_space<vmem_shared>>
        %dma_start3A_111 = arith.constant 0 : i32
        %dma_start3A_112 = arith.constant 0 : i32
        %dma_start3A_113 = tpu.memref_slice %arg11[%dma_start3A_111, %dma_start3A_112] : memref<256x128xf32, #tpu.memory_space<vmem>> -> memref<128x128xf32, #tpu.memory_space<vmem>>
        %dma_start3A_114 = arith.constant 0 : i32
        %dma_start3A_115 = tpu.memref_slice %arg12[%add3A_96, %dma_start3A_114] : memref<10248x128xf32, #tpu.memory_space<vmem_shared>> -> memref<128x128xf32, #tpu.memory_space<vmem_shared>>
        tpu.enqueue_dma source(%dma_start3A_115 : memref<128x128xf32, #tpu.memory_space<vmem_shared>>) target(%dma_start3A_113 : memref<128x128xf32, #tpu.memory_space<vmem>>) target_semaphore(%run_scoped3A : memref<!tpu.dma_semaphore, #tpu.memory_space<semaphore_mem>>)
        %dma_wait3A = arith.constant 0 : i32
        %dma_wait3A_116 = arith.constant 0 : i32
        %dma_wait3A_117 = tpu.memref_slice %arg11[%dma_wait3A, %dma_wait3A_116] : memref<256x128xf32, #tpu.memory_space<vmem>> -> memref<128x128xf32, #tpu.memory_space<vmem>>
        %dma_wait3A_118 = arith.constant 0 : i32
        %dma_wait3A_119 = tpu.memref_slice %arg12[%add3A_96, %dma_wait3A_118] : memref<10248x128xf32, #tpu.memory_space<vmem_shared>> -> memref<128x128xf32, #tpu.memory_space<vmem_shared>>
        %dma_wait3A_120 = arith.constant 0 : i32
        %dma_wait3A_121 = arith.constant 0 : i32
        %dma_wait3A_122 = tpu.memref_slice %arg11[%dma_wait3A_120, %dma_wait3A_121] : memref<256x128xf32, #tpu.memory_space<vmem>> -> memref<128x128xf32, #tpu.memory_space<vmem>>
        %dma_wait3A_123 = arith.constant 0 : i32
        %dma_wait3A_124 = tpu.memref_slice %arg12[%add3A_96, %dma_wait3A_123] : memref<10248x128xf32, #tpu.memory_space<vmem_shared>> -> memref<128x128xf32, #tpu.memory_space<vmem_shared>>
        tpu.wait_dma2 semaphore(%run_scoped3A : memref<!tpu.dma_semaphore, #tpu.memory_space<semaphore_mem>>) src(%dma_wait3A_124 : memref<128x128xf32, #tpu.memory_space<vmem_shared>>) dst(%dma_wait3A_122 : memref<128x128xf32, #tpu.memory_space<vmem>>)
        tpu.yield
      }) : () -> ()
      %add3A_97 = arith.addi %mul3A_15, %mul3A_79 : i32
      %add3A_98 = arith.constant 384 : i32
      %add3A_99 = arith.addi %add3A_97, %add3A_98 : i32
      "tpu.region"() ({
        %run_scoped3A = tpu.sem_alloc : memref<!tpu.dma_semaphore, #tpu.memory_space<semaphore_mem>>
        %dma_start3A_106 = arith.constant 0 : i32
        %dma_start3A_107 = arith.constant 0 : i32
        %dma_start3A_108 = tpu.memref_slice %arg11[%dma_start3A_106, %dma_start3A_107] : memref<256x128xf32, #tpu.memory_space<vmem>> -> memref<128x128xf32, #tpu.memory_space<vmem>>
        %dma_start3A_109 = arith.constant 0 : i32
        %dma_start3A_110 = tpu.memref_slice %arg6[%add3A_99, %dma_start3A_109] : memref<102400x128xf32, #tpu.memory_space<hbm>> -> memref<128x128xf32, #tpu.memory_space<hbm>>
        %dma_start3A_111 = arith.constant 0 : i32
        %dma_start3A_112 = tpu.memref_slice %arg6[%add3A_99, %dma_start3A_111] : memref<102400x128xf32, #tpu.memory_space<hbm>> -> memref<128x128xf32, #tpu.memory_space<hbm>>
        %dma_start3A_113 = arith.constant 0 : i32
        %dma_start3A_114 = arith.constant 0 : i32
        %dma_start3A_115 = tpu.memref_slice %arg11[%dma_start3A_113, %dma_start3A_114] : memref<256x128xf32, #tpu.memory_space<vmem>> -> memref<128x128xf32, #tpu.memory_space<vmem>>
        tpu.enqueue_dma source(%dma_start3A_115 : memref<128x128xf32, #tpu.memory_space<vmem>>) target(%dma_start3A_112 : memref<128x128xf32, #tpu.memory_space<hbm>>) target_semaphore(%run_scoped3A : memref<!tpu.dma_semaphore, #tpu.memory_space<semaphore_mem>>)
        %dma_wait3A = arith.constant 0 : i32
        %dma_wait3A_116 = arith.constant 0 : i32
        %dma_wait3A_117 = tpu.memref_slice %arg11[%dma_wait3A, %dma_wait3A_116] : memref<256x128xf32, #tpu.memory_space<vmem>> -> memref<128x128xf32, #tpu.memory_space<vmem>>
        %dma_wait3A_118 = arith.constant 0 : i32
        %dma_wait3A_119 = tpu.memref_slice %arg6[%add3A_99, %dma_wait3A_118] : memref<102400x128xf32, #tpu.memory_space<hbm>> -> memref<128x128xf32, #tpu.memory_space<hbm>>
        %dma_wait3A_120 = arith.constant 0 : i32
        %dma_wait3A_121 = tpu.memref_slice %arg6[%add3A_99, %dma_wait3A_120] : memref<102400x128xf32, #tpu.memory_space<hbm>> -> memref<128x128xf32, #tpu.memory_space<hbm>>
        %dma_wait3A_122 = arith.constant 0 : i32
        %dma_wait3A_123 = arith.constant 0 : i32
        %dma_wait3A_124 = tpu.memref_slice %arg11[%dma_wait3A_122, %dma_wait3A_123] : memref<256x128xf32, #tpu.memory_space<vmem>> -> memref<128x128xf32, #tpu.memory_space<vmem>>
        tpu.wait_dma2 semaphore(%run_scoped3A : memref<!tpu.dma_semaphore, #tpu.memory_space<semaphore_mem>>) src(%dma_wait3A_124 : memref<128x128xf32, #tpu.memory_space<vmem>>) dst(%dma_wait3A_121 : memref<128x128xf32, #tpu.memory_space<hbm>>)
        tpu.yield
      }) : () -> ()
      %add3A_100 = arith.constant 512 : i32
      %add3A_101 = arith.addi %mul3A_79, %add3A_100 : i32
      "tpu.region"() ({
        %run_scoped3A = tpu.sem_alloc : memref<!tpu.dma_semaphore, #tpu.memory_space<semaphore_mem>>
        %dma_start3A_106 = arith.constant 0 : i32
        %dma_start3A_107 = arith.constant 0 : i32
        %dma_start3A_108 = tpu.memref_slice %arg11[%dma_start3A_106, %dma_start3A_107] : memref<256x128xf32, #tpu.memory_space<vmem>> -> memref<128x128xf32, #tpu.memory_space<vmem>>
        %dma_start3A_109 = arith.constant 0 : i32
        %dma_start3A_110 = tpu.memref_slice %arg12[%add3A_101, %dma_start3A_109] : memref<10248x128xf32, #tpu.memory_space<vmem_shared>> -> memref<128x128xf32, #tpu.memory_space<vmem_shared>>
        %dma_start3A_111 = arith.constant 0 : i32
        %dma_start3A_112 = arith.constant 0 : i32
        %dma_start3A_113 = tpu.memref_slice %arg11[%dma_start3A_111, %dma_start3A_112] : memref<256x128xf32, #tpu.memory_space<vmem>> -> memref<128x128xf32, #tpu.memory_space<vmem>>
        %dma_start3A_114 = arith.constant 0 : i32
        %dma_start3A_115 = tpu.memref_slice %arg12[%add3A_101, %dma_start3A_114] : memref<10248x128xf32, #tpu.memory_space<vmem_shared>> -> memref<128x128xf32, #tpu.memory_space<vmem_shared>>
        tpu.enqueue_dma source(%dma_start3A_115 : memref<128x128xf32, #tpu.memory_space<vmem_shared>>) target(%dma_start3A_113 : memref<128x128xf32, #tpu.memory_space<vmem>>) target_semaphore(%run_scoped3A : memref<!tpu.dma_semaphore, #tpu.memory_space<semaphore_mem>>)
        %dma_wait3A = arith.constant 0 : i32
        %dma_wait3A_116 = arith.constant 0 : i32
        %dma_wait3A_117 = tpu.memref_slice %arg11[%dma_wait3A, %dma_wait3A_116] : memref<256x128xf32, #tpu.memory_space<vmem>> -> memref<128x128xf32, #tpu.memory_space<vmem>>
        %dma_wait3A_118 = arith.constant 0 : i32
        %dma_wait3A_119 = tpu.memref_slice %arg12[%add3A_101, %dma_wait3A_118] : memref<10248x128xf32, #tpu.memory_space<vmem_shared>> -> memref<128x128xf32, #tpu.memory_space<vmem_shared>>
        %dma_wait3A_120 = arith.constant 0 : i32
        %dma_wait3A_121 = arith.constant 0 : i32
        %dma_wait3A_122 = tpu.memref_slice %arg11[%dma_wait3A_120, %dma_wait3A_121] : memref<256x128xf32, #tpu.memory_space<vmem>> -> memref<128x128xf32, #tpu.memory_space<vmem>>
        %dma_wait3A_123 = arith.constant 0 : i32
        %dma_wait3A_124 = tpu.memref_slice %arg12[%add3A_101, %dma_wait3A_123] : memref<10248x128xf32, #tpu.memory_space<vmem_shared>> -> memref<128x128xf32, #tpu.memory_space<vmem_shared>>
        tpu.wait_dma2 semaphore(%run_scoped3A : memref<!tpu.dma_semaphore, #tpu.memory_space<semaphore_mem>>) src(%dma_wait3A_124 : memref<128x128xf32, #tpu.memory_space<vmem_shared>>) dst(%dma_wait3A_122 : memref<128x128xf32, #tpu.memory_space<vmem>>)
        tpu.yield
      }) : () -> ()
      %add3A_102 = arith.addi %mul3A_15, %mul3A_79 : i32
      %add3A_103 = arith.constant 512 : i32
      %add3A_104 = arith.addi %add3A_102, %add3A_103 : i32
      "tpu.region"() ({
        %run_scoped3A = tpu.sem_alloc : memref<!tpu.dma_semaphore, #tpu.memory_space<semaphore_mem>>
        %dma_start3A_106 = arith.constant 0 : i32
        %dma_start3A_107 = arith.constant 0 : i32
        %dma_start3A_108 = tpu.memref_slice %arg11[%dma_start3A_106, %dma_start3A_107] : memref<256x128xf32, #tpu.memory_space<vmem>> -> memref<128x128xf32, #tpu.memory_space<vmem>>
        %dma_start3A_109 = arith.constant 0 : i32
        %dma_start3A_110 = tpu.memref_slice %arg6[%add3A_104, %dma_start3A_109] : memref<102400x128xf32, #tpu.memory_space<hbm>> -> memref<128x128xf32, #tpu.memory_space<hbm>>
        %dma_start3A_111 = arith.constant 0 : i32
        %dma_start3A_112 = tpu.memref_slice %arg6[%add3A_104, %dma_start3A_111] : memref<102400x128xf32, #tpu.memory_space<hbm>> -> memref<128x128xf32, #tpu.memory_space<hbm>>
        %dma_start3A_113 = arith.constant 0 : i32
        %dma_start3A_114 = arith.constant 0 : i32
        %dma_start3A_115 = tpu.memref_slice %arg11[%dma_start3A_113, %dma_start3A_114] : memref<256x128xf32, #tpu.memory_space<vmem>> -> memref<128x128xf32, #tpu.memory_space<vmem>>
        tpu.enqueue_dma source(%dma_start3A_115 : memref<128x128xf32, #tpu.memory_space<vmem>>) target(%dma_start3A_112 : memref<128x128xf32, #tpu.memory_space<hbm>>) target_semaphore(%run_scoped3A : memref<!tpu.dma_semaphore, #tpu.memory_space<semaphore_mem>>)
        %dma_wait3A = arith.constant 0 : i32
        %dma_wait3A_116 = arith.constant 0 : i32
        %dma_wait3A_117 = tpu.memref_slice %arg11[%dma_wait3A, %dma_wait3A_116] : memref<256x128xf32, #tpu.memory_space<vmem>> -> memref<128x128xf32, #tpu.memory_space<vmem>>
        %dma_wait3A_118 = arith.constant 0 : i32
        %dma_wait3A_119 = tpu.memref_slice %arg6[%add3A_104, %dma_wait3A_118] : memref<102400x128xf32, #tpu.memory_space<hbm>> -> memref<128x128xf32, #tpu.memory_space<hbm>>
        %dma_wait3A_120 = arith.constant 0 : i32
        %dma_wait3A_121 = tpu.memref_slice %arg6[%add3A_104, %dma_wait3A_120] : memref<102400x128xf32, #tpu.memory_space<hbm>> -> memref<128x128xf32, #tpu.memory_space<hbm>>
        %dma_wait3A_122 = arith.constant 0 : i32
        %dma_wait3A_123 = arith.constant 0 : i32
        %dma_wait3A_124 = tpu.memref_slice %arg11[%dma_wait3A_122, %dma_wait3A_123] : memref<256x128xf32, #tpu.memory_space<vmem>> -> memref<128x128xf32, #tpu.memory_space<vmem>>
        tpu.wait_dma2 semaphore(%run_scoped3A : memref<!tpu.dma_semaphore, #tpu.memory_space<semaphore_mem>>) src(%dma_wait3A_124 : memref<128x128xf32, #tpu.memory_space<vmem>>) dst(%dma_wait3A_121 : memref<128x128xf32, #tpu.memory_space<hbm>>)
        tpu.yield
      }) : () -> ()
      %barrier3A_105 = arith.constant 0 : index
      tpu.barrier barrier_id(%barrier3A_105)
    }
    %scan3A_9 = arith.constant 5 : i32
    return
  }
}

module attributes {stable_mosaic.version = 14 : i64} {
  func.func @_tc1_body(%arg0: i32, %arg1: memref<2048x8xf32, #tpu.memory_space<vmem>>, %arg2: memref<2048x8xf32, #tpu.memory_space<vmem>>, %arg3: memref<8x64xf32, #tpu.memory_space<vmem>>, %arg4: memref<2048x1xf32, #tpu.memory_space<vmem>>, %arg5: memref<2048x128xf32, #tpu.memory_space<vmem>>) attributes {dimension_semantics = [#tpu.dimension_semantics<arbitrary>], iteration_bounds = array<i64: 50>, scalar_prefetch = 0 : i64, scratch_operands = 0 : i64, tpu.core_type = #tpu.core_type<tc>, window_params = [{transform_indices = @transform_0, window_bounds = array<i64: 2048, 8>}, {transform_indices = @transform_1, window_bounds = array<i64: 2048, 8>}, {pipeline_mode = #tpu.pipeline_mode<synchronous>, transform_indices = @transform_2, window_bounds = array<i64: 8, 64>}, {transform_indices = @transform_3, window_bounds = array<i64: 2048, 1>}, {transform_indices = @transform_4, window_bounds = array<i64: 2048, 128>}]} {
    %get3A = arith.constant 0 : index
    %get3A_0 = arith.constant 0 : index
    %get3A_1 = vector.load %arg2[%get3A, %get3A_0] : memref<2048x8xf32, #tpu.memory_space<vmem>>, vector<2048x8xf32>
    %reduce_sum3A = arith.constant dense<0.000000e+00> : vector<2048xf32>
    %reduce_sum3A_2 = vector.multi_reduction <add>, %get3A_1, %reduce_sum3A [1] : vector<2048x8xf32> to vector<2048xf32>
    %broadcast_in_dim3A = vector.shape_cast %reduce_sum3A_2 : vector<2048xf32> to vector<2048x1xf32>
    %add3A = arith.constant 1.000000e+00 : f32
    %add3A_3 = vector.broadcast %add3A : f32 to vector<2048x1xf32>
    %add3A_4 = arith.addf %broadcast_in_dim3A, %add3A_3 : vector<2048x1xf32>
    %rsqrt3A = math.rsqrt %add3A_4 : vector<2048x1xf32>
    %get3A_5 = arith.constant 0 : index
    %get3A_6 = arith.constant 0 : index
    %get3A_7 = vector.load %arg1[%get3A_5, %get3A_6] : memref<2048x8xf32, #tpu.memory_space<vmem>>, vector<2048x8xf32>
    %get3A_8 = arith.constant 0 : index
    %get3A_9 = arith.constant 0 : index
    %get3A_10 = vector.load %arg3[%get3A_8, %get3A_9] : memref<8x64xf32, #tpu.memory_space<vmem>>, vector<8x64xf32>
    %dot_general3A = arith.constant dense<0.000000e+00> : vector<2048x64xf32>
    %dot_general3A_11 = tpu.matmul %get3A_7, %get3A_10, %dot_general3A {dimension_numbers = #tpu.dot_dimension_numbers<[1], [0], [0], [1], [0, 0, 1, 1], [], []>, transpose_lhs_hint = false} : vector<2048x8xf32>, vector<8x64xf32>, vector<2048x64xf32> -> vector<2048x64xf32>
    %swap3A = arith.constant 0 : index
    %swap3A_12 = arith.constant 0 : index
    %swap3A_13 = vector.load %arg4[%swap3A, %swap3A_12] : memref<2048x1xf32, #tpu.memory_space<vmem>>, vector<2048x1xf32>
    tpu.vector_store %arg4[%swap3A, %swap3A_12], %rsqrt3A {strides = array<i32>} : memref<2048x1xf32, #tpu.memory_space<vmem>>, vector<2048x1xf32>,
    %mul3A = vector.broadcast %rsqrt3A : vector<2048x1xf32> to vector<2048x64xf32>
    %mul3A_14 = arith.mulf %dot_general3A_11, %mul3A : vector<2048x64xf32>
    %broadcast_in_dim3A_15 = arith.constant 0.000000e+00 : f32
    %broadcast_in_dim3A_16 = vector.broadcast %broadcast_in_dim3A_15 : f32 to vector<2048x64xf32>
    %concatenate3A = tpu.concatenate %mul3A_14, %broadcast_in_dim3A_16 in 1 : vector<2048x64xf32>, vector<2048x64xf32> -> vector<2048x128xf32>
    %swap3A_17 = arith.constant 0 : index
    %swap3A_18 = arith.constant 0 : index
    %swap3A_19 = vector.load %arg5[%swap3A_17, %swap3A_18] : memref<2048x128xf32, #tpu.memory_space<vmem>>, vector<2048x128xf32>
    tpu.vector_store %arg5[%swap3A_17, %swap3A_18], %concatenate3A {strides = array<i32>} : memref<2048x128xf32, #tpu.memory_space<vmem>>, vector<2048x128xf32>,
    return
  }
  func.func @transform_0(%arg0: i32) -> (i32, i32) {
    %c0_i32 = arith.constant 0 : i32
    %c0_i32_0 = arith.constant 0 : i32
    return %arg0, %c0_i32 : i32, i32
  }
  func.func @transform_1(%arg0: i32) -> (i32, i32) {
    %c0_i32 = arith.constant 0 : i32
    %c0_i32_0 = arith.constant 0 : i32
    return %arg0, %c0_i32 : i32, i32
  }
  func.func @transform_2(%arg0: i32) -> (i32, i32) {
    %c0_i32 = arith.constant 0 : i32
    %c0_i32_0 = arith.constant 0 : i32
    %c0_i32_1 = arith.constant 0 : i32
    return %c0_i32, %c0_i32_0 : i32, i32
  }
  func.func @transform_3(%arg0: i32) -> (i32, i32) {
    %c0_i32 = arith.constant 0 : i32
    %c0_i32_0 = arith.constant 0 : i32
    return %arg0, %c0_i32 : i32, i32
  }
  func.func @transform_4(%arg0: i32) -> (i32, i32) {
    %c0_i32 = arith.constant 0 : i32
    %c0_i32_0 = arith.constant 0 : i32
    return %arg0, %c0_i32 : i32, i32
  }
}

module attributes {stable_mosaic.version = 14 : i64} {
  func.func @_tc2_body(%arg0: i32, %arg1: memref<2048x128xf32, #tpu.memory_space<vmem>>, %arg2: memref<2048x128xf32, #tpu.memory_space<vmem>>, %arg3: memref<2048x1xf32, #tpu.memory_space<vmem>>, %arg4: memref<64x64xf32, #tpu.memory_space<vmem>>, %arg5: memref<1x64xf32, #tpu.memory_space<vmem>>, %arg6: memref<2048x128xf32, #tpu.memory_space<vmem>>) attributes {dimension_semantics = [#tpu.dimension_semantics<arbitrary>], iteration_bounds = array<i64: 50>, scalar_prefetch = 0 : i64, scratch_operands = 0 : i64, tpu.core_type = #tpu.core_type<tc>, window_params = [{transform_indices = @transform_0, window_bounds = array<i64: 2048, 128>}, {transform_indices = @transform_1, window_bounds = array<i64: 2048, 128>}, {transform_indices = @transform_2, window_bounds = array<i64: 2048, 1>}, {pipeline_mode = #tpu.pipeline_mode<synchronous>, transform_indices = @transform_3, window_bounds = array<i64: 64, 64>}, {pipeline_mode = #tpu.pipeline_mode<synchronous>, transform_indices = @transform_4, window_bounds = array<i64: 1, 64>}, {transform_indices = @transform_5, window_bounds = array<i64: 2048, 128>}]} {
    %get3A = arith.constant 0 : index
    %get3A_0 = arith.constant 0 : index
    %get3A_1 = vector.load %arg3[%get3A, %get3A_0] : memref<2048x1xf32, #tpu.memory_space<vmem>>, vector<2048x1xf32>
    %get3A_2 = arith.constant 0 : index
    %get3A_3 = arith.constant 0 : index
    %get3A_4 = vector.load %arg1[%get3A_2, %get3A_3] : memref<2048x128xf32, #tpu.memory_space<vmem>>, vector<2048x64xf32>
    %get3A_5 = arith.constant 0 : index
    %get3A_6 = arith.constant 0 : index
    %get3A_7 = vector.load %arg2[%get3A_5, %get3A_6] : memref<2048x128xf32, #tpu.memory_space<vmem>>, vector<2048x64xf32>
    %add3A = arith.addf %get3A_4, %get3A_7 : vector<2048x64xf32>
    %mul3A = vector.broadcast %get3A_1 : vector<2048x1xf32> to vector<2048x64xf32>
    %mul3A_8 = arith.mulf %mul3A, %add3A : vector<2048x64xf32>
    %get3A_9 = arith.constant 0 : index
    %get3A_10 = arith.constant 0 : index
    %get3A_11 = vector.load %arg5[%get3A_9, %get3A_10] : memref<1x64xf32, #tpu.memory_space<vmem>>, vector<1x64xf32>
    %add3A_12 = vector.broadcast %get3A_11 : vector<1x64xf32> to vector<2048x64xf32>
    %add3A_13 = arith.addf %mul3A_8, %add3A_12 : vector<2048x64xf32>
    %max3A = arith.constant 0.000000e+00 : f32
    %max3A_14 = vector.broadcast %max3A : f32 to vector<2048x64xf32>
    %max3A_15 = arith.maximumf %add3A_13, %max3A_14 : vector<2048x64xf32>
    %get3A_16 = arith.constant 0 : index
    %get3A_17 = arith.constant 0 : index
    %get3A_18 = vector.load %arg4[%get3A_16, %get3A_17] : memref<64x64xf32, #tpu.memory_space<vmem>>, vector<64x64xf32>
    %dot_general3A = arith.constant dense<0.000000e+00> : vector<2048x64xf32>
    %dot_general3A_19 = tpu.matmul %max3A_15, %get3A_18, %dot_general3A {dimension_numbers = #tpu.dot_dimension_numbers<[1], [0], [0], [1], [0, 0, 1, 1], [], []>, transpose_lhs_hint = false} : vector<2048x64xf32>, vector<64x64xf32>, vector<2048x64xf32> -> vector<2048x64xf32>
    %mul3A_20 = vector.broadcast %get3A_1 : vector<2048x1xf32> to vector<2048x64xf32>
    %mul3A_21 = arith.mulf %dot_general3A_19, %mul3A_20 : vector<2048x64xf32>
    %broadcast_in_dim3A = arith.constant 0.000000e+00 : f32
    %broadcast_in_dim3A_22 = vector.broadcast %broadcast_in_dim3A : f32 to vector<2048x64xf32>
    %concatenate3A = tpu.concatenate %mul3A_21, %broadcast_in_dim3A_22 in 1 : vector<2048x64xf32>, vector<2048x64xf32> -> vector<2048x128xf32>
    %swap3A = arith.constant 0 : index
    %swap3A_23 = arith.constant 0 : index
    %swap3A_24 = vector.load %arg6[%swap3A, %swap3A_23] : memref<2048x128xf32, #tpu.memory_space<vmem>>, vector<2048x128xf32>
    tpu.vector_store %arg6[%swap3A, %swap3A_23], %concatenate3A {strides = array<i32>} : memref<2048x128xf32, #tpu.memory_space<vmem>>, vector<2048x128xf32>,
    return
  }
  func.func @transform_0(%arg0: i32) -> (i32, i32) {
    %c0_i32 = arith.constant 0 : i32
    %c0_i32_0 = arith.constant 0 : i32
    return %arg0, %c0_i32 : i32, i32
  }
  func.func @transform_1(%arg0: i32) -> (i32, i32) {
    %c0_i32 = arith.constant 0 : i32
    %c0_i32_0 = arith.constant 0 : i32
    return %arg0, %c0_i32 : i32, i32
  }
  func.func @transform_2(%arg0: i32) -> (i32, i32) {
    %c0_i32 = arith.constant 0 : i32
    %c0_i32_0 = arith.constant 0 : i32
    return %arg0, %c0_i32 : i32, i32
  }
  func.func @transform_3(%arg0: i32) -> (i32, i32) {
    %c0_i32 = arith.constant 0 : i32
    %c0_i32_0 = arith.constant 0 : i32
    %c0_i32_1 = arith.constant 0 : i32
    return %c0_i32, %c0_i32_0 : i32, i32
  }
  func.func @transform_4(%arg0: i32) -> (i32, i32) {
    %c0_i32 = arith.constant 0 : i32
    %c0_i32_0 = arith.constant 0 : i32
    %c0_i32_1 = arith.constant 0 : i32
    return %c0_i32, %c0_i32_0 : i32, i32
  }
  func.func @transform_5(%arg0: i32) -> (i32, i32) {
    %c0_i32 = arith.constant 0 : i32
    %c0_i32_0 = arith.constant 0 : i32
    return %arg0, %c0_i32 : i32, i32
  }
}

module attributes {stable_mosaic.version = 14 : i64} {
  func.func @_tc3_body(%arg0: i32, %arg1: memref<2048x128xf32, #tpu.memory_space<vmem>>, %arg2: memref<2048x128xf32, #tpu.memory_space<vmem>>, %arg3: memref<2048x1xf32, #tpu.memory_space<vmem>>, %arg4: memref<2048x8xf32, #tpu.memory_space<vmem>>, %arg5: memref<1x64xf32, #tpu.memory_space<vmem>>, %arg6: memref<64x32xf32, #tpu.memory_space<vmem>>, %arg7: memref<8x32xf32, #tpu.memory_space<vmem>>, %arg8: memref<1x32xf32, #tpu.memory_space<vmem>>, %arg9: memref<32x2xf32, #tpu.memory_space<vmem>>, %arg10: memref<1x2xf32, #tpu.memory_space<vmem>>, %arg11: memref<1x2xf32, #tpu.memory_space<vmem>>, %arg12: memref<1x64xf32, #tpu.memory_space<vmem>>, %arg13: memref<1x8xf32, #tpu.memory_space<vmem>>) attributes {dimension_semantics = [#tpu.dimension_semantics<arbitrary>], iteration_bounds = array<i64: 50>, scalar_prefetch = 0 : i64, scratch_operands = 2 : i64, tpu.core_type = #tpu.core_type<tc>, window_params = [{transform_indices = @transform_0, window_bounds = array<i64: 2048, 128>}, {transform_indices = @transform_1, window_bounds = array<i64: 2048, 128>}, {transform_indices = @transform_2, window_bounds = array<i64: 2048, 1>}, {transform_indices = @transform_3, window_bounds = array<i64: 2048, 8>}, {pipeline_mode = #tpu.pipeline_mode<synchronous>, transform_indices = @transform_4, window_bounds = array<i64: 1, 64>}, {pipeline_mode = #tpu.pipeline_mode<synchronous>, transform_indices = @transform_5, window_bounds = array<i64: 64, 32>}, {pipeline_mode = #tpu.pipeline_mode<synchronous>, transform_indices = @transform_6, window_bounds = array<i64: 8, 32>}, {pipeline_mode = #tpu.pipeline_mode<synchronous>, transform_indices = @transform_7, window_bounds = array<i64: 1, 32>}, {pipeline_mode = #tpu.pipeline_mode<synchronous>, transform_indices = @transform_8, window_bounds = array<i64: 32, 2>}, {pipeline_mode = #tpu.pipeline_mode<synchronous>, transform_indices = @transform_9, window_bounds = array<i64: 1, 2>}, {pipeline_mode = #tpu.pipeline_mode<synchronous>, transform_indices = @transform_10, window_bounds = array<i64: 1, 2>}]} {
    %eq3A = arith.constant 0 : i32
    %eq3A_0 = arith.cmpi eq, %arg0, %eq3A : i32
    %convert_element_type3A = arith.extui %eq3A_0 : i1 to i32
    %cond3A = arith.constant 0 : i32
    %cond3A_1 = arith.cmpi ne, %convert_element_type3A, %cond3A : i32
    scf.if %cond3A_1 {
      %broadcast_in_dim3A_86 = arith.constant 0.000000e+00 : f32
      %broadcast_in_dim3A_87 = vector.broadcast %broadcast_in_dim3A_86 : f32 to vector<1x64xf32>
      %swap3A_88 = arith.constant 0 : index
      %swap3A_89 = arith.constant 0 : index
      %swap3A_90 = vector.load %arg12[%swap3A_88, %swap3A_89] : memref<1x64xf32, #tpu.memory_space<vmem>>, vector<1x64xf32>
      tpu.vector_store %arg12[%swap3A_88, %swap3A_89], %broadcast_in_dim3A_87 {strides = array<i32>} : memref<1x64xf32, #tpu.memory_space<vmem>>, vector<1x64xf32>,
      %broadcast_in_dim3A_91 = arith.constant 0.000000e+00 : f32
      %broadcast_in_dim3A_92 = vector.broadcast %broadcast_in_dim3A_91 : f32 to vector<1x8xf32>
      %swap3A_93 = arith.constant 0 : index
      %swap3A_94 = arith.constant 0 : index
      %swap3A_95 = vector.load %arg13[%swap3A_93, %swap3A_94] : memref<1x8xf32, #tpu.memory_space<vmem>>, vector<1x8xf32>
      tpu.vector_store %arg13[%swap3A_93, %swap3A_94], %broadcast_in_dim3A_92 {strides = array<i32>} : memref<1x8xf32, #tpu.memory_space<vmem>>, vector<1x8xf32>,
    } else {
    }
    %iota3A = tpu.iota {dimensions = array<i32: 0>} : vector<2048x1xi32>
    %mul3A = arith.constant 2048 : i32
    %mul3A_2 = arith.muli %arg0, %mul3A : i32
    %add3A = vector.broadcast %mul3A_2 : i32 to vector<2048x1xi32>
    %add3A_3 = arith.addi %iota3A, %add3A : vector<2048x1xi32>
    %lt3A = arith.constant 100000 : i32
    %lt3A_4 = vector.broadcast %lt3A : i32 to vector<2048x1xi32>
    %lt3A_5 = arith.cmpi slt, %add3A_3, %lt3A_4 : vector<2048x1xi32>
    %convert_element_type3A_6 = arith.extui %lt3A_5 : vector<2048x1xi1> to vector<2048x1xi32>
    %convert_element_type3A_7 = arith.sitofp %convert_element_type3A_6 : vector<2048x1xi32> to vector<2048x1xf32>
    %get3A = arith.constant 0 : index
    %get3A_8 = arith.constant 0 : index
    %get3A_9 = vector.load %arg3[%get3A, %get3A_8] : memref<2048x1xf32, #tpu.memory_space<vmem>>, vector<2048x1xf32>
    %get3A_10 = arith.constant 0 : index
    %get3A_11 = arith.constant 0 : index
    %get3A_12 = vector.load %arg1[%get3A_10, %get3A_11] : memref<2048x128xf32, #tpu.memory_space<vmem>>, vector<2048x64xf32>
    %get3A_13 = arith.constant 0 : index
    %get3A_14 = arith.constant 0 : index
    %get3A_15 = vector.load %arg2[%get3A_13, %get3A_14] : memref<2048x128xf32, #tpu.memory_space<vmem>>, vector<2048x64xf32>
    %add3A_16 = arith.addf %get3A_12, %get3A_15 : vector<2048x64xf32>
    %mul3A_17 = vector.broadcast %get3A_9 : vector<2048x1xf32> to vector<2048x64xf32>
    %mul3A_18 = arith.mulf %mul3A_17, %add3A_16 : vector<2048x64xf32>
    %get3A_19 = arith.constant 0 : index
    %get3A_20 = arith.constant 0 : index
    %get3A_21 = vector.load %arg5[%get3A_19, %get3A_20] : memref<1x64xf32, #tpu.memory_space<vmem>>, vector<1x64xf32>
    %add3A_22 = vector.broadcast %get3A_21 : vector<1x64xf32> to vector<2048x64xf32>
    %add3A_23 = arith.addf %mul3A_18, %add3A_22 : vector<2048x64xf32>
    %max3A = arith.constant 0.000000e+00 : f32
    %max3A_24 = vector.broadcast %max3A : f32 to vector<2048x64xf32>
    %max3A_25 = arith.maximumf %add3A_23, %max3A_24 : vector<2048x64xf32>
    %mul3A_26 = vector.broadcast %convert_element_type3A_7 : vector<2048x1xf32> to vector<2048x64xf32>
    %mul3A_27 = arith.mulf %max3A_25, %mul3A_26 : vector<2048x64xf32>
    %get3A_28 = arith.constant 0 : index
    %get3A_29 = arith.constant 0 : index
    %get3A_30 = vector.load %arg12[%get3A_28, %get3A_29] : memref<1x64xf32, #tpu.memory_space<vmem>>, vector<1x64xf32>
    %reduce_sum3A = arith.constant dense<0.000000e+00> : vector<64xf32>
    %reduce_sum3A_31 = vector.multi_reduction <add>, %mul3A_27, %reduce_sum3A [0] : vector<2048x64xf32> to vector<64xf32>
    %broadcast_in_dim3A = vector.shape_cast %reduce_sum3A_31 : vector<64xf32> to vector<1x64xf32>
    %add3A_32 = arith.addf %get3A_30, %broadcast_in_dim3A : vector<1x64xf32>
    %swap3A = arith.constant 0 : index
    %swap3A_33 = arith.constant 0 : index
    %swap3A_34 = vector.load %arg12[%swap3A, %swap3A_33] : memref<1x64xf32, #tpu.memory_space<vmem>>, vector<1x64xf32>
    tpu.vector_store %arg12[%swap3A, %swap3A_33], %add3A_32 {strides = array<i32>} : memref<1x64xf32, #tpu.memory_space<vmem>>, vector<1x64xf32>,
    %get3A_35 = arith.constant 0 : index
    %get3A_36 = arith.constant 0 : index
    %get3A_37 = vector.load %arg4[%get3A_35, %get3A_36] : memref<2048x8xf32, #tpu.memory_space<vmem>>, vector<2048x8xf32>
    %mul3A_38 = vector.broadcast %convert_element_type3A_7 : vector<2048x1xf32> to vector<2048x8xf32>
    %mul3A_39 = arith.mulf %get3A_37, %mul3A_38 : vector<2048x8xf32>
    %slice3A = vector.extract_strided_slice %mul3A_39 {offsets = [0, 0], sizes = [2048, 1], strides = [1, 1]} : vector<2048x8xf32> to vector<2048x1xf32>
    %slice3A_40 = vector.extract_strided_slice %mul3A_39 {offsets = [0, 1], sizes = [2048, 1], strides = [1, 1]} : vector<2048x8xf32> to vector<2048x1xf32>
    %slice3A_41 = vector.extract_strided_slice %mul3A_39 {offsets = [0, 2], sizes = [2048, 1], strides = [1, 1]} : vector<2048x8xf32> to vector<2048x1xf32>
    %slice3A_42 = vector.extract_strided_slice %mul3A_39 {offsets = [0, 3], sizes = [2048, 1], strides = [1, 1]} : vector<2048x8xf32> to vector<2048x1xf32>
    %slice3A_43 = vector.extract_strided_slice %mul3A_39 {offsets = [0, 4], sizes = [2048, 1], strides = [1, 1]} : vector<2048x8xf32> to vector<2048x1xf32>
    %eq3A_44 = arith.constant 1.000000e+00 : f32
    %eq3A_45 = vector.broadcast %eq3A_44 : f32 to vector<2048x1xf32>
    %eq3A_46 = arith.cmpf oeq, %slice3A_41, %eq3A_45 : vector<2048x1xf32>
    %gt3A = arith.constant 0.000000e+00 : f32
    %gt3A_47 = vector.broadcast %gt3A : f32 to vector<2048x1xf32>
    %gt3A_48 = arith.cmpf ogt, %convert_element_type3A_7, %gt3A_47 : vector<2048x1xf32>
    %and3A = arith.andi %eq3A_46, %gt3A_48 : vector<2048x1xi1>
    %jit3A = arith.constant 1.000000e+00 : f32
    %jit3A_49 = arith.constant 0.000000e+00 : f32
    %broadcast_in_dim3A_50 = vector.broadcast %jit3A : f32 to vector<2048x1xf32>
    %broadcast_in_dim3A_51 = vector.broadcast %jit3A_49 : f32 to vector<2048x1xf32>
    %select_n3A = arith.select %and3A, %broadcast_in_dim3A_50, %broadcast_in_dim3A_51 : vector<2048x1xi1>, vector<2048x1xf32>
    %reduce_sum3A_52 = arith.constant dense<0.000000e+00> : vector<1xf32>
    %reduce_sum3A_53 = vector.multi_reduction <add>, %slice3A_41, %reduce_sum3A_52 [0] : vector<2048x1xf32> to vector<1xf32>
    %broadcast_in_dim3A_54 = vector.shape_cast %reduce_sum3A_53 : vector<1xf32> to vector<1x1xf32>
    %reduce_sum3A_55 = arith.constant dense<0.000000e+00> : vector<1xf32>
    %reduce_sum3A_56 = vector.multi_reduction <add>, %slice3A_42, %reduce_sum3A_55 [0] : vector<2048x1xf32> to vector<1xf32>
    %broadcast_in_dim3A_57 = vector.shape_cast %reduce_sum3A_56 : vector<1xf32> to vector<1x1xf32>
    %reduce_sum3A_58 = arith.constant dense<0.000000e+00> : vector<1xf32>
    %reduce_sum3A_59 = vector.multi_reduction <add>, %slice3A_43, %reduce_sum3A_58 [0] : vector<2048x1xf32> to vector<1xf32>
    %broadcast_in_dim3A_60 = vector.shape_cast %reduce_sum3A_59 : vector<1xf32> to vector<1x1xf32>
    %mul3A_61 = arith.mulf %slice3A, %select_n3A : vector<2048x1xf32>
    %reduce_sum3A_62 = arith.constant dense<0.000000e+00> : vector<1xf32>
    %reduce_sum3A_63 = vector.multi_reduction <add>, %mul3A_61, %reduce_sum3A_62 [0] : vector<2048x1xf32> to vector<1xf32>
    %broadcast_in_dim3A_64 = vector.shape_cast %reduce_sum3A_63 : vector<1xf32> to vector<1x1xf32>
    %mul3A_65 = arith.mulf %slice3A_40, %select_n3A : vector<2048x1xf32>
    %reduce_sum3A_66 = arith.constant dense<0.000000e+00> : vector<1xf32>
    %reduce_sum3A_67 = vector.multi_reduction <add>, %mul3A_65, %reduce_sum3A_66 [0] : vector<2048x1xf32> to vector<1xf32>
    %broadcast_in_dim3A_68 = vector.shape_cast %reduce_sum3A_67 : vector<1xf32> to vector<1x1xf32>
    %reduce_sum3A_69 = arith.constant dense<0.000000e+00> : vector<1xf32>
    %reduce_sum3A_70 = vector.multi_reduction <add>, %select_n3A, %reduce_sum3A_69 [0] : vector<2048x1xf32> to vector<1xf32>
    %broadcast_in_dim3A_71 = vector.shape_cast %reduce_sum3A_70 : vector<1xf32> to vector<1x1xf32>
    %broadcast_in_dim3A_72 = arith.constant 0.000000e+00 : f32
    %broadcast_in_dim3A_73 = vector.broadcast %broadcast_in_dim3A_72 : f32 to vector<1x2xf32>
    %concatenate3A = tpu.concatenate %broadcast_in_dim3A_54, %broadcast_in_dim3A_57, %broadcast_in_dim3A_60, %broadcast_in_dim3A_64, %broadcast_in_dim3A_68, %broadcast_in_dim3A_71, %broadcast_in_dim3A_73 in 1 : vector<1x1xf32>, vector<1x1xf32>, vector<1x1xf32>, vector<1x1xf32>, vector<1x1xf32>, vector<1x1xf32>, vector<1x2xf32> -> vector<1x8xf32>
    %get3A_74 = arith.constant 0 : index
    %get3A_75 = arith.constant 0 : index
    %get3A_76 = vector.load %arg13[%get3A_74, %get3A_75] : memref<1x8xf32, #tpu.memory_space<vmem>>, vector<1x8xf32>
    %add3A_77 = arith.addf %get3A_76, %concatenate3A : vector<1x8xf32>
    %swap3A_78 = arith.constant 0 : index
    %swap3A_79 = arith.constant 0 : index
    %swap3A_80 = vector.load %arg13[%swap3A_78, %swap3A_79] : memref<1x8xf32, #tpu.memory_space<vmem>>, vector<1x8xf32>
    tpu.vector_store %arg13[%swap3A_78, %swap3A_79], %add3A_77 {strides = array<i32>} : memref<1x8xf32, #tpu.memory_space<vmem>>, vector<1x8xf32>,
    %eq3A_81 = arith.constant 49 : i32
    %eq3A_82 = arith.cmpi eq, %arg0, %eq3A_81 : i32
    %convert_element_type3A_83 = arith.extui %eq3A_82 : i1 to i32
    %cond3A_84 = arith.constant 0 : i32
    %cond3A_85 = arith.cmpi ne, %convert_element_type3A_83, %cond3A_84 : i32
    scf.if %cond3A_85 {
      %get3A_86 = arith.constant 0 : index
      %get3A_87 = arith.constant 0 : index
      %get3A_88 = vector.load %arg12[%get3A_86, %get3A_87] : memref<1x64xf32, #tpu.memory_space<vmem>>, vector<1x64xf32>
      %mul3A_89 = arith.constant 9.99999974E-6 : f32
      %mul3A_90 = vector.broadcast %mul3A_89 : f32 to vector<1x64xf32>
      %mul3A_91 = arith.mulf %get3A_88, %mul3A_90 : vector<1x64xf32>
      %get3A_92 = arith.constant 0 : index
      %get3A_93 = arith.constant 0 : index
      %get3A_94 = vector.load %arg13[%get3A_92, %get3A_93] : memref<1x8xf32, #tpu.memory_space<vmem>>, vector<1x8xf32>
      %slice3A_95 = vector.extract_strided_slice %get3A_94 {offsets = [0, 0], sizes = [1, 1], strides = [1, 1]} : vector<1x8xf32> to vector<1x1xf32>
      %squeeze3A = vector.extract %slice3A_95[0, 0] : f32 from vector<1x1xf32>
      %slice3A_96 = vector.extract_strided_slice %get3A_94 {offsets = [0, 1], sizes = [1, 1], strides = [1, 1]} : vector<1x8xf32> to vector<1x1xf32>
      %squeeze3A_97 = vector.extract %slice3A_96[0, 0] : f32 from vector<1x1xf32>
      %slice3A_98 = vector.extract_strided_slice %get3A_94 {offsets = [0, 2], sizes = [1, 1], strides = [1, 1]} : vector<1x8xf32> to vector<1x1xf32>
      %squeeze3A_99 = vector.extract %slice3A_98[0, 0] : f32 from vector<1x1xf32>
      %slice3A_100 = vector.extract_strided_slice %get3A_94 {offsets = [0, 3], sizes = [1, 1], strides = [1, 1]} : vector<1x8xf32> to vector<1x1xf32>
      %squeeze3A_101 = vector.extract %slice3A_100[0, 0] : f32 from vector<1x1xf32>
      %slice3A_102 = vector.extract_strided_slice %get3A_94 {offsets = [0, 4], sizes = [1, 1], strides = [1, 1]} : vector<1x8xf32> to vector<1x1xf32>
      %squeeze3A_103 = vector.extract %slice3A_102[0, 0] : f32 from vector<1x1xf32>
      %slice3A_104 = vector.extract_strided_slice %get3A_94 {offsets = [0, 5], sizes = [1, 1], strides = [1, 1]} : vector<1x8xf32> to vector<1x1xf32>
      %squeeze3A_105 = vector.extract %slice3A_104[0, 0] : f32 from vector<1x1xf32>
      %gt3A_106 = arith.constant 0.000000e+00 : f32
      %gt3A_107 = arith.cmpf ogt, %squeeze3A_105, %gt3A_106 : f32
      %max3A_108 = arith.constant 1.000000e+00 : f32
      %max3A_109 = arith.maximumf %squeeze3A_105, %max3A_108 : f32
      %div3A = arith.divf %squeeze3A_101, %max3A_109 : f32
      %jit3A_110 = arith.constant 0.000000e+00 : f32
      %select_n3A_111 = arith.select %gt3A_107, %div3A, %jit3A_110 : f32
      %div3A_112 = arith.divf %squeeze3A_103, %max3A_109 : f32
      %jit3A_113 = arith.constant 0.000000e+00 : f32
      %select_n3A_114 = arith.select %gt3A_107, %div3A_112, %jit3A_113 : f32
      %reshape3A = vector.broadcast %squeeze3A : f32 to vector<1x1xf32>
      %reshape3A_115 = vector.broadcast %squeeze3A_97 : f32 to vector<1x1xf32>
      %reshape3A_116 = vector.broadcast %squeeze3A_99 : f32 to vector<1x1xf32>
      %add3A_117 = arith.addf %squeeze3A_97, %squeeze3A_99 : f32
      %reshape3A_118 = vector.broadcast %add3A_117 : f32 to vector<1x1xf32>
      %reshape3A_119 = vector.broadcast %select_n3A_111 : f32 to vector<1x1xf32>
      %reshape3A_120 = vector.broadcast %select_n3A_114 : f32 to vector<1x1xf32>
      %broadcast_in_dim3A_121 = arith.constant 2.000000e-01 : f32
      %broadcast_in_dim3A_122 = vector.broadcast %broadcast_in_dim3A_121 : f32 to vector<1x1xf32>
      %broadcast_in_dim3A_123 = arith.constant 0.000000e+00 : f32
      %broadcast_in_dim3A_124 = vector.broadcast %broadcast_in_dim3A_123 : f32 to vector<1x1xf32>
      %concatenate3A_125 = tpu.concatenate %reshape3A, %reshape3A_115, %reshape3A_116, %reshape3A_118, %reshape3A_119, %reshape3A_120, %broadcast_in_dim3A_122, %broadcast_in_dim3A_124 in 1 : vector<1x1xf32>, vector<1x1xf32>, vector<1x1xf32>, vector<1x1xf32>, vector<1x1xf32>, vector<1x1xf32>, vector<1x1xf32>, vector<1x1xf32> -> vector<1x8xf32>
      %get3A_126 = arith.constant 0 : index
      %get3A_127 = arith.constant 0 : index
      %get3A_128 = vector.load %arg6[%get3A_126, %get3A_127] : memref<64x32xf32, #tpu.memory_space<vmem>>, vector<64x32xf32>
      %dot_general3A = arith.constant dense<0.000000e+00> : vector<1x32xf32>
      %dot_general3A_129 = tpu.matmul %mul3A_91, %get3A_128, %dot_general3A {dimension_numbers = #tpu.dot_dimension_numbers<[1], [0], [0], [1], [0, 0, 1, 1], [], []>, transpose_lhs_hint = false} : vector<1x64xf32>, vector<64x32xf32>, vector<1x32xf32> -> vector<1x32xf32>
      %get3A_130 = arith.constant 0 : index
      %get3A_131 = arith.constant 0 : index
      %get3A_132 = vector.load %arg7[%get3A_130, %get3A_131] : memref<8x32xf32, #tpu.memory_space<vmem>>, vector<8x32xf32>
      %dot_general3A_133 = arith.constant dense<0.000000e+00> : vector<1x32xf32>
      %dot_general3A_134 = tpu.matmul %concatenate3A_125, %get3A_132, %dot_general3A_133 {dimension_numbers = #tpu.dot_dimension_numbers<[1], [0], [0], [1], [0, 0, 1, 1], [], []>, transpose_lhs_hint = false} : vector<1x8xf32>, vector<8x32xf32>, vector<1x32xf32> -> vector<1x32xf32>
      %add3A_135 = arith.addf %dot_general3A_129, %dot_general3A_134 : vector<1x32xf32>
      %get3A_136 = arith.constant 0 : index
      %get3A_137 = arith.constant 0 : index
      %get3A_138 = vector.load %arg8[%get3A_136, %get3A_137] : memref<1x32xf32, #tpu.memory_space<vmem>>, vector<1x32xf32>
      %add3A_139 = arith.addf %add3A_135, %get3A_138 : vector<1x32xf32>
      %max3A_140 = arith.constant 0.000000e+00 : f32
      %max3A_141 = vector.broadcast %max3A_140 : f32 to vector<1x32xf32>
      %max3A_142 = arith.maximumf %add3A_139, %max3A_141 : vector<1x32xf32>
      %get3A_143 = arith.constant 0 : index
      %get3A_144 = arith.constant 0 : index
      %get3A_145 = vector.load %arg9[%get3A_143, %get3A_144] : memref<32x2xf32, #tpu.memory_space<vmem>>, vector<32x2xf32>
      %dot_general3A_146 = arith.constant dense<0.000000e+00> : vector<1x2xf32>
      %dot_general3A_147 = tpu.matmul %max3A_142, %get3A_145, %dot_general3A_146 {dimension_numbers = #tpu.dot_dimension_numbers<[1], [0], [0], [1], [0, 0, 1, 1], [], []>, transpose_lhs_hint = false} : vector<1x32xf32>, vector<32x2xf32>, vector<1x2xf32> -> vector<1x2xf32>
      %get3A_148 = arith.constant 0 : index
      %get3A_149 = arith.constant 0 : index
      %get3A_150 = vector.load %arg10[%get3A_148, %get3A_149] : memref<1x2xf32, #tpu.memory_space<vmem>>, vector<1x2xf32>
      %add3A_151 = arith.addf %dot_general3A_147, %get3A_150 : vector<1x2xf32>
      %logistic3A = arith.negf %add3A_151 : vector<1x2xf32>
      %logistic3A_152 = math.exp %logistic3A : vector<1x2xf32>
      %logistic3A_153 = arith.constant 1.000000e+00 : f32
      %logistic3A_154 = vector.broadcast %logistic3A_153 : f32 to vector<1x2xf32>
      %logistic3A_155 = arith.addf %logistic3A_154, %logistic3A_152 : vector<1x2xf32>
      %logistic3A_156 = arith.divf %logistic3A_154, %logistic3A_155 : vector<1x2xf32>
      %mul3A_157 = arith.constant 4.000000e+00 : f32
      %mul3A_158 = vector.broadcast %mul3A_157 : f32 to vector<1x2xf32>
      %mul3A_159 = arith.mulf %logistic3A_156, %mul3A_158 : vector<1x2xf32>
      %add3A_160 = arith.constant 2.000000e+00 : f32
      %add3A_161 = vector.broadcast %add3A_160 : f32 to vector<1x2xf32>
      %add3A_162 = arith.addf %add3A_161, %mul3A_159 : vector<1x2xf32>
      %swap3A_163 = arith.constant 0 : index
      %swap3A_164 = arith.constant 0 : index
      %swap3A_165 = vector.load %arg11[%swap3A_163, %swap3A_164] : memref<1x2xf32, #tpu.memory_space<vmem>>, vector<1x2xf32>
      tpu.vector_store %arg11[%swap3A_163, %swap3A_164], %add3A_162 {strides = array<i32>} : memref<1x2xf32, #tpu.memory_space<vmem>>, vector<1x2xf32>,
    } else {
    }
    return
  }
  func.func @transform_0(%arg0: i32) -> (i32, i32) {
    %c0_i32 = arith.constant 0 : i32
    %c0_i32_0 = arith.constant 0 : i32
    return %arg0, %c0_i32 : i32, i32
  }
  func.func @transform_1(%arg0: i32) -> (i32, i32) {
    %c0_i32 = arith.constant 0 : i32
    %c0_i32_0 = arith.constant 0 : i32
    return %arg0, %c0_i32 : i32, i32
  }
  func.func @transform_2(%arg0: i32) -> (i32, i32) {
    %c0_i32 = arith.constant 0 : i32
    %c0_i32_0 = arith.constant 0 : i32
    return %arg0, %c0_i32 : i32, i32
  }
  func.func @transform_3(%arg0: i32) -> (i32, i32) {
    %c0_i32 = arith.constant 0 : i32
    %c0_i32_0 = arith.constant 0 : i32
    return %arg0, %c0_i32 : i32, i32
  }
  func.func @transform_4(%arg0: i32) -> (i32, i32) {
    %c0_i32 = arith.constant 0 : i32
    %c0_i32_0 = arith.constant 0 : i32
    %c0_i32_1 = arith.constant 0 : i32
    return %c0_i32, %c0_i32_0 : i32, i32
  }
  func.func @transform_5(%arg0: i32) -> (i32, i32) {
    %c0_i32 = arith.constant 0 : i32
    %c0_i32_0 = arith.constant 0 : i32
    %c0_i32_1 = arith.constant 0 : i32
    return %c0_i32, %c0_i32_0 : i32, i32
  }
  func.func @transform_6(%arg0: i32) -> (i32, i32) {
    %c0_i32 = arith.constant 0 : i32
    %c0_i32_0 = arith.constant 0 : i32
    %c0_i32_1 = arith.constant 0 : i32
    return %c0_i32, %c0_i32_0 : i32, i32
  }
  func.func @transform_7(%arg0: i32) -> (i32, i32) {
    %c0_i32 = arith.constant 0 : i32
    %c0_i32_0 = arith.constant 0 : i32
    %c0_i32_1 = arith.constant 0 : i32
    return %c0_i32, %c0_i32_0 : i32, i32
  }
  func.func @transform_8(%arg0: i32) -> (i32, i32) {
    %c0_i32 = arith.constant 0 : i32
    %c0_i32_0 = arith.constant 0 : i32
    %c0_i32_1 = arith.constant 0 : i32
    return %c0_i32, %c0_i32_0 : i32, i32
  }
  func.func @transform_9(%arg0: i32) -> (i32, i32) {
    %c0_i32 = arith.constant 0 : i32
    %c0_i32_0 = arith.constant 0 : i32
    %c0_i32_1 = arith.constant 0 : i32
    return %c0_i32, %c0_i32_0 : i32, i32
  }
  func.func @transform_10(%arg0: i32) -> (i32, i32) {
    %c0_i32 = arith.constant 0 : i32
    %c0_i32_0 = arith.constant 0 : i32
    %c0_i32_1 = arith.constant 0 : i32
    return %c0_i32, %c0_i32_0 : i32, i32
  }
}

</mosaic_0001>

<sc_bundles>
// kernel: kernel.11.cloned.1.call-start
scs
__scs_entry_jumppad:
0x0: {  	(pc) =	sbr.rel $0x88, $3  }
0x1: {  	(tag) =	ssettag $0x0;
	lr =	simm.s32 $0x1  }
0x2: {  	[smem:$0x3F97] =	sst lr;
	_ =	strace $0xD0000000  }
0x3: {  	_ = 	snop  }
0x4: {  	_ = 	snop  }
0x5: {  	_ = 	snop  }
0x6: {  	_ = 	snop  }
0x7: {  	_ = 	snop  }
__scs_overlays_trampoline_lowered:
0x8: {  	[smem:$0x3FA6] =	sst s0  }
0x9: {  	[smem:$0x3FA7] =	sst s1  }
0xa: {  	[smem:$0x3FA8] =	sst s2  }
0xb: {  	[smem:$0x3FA9] =	sst s3  }
0xc: {  	[smem:$0x3FAA] =	sst s4  }
0xd: {  	[smem:$0x3FAB] =	sst s5  }
0xe: {  	[smem:$0x3FAC] =	sst s6  }
0xf: {  	[smem:$0x3FAD] =	sst s7  }
0x10: {  	[smem:$0x3FAE] =	sst s8  }
0x11: {  	[smem:$0x3FAF] =	sst s9;
	s0 =	simm.s32 @!p0 $0x0  }
0x12: {  	s1 =	sld [smem:$0x3F95];
	s0 =	simm.s32 @p0 $0x1  }
0x13: {  	[smem:$0x3FB0] =	sst s0;
	s0 =	simm.s32 @!p1 $0x0  }
0x14: {  	s2 =	sld [smem:$0x3F94];
	s0 =	simm.s32 @p1 $0x1  }
0x15: {  	[smem:$0x3FB1] =	sst s0;
	s0 =	simm.s32 @!p2 $0x0  }
0x16: {  	s3 =	sld [smem:$0x3FDB];
	s0 =	simm.s32 @p2 $0x1  }
0x17: {  	s4 =	simm.s32 $0x1BF5;
	[smem:$0x3FB3] =	sst s0  }
0x18: {  	s0 =	sld [smem:$0x3F96];
	_ =	swait.ge [sflag:s4], $0x0  }
0x19: {  	s7 =	sld [smem:$0x3F97]  }
0x1a: {  	s8 =	sadd.s32 $0xFFFFE003, lr  }
0x1b: {  	s9 =	sadd.s32 $0xFFFFFEF7, lr;
	s5 =	simm.s32 $0xFFFFFFFF;
	p2 =	slt.u32 s8, $0xFFFFF086  }
0x1c: {  	p1 =	slt.u32 s9, $0xF7A;
	s5 =	simm.s32 @!p2 $0x0  }
0x1d: {  	s5 =	simm.s32 @p1 $0x1;
	p0 =	seq.s32 s7, s2  }
0x1e: {  	s7 =	smul.u32 @!p0 $0xF7A, s2;
	p2 =	seq.s32 @!p0 s5, $0x0  }
0x1f: {  	s9 =	smul.u32 $0xF7A, s1;
	s8 =	simm.s32 @!p0 $0x1BF5;
	p2 =	por !p2, p0  }
0x20: {  	[sflag:s8] =	ssyncset.s32 @!p0 $0xFFFFF086;
	s6 =	sadd.s32 @!p0 s3, s7;
	s7 =	simm.s32 @!p0 $0x108  }
0x21: {  	s3 =	sadd.s32 s3, s9;
	s6 =	sadd.s32 @!p0 $0x88, s6;
	s7 =	simm.s32 @p2 $0x1082  }
0x22: {  	[simem:s7], [sflag:s8] =	dma.local @!p0 [hbm:s6], $0xF7A  }
0x23: {  	s9 =	sor.u32 $0xD0000000, s2;
	s6 =	simm.s32 $0x108;
	_ =	swait.ge @!p0 [sflag:s8], $0x0  }
0x24: {  	s3 =	sadd.s32 $0x88, s3;
	s6 =	simm.s32 @!p1 $0x1082;
	[sflag:s4] =	ssyncset.s32 $0xFFFFF086  }
0x25: {  	[simem:s6], [sflag:s4] =	dma.local [hbm:s3], $0xF7A  }
0x26: {  	[smem:$0x3F97] =	sst s1;
	(tag) =	ssettag s2;
	_ =	strace s9  }
0x27: {  	s1 =	sld [smem:$0x3FA7]  }
0x28: {  	s2 =	sld [smem:$0x3FA8]  }
0x29: {  	s4 =	sld [smem:$0x3FAA]  }
0x2a: {  	p0 =	seq.s32 s5, $0x0;
	s5 =	sld [smem:$0x3FAB]  }
0x2b: {  	s6 =	sld [smem:$0x3FAC]  }
0x2c: {  	s7 =	sld [smem:$0x3FAD]  }
0x2d: {  	s3 =	simm.s32 $0x108;
	s8 =	sld [smem:$0x3FAE]  }
0x2e: {  	s3 =	simm.s32 @!p0 $0x1082;
	s9 =	sld [smem:$0x3FAF]  }
0x2f: {  	lr =	sadd.s32 s0, s3;
	s0 =	sld [smem:$0x3FA6]  }
0x30: {  	s3 =	sld [smem:$0x3FA9]  }
0x31: {  	[smem:$0x3FB2] =	sst s10  }
0x32: {  	s10 =	sld [smem:$0x3FB0];
	_ =	sdelay $0x3  }
0x33: {  	p0 =	seq.s32 s10, $0x1;
	s10 =	sld [smem:$0x3FB2];
	_ =	sdelay $0x3  }
0x34: {  	[smem:$0x3FB2] =	sst s10  }
0x35: {  	s10 =	sld [smem:$0x3FB1];
	_ =	sdelay $0x3  }
0x36: {  	p1 =	seq.s32 s10, $0x1;
	s10 =	sld [smem:$0x3FB2];
	_ =	sdelay $0x3  }
0x37: {  	[smem:$0x3FB2] =	sst s10  }
0x38: {  	s10 =	sld [smem:$0x3FB3]  }
0x39: {  	_ = 	snop;
	(pc) =	sbr.ind lr, $3  }
0x3a: {  	_ = 	snop  }
0x3b: {  	_ = 	snop  }
0x3c: {  	p2 =	seq.s32 s10, $0x1;
	s10 =	sld [smem:$0x3FB2]  }
0x3d: {  	_ =	shalt  }
0x3e: {  	_ =	shalt  }
0x3f: {  	_ =	shalt  }
0x40: {  	_ =	shalt  }
0x41: {  	_ =	shalt  }
0x42: {  	_ =	shalt  }
0x43: {  	_ =	shalt  }
0x44: {  	_ =	shalt  }
0x45: {  	_ =	shalt  }
0x46: {  	_ =	shalt  }
0x47: {  	_ =	shalt  }
0x48: {  	_ =	shalt  }
0x49: {  	_ =	shalt  }
0x4a: {  	_ =	shalt  }
0x4b: {  	_ =	shalt  }
0x4c: {  	_ =	shalt  }
0x4d: {  	_ =	shalt  }
0x4e: {  	_ =	shalt  }
0x4f: {  	_ =	shalt  }
0x50: {  	_ =	shalt  }
0x51: {  	_ =	shalt  }
0x52: {  	_ =	shalt  }
0x53: {  	_ =	shalt  }
0x54: {  	_ =	shalt  }
0x55: {  	_ =	shalt  }
0x56: {  	_ =	shalt  }
0x57: {  	_ =	shalt  }
0x58: {  	_ =	shalt  }
0x59: {  	_ =	shalt  }
0x5a: {  	_ =	shalt  }
0x5b: {  	_ =	shalt  }
0x5c: {  	_ =	shalt  }
0x5d: {  	_ =	shalt  }
0x5e: {  	_ =	shalt  }
0x5f: {  	_ =	shalt  }
0x60: {  	_ =	shalt  }
0x61: {  	_ =	shalt  }
0x62: {  	_ =	shalt  }
0x63: {  	_ =	shalt  }
0x64: {  	_ =	shalt  }
0x65: {  	_ =	shalt  }
0x66: {  	_ =	shalt  }
0x67: {  	_ =	shalt  }
0x68: {  	_ =	shalt  }
0x69: {  	_ =	shalt  }
0x6a: {  	_ =	shalt  }
0x6b: {  	_ =	shalt  }
0x6c: {  	_ =	shalt  }
0x6d: {  	_ =	shalt  }
0x6e: {  	_ =	shalt  }
0x6f: {  	_ =	shalt  }
0x70: {  	_ =	shalt  }
0x71: {  	_ =	shalt  }
0x72: {  	_ =	shalt  }
0x73: {  	_ =	shalt  }
0x74: {  	_ =	shalt  }
0x75: {  	_ =	shalt  }
0x76: {  	_ =	shalt  }
0x77: {  	_ =	shalt  }
0x78: {  	_ =	shalt  }
0x79: {  	_ =	shalt  }
0x7a: {  	_ =	shalt  }
0x7b: {  	_ =	shalt  }
0x7c: {  	_ =	shalt  }
0x7d: {  	_ =	shalt  }
0x7e: {  	_ =	shalt  }
0x7f: {  	_ =	shalt  }
0x80: {  	_ =	shalt  }
0x81: {  	_ =	shalt  }
0x82: {  	_ =	shalt  }
0x83: {  	_ =	shalt  }
0x84: {  	_ =	shalt  }
0x85: {  	_ =	shalt  }
0x86: {  	_ =	shalt  }
0x87: {  	_ =	shalt  }
.Lfunc_end0:
.L_simem_size_0:
called_computation.1_lowered:
.L_overlay_start_0:
0x88: {  	s2 =	sld [smem:$0x3FD9]  }
0x89: {  	s3 =	sld [smem:$0x3FFE];
	_ =	sdelay $0x1  }
0x8a: {  	s1 =	srdreg.scid  }
0x8b: {  	s0 =	sand.u32 $0x1, s1  }
0x8c: {  	s16 =	sshll.u32 s0, $0xA;
	s2 =	sadd.s32 s3, s2  }
0x8d: {  	s2 =	sadd.s32 s2, s16  }
0x8e: {  	[smem:$0x3FBE] =	sst s2  }
0x8f: {  	_ = 	snop  }
0x90: {  	(tm) =	ssettm $0x1  }
0x91: {  	s17 =	sld [smem:$0x3FFB];
	_ =	sdelay $0x3  }
0x92: {  	_ =	strace s17  }
0x93: {  	s2 =	sld [smem:$0x3FFC];
	_ =	sdelay $0x3  }
0x94: {  	_ =	strace s2  }
0x95: {  	s2 =	sld [smem:$0x3FFD];
	_ =	sdelay $0x3  }
0x96: {  	_ =	strace s2  }
0x97: {  	_ =	strace $0x8FFFFFFF  }
0x98: {  	s18 =	sld [smem:$0x3FDB];
	_ =	sdelay $0x1  }
0x99: {  	s19 =	simm.s32 $_scs_section_size  }
0x9a: {  	s4 =	simm.s32 $_size__tile_overlayer_lowered;
	s5 =	simm.s32 $_tile_overlayer_lowered  }
0x9b: {  	s22 =	simm.s32 $0x1BFF;
	s21 =	sshll.u32 s5, $0x1;
	s2 =	sadd.s32 s19, s18  }
0x9c: {  	s6 =	simm.s32 $0x0;
	s20 =	sshll.u32 s4, $0x1;
	s4 =	sadd.s32 s21, s2  }
0x9d: {  	[timem:s6], [sflag:s22] =	dma.local [hbm:s4], s20  }
0x9e: {  	_ =	swait.ge [sflag:s22], s20  }
0x9f: {  	s3 =	ssub.s32 $0x0, s20;
	[sflag:s22] =	ssyncset.done $0x0  }
0xa0: {  	[sflag:s22] =	ssyncadd.s32 s3;
	_ =	sdelay $0x1  }
0xa1: {  	s23 =	simm.s32 $0x1B8B  }
0xa2: {  	_ =	swait.ge [sflag:s23], $0x1  }
0xa3: {  	[sflag:s23] =	ssyncset.done $0x0  }
0xa4: {  	s25 =	simm.s32 $0x1B8E;
	s24 =	sld [smem:$0x3FFE];
	[sflag:s23] =	ssyncadd.s32 $0xFFFFFFFF  }
0xa5: {  	s26 =	simm.s32 $execute0_lowered;
	[smem:$0x3FD2] =	sst s25  }
0xa6: {  	s4 =	sshll.u32 s26, $0x1;
	_ =	strace $0x80000049;
	[dreg:$0x1] =	wrdreg $0xFFFFFFFF  }
0xa7: {  	s28 =	simm.s32 $_size_execute0_lowered;
	s2 =	sadd.s32 s2, s4;
	[dreg:$0x0] =	wrdreg $0x0  }
0xa8: {  	s4 =	sshll.u32 s28, $0x1;
	[dreg:$0x2] =	wrdreg s2  }
0xa9: {  	[dreg:$0x3] =	wrdreg s4  }
0xaa: {  	[dreg:$0x4] =	wrdreg $0xC0  }
0xab: {  	_ =	task [dreg:s6], $0x5FFFF  }
0xac: {  	[dreg:$0x1] =	wrdreg $0xFFFFFFFF  }
0xad: {  	[dreg:$0x0] =	wrdreg $0x60  }
0xae: {  	[dreg:$0x2] =	wrdreg s24  }
0xaf: {  	[dreg:$0x3] =	wrdreg $0xB8000  }
0xb0: {  	[dreg:$0x4] =	wrdreg $0x9  }
0xb1: {  	_ =	task.clear_ibuf [dreg:s6], $0x5FFFF;
	_ =	strace $0x90000049  }
0xb2: {  	s29 =	simm.s32 $0x9;
	_ =	strace $0x8000004B  }
0xb3: {  	_ =	swait.ge [sflag:s29], $0x1  }
0xb4: {  	[sflag:s29] =	ssyncadd.s32 $0xFFFFFFFF  }
0xb5: {  	_ =	strace $0x9000004B  }
0xb6: {  	_ =	sfence  }
0xb7: {  	s30 =	sld [smem:$0x0];
	_ =	sdelay $0x2  }
0xb8: {  	s31 =	sshll.u32 s1, $0xD;
	s1 =	sshrl.u32 s1, $0x2  }
0xb9: {  	s3 =	sand.u32 $0x4000, s31;
	s1 =	sadd.s32 s1, s30  }
0xba: {  	s0 =	sor.u32 s3, s0;
	s1 =	sshll.u32 s1, $0x11  }
0xbb: {  	s0 =	sor.u32 s1, s0  }
0xbc: {  	s0 =	sadd.s32 $0x8F2B, s0  }
0xbd: {  	[sflag:s0] =	ssyncadd.remote.s32 $0x1  }
0xbe: {  	_ =	sfence.sel $0xFFFF  }
0xbf: {  	[dreg:$0x0] =	wrdreg $0xFFFFFFFF;
	(pc) =	sbr.abs _section_cstart, $3  }
0xc0: {  	[dreg:$0x1] =	wrdreg $0xFFFFFFFF  }
0xc1: {  	_ =	task.clear_ibuf [dreg:s6], $0x2FFFF;
	_ =	strace $0x9FFFFFFF  }
0xc2: {  	(tm) =	ssettm $0x7FFFFFFF  }
0xc3: {  	_ =	shalt  }
tec
execute0_lowered:
.L_overlay_start_1:
0x0: {  	(tag) =	ssettag $0x1  }
0x1: {  	s0 =	rddreg [dreg:$0x0]  }
0x2: {  	s2 =	rddreg [dreg:$0x1];
	s3 =	simm.s32 $0x0  }
0x3: {  	s8 =	stileid.u32;
	s5 =	srdreg.scid;
	s24 =	simm.s32 $0x3800  }
0x4: {  	s28 =	simm.s32 $0x3;
	s29 =	simm.s32 $0x1800;
	s30 =	simm.s32 $0x2800  }
0x5: {  	s31 =	simm.s32 $0x80;
	[smem:$0x7FF] =	sst s3;
	s1 =	smul.u32 $0x6200, s8  }
0x6: {  	s6 =	smul.u32 $0x50000, s8;
	s4 =	sadd.s32 $0x3E3400, s0;
	s7 =	sadd.s32 $0xC6400, s0  }
0x7: {  	s14 =	sadd.s32 $0x573400, s0;
	_ =	strace $0x8000004A;
	[dreg:$0x3] =	wrdreg s7  }
0x8: {  	s5 =	sand.u32 $0x1, s5;
	s9 =	smul.u32 $0x280, s8;
	[dreg:$0x5] =	wrdreg s14  }
0x9: {  	s16 =	smul.u32 $0x62, s8;
	s21 =	sadd.s32 $0x573C00, s0;
	[dreg:$0x4] =	wrdreg s5  }
0xa: {  	s17 =	sadd.s32 $0x64500, s0;
	s22 =	sadd.s32 $0x574400, s0;
	[dreg:$0x9] =	wrdreg s21  }
0xb: {  	s18 =	sadd.s32 $0xCCB00, s0;
	s25 =	sadd.s32 $0x574C00, s0;
	[dreg:$0xa] =	wrdreg s22  }
0xc: {  	s23 =	sshll.u32 s8, $0x4;
	s5 =	ssub.s32 $0x2, s5;
	[dreg:$0xb] =	wrdreg s25  }
0xd: {  	s25 =	simm.s32 $0x8;
	s1 =	sadd.s32 s1, s0;
	s6 =	sshrl.u32 s6, $0x2  }
0xe: {  	s15 =	sshrl.u32 s5, $0x1;
	[dreg:$0x6] =	wrdreg s9;
	s0 =	sadd.s32 $0x575400, s0  }
.Ltmp0:
0xf: {  	s9 =	sadd.s32 s6, s2;
	s19 =	sadd.s32 $0xCCA00, s1;
	(pc) =	sbr.rel .LBB2_1-.Ltmp0, $4  }
0x10: {  	v0 =	vlaneseq.u32;
	s1 =	sadd.s32 $0x64400, s1;
	s20 =	ssub.s32 s5, s15;
	[dreg:$0xc] =	wrdreg s0  }
0x11: {  	v1 =	vmul.u32 $0x18D, v0;
	s10 =	sadd.s32 $0x4000, s9;
	s11 =	sadd.s32 $0x8000, s9;
	[dreg:$0x7] =	wrdreg s19  }
0x12: {  	s12 =	sadd.s32 $0xC000, s9;
	[dreg:$0x8] =	wrdreg s1;
	s26 =	smax.u32 s20, $0x1  }
0x13: {  	v2 =	vimm.s32 $0x0;
	v3 =	vimm.s32 $0x2800;
	v1 =	vadd.s32 s23, v1;
	s13 =	sadd.s32 $0x10000, s9;
	s1 =	simm.s32 $0x0;
	[dreg:$0xd] =	wrdreg s26  }
.LBB2_15:
0x14: {  	s1 =	rddreg [dreg:$0xe]  }
0x15: {  	s0 =	rddreg [dreg:$0xd];
	s1 =	sadd.s32 $0x1, s1  }
0x16: {  	p0 =	sne.s32 s1, s0  }
.Ltmp1:
0x17: {  	_ = 	snop;
	(pc) =	sbr.rel @!p0 .LBB2_16-.Ltmp1, $1  }
0x18: {  	_ =	sdelay $0x3  }
.LBB2_1:
.Ltmp2:
0x19: {  	(pc) =	sbr.rel .LBB2_2-.Ltmp2, $2  }
0x1a: {  	_ =	sdelay $0x2  }
0x1b: {  	[dreg:$0xe] =	wrdreg s1;
	s1 =	simm.s32 $0x0  }
.LBB2_10:
0x1c: {  	p0 =	seq.s32 s5, $0x0  }
0x1d: {  	s0 =	sadd.s32 @!p0 $0xFFFFFFFF, s5  }
0x1e: {  	s6 =	sand.u32 @!p0 $0x1, s0  }
0x1f: {  	s26 =	sand.u32 $0x7F, s7;
	s0 =	sshll.u32 @!p0 s0, $0x7;
	s8 =	sor.u32 @!p0 $0x4, s6  }
0x20: {  	s14 =	sshll.u32 @!p0 s6, $0xE;
	s0 =	sand.u32 @!p0 $0xF80, s0;
	_ =	swait.ge @!p0 [sflag:s8], $0x4000  }
0x21: {  	s6 =	sor.u32 @!p0 $0x6, s6;
	s0 =	sadd.s32 @!p0 $0x2800, s0;
	[sflag:s8] =	ssyncset.done @!p0 $0x0  }
0x22: {  	[sflag:s8] =	ssyncadd.s32 @!p0 $0xFFFFC000;
	s8 =	sor.u32 @!p0 $0x3800, s14;
	s14 =	simm.s32 @!p0 $0x80  }
0x23: {  	[spmem:s2] =	stream.indirect.scatter.add.f32 @!p0 [tilespmem:s8], [sflag:s6], $0x80, s0, s14, $0xb8;
	[tilespmem:$0x1F840] =	vst v63  }
0x24: {  	p0 =	seq.s32 s26, $0x0  }
.Ltmp3:
0x25: {  	_ = 	snop;
	(pc) =	sbr.rel @p0 .LBB2_12-.Ltmp3, $1  }
0x26: {  	_ =	sdelay $0x3  }
0x27: {  	v4 =	vadd.s32 s7, v0  }
0x28: {  	s0 =	sadd.s32 $0x10, s7;
	v4 =	vand.u32 $0xFFF, v4  }
0x29: {  	v5 =	vadd.s32 s0, v0  }
0x2a: {  	s8 =	sadd.s32 $0x20, s7;
	v5 =	vand.u32 $0xFFF, v5  }
0x2b: {  	v6 =	vadd.s32 s8, v0  }
0x2c: {  	s14 =	sadd.s32 $0x30, s7;
	v6 =	vand.u32 $0xFFF, v6  }
0x2d: {  	v7 =	vadd.s32 s14, v0;
	[tilespmem:v4+s29+$0x0] =	vst.idx.msk $0xffff, v1  }
0x2e: {  	s15 =	sadd.s32 $0x40, s7;
	[tilespmem:v4+s30+$0x0] =	vst.idx.msk $0xffff, v3;
	v4 =	vand.u32 $0xFFF, v7  }
0x2f: {  	v59 =	vadd.s32 s15, v0;
	[tilespmem:v5+s29+$0x0] =	vst.idx.msk $0xffff, v1  }
0x30: {  	s19 =	sadd.s32 $0x50, s7;
	[tilespmem:v5+s30+$0x0] =	vst.idx.msk $0xffff, v3;
	v5 =	vand.u32 $0xFFF, v59  }
0x31: {  	v60 =	vadd.s32 s19, v0;
	[tilespmem:v6+s29+$0x0] =	vst.idx.msk $0xffff, v1  }
0x32: {  	s20 =	sadd.s32 $0x60, s7;
	v61 =	vand.u32 $0xFFF, v60;
	[tilespmem:v6+s30+$0x0] =	vst.idx.msk $0xffff, v3  }
0x33: {  	v62 =	vadd.s32 s20, v0;
	[tilespmem:v4+s29+$0x0] =	vst.idx.msk $0xffff, v1  }
0x34: {  	s21 =	sadd.s32 $0x70, s7;
	[tilespmem:v4+s30+$0x0] =	vst.idx.msk $0xffff, v3;
	v4 =	vand.u32 $0xFFF, v62  }
0x35: {  	v63 =	vadd.s32 s21, v0;
	[tilespmem:v5+s29+$0x0] =	vst.idx.msk $0xffff, v1  }
0x36: {  	[tilespmem:v5+s30+$0x0] =	vst.idx.msk $0xffff, v3;
	v5 =	vand.u32 $0xFFF, v63  }
0x37: {  	[tilespmem:v61+s29+$0x0] =	vst.idx.msk $0xffff, v1  }
0x38: {  	[tilespmem:v61+s30+$0x0] =	vst.idx.msk $0xffff, v3  }
0x39: {  	[tilespmem:v4+s29+$0x0] =	vst.idx.msk $0xffff, v1  }
0x3a: {  	[tilespmem:v4+s30+$0x0] =	vst.idx.msk $0xffff, v3  }
0x3b: {  	p0 =	slt.u32 s7, $0x100;
	s0 =	sand.u32 $0x1, s5;
	[tilespmem:v5+s29+$0x0] =	vst.idx.msk $0xffff, v1  }
0x3c: {  	s6 =	sor.u32 @!p0 $0x6, s0;
	[tilespmem:v5+s30+$0x0] =	vst.idx.msk $0xffff, v3  }
0x3d: {  	s22 =	sand.u32 $0xF80, s7;
	_ =	swait.ge @!p0 [sflag:s6], $0x4000  }
0x3e: {  	s8 =	sadd.s32 $0x1800, s22;
	s26 =	sshll.u32 s0, $0xE;
	[sflag:s6] =	ssyncset.done @!p0 $0x0  }
0x3f: {  	s14 =	sor.u32 $0x4, s0;
	s7 =	sor.u32 $0x3800, s26;
	[sflag:s6] =	ssyncadd.s32 @!p0 $0xFFFFC000  }
0x40: {  	[tilespmem:s7], [sflag:s14] =	stream.indirect.gather [hbm4b:s4+s31], $0x80, s8, s31, $0xb8;
	[tilespmem:$0x1F840] =	vst v63  }
0x41: {  	_ =	swait.ge [sflag:s14], $0x4000  }
0x42: {  	s5 =	sadd.s32 $0x1, s5;
	[sflag:s14] =	ssyncset.done $0x0  }
0x43: {  	s0 =	sor.u32 $0x6, s0;
	s6 =	sadd.s32 $0x2800, s22;
	[sflag:s14] =	ssyncadd.s32 $0xFFFFC000  }
0x44: {  	[spmem:s2] =	stream.indirect.scatter.add.f32 [tilespmem:s7], [sflag:s0], $0x80, s6, s31, $0xb8;
	[tilespmem:$0x1F840] =	vst v63  }
.LBB2_13:
0x45: {  	s0 =	sand.u32 $0x1, s5  }
0x46: {  	s6 =	sxor.u32 $0x1, s0  }
0x47: {  	s6 =	sor.u32 $0x6, s6  }
0x48: {  	_ =	swait.ge [sflag:s6], $0x4000  }
0x49: {  	p0 =	slt.u32 s5, $0x2;
	[sflag:s6] =	ssyncset.done $0x0  }
0x4a: {  	s0 =	sor.u32 @!p0 $0x6, s0;
	[sflag:s6] =	ssyncadd.s32 $0xFFFFC000  }
0x4b: {  	_ =	swait.ge @!p0 [sflag:s0], $0x4000  }
0x4c: {  	[sflag:s0] =	ssyncset.done @!p0 $0x0  }
0x4d: {  	[sflag:s0] =	ssyncadd.s32 @!p0 $0xFFFFC000  }
.LBB2_14:
0x4e: {  	[bflag:$0x0] =	sbarrier.arrive $0xFFFF  }
0x4f: {  	[tilespmem:s24], [sflag:$0x8] =	stream.linear.gather [spmem:s9], $0x4000, $0x38;
	[tilespmem:$0x1F840] =	vst v63  }
0x50: {  	_ =	swait.ge [sflag:s25], $0x4000  }
0x51: {  	s0 =	rddreg [dreg:$0x6]  }
0x52: {  	s0 =	sadd.s32 s0, s23  }
0x53: {  	[sflag:s25] =	ssyncset.done $0x0;
	s5 =	rddreg [dreg:$0x5];
	s0 =	sshll.u32 s0, $0x4  }
0x54: {  	[sflag:s25] =	ssyncadd.s32 $0xFFFFC000;
	s5 =	sadd.s32 s5, s0  }
0x55: {  	[hbm4b:s5+s3] =	stream.linear.scatter [tilespmem:s24], [sflag:$0x8], $0x4000, $0x38;
	[tilespmem:$0x1F840] =	vst v63  }
0x56: {  	_ =	swait.ge [sflag:s25], $0x4000  }
0x57: {  	[sflag:s25] =	ssyncset.done $0x0  }
0x58: {  	[sflag:s25] =	ssyncadd.s32 $0xFFFFC000  }
0x59: {  	[tilespmem:s24], [sflag:$0x8] =	stream.linear.gather [spmem:s10], $0x4000, $0x38;
	[tilespmem:$0x1F840] =	vst v63  }
0x5a: {  	_ =	swait.ge [sflag:s25], $0x4000  }
0x5b: {  	[sflag:s25] =	ssyncset.done $0x0;
	s21 =	rddreg [dreg:$0x9]  }
0x5c: {  	[sflag:s25] =	ssyncadd.s32 $0xFFFFC000;
	s5 =	sadd.s32 s0, s21  }
0x5d: {  	[hbm4b:s5+s3] =	stream.linear.scatter [tilespmem:s24], [sflag:$0x8], $0x4000, $0x38;
	[tilespmem:$0x1F840] =	vst v63  }
0x5e: {  	_ =	swait.ge [sflag:s25], $0x4000  }
0x5f: {  	[sflag:s25] =	ssyncset.done $0x0  }
0x60: {  	[sflag:s25] =	ssyncadd.s32 $0xFFFFC000  }
0x61: {  	[tilespmem:s24], [sflag:$0x8] =	stream.linear.gather [spmem:s11], $0x4000, $0x38;
	[tilespmem:$0x1F840] =	vst v63  }
0x62: {  	_ =	swait.ge [sflag:s25], $0x4000  }
0x63: {  	[sflag:s25] =	ssyncset.done $0x0;
	s22 =	rddreg [dreg:$0xa]  }
0x64: {  	[sflag:s25] =	ssyncadd.s32 $0xFFFFC000;
	s5 =	sadd.s32 s0, s22  }
0x65: {  	[hbm4b:s5+s3] =	stream.linear.scatter [tilespmem:s24], [sflag:$0x8], $0x4000, $0x38;
	[tilespmem:$0x1F840] =	vst v63  }
0x66: {  	_ =	swait.ge [sflag:s25], $0x4000  }
0x67: {  	[sflag:s25] =	ssyncset.done $0x0  }
0x68: {  	[sflag:s25] =	ssyncadd.s32 $0xFFFFC000  }
0x69: {  	[tilespmem:s24], [sflag:$0x8] =	stream.linear.gather [spmem:s12], $0x4000, $0x38;
	[tilespmem:$0x1F840] =	vst v63  }
0x6a: {  	_ =	swait.ge [sflag:s25], $0x4000  }
0x6b: {  	[sflag:s25] =	ssyncset.done $0x0;
	s23 =	rddreg [dreg:$0xb]  }
0x6c: {  	[sflag:s25] =	ssyncadd.s32 $0xFFFFC000;
	s5 =	sadd.s32 s0, s23  }
0x6d: {  	[hbm4b:s5+s3] =	stream.linear.scatter [tilespmem:s24], [sflag:$0x8], $0x4000, $0x38;
	[tilespmem:$0x1F840] =	vst v63  }
0x6e: {  	_ =	swait.ge [sflag:s25], $0x4000  }
0x6f: {  	[sflag:s25] =	ssyncset.done $0x0  }
0x70: {  	[sflag:s25] =	ssyncadd.s32 $0xFFFFC000  }
0x71: {  	[tilespmem:s24], [sflag:$0x8] =	stream.linear.gather [spmem:s13], $0x4000, $0x38;
	[tilespmem:$0x1F840] =	vst v63  }
0x72: {  	_ =	swait.ge [sflag:s25], $0x4000  }
0x73: {  	s1 =	sadd.s32 $0x1, s1;
	[sflag:s25] =	ssyncset.done $0x0;
	s26 =	rddreg [dreg:$0xc]  }
0x74: {  	p0 =	sne.s32 s1, $0x5;
	[sflag:s25] =	ssyncadd.s32 $0xFFFFC000;
	s0 =	sadd.s32 s0, s26  }
0x75: {  	[hbm4b:s0+s3] =	stream.linear.scatter [tilespmem:s24], [sflag:$0x8], $0x4000, $0x38;
	[tilespmem:$0x1F840] =	vst v63  }
.Ltmp4:
0x76: {  	_ =	swait.ge [sflag:s25], $0x4000;
	(pc) =	sbr.rel @!p0 .LBB2_15-.Ltmp4, $3  }
0x77: {  	[sflag:s25] =	ssyncset.done $0x0  }
0x78: {  	[sflag:s25] =	ssyncadd.s32 $0xFFFFC000  }
0x79: {  	[bflag:$0x0] =	sbarrier.arrive $0xFFFF;
	_ =	sdelay $0x1  }
.LBB2_2:
0x7a: {  	s0 =	simm.s32 $0x0;
	s5 =	rddreg [dreg:$0x3]  }
0x7b: {  	[tilespmem:s24], [sflag:$0x8] =	stream.linear.gather [hbm4b:s5+s0], $0x4000, $0x38;
	[tilespmem:$0x1F840] =	vst v63  }
0x7c: {  	_ =	swait.ge [sflag:s25], $0x4000  }
0x7d: {  	[sflag:s25] =	ssyncset.done $0x0  }
0x7e: {  	[sflag:s25] =	ssyncadd.s32 $0xFFFFC000  }
0x7f: {  	[spmem:s9] =	stream.linear.scatter [tilespmem:s24], [sflag:$0x8], $0x4000, $0x38;
	[tilespmem:$0x1F840] =	vst v63  }
0x80: {  	_ =	swait.ge [sflag:s25], $0x4000  }
0x81: {  	[sflag:s25] =	ssyncset.done $0x0  }
0x82: {  	[sflag:s25] =	ssyncadd.s32 $0xFFFFC000  }
0x83: {  	[spmem:s10] =	stream.linear.scatter [tilespmem:s24], [sflag:$0x8], $0x4000, $0x38;
	[tilespmem:$0x1F840] =	vst v63  }
0x84: {  	_ =	swait.ge [sflag:s25], $0x4000  }
0x85: {  	[sflag:s25] =	ssyncset.done $0x0  }
0x86: {  	[sflag:s25] =	ssyncadd.s32 $0xFFFFC000  }
0x87: {  	[spmem:s11] =	stream.linear.scatter [tilespmem:s24], [sflag:$0x8], $0x4000, $0x38;
	[tilespmem:$0x1F840] =	vst v63  }
0x88: {  	_ =	swait.ge [sflag:s25], $0x4000  }
0x89: {  	[sflag:s25] =	ssyncset.done $0x0  }
0x8a: {  	[sflag:s25] =	ssyncadd.s32 $0xFFFFC000  }
0x8b: {  	[spmem:s12] =	stream.linear.scatter [tilespmem:s24], [sflag:$0x8], $0x4000, $0x38;
	[tilespmem:$0x1F840] =	vst v63  }
0x8c: {  	_ =	swait.ge [sflag:s25], $0x4000  }
0x8d: {  	[sflag:s25] =	ssyncset.done $0x0  }
0x8e: {  	[sflag:s25] =	ssyncadd.s32 $0xFFFFC000  }
0x8f: {  	[spmem:s13] =	stream.linear.scatter [tilespmem:s24], [sflag:$0x8], $0x4000, $0x38;
	[tilespmem:$0x1F840] =	vst v63  }
0x90: {  	_ =	swait.ge [sflag:s25], $0x4000  }
0x91: {  	s19 =	sshll.u32 s1, $0x1;
	[sflag:s25] =	ssyncset.done $0x0;
	s6 =	rddreg [dreg:$0x4]  }
0x92: {  	[sflag:s25] =	ssyncadd.s32 $0xFFFFC000;
	s5 =	sor.u32 s6, s19  }
0x93: {  	[bflag:$0x0] =	sbarrier.arrive $0xFFFF;
	s23 =	smul.u32 $0x2800, s5  }
.Ltmp5:
0x94: {  	s20 =	rddreg [dreg:$0x7];
	(pc) =	sbr.rel .LBB2_4-.Ltmp5, $4  }
0x95: {  	[tilespmem:s0], [sflag:$0x3] =	stream.linear.gather [hbm4b:s20+s0], $0x800, $0x38;
	[tilespmem:$0x1F840] =	vst v63  }
0x96: {  	s22 =	simm.s32 $0x800;
	s26 =	sadd.s32 $0x2800, s23  }
0x97: {  	s7 =	simm.s32 $0x0;
	s21 =	rddreg [dreg:$0x8];
	v5 =	vmov s26;
	s26 =	simm.s32 $0x0  }
0x98: {  	v4 =	vmov s23;
	[tilespmem:s22], [sflag:$0x1] =	stream.linear.gather [hbm4b:s21+s0], $0x800, $0x38;
	[tilespmem:$0x1F840] =	vst v63  }
.LBB2_9:
0x99: {  	[sflag:s15] =	ssyncset.done @!p0 $0x0  }
0x9a: {  	[sflag:s15] =	ssyncadd.s32 @!p0 $0xFFFFC000  }
0x9b: {  	[spmem:s2] =	stream.indirect.scatter.add.f32 @!p0 [tilespmem:s20], [sflag:s19], $0x80, s21, s14, $0xb8;
	[tilespmem:$0x1F840] =	vst v63  }
.LBB2_3:
0x9c: {  	p0 =	seq.s32 s26, $0x62  }
.Ltmp6:
0x9d: {  	_ = 	snop;
	(pc) =	sbr.rel @p0 .LBB2_10-.Ltmp6, $1  }
0x9e: {  	_ =	sdelay $0x3  }
.LBB2_4:
0x9f: {  	_ =	swait.ge [sflag:s28], $0x800  }
0xa0: {  	s6 =	sand.u32 $0x1, s26;
	[sflag:s28] =	ssyncset.done $0x0  }
0xa1: {  	p0 =	seq.s32 s26, $0x61;
	s5 =	sadd.s32 $0x1, s6;
	[sflag:s28] =	ssyncadd.s32 $0xFFFFF800  }
0xa2: {  	s8 =	sxor.u32 @!p0 $0x1, s6;
	s15 =	sadd.s32 @!p0 s16, s26;
	_ =	swait.ge [sflag:s5], $0x800  }
0xa3: {  	s19 =	simm.s32 @!p0 $0x0;
	s6 =	sshll.u32 s6, $0xB;
	[sflag:s5] =	ssyncset.done $0x0  }
0xa4: {  	s14 =	sshll.u32 @!p0 s8, $0xB;
	[sflag:s5] =	ssyncadd.s32 $0xFFFFF800;
	s5 =	sshll.u32 @!p0 s15, $0x8  }
0xa5: {  	s8 =	sadd.s32 @!p0 $0x1, s8;
	s14 =	sadd.s32 @!p0 $0x800, s14;
	s15 =	sadd.s32 @!p0 s5, s17  }
0xa6: {  	[tilespmem:s14], [sflag:s8] =	stream.linear.gather @!p0 [hbm4b:s15+s19], $0x800, $0x38;
	[tilespmem:$0x1F840] =	vst v63  }
0xa7: {  	s8 =	sadd.s32 $0x800, s6;
	s14 =	sand.u32 $0x780, s0  }
0xa8: {  	s15 =	sand.u32 $0x60, s0;
	s19 =	sadd.s32 s14, s8  }
0xa9: {  	s6 =	sadd.s32 s15, s19  }
0xaa: {  	v6 =	vld [tilespmem:s6+$0x0];
	_ =	sdelay $0x4  }
0xab: {  	vm0 =	vge.s32 v6, v4;
	vm1 =	vlt.s32 v6, v5  }
0xac: {  	vm0 =	vmand vm0, vm1  }
0xad: {  	v7 =	vsel vm0, $0x1, v2  }
0xae: {  	(xrf0) =	vadd.scan.msk.s32 $0xffff, v7;
	_ =	sdelay $0x2  }
0xaf: {  	v7 =	vmov s7  }
0xb0: {  	v7 =	vadd.s32 $0xFFF, v7  }
0xb1: {  	v7 =	vbroadcast v7, $0x0  }
0xb2: {  	v8, _, _ =	vpop (xrf0)  }
0xb3: {  	s6 =	smov.u32 s7;
	s7 =	simm.s32 $0x10;
	v7 =	vadd.s32 v8, v7  }
0xb4: {  	v9 =	vld [tilespmem:s7+$0xFFFFFFF0];
	v7 =	vand.u32 $0xFFF, v7  }
0xb5: {  	(v2sf) =	vpush v8, $0xF;
	_ =	sdelay $0x2  }
0xb6: {  	s20 =	simm.s32 $0x10  }
0xb7: {  	s14 =	sand.u32 $0x70, s20;
	v6 =	vsub.s32 v6, v4;
	[tilespmem:v7+s29+$0x0] =	vst.idx.msk vm0, v9  }
0xb8: {  	s14 =	sadd.s32 s14, s19;
	[tilespmem:v7+s30+$0x0] =	vst.idx.msk vm0, v6  }
0xb9: {  	v6 =	vld [tilespmem:s14+$0x0];
	_ =	sdelay $0x4  }
0xba: {  	vm0 =	vge.s32 v6, v4;
	vm1 =	vlt.s32 v6, v5  }
0xbb: {  	vm0 =	vmand vm0, vm1  }
0xbc: {  	v7 =	vsel vm0, $0x1, v2  }
0xbd: {  	(xrf0) =	vadd.scan.msk.s32 $0xffff, v7  }
0xbe: {  	s21 =	spop (v2sf)  }
0xbf: {  	s20 =	sadd.s32 s6, s21  }
0xc0: {  	v7 =	vmov s20  }
0xc1: {  	v7 =	vadd.s32 $0xFFF, v7  }
0xc2: {  	v7 =	vbroadcast v7, $0x0  }
0xc3: {  	v8, _, _ =	vpop (xrf0)  }
0xc4: {  	v7 =	vadd.s32 v8, v7;
	(v2sf) =	vpush v8, $0xF  }
0xc5: {  	v8 =	vld [tilespmem:s7+$0x0];
	v7 =	vand.u32 $0xFFF, v7;
	_ =	sdelay $0x2  }
0xc6: {  	s14 =	simm.s32 $0x20  }
0xc7: {  	s22 =	sand.u32 $0x780, s14  }
0xc8: {  	s19 =	sadd.s32 s22, s8;
	v6 =	vsub.s32 v6, v4;
	s21 =	sand.u32 $0x60, s14;
	[tilespmem:v7+s29+$0x0] =	vst.idx.msk vm0, v8  }
0xc9: {  	s15 =	sadd.s32 s21, s19;
	[tilespmem:v7+s30+$0x0] =	vst.idx.msk vm0, v6  }
0xca: {  	v6 =	vld [tilespmem:s15+$0x0];
	_ =	sdelay $0x4  }
0xcb: {  	vm0 =	vge.s32 v6, v4;
	vm1 =	vlt.s32 v6, v5  }
0xcc: {  	vm0 =	vmand vm0, vm1  }
0xcd: {  	s26 =	sadd.s32 $0x1, s26;
	s21 =	simm.s32 $0x40;
	v7 =	vsel vm0, $0x1, v2;
	s22 =	spop (v2sf)  }
.LBB2_5:
0xce: {  	s20 =	sadd.s32 s20, s22  }
0xcf: {  	(xrf0) =	vadd.scan.msk.s32 $0xffff, v7;
	s7 =	sadd.s32 $0x20, s7;
	s22 =	smov.u32 s21;
	s15 =	sadd.s32 $0x20, s21  }
0xd0: {  	p1 =	sne.s32 s21, $0x7E0;
	v7 =	vmov s20  }
0xd1: {  	v7 =	vadd.s32 $0xFFF, v7;
	_ =	sdelay $0x2  }
0xd2: {  	v7 =	vbroadcast v7, $0x0  }
0xd3: {  	v8, _, _ =	vpop (xrf0)  }
0xd4: {  	v7 =	vadd.s32 v8, v7;
	(v2sf) =	vpush v8, $0xF  }
0xd5: {  	v8 =	vld [tilespmem:s7+$0xFFFFFFF0];
	v7 =	vand.u32 $0xFFF, v7;
	_ =	sdelay $0x3  }
0xd6: {  	s21 =	sadd.s32 $0x10, s14;
	s14 =	smov.u32 s22  }
0xd7: {  	v6 =	vsub.s32 v6, v4;
	s21 =	sand.u32 $0x70, s21;
	[tilespmem:v7+s29+$0x0] =	vst.idx.msk vm0, v8  }
0xd8: {  	s19 =	sadd.s32 s21, s19;
	[tilespmem:v7+s30+$0x0] =	vst.idx.msk vm0, v6  }
0xd9: {  	v6 =	vld [tilespmem:s19+$0x0];
	_ =	sdelay $0x4  }
0xda: {  	vm0 =	vge.s32 v6, v4;
	vm1 =	vlt.s32 v6, v5  }
0xdb: {  	vm0 =	vmand vm0, vm1  }
0xdc: {  	v7 =	vsel vm0, $0x1, v2;
	s19 =	spop (v2sf)  }
0xdd: {  	(xrf0) =	vadd.scan.msk.s32 $0xffff, v7;
	_ =	sdelay $0x1  }
0xde: {  	s20 =	sadd.s32 s20, s19  }
0xdf: {  	v7 =	vmov s20  }
0xe0: {  	v7 =	vadd.s32 $0xFFF, v7  }
0xe1: {  	v7 =	vbroadcast v7, $0x0  }
0xe2: {  	v8, _, _ =	vpop (xrf0)  }
0xe3: {  	v7 =	vadd.s32 v8, v7;
	(v2sf) =	vpush v8, $0xF  }
0xe4: {  	v8 =	vld [tilespmem:s7+$0x0];
	v7 =	vand.u32 $0xFFF, v7;
	_ =	sdelay $0x3  }
0xe5: {  	s19 =	sand.u32 $0x780, s14  }
0xe6: {  	s21 =	sand.u32 $0x60, s14;
	v6 =	vsub.s32 v6, v4;
	s19 =	sadd.s32 s19, s8;
	[tilespmem:v7+s29+$0x0] =	vst.idx.msk vm0, v8  }
0xe7: {  	s21 =	sadd.s32 s21, s19;
	[tilespmem:v7+s30+$0x0] =	vst.idx.msk vm0, v6  }
0xe8: {  	v6 =	vld [tilespmem:s21+$0x0];
	_ =	sdelay $0x2  }
.Ltmp7:
0xe9: {  	(pc) =	sbr.rel @p1 .LBB2_5-.Ltmp7, $4  }
0xea: {  	_ = 	snop  }
0xeb: {  	vm0 =	vge.s32 v6, v4;
	vm1 =	vlt.s32 v6, v5  }
0xec: {  	vm0 =	vmand vm0, vm1  }
0xed: {  	s21 =	smov.u32 s15;
	v7 =	vsel vm0, $0x1, v2;
	s22 =	spop (v2sf)  }
0xee: {  	(xrf0) =	vadd.scan.msk.s32 $0xffff, v7;
	_ =	sdelay $0x1  }
0xef: {  	s8 =	sadd.s32 s20, s22  }
0xf0: {  	v7 =	vmov s8  }
0xf1: {  	v7 =	vadd.s32 $0xFFF, v7  }
0xf2: {  	v7 =	vbroadcast v7, $0x0  }
0xf3: {  	v8, _, _ =	vpop (xrf0)  }
0xf4: {  	s7 =	sadd.s32 $0x20, s7;
	v7 =	vadd.s32 v8, v7  }
0xf5: {  	v9 =	vld [tilespmem:s7+$0xFFFFFFF0];
	v7 =	vand.u32 $0xFFF, v7;
	_ =	sdelay $0x3  }
0xf6: {  	s14 =	sadd.s32 $0x10, s14  }
0xf7: {  	v6 =	vsub.s32 v6, v4;
	s14 =	sand.u32 $0x70, s14;
	[tilespmem:v7+s29+$0x0] =	vst.idx.msk vm0, v9  }
0xf8: {  	s14 =	sadd.s32 s14, s19;
	[tilespmem:v7+s30+$0x0] =	vst.idx.msk vm0, v6  }
0xf9: {  	v6 =	vld [tilespmem:s14+$0x0];
	_ =	sdelay $0x2  }
0xfa: {  	(v2sf) =	vpush v8, $0xF;
	_ =	sdelay $0x1  }
0xfb: {  	vm15 =	vge.s32 v6, v4;
	vm1 =	vlt.s32 v6, v5  }
0xfc: {  	vm0 =	vmand vm15, vm1  }
0xfd: {  	v7 =	vsel vm0, $0x1, v2  }
0xfe: {  	(xrf0) =	vadd.scan.msk.s32 $0xffff, v7;
	_ =	sdelay $0x5  }
0xff: {  	v7, _, _ =	vpop (xrf0)  }
0x100: {  	(v2sf) =	vpush v7, $0xF;
	_ =	sdelay $0x2  }
0x101: {  	s21 =	spop (v2sf)  }
0x102: {  	s8 =	sadd.s32 s8, s21  }
0x103: {  	v62 =	vmov s8  }
0x104: {  	v8 =	vadd.s32 $0xFFF, v62  }
0x105: {  	v8 =	vbroadcast v8, $0x0;
	_ =	sdelay $0x1  }
0x106: {  	v7 =	vadd.s32 v7, v8  }
0x107: {  	v63 =	vld [tilespmem:s7+$0x0];
	v7 =	vand.u32 $0xFFF, v7;
	_ =	sdelay $0x4  }
0x108: {  	v6 =	vsub.s32 v6, v4;
	[tilespmem:v7+s29+$0x0] =	vst.idx.msk vm0, v63;
	s22 =	spop (v2sf)  }
0x109: {  	s5 =	sadd.s32 @!p0 s5, s18;
	[tilespmem:v7+s30+$0x0] =	vst.idx.msk vm0, v6;
	s7 =	sadd.s32 s8, s22;
	s8 =	simm.s32 @!p0 $0x0  }
0x10a: {  	[tilespmem:s8], [sflag:$0x3] =	stream.linear.gather @!p0 [hbm4b:s5+s8], $0x800, $0x38;
	[tilespmem:$0x1F840] =	vst v63  }
0x10b: {  	s14 =	sshrl.u32 s6, $0x7;
	s5 =	sshrl.u32 s7, $0x7  }
0x10c: {  	p0 =	sge.u32 s14, s5  }
.Ltmp8:
0x10d: {  	_ = 	snop;
	(pc) =	sbr.rel @p0 .LBB2_3-.Ltmp8, $1  }
0x10e: {  	_ =	sdelay $0x3  }
0x10f: {  	s6 =	sshll.u32 s14, $0x7  }
0x110: {  	s8 =	sand.u32 $0x1, s14;
	p2 =	slt.u32 s14, $0x2;
	p0 =	seq.s32 s14, $0x0  }
0x111: {  	s15 =	sadd.s32 $0xFFFFFF80, s6;
	s6 =	sadd.s32 $0x1, s14;
	s19 =	sor.u32 @!p2 $0x6, s8  }
0x112: {  	s20 =	sshll.u32 s8, $0xE;
	s21 =	sor.u32 $0x4, s8;
	s14 =	sadd.s32 @!p0 $0xFFFFFFFF, s14  }
0x113: {  	p1 =	seq.s32 s5, s6;
	_ =	swait.ge @!p2 [sflag:s19], $0x4000;
	s8 =	sadd.s32 $0x80, s15  }
0x114: {  	s20 =	sor.u32 $0x3800, s20;
	[sflag:s19] =	ssyncset.done @!p2 $0x0;
	s22 =	sand.u32 $0xF80, s8  }
.Ltmp9:
0x115: {  	[sflag:s19] =	ssyncadd.s32 @!p2 $0xFFFFC000;
	s22 =	sadd.s32 $0x1800, s22;
	(pc) =	sbr.rel @p1 .LBB2_9-.Ltmp9, $4  }
0x116: {  	[tilespmem:s20], [sflag:s21] =	stream.indirect.gather [hbm4b:s4+s31], $0x80, s22, s31, $0xb8;
	[tilespmem:$0x1F840] =	vst v63  }
0x117: {  	s19 =	sand.u32 @!p0 $0x1, s14;
	s14 =	simm.s32 @!p0 $0x80;
	s21 =	sand.u32 @!p0 $0xF80, s15  }
0x118: {  	s15 =	sor.u32 @!p0 $0x4, s19;
	s20 =	sshll.u32 @!p0 s19, $0xE;
	s19 =	sor.u32 @!p0 $0x6, s19  }
0x119: {  	_ =	swait.ge @!p0 [sflag:s15], $0x4000;
	s20 =	sor.u32 @!p0 $0x3800, s20;
	s21 =	sadd.s32 @!p0 $0x2800, s21  }
.LBB2_8:
0x11a: {  	[sflag:s15] =	ssyncset.done @!p0 $0x0;
	s22 =	smov.u32 s6;
	s6 =	sadd.s32 $0x1, s6  }
0x11b: {  	p1 =	seq.s32 s5, s6;
	[sflag:s15] =	ssyncadd.s32 @!p0 $0xFFFFC000;
	s15 =	smov.u32 s8  }
0x11c: {  	[spmem:s2] =	stream.indirect.scatter.add.f32 @!p0 [tilespmem:s20], [sflag:s19], $0x80, s21, s14, $0xb8;
	[tilespmem:$0x1F840] =	vst v63  }
0x11d: {  	_ = 	snop  }
0x11e: {  	p2 =	slt.u32 s22, $0x2;
	s14 =	sand.u32 $0x1, s22  }
0x11f: {  	s19 =	sor.u32 @!p2 $0x6, s14;
	s20 =	sshll.u32 s14, $0xE;
	s14 =	sor.u32 $0x4, s14  }
0x120: {  	s8 =	sadd.s32 $0x80, s8;
	p0 =	seq.s32 s22, $0x0;
	_ =	swait.ge @!p2 [sflag:s19], $0x4000  }
0x121: {  	s21 =	sand.u32 $0xF80, s8;
	s22 =	sadd.s32 @!p0 $0xFFFFFFFF, s22;
	[sflag:s19] =	ssyncset.done @!p2 $0x0  }
0x122: {  	[sflag:s19] =	ssyncadd.s32 @!p2 $0xFFFFC000  }
.Ltmp10:
0x123: {  	s19 =	sor.u32 $0x3800, s20;
	s20 =	sadd.s32 $0x1800, s21;
	(pc) =	sbr.rel @!p1 .LBB2_8-.Ltmp10, $4  }
0x124: {  	[tilespmem:s19], [sflag:s14] =	stream.indirect.gather [hbm4b:s4+s31], $0x80, s20, s31, $0xb8;
	[tilespmem:$0x1F840] =	vst v63  }
0x125: {  	s21 =	sand.u32 @!p0 $0xF80, s15;
	s19 =	sand.u32 @!p0 $0x1, s22;
	s14 =	simm.s32 @!p0 $0x80  }
0x126: {  	s15 =	sor.u32 @!p0 $0x4, s19;
	s20 =	sshll.u32 @!p0 s19, $0xE;
	s19 =	sor.u32 @!p0 $0x6, s19  }
0x127: {  	s21 =	sadd.s32 @!p0 $0x2800, s21;
	s20 =	sor.u32 @!p0 $0x3800, s20;
	_ =	swait.ge @!p0 [sflag:s15], $0x4000  }
.Ltmp11:
0x128: {  	_ = 	snop;
	(pc) =	sbr.rel .LBB2_9-.Ltmp11, $1  }
0x129: {  	_ =	sdelay $0x3  }
.LBB2_12:
0x12a: {  	p0 =	seq.s32 s7, $0x0  }
.Ltmp12:
0x12b: {  	_ = 	snop;
	(pc) =	sbr.rel @!p0 .LBB2_13-.Ltmp12, $4  }
.Ltmp13:
0x12c: {  	_ = 	snop;
	(pc) =	sbr.rel @p0 .LBB2_14-.Ltmp13, $4  }
0x12d: {  	_ = 	snop  }
0x12e: {  	_ = 	snop  }
0x12f: {  	_ = 	snop  }
0x130: {  	_ = 	snop  }
.LBB2_16:
0x131: {  	_ =	sfence.sel $0x180000  }
0x132: {  	[bflag:$0x0] =	sbarrier.arrive $0xFFFF  }
0x133: {  	_ =	strace $0x9000004A  }
0x134: {  	s0 =	stileid.u32;
	[bflag:$0x2] =	sbarrier.arrive $0xFFFF  }
0x135: {  	p0 =	sne.s32 s0, $0x0;
	s0 =	rddreg [dreg:$0x2]  }
0x136: {  	s0 =	sadd.s32 @!p0 $0x100000, s0  }
0x137: {  	[sflag:s0] =	ssyncadd.tile.s32 @!p0 $0x1;
	_ =	shalt  }
.Lfunc_end2:
_tile_overlayer_lowered:
.L_overlay_start_2:
0x138: {  	(tag) =	ssettag $0x2  }
0x139: {  	s0 =	rddreg [dreg:$0x0];
	s2 =	stileid.u32  }
0x13a: {  	s1 =	rddreg [dreg:$0x1];
	p0 =	sne.s32 s2, $0x0  }
0x13b: {  	s3 =	rddreg [dreg:$0x2];
	[bflag:$0x3] =	sbarrier.arrive $0xFFFF;
	s2 =	simm.s32 @!p0 $0x1C08  }
0x13c: {  	[timem:s3], [sflag:s2] =	dma.local @!p0 [hbm:s0], s1  }
0x13d: {  	s0 =	simm.s32 @!p0 $0x8  }
0x13e: {  	_ =	swait.ge @!p0 [sflag:s0], s1  }
0x13f: {  	s1 =	ssub.s32 @!p0 $0x0, s1;
	[sflag:s0] =	ssyncset.done @!p0 $0x0  }
0x140: {  	[sflag:s0] =	ssyncadd.s32 @!p0 s1  }
0x141: {  	[bflag:$0x3] =	sbarrier.arrive $0xFFFF  }
0x142: {  	_ =	shalt  }

// kernel: kernel.14.cloned.1.call-start
scs
__scs_entry_jumppad:
0x0: {  	(pc) =	sbr.rel $0x88, $3  }
0x1: {  	(tag) =	ssettag $0x0;
	lr =	simm.s32 $0x1  }
0x2: {  	[smem:$0x3F97] =	sst lr;
	_ =	strace $0xD0000000  }
0x3: {  	_ = 	snop  }
0x4: {  	_ = 	snop  }
0x5: {  	_ = 	snop  }
0x6: {  	_ = 	snop  }
0x7: {  	_ = 	snop  }
__scs_overlays_trampoline_lowered:
0x8: {  	[smem:$0x3FA6] =	sst s0  }
0x9: {  	[smem:$0x3FA7] =	sst s1  }
0xa: {  	[smem:$0x3FA8] =	sst s2  }
0xb: {  	[smem:$0x3FA9] =	sst s3  }
0xc: {  	[smem:$0x3FAA] =	sst s4  }
0xd: {  	[smem:$0x3FAB] =	sst s5  }
0xe: {  	[smem:$0x3FAC] =	sst s6  }
0xf: {  	[smem:$0x3FAD] =	sst s7  }
0x10: {  	[smem:$0x3FAE] =	sst s8  }
0x11: {  	[smem:$0x3FAF] =	sst s9;
	s0 =	simm.s32 @!p0 $0x0  }
0x12: {  	s1 =	sld [smem:$0x3F95];
	s0 =	simm.s32 @p0 $0x1  }
0x13: {  	[smem:$0x3FB0] =	sst s0;
	s0 =	simm.s32 @!p1 $0x0  }
0x14: {  	s2 =	sld [smem:$0x3F94];
	s0 =	simm.s32 @p1 $0x1  }
0x15: {  	[smem:$0x3FB1] =	sst s0;
	s0 =	simm.s32 @!p2 $0x0  }
0x16: {  	s3 =	sld [smem:$0x3FDB];
	s0 =	simm.s32 @p2 $0x1  }
0x17: {  	s4 =	simm.s32 $0x1BF5;
	[smem:$0x3FB3] =	sst s0  }
0x18: {  	s0 =	sld [smem:$0x3F96];
	_ =	swait.ge [sflag:s4], $0x0  }
0x19: {  	s7 =	sld [smem:$0x3F97]  }
0x1a: {  	s8 =	sadd.s32 $0xFFFFE003, lr  }
0x1b: {  	s9 =	sadd.s32 $0xFFFFFEF7, lr;
	s5 =	simm.s32 $0xFFFFFFFF;
	p2 =	slt.u32 s8, $0xFFFFF086  }
0x1c: {  	p1 =	slt.u32 s9, $0xF7A;
	s5 =	simm.s32 @!p2 $0x0  }
0x1d: {  	s5 =	simm.s32 @p1 $0x1;
	p0 =	seq.s32 s7, s2  }
0x1e: {  	s7 =	smul.u32 @!p0 $0xF7A, s2;
	p2 =	seq.s32 @!p0 s5, $0x0  }
0x1f: {  	s9 =	smul.u32 $0xF7A, s1;
	s8 =	simm.s32 @!p0 $0x1BF5;
	p2 =	por !p2, p0  }
0x20: {  	[sflag:s8] =	ssyncset.s32 @!p0 $0xFFFFF086;
	s6 =	sadd.s32 @!p0 s3, s7;
	s7 =	simm.s32 @!p0 $0x108  }
0x21: {  	s3 =	sadd.s32 s3, s9;
	s6 =	sadd.s32 @!p0 $0x88, s6;
	s7 =	simm.s32 @p2 $0x1082  }
0x22: {  	[simem:s7], [sflag:s8] =	dma.local @!p0 [hbm:s6], $0xF7A  }
0x23: {  	s9 =	sor.u32 $0xD0000000, s2;
	s6 =	simm.s32 $0x108;
	_ =	swait.ge @!p0 [sflag:s8], $0x0  }
0x24: {  	s3 =	sadd.s32 $0x88, s3;
	s6 =	simm.s32 @!p1 $0x1082;
	[sflag:s4] =	ssyncset.s32 $0xFFFFF086  }
0x25: {  	[simem:s6], [sflag:s4] =	dma.local [hbm:s3], $0xF7A  }
0x26: {  	[smem:$0x3F97] =	sst s1;
	(tag) =	ssettag s2;
	_ =	strace s9  }
0x27: {  	s1 =	sld [smem:$0x3FA7]  }
0x28: {  	s2 =	sld [smem:$0x3FA8]  }
0x29: {  	s4 =	sld [smem:$0x3FAA]  }
0x2a: {  	p0 =	seq.s32 s5, $0x0;
	s5 =	sld [smem:$0x3FAB]  }
0x2b: {  	s6 =	sld [smem:$0x3FAC]  }
0x2c: {  	s7 =	sld [smem:$0x3FAD]  }
0x2d: {  	s3 =	simm.s32 $0x108;
	s8 =	sld [smem:$0x3FAE]  }
0x2e: {  	s3 =	simm.s32 @!p0 $0x1082;
	s9 =	sld [smem:$0x3FAF]  }
0x2f: {  	lr =	sadd.s32 s0, s3;
	s0 =	sld [smem:$0x3FA6]  }
0x30: {  	s3 =	sld [smem:$0x3FA9]  }
0x31: {  	[smem:$0x3FB2] =	sst s10  }
0x32: {  	s10 =	sld [smem:$0x3FB0];
	_ =	sdelay $0x3  }
0x33: {  	p0 =	seq.s32 s10, $0x1;
	s10 =	sld [smem:$0x3FB2];
	_ =	sdelay $0x3  }
0x34: {  	[smem:$0x3FB2] =	sst s10  }
0x35: {  	s10 =	sld [smem:$0x3FB1];
	_ =	sdelay $0x3  }
0x36: {  	p1 =	seq.s32 s10, $0x1;
	s10 =	sld [smem:$0x3FB2];
	_ =	sdelay $0x3  }
0x37: {  	[smem:$0x3FB2] =	sst s10  }
0x38: {  	s10 =	sld [smem:$0x3FB3]  }
0x39: {  	_ = 	snop;
	(pc) =	sbr.ind lr, $3  }
0x3a: {  	_ = 	snop  }
0x3b: {  	_ = 	snop  }
0x3c: {  	p2 =	seq.s32 s10, $0x1;
	s10 =	sld [smem:$0x3FB2]  }
0x3d: {  	_ =	shalt  }
0x3e: {  	_ =	shalt  }
0x3f: {  	_ =	shalt  }
0x40: {  	_ =	shalt  }
0x41: {  	_ =	shalt  }
0x42: {  	_ =	shalt  }
0x43: {  	_ =	shalt  }
0x44: {  	_ =	shalt  }
0x45: {  	_ =	shalt  }
0x46: {  	_ =	shalt  }
0x47: {  	_ =	shalt  }
0x48: {  	_ =	shalt  }
0x49: {  	_ =	shalt  }
0x4a: {  	_ =	shalt  }
0x4b: {  	_ =	shalt  }
0x4c: {  	_ =	shalt  }
0x4d: {  	_ =	shalt  }
0x4e: {  	_ =	shalt  }
0x4f: {  	_ =	shalt  }
0x50: {  	_ =	shalt  }
0x51: {  	_ =	shalt  }
0x52: {  	_ =	shalt  }
0x53: {  	_ =	shalt  }
0x54: {  	_ =	shalt  }
0x55: {  	_ =	shalt  }
0x56: {  	_ =	shalt  }
0x57: {  	_ =	shalt  }
0x58: {  	_ =	shalt  }
0x59: {  	_ =	shalt  }
0x5a: {  	_ =	shalt  }
0x5b: {  	_ =	shalt  }
0x5c: {  	_ =	shalt  }
0x5d: {  	_ =	shalt  }
0x5e: {  	_ =	shalt  }
0x5f: {  	_ =	shalt  }
0x60: {  	_ =	shalt  }
0x61: {  	_ =	shalt  }
0x62: {  	_ =	shalt  }
0x63: {  	_ =	shalt  }
0x64: {  	_ =	shalt  }
0x65: {  	_ =	shalt  }
0x66: {  	_ =	shalt  }
0x67: {  	_ =	shalt  }
0x68: {  	_ =	shalt  }
0x69: {  	_ =	shalt  }
0x6a: {  	_ =	shalt  }
0x6b: {  	_ =	shalt  }
0x6c: {  	_ =	shalt  }
0x6d: {  	_ =	shalt  }
0x6e: {  	_ =	shalt  }
0x6f: {  	_ =	shalt  }
0x70: {  	_ =	shalt  }
0x71: {  	_ =	shalt  }
0x72: {  	_ =	shalt  }
0x73: {  	_ =	shalt  }
0x74: {  	_ =	shalt  }
0x75: {  	_ =	shalt  }
0x76: {  	_ =	shalt  }
0x77: {  	_ =	shalt  }
0x78: {  	_ =	shalt  }
0x79: {  	_ =	shalt  }
0x7a: {  	_ =	shalt  }
0x7b: {  	_ =	shalt  }
0x7c: {  	_ =	shalt  }
0x7d: {  	_ =	shalt  }
0x7e: {  	_ =	shalt  }
0x7f: {  	_ =	shalt  }
0x80: {  	_ =	shalt  }
0x81: {  	_ =	shalt  }
0x82: {  	_ =	shalt  }
0x83: {  	_ =	shalt  }
0x84: {  	_ =	shalt  }
0x85: {  	_ =	shalt  }
0x86: {  	_ =	shalt  }
0x87: {  	_ =	shalt  }
.Lfunc_end0:
.L_simem_size_0:
called_computation.2_lowered:
.L_overlay_start_0:
0x88: {  	s2 =	sld [smem:$0x3FD9]  }
0x89: {  	s3 =	sld [smem:$0x3FFE];
	_ =	sdelay $0x1  }
0x8a: {  	s1 =	srdreg.scid  }
0x8b: {  	s0 =	sand.u32 $0x1, s1  }
0x8c: {  	s16 =	sshll.u32 s0, $0xA;
	s2 =	sadd.s32 s3, s2  }
0x8d: {  	s2 =	sadd.s32 s2, s16  }
0x8e: {  	[smem:$0x3FBE] =	sst s2  }
0x8f: {  	_ = 	snop  }
0x90: {  	(tm) =	ssettm $0x1  }
0x91: {  	s17 =	sld [smem:$0x3FFB];
	_ =	sdelay $0x3  }
0x92: {  	_ =	strace s17  }
0x93: {  	s2 =	sld [smem:$0x3FFC];
	_ =	sdelay $0x3  }
0x94: {  	_ =	strace s2  }
0x95: {  	s2 =	sld [smem:$0x3FFD];
	_ =	sdelay $0x3  }
0x96: {  	_ =	strace s2  }
0x97: {  	_ =	strace $0x8FFFFFFF  }
0x98: {  	s18 =	sld [smem:$0x3FDB];
	_ =	sdelay $0x1  }
0x99: {  	s19 =	simm.s32 $_scs_section_size  }
0x9a: {  	s4 =	simm.s32 $_size__tile_overlayer_lowered;
	s5 =	simm.s32 $_tile_overlayer_lowered  }
0x9b: {  	s22 =	simm.s32 $0x1BFF;
	s21 =	sshll.u32 s5, $0x1;
	s2 =	sadd.s32 s19, s18  }
0x9c: {  	s6 =	simm.s32 $0x0;
	s20 =	sshll.u32 s4, $0x1;
	s4 =	sadd.s32 s21, s2  }
0x9d: {  	[timem:s6], [sflag:s22] =	dma.local [hbm:s4], s20  }
0x9e: {  	_ =	swait.ge [sflag:s22], s20  }
0x9f: {  	s3 =	ssub.s32 $0x0, s20;
	[sflag:s22] =	ssyncset.done $0x0  }
0xa0: {  	[sflag:s22] =	ssyncadd.s32 s3;
	_ =	sdelay $0x1  }
0xa1: {  	s23 =	simm.s32 $0x1B8B  }
0xa2: {  	_ =	swait.ge [sflag:s23], $0x1  }
0xa3: {  	[sflag:s23] =	ssyncset.done $0x0  }
0xa4: {  	s25 =	simm.s32 $0x1B8E;
	s24 =	sld [smem:$0x3FFE];
	[sflag:s23] =	ssyncadd.s32 $0xFFFFFFFF  }
0xa5: {  	s26 =	simm.s32 $execute0_lowered;
	[smem:$0x3FD2] =	sst s25  }
0xa6: {  	s4 =	sshll.u32 s26, $0x1;
	_ =	strace $0x8000004C;
	[dreg:$0x1] =	wrdreg $0xFFFFFFFF  }
0xa7: {  	s28 =	simm.s32 $_size_execute0_lowered;
	s2 =	sadd.s32 s2, s4;
	[dreg:$0x0] =	wrdreg $0x0  }
0xa8: {  	s4 =	sshll.u32 s28, $0x1;
	[dreg:$0x2] =	wrdreg s2  }
0xa9: {  	[dreg:$0x3] =	wrdreg s4  }
0xaa: {  	[dreg:$0x4] =	wrdreg $0xC0  }
0xab: {  	_ =	task [dreg:s6], $0x5FFFF  }
0xac: {  	[dreg:$0x1] =	wrdreg $0xFFFFFFFF  }
0xad: {  	[dreg:$0x0] =	wrdreg $0x60  }
0xae: {  	[dreg:$0x2] =	wrdreg s24  }
0xaf: {  	[dreg:$0x3] =	wrdreg $0xB8000  }
0xb0: {  	[dreg:$0x4] =	wrdreg $0x9  }
0xb1: {  	_ =	task.clear_ibuf [dreg:s6], $0x5FFFF;
	_ =	strace $0x9000004C  }
0xb2: {  	s29 =	simm.s32 $0x9;
	_ =	strace $0x8000004E  }
0xb3: {  	_ =	swait.ge [sflag:s29], $0x1  }
0xb4: {  	[sflag:s29] =	ssyncadd.s32 $0xFFFFFFFF  }
0xb5: {  	_ =	strace $0x9000004E  }
0xb6: {  	_ =	sfence  }
0xb7: {  	s30 =	sld [smem:$0x0];
	_ =	sdelay $0x2  }
0xb8: {  	s31 =	sshll.u32 s1, $0xD;
	s1 =	sshrl.u32 s1, $0x2  }
0xb9: {  	s3 =	sand.u32 $0x4000, s31;
	s1 =	sadd.s32 s1, s30  }
0xba: {  	s0 =	sor.u32 s3, s0;
	s1 =	sshll.u32 s1, $0x11  }
0xbb: {  	s0 =	sor.u32 s1, s0  }
0xbc: {  	s0 =	sadd.s32 $0x8F2B, s0  }
0xbd: {  	[sflag:s0] =	ssyncadd.remote.s32 $0x1  }
0xbe: {  	_ =	sfence.sel $0xFFFF  }
0xbf: {  	[dreg:$0x0] =	wrdreg $0xFFFFFFFF;
	(pc) =	sbr.abs _section_cstart, $3  }
0xc0: {  	[dreg:$0x1] =	wrdreg $0xFFFFFFFF  }
0xc1: {  	_ =	task.clear_ibuf [dreg:s6], $0x2FFFF;
	_ =	strace $0x9FFFFFFF  }
0xc2: {  	(tm) =	ssettm $0x7FFFFFFF  }
0xc3: {  	_ =	shalt  }
tec
execute0_lowered:
.L_overlay_start_1:
0x0: {  	(tag) =	ssettag $0x1  }
0x1: {  	s0 =	rddreg [dreg:$0x0]  }
0x2: {  	s2 =	rddreg [dreg:$0x1];
	s3 =	simm.s32 $0x0  }
0x3: {  	s8 =	stileid.u32;
	s5 =	srdreg.scid;
	s24 =	simm.s32 $0x3800  }
0x4: {  	s28 =	simm.s32 $0x3;
	s29 =	simm.s32 $0x1800;
	s30 =	simm.s32 $0x2800  }
0x5: {  	s31 =	simm.s32 $0x80;
	[smem:$0x7FF] =	sst s3;
	s1 =	smul.u32 $0x6200, s8  }
0x6: {  	s6 =	smul.u32 $0x50000, s8;
	s4 =	sadd.s32 $0x893400, s0;
	s7 =	sadd.s32 $0xC6400, s0  }
0x7: {  	s14 =	sadd.s32 $0x3E3400, s0;
	_ =	strace $0x8000004D;
	[dreg:$0x3] =	wrdreg s7  }
0x8: {  	s5 =	sand.u32 $0x1, s5;
	s9 =	smul.u32 $0x280, s8;
	[dreg:$0x5] =	wrdreg s14  }
0x9: {  	s16 =	smul.u32 $0x62, s8;
	s21 =	sadd.s32 $0x3E3C00, s0;
	[dreg:$0x4] =	wrdreg s5  }
0xa: {  	s17 =	sadd.s32 $0x64500, s0;
	s22 =	sadd.s32 $0x3E4400, s0;
	[dreg:$0x9] =	wrdreg s21  }
0xb: {  	s18 =	sadd.s32 $0xCCB00, s0;
	s25 =	sadd.s32 $0x3E4C00, s0;
	[dreg:$0xa] =	wrdreg s22  }
0xc: {  	s23 =	sshll.u32 s8, $0x4;
	s5 =	ssub.s32 $0x2, s5;
	[dreg:$0xb] =	wrdreg s25  }
0xd: {  	s25 =	simm.s32 $0x8;
	s1 =	sadd.s32 s1, s0;
	s6 =	sshrl.u32 s6, $0x2  }
0xe: {  	s15 =	sshrl.u32 s5, $0x1;
	[dreg:$0x6] =	wrdreg s9;
	s0 =	sadd.s32 $0x3E5400, s0  }
.Ltmp0:
0xf: {  	s9 =	sadd.s32 s6, s2;
	s19 =	sadd.s32 $0xCCA00, s1;
	(pc) =	sbr.rel .LBB2_1-.Ltmp0, $4  }
0x10: {  	v0 =	vlaneseq.u32;
	s1 =	sadd.s32 $0x64400, s1;
	s20 =	ssub.s32 s5, s15;
	[dreg:$0xc] =	wrdreg s0  }
0x11: {  	v1 =	vmul.u32 $0x18D, v0;
	s10 =	sadd.s32 $0x4000, s9;
	s11 =	sadd.s32 $0x8000, s9;
	[dreg:$0x7] =	wrdreg s19  }
0x12: {  	s12 =	sadd.s32 $0xC000, s9;
	[dreg:$0x8] =	wrdreg s1;
	s26 =	smax.u32 s20, $0x1  }
0x13: {  	v2 =	vimm.s32 $0x0;
	v3 =	vimm.s32 $0x2800;
	v1 =	vadd.s32 s23, v1;
	s13 =	sadd.s32 $0x10000, s9;
	s1 =	simm.s32 $0x0;
	[dreg:$0xd] =	wrdreg s26  }
.LBB2_15:
0x14: {  	s1 =	rddreg [dreg:$0xe]  }
0x15: {  	s0 =	rddreg [dreg:$0xd];
	s1 =	sadd.s32 $0x1, s1  }
0x16: {  	p0 =	sne.s32 s1, s0  }
.Ltmp1:
0x17: {  	_ = 	snop;
	(pc) =	sbr.rel @!p0 .LBB2_16-.Ltmp1, $1  }
0x18: {  	_ =	sdelay $0x3  }
.LBB2_1:
.Ltmp2:
0x19: {  	(pc) =	sbr.rel .LBB2_2-.Ltmp2, $2  }
0x1a: {  	_ =	sdelay $0x2  }
0x1b: {  	[dreg:$0xe] =	wrdreg s1;
	s1 =	simm.s32 $0x0  }
.LBB2_10:
0x1c: {  	p0 =	seq.s32 s5, $0x0  }
0x1d: {  	s0 =	sadd.s32 @!p0 $0xFFFFFFFF, s5  }
0x1e: {  	s6 =	sand.u32 @!p0 $0x1, s0  }
0x1f: {  	s26 =	sand.u32 $0x7F, s7;
	s0 =	sshll.u32 @!p0 s0, $0x7;
	s8 =	sor.u32 @!p0 $0x4, s6  }
0x20: {  	s14 =	sshll.u32 @!p0 s6, $0xE;
	s0 =	sand.u32 @!p0 $0xF80, s0;
	_ =	swait.ge @!p0 [sflag:s8], $0x4000  }
0x21: {  	s6 =	sor.u32 @!p0 $0x6, s6;
	s0 =	sadd.s32 @!p0 $0x2800, s0;
	[sflag:s8] =	ssyncset.done @!p0 $0x0  }
0x22: {  	[sflag:s8] =	ssyncadd.s32 @!p0 $0xFFFFC000;
	s8 =	sor.u32 @!p0 $0x3800, s14;
	s14 =	simm.s32 @!p0 $0x80  }
0x23: {  	[spmem:s2] =	stream.indirect.scatter.add.f32 @!p0 [tilespmem:s8], [sflag:s6], $0x80, s0, s14, $0xb8;
	[tilespmem:$0x1F840] =	vst v63  }
0x24: {  	p0 =	seq.s32 s26, $0x0  }
.Ltmp3:
0x25: {  	_ = 	snop;
	(pc) =	sbr.rel @p0 .LBB2_12-.Ltmp3, $1  }
0x26: {  	_ =	sdelay $0x3  }
0x27: {  	v4 =	vadd.s32 s7, v0  }
0x28: {  	s0 =	sadd.s32 $0x10, s7;
	v4 =	vand.u32 $0xFFF, v4  }
0x29: {  	v5 =	vadd.s32 s0, v0  }
0x2a: {  	s8 =	sadd.s32 $0x20, s7;
	v5 =	vand.u32 $0xFFF, v5  }
0x2b: {  	v6 =	vadd.s32 s8, v0  }
0x2c: {  	s14 =	sadd.s32 $0x30, s7;
	v6 =	vand.u32 $0xFFF, v6  }
0x2d: {  	v7 =	vadd.s32 s14, v0;
	[tilespmem:v4+s29+$0x0] =	vst.idx.msk $0xffff, v1  }
0x2e: {  	s15 =	sadd.s32 $0x40, s7;
	[tilespmem:v4+s30+$0x0] =	vst.idx.msk $0xffff, v3;
	v4 =	vand.u32 $0xFFF, v7  }
0x2f: {  	v59 =	vadd.s32 s15, v0;
	[tilespmem:v5+s29+$0x0] =	vst.idx.msk $0xffff, v1  }
0x30: {  	s19 =	sadd.s32 $0x50, s7;
	[tilespmem:v5+s30+$0x0] =	vst.idx.msk $0xffff, v3;
	v5 =	vand.u32 $0xFFF, v59  }
0x31: {  	v60 =	vadd.s32 s19, v0;
	[tilespmem:v6+s29+$0x0] =	vst.idx.msk $0xffff, v1  }
0x32: {  	s20 =	sadd.s32 $0x60, s7;
	v61 =	vand.u32 $0xFFF, v60;
	[tilespmem:v6+s30+$0x0] =	vst.idx.msk $0xffff, v3  }
0x33: {  	v62 =	vadd.s32 s20, v0;
	[tilespmem:v4+s29+$0x0] =	vst.idx.msk $0xffff, v1  }
0x34: {  	s21 =	sadd.s32 $0x70, s7;
	[tilespmem:v4+s30+$0x0] =	vst.idx.msk $0xffff, v3;
	v4 =	vand.u32 $0xFFF, v62  }
0x35: {  	v63 =	vadd.s32 s21, v0;
	[tilespmem:v5+s29+$0x0] =	vst.idx.msk $0xffff, v1  }
0x36: {  	[tilespmem:v5+s30+$0x0] =	vst.idx.msk $0xffff, v3;
	v5 =	vand.u32 $0xFFF, v63  }
0x37: {  	[tilespmem:v61+s29+$0x0] =	vst.idx.msk $0xffff, v1  }
0x38: {  	[tilespmem:v61+s30+$0x0] =	vst.idx.msk $0xffff, v3  }
0x39: {  	[tilespmem:v4+s29+$0x0] =	vst.idx.msk $0xffff, v1  }
0x3a: {  	[tilespmem:v4+s30+$0x0] =	vst.idx.msk $0xffff, v3  }
0x3b: {  	p0 =	slt.u32 s7, $0x100;
	s0 =	sand.u32 $0x1, s5;
	[tilespmem:v5+s29+$0x0] =	vst.idx.msk $0xffff, v1  }
0x3c: {  	s6 =	sor.u32 @!p0 $0x6, s0;
	[tilespmem:v5+s30+$0x0] =	vst.idx.msk $0xffff, v3  }
0x3d: {  	s22 =	sand.u32 $0xF80, s7;
	_ =	swait.ge @!p0 [sflag:s6], $0x4000  }
0x3e: {  	s8 =	sadd.s32 $0x1800, s22;
	s26 =	sshll.u32 s0, $0xE;
	[sflag:s6] =	ssyncset.done @!p0 $0x0  }
0x3f: {  	s14 =	sor.u32 $0x4, s0;
	s7 =	sor.u32 $0x3800, s26;
	[sflag:s6] =	ssyncadd.s32 @!p0 $0xFFFFC000  }
0x40: {  	[tilespmem:s7], [sflag:s14] =	stream.indirect.gather [hbm4b:s4+s31], $0x80, s8, s31, $0xb8;
	[tilespmem:$0x1F840] =	vst v63  }
0x41: {  	_ =	swait.ge [sflag:s14], $0x4000  }
0x42: {  	s5 =	sadd.s32 $0x1, s5;
	[sflag:s14] =	ssyncset.done $0x0  }
0x43: {  	s0 =	sor.u32 $0x6, s0;
	s6 =	sadd.s32 $0x2800, s22;
	[sflag:s14] =	ssyncadd.s32 $0xFFFFC000  }
0x44: {  	[spmem:s2] =	stream.indirect.scatter.add.f32 [tilespmem:s7], [sflag:s0], $0x80, s6, s31, $0xb8;
	[tilespmem:$0x1F840] =	vst v63  }
.LBB2_13:
0x45: {  	s0 =	sand.u32 $0x1, s5  }
0x46: {  	s6 =	sxor.u32 $0x1, s0  }
0x47: {  	s6 =	sor.u32 $0x6, s6  }
0x48: {  	_ =	swait.ge [sflag:s6], $0x4000  }
0x49: {  	p0 =	slt.u32 s5, $0x2;
	[sflag:s6] =	ssyncset.done $0x0  }
0x4a: {  	s0 =	sor.u32 @!p0 $0x6, s0;
	[sflag:s6] =	ssyncadd.s32 $0xFFFFC000  }
0x4b: {  	_ =	swait.ge @!p0 [sflag:s0], $0x4000  }
0x4c: {  	[sflag:s0] =	ssyncset.done @!p0 $0x0  }
0x4d: {  	[sflag:s0] =	ssyncadd.s32 @!p0 $0xFFFFC000  }
.LBB2_14:
0x4e: {  	[bflag:$0x0] =	sbarrier.arrive $0xFFFF  }
0x4f: {  	[tilespmem:s24], [sflag:$0x8] =	stream.linear.gather [spmem:s9], $0x4000, $0x38;
	[tilespmem:$0x1F840] =	vst v63  }
0x50: {  	_ =	swait.ge [sflag:s25], $0x4000  }
0x51: {  	s0 =	rddreg [dreg:$0x6]  }
0x52: {  	s0 =	sadd.s32 s0, s23  }
0x53: {  	[sflag:s25] =	ssyncset.done $0x0;
	s5 =	rddreg [dreg:$0x5];
	s0 =	sshll.u32 s0, $0x4  }
0x54: {  	[sflag:s25] =	ssyncadd.s32 $0xFFFFC000;
	s5 =	sadd.s32 s5, s0  }
0x55: {  	[hbm4b:s5+s3] =	stream.linear.scatter [tilespmem:s24], [sflag:$0x8], $0x4000, $0x38;
	[tilespmem:$0x1F840] =	vst v63  }
0x56: {  	_ =	swait.ge [sflag:s25], $0x4000  }
0x57: {  	[sflag:s25] =	ssyncset.done $0x0  }
0x58: {  	[sflag:s25] =	ssyncadd.s32 $0xFFFFC000  }
0x59: {  	[tilespmem:s24], [sflag:$0x8] =	stream.linear.gather [spmem:s10], $0x4000, $0x38;
	[tilespmem:$0x1F840] =	vst v63  }
0x5a: {  	_ =	swait.ge [sflag:s25], $0x4000  }
0x5b: {  	[sflag:s25] =	ssyncset.done $0x0;
	s21 =	rddreg [dreg:$0x9]  }
0x5c: {  	[sflag:s25] =	ssyncadd.s32 $0xFFFFC000;
	s5 =	sadd.s32 s0, s21  }
0x5d: {  	[hbm4b:s5+s3] =	stream.linear.scatter [tilespmem:s24], [sflag:$0x8], $0x4000, $0x38;
	[tilespmem:$0x1F840] =	vst v63  }
0x5e: {  	_ =	swait.ge [sflag:s25], $0x4000  }
0x5f: {  	[sflag:s25] =	ssyncset.done $0x0  }
0x60: {  	[sflag:s25] =	ssyncadd.s32 $0xFFFFC000  }
0x61: {  	[tilespmem:s24], [sflag:$0x8] =	stream.linear.gather [spmem:s11], $0x4000, $0x38;
	[tilespmem:$0x1F840] =	vst v63  }
0x62: {  	_ =	swait.ge [sflag:s25], $0x4000  }
0x63: {  	[sflag:s25] =	ssyncset.done $0x0;
	s22 =	rddreg [dreg:$0xa]  }
0x64: {  	[sflag:s25] =	ssyncadd.s32 $0xFFFFC000;
	s5 =	sadd.s32 s0, s22  }
0x65: {  	[hbm4b:s5+s3] =	stream.linear.scatter [tilespmem:s24], [sflag:$0x8], $0x4000, $0x38;
	[tilespmem:$0x1F840] =	vst v63  }
0x66: {  	_ =	swait.ge [sflag:s25], $0x4000  }
0x67: {  	[sflag:s25] =	ssyncset.done $0x0  }
0x68: {  	[sflag:s25] =	ssyncadd.s32 $0xFFFFC000  }
0x69: {  	[tilespmem:s24], [sflag:$0x8] =	stream.linear.gather [spmem:s12], $0x4000, $0x38;
	[tilespmem:$0x1F840] =	vst v63  }
0x6a: {  	_ =	swait.ge [sflag:s25], $0x4000  }
0x6b: {  	[sflag:s25] =	ssyncset.done $0x0;
	s23 =	rddreg [dreg:$0xb]  }
0x6c: {  	[sflag:s25] =	ssyncadd.s32 $0xFFFFC000;
	s5 =	sadd.s32 s0, s23  }
0x6d: {  	[hbm4b:s5+s3] =	stream.linear.scatter [tilespmem:s24], [sflag:$0x8], $0x4000, $0x38;
	[tilespmem:$0x1F840] =	vst v63  }
0x6e: {  	_ =	swait.ge [sflag:s25], $0x4000  }
0x6f: {  	[sflag:s25] =	ssyncset.done $0x0  }
0x70: {  	[sflag:s25] =	ssyncadd.s32 $0xFFFFC000  }
0x71: {  	[tilespmem:s24], [sflag:$0x8] =	stream.linear.gather [spmem:s13], $0x4000, $0x38;
	[tilespmem:$0x1F840] =	vst v63  }
0x72: {  	_ =	swait.ge [sflag:s25], $0x4000  }
0x73: {  	s1 =	sadd.s32 $0x1, s1;
	[sflag:s25] =	ssyncset.done $0x0;
	s26 =	rddreg [dreg:$0xc]  }
0x74: {  	p0 =	sne.s32 s1, $0x5;
	[sflag:s25] =	ssyncadd.s32 $0xFFFFC000;
	s0 =	sadd.s32 s0, s26  }
0x75: {  	[hbm4b:s0+s3] =	stream.linear.scatter [tilespmem:s24], [sflag:$0x8], $0x4000, $0x38;
	[tilespmem:$0x1F840] =	vst v63  }
.Ltmp4:
0x76: {  	_ =	swait.ge [sflag:s25], $0x4000;
	(pc) =	sbr.rel @!p0 .LBB2_15-.Ltmp4, $3  }
0x77: {  	[sflag:s25] =	ssyncset.done $0x0  }
0x78: {  	[sflag:s25] =	ssyncadd.s32 $0xFFFFC000  }
0x79: {  	[bflag:$0x0] =	sbarrier.arrive $0xFFFF;
	_ =	sdelay $0x1  }
.LBB2_2:
0x7a: {  	s0 =	simm.s32 $0x0;
	s5 =	rddreg [dreg:$0x3]  }
0x7b: {  	[tilespmem:s24], [sflag:$0x8] =	stream.linear.gather [hbm4b:s5+s0], $0x4000, $0x38;
	[tilespmem:$0x1F840] =	vst v63  }
0x7c: {  	_ =	swait.ge [sflag:s25], $0x4000  }
0x7d: {  	[sflag:s25] =	ssyncset.done $0x0  }
0x7e: {  	[sflag:s25] =	ssyncadd.s32 $0xFFFFC000  }
0x7f: {  	[spmem:s9] =	stream.linear.scatter [tilespmem:s24], [sflag:$0x8], $0x4000, $0x38;
	[tilespmem:$0x1F840] =	vst v63  }
0x80: {  	_ =	swait.ge [sflag:s25], $0x4000  }
0x81: {  	[sflag:s25] =	ssyncset.done $0x0  }
0x82: {  	[sflag:s25] =	ssyncadd.s32 $0xFFFFC000  }
0x83: {  	[spmem:s10] =	stream.linear.scatter [tilespmem:s24], [sflag:$0x8], $0x4000, $0x38;
	[tilespmem:$0x1F840] =	vst v63  }
0x84: {  	_ =	swait.ge [sflag:s25], $0x4000  }
0x85: {  	[sflag:s25] =	ssyncset.done $0x0  }
0x86: {  	[sflag:s25] =	ssyncadd.s32 $0xFFFFC000  }
0x87: {  	[spmem:s11] =	stream.linear.scatter [tilespmem:s24], [sflag:$0x8], $0x4000, $0x38;
	[tilespmem:$0x1F840] =	vst v63  }
0x88: {  	_ =	swait.ge [sflag:s25], $0x4000  }
0x89: {  	[sflag:s25] =	ssyncset.done $0x0  }
0x8a: {  	[sflag:s25] =	ssyncadd.s32 $0xFFFFC000  }
0x8b: {  	[spmem:s12] =	stream.linear.scatter [tilespmem:s24], [sflag:$0x8], $0x4000, $0x38;
	[tilespmem:$0x1F840] =	vst v63  }
0x8c: {  	_ =	swait.ge [sflag:s25], $0x4000  }
0x8d: {  	[sflag:s25] =	ssyncset.done $0x0  }
0x8e: {  	[sflag:s25] =	ssyncadd.s32 $0xFFFFC000  }
0x8f: {  	[spmem:s13] =	stream.linear.scatter [tilespmem:s24], [sflag:$0x8], $0x4000, $0x38;
	[tilespmem:$0x1F840] =	vst v63  }
0x90: {  	_ =	swait.ge [sflag:s25], $0x4000  }
0x91: {  	s19 =	sshll.u32 s1, $0x1;
	[sflag:s25] =	ssyncset.done $0x0;
	s6 =	rddreg [dreg:$0x4]  }
0x92: {  	[sflag:s25] =	ssyncadd.s32 $0xFFFFC000;
	s5 =	sor.u32 s6, s19  }
0x93: {  	[bflag:$0x0] =	sbarrier.arrive $0xFFFF;
	s23 =	smul.u32 $0x2800, s5  }
.Ltmp5:
0x94: {  	s20 =	rddreg [dreg:$0x7];
	(pc) =	sbr.rel .LBB2_4-.Ltmp5, $4  }
0x95: {  	[tilespmem:s0], [sflag:$0x3] =	stream.linear.gather [hbm4b:s20+s0], $0x800, $0x38;
	[tilespmem:$0x1F840] =	vst v63  }
0x96: {  	s22 =	simm.s32 $0x800;
	s26 =	sadd.s32 $0x2800, s23  }
0x97: {  	s7 =	simm.s32 $0x0;
	s21 =	rddreg [dreg:$0x8];
	v5 =	vmov s26;
	s26 =	simm.s32 $0x0  }
0x98: {  	v4 =	vmov s23;
	[tilespmem:s22], [sflag:$0x1] =	stream.linear.gather [hbm4b:s21+s0], $0x800, $0x38;
	[tilespmem:$0x1F840] =	vst v63  }
.LBB2_9:
0x99: {  	[sflag:s15] =	ssyncset.done @!p0 $0x0  }
0x9a: {  	[sflag:s15] =	ssyncadd.s32 @!p0 $0xFFFFC000  }
0x9b: {  	[spmem:s2] =	stream.indirect.scatter.add.f32 @!p0 [tilespmem:s20], [sflag:s19], $0x80, s21, s14, $0xb8;
	[tilespmem:$0x1F840] =	vst v63  }
.LBB2_3:
0x9c: {  	p0 =	seq.s32 s26, $0x62  }
.Ltmp6:
0x9d: {  	_ = 	snop;
	(pc) =	sbr.rel @p0 .LBB2_10-.Ltmp6, $1  }
0x9e: {  	_ =	sdelay $0x3  }
.LBB2_4:
0x9f: {  	_ =	swait.ge [sflag:s28], $0x800  }
0xa0: {  	s6 =	sand.u32 $0x1, s26;
	[sflag:s28] =	ssyncset.done $0x0  }
0xa1: {  	p0 =	seq.s32 s26, $0x61;
	s5 =	sadd.s32 $0x1, s6;
	[sflag:s28] =	ssyncadd.s32 $0xFFFFF800  }
0xa2: {  	s8 =	sxor.u32 @!p0 $0x1, s6;
	s15 =	sadd.s32 @!p0 s16, s26;
	_ =	swait.ge [sflag:s5], $0x800  }
0xa3: {  	s19 =	simm.s32 @!p0 $0x0;
	s6 =	sshll.u32 s6, $0xB;
	[sflag:s5] =	ssyncset.done $0x0  }
0xa4: {  	s14 =	sshll.u32 @!p0 s8, $0xB;
	[sflag:s5] =	ssyncadd.s32 $0xFFFFF800;
	s5 =	sshll.u32 @!p0 s15, $0x8  }
0xa5: {  	s8 =	sadd.s32 @!p0 $0x1, s8;
	s14 =	sadd.s32 @!p0 $0x800, s14;
	s15 =	sadd.s32 @!p0 s5, s17  }
0xa6: {  	[tilespmem:s14], [sflag:s8] =	stream.linear.gather @!p0 [hbm4b:s15+s19], $0x800, $0x38;
	[tilespmem:$0x1F840] =	vst v63  }
0xa7: {  	s8 =	sadd.s32 $0x800, s6;
	s14 =	sand.u32 $0x780, s0  }
0xa8: {  	s15 =	sand.u32 $0x60, s0;
	s19 =	sadd.s32 s14, s8  }
0xa9: {  	s6 =	sadd.s32 s15, s19  }
0xaa: {  	v6 =	vld [tilespmem:s6+$0x0];
	_ =	sdelay $0x4  }
0xab: {  	vm0 =	vge.s32 v6, v4;
	vm1 =	vlt.s32 v6, v5  }
0xac: {  	vm0 =	vmand vm0, vm1  }
0xad: {  	v7 =	vsel vm0, $0x1, v2  }
0xae: {  	(xrf0) =	vadd.scan.msk.s32 $0xffff, v7;
	_ =	sdelay $0x2  }
0xaf: {  	v7 =	vmov s7  }
0xb0: {  	v7 =	vadd.s32 $0xFFF, v7  }
0xb1: {  	v7 =	vbroadcast v7, $0x0  }
0xb2: {  	v8, _, _ =	vpop (xrf0)  }
0xb3: {  	s6 =	smov.u32 s7;
	s7 =	simm.s32 $0x10;
	v7 =	vadd.s32 v8, v7  }
0xb4: {  	v9 =	vld [tilespmem:s7+$0xFFFFFFF0];
	v7 =	vand.u32 $0xFFF, v7  }
0xb5: {  	(v2sf) =	vpush v8, $0xF;
	_ =	sdelay $0x2  }
0xb6: {  	s20 =	simm.s32 $0x10  }
0xb7: {  	s14 =	sand.u32 $0x70, s20;
	v6 =	vsub.s32 v6, v4;
	[tilespmem:v7+s29+$0x0] =	vst.idx.msk vm0, v9  }
0xb8: {  	s14 =	sadd.s32 s14, s19;
	[tilespmem:v7+s30+$0x0] =	vst.idx.msk vm0, v6  }
0xb9: {  	v6 =	vld [tilespmem:s14+$0x0];
	_ =	sdelay $0x4  }
0xba: {  	vm0 =	vge.s32 v6, v4;
	vm1 =	vlt.s32 v6, v5  }
0xbb: {  	vm0 =	vmand vm0, vm1  }
0xbc: {  	v7 =	vsel vm0, $0x1, v2  }
0xbd: {  	(xrf0) =	vadd.scan.msk.s32 $0xffff, v7  }
0xbe: {  	s21 =	spop (v2sf)  }
0xbf: {  	s20 =	sadd.s32 s6, s21  }
0xc0: {  	v7 =	vmov s20  }
0xc1: {  	v7 =	vadd.s32 $0xFFF, v7  }
0xc2: {  	v7 =	vbroadcast v7, $0x0  }
0xc3: {  	v8, _, _ =	vpop (xrf0)  }
0xc4: {  	v7 =	vadd.s32 v8, v7;
	(v2sf) =	vpush v8, $0xF  }
0xc5: {  	v8 =	vld [tilespmem:s7+$0x0];
	v7 =	vand.u32 $0xFFF, v7;
	_ =	sdelay $0x2  }
0xc6: {  	s14 =	simm.s32 $0x20  }
0xc7: {  	s22 =	sand.u32 $0x780, s14  }
0xc8: {  	s19 =	sadd.s32 s22, s8;
	v6 =	vsub.s32 v6, v4;
	s21 =	sand.u32 $0x60, s14;
	[tilespmem:v7+s29+$0x0] =	vst.idx.msk vm0, v8  }
0xc9: {  	s15 =	sadd.s32 s21, s19;
	[tilespmem:v7+s30+$0x0] =	vst.idx.msk vm0, v6  }
0xca: {  	v6 =	vld [tilespmem:s15+$0x0];
	_ =	sdelay $0x4  }
0xcb: {  	vm0 =	vge.s32 v6, v4;
	vm1 =	vlt.s32 v6, v5  }
0xcc: {  	vm0 =	vmand vm0, vm1  }
0xcd: {  	s26 =	sadd.s32 $0x1, s26;
	s21 =	simm.s32 $0x40;
	v7 =	vsel vm0, $0x1, v2;
	s22 =	spop (v2sf)  }
.LBB2_5:
0xce: {  	s20 =	sadd.s32 s20, s22  }
0xcf: {  	(xrf0) =	vadd.scan.msk.s32 $0xffff, v7;
	s7 =	sadd.s32 $0x20, s7;
	s22 =	smov.u32 s21;
	s15 =	sadd.s32 $0x20, s21  }
0xd0: {  	p1 =	sne.s32 s21, $0x7E0;
	v7 =	vmov s20  }
0xd1: {  	v7 =	vadd.s32 $0xFFF, v7;
	_ =	sdelay $0x2  }
0xd2: {  	v7 =	vbroadcast v7, $0x0  }
0xd3: {  	v8, _, _ =	vpop (xrf0)  }
0xd4: {  	v7 =	vadd.s32 v8, v7;
	(v2sf) =	vpush v8, $0xF  }
0xd5: {  	v8 =	vld [tilespmem:s7+$0xFFFFFFF0];
	v7 =	vand.u32 $0xFFF, v7;
	_ =	sdelay $0x3  }
0xd6: {  	s21 =	sadd.s32 $0x10, s14;
	s14 =	smov.u32 s22  }
0xd7: {  	v6 =	vsub.s32 v6, v4;
	s21 =	sand.u32 $0x70, s21;
	[tilespmem:v7+s29+$0x0] =	vst.idx.msk vm0, v8  }
0xd8: {  	s19 =	sadd.s32 s21, s19;
	[tilespmem:v7+s30+$0x0] =	vst.idx.msk vm0, v6  }
0xd9: {  	v6 =	vld [tilespmem:s19+$0x0];
	_ =	sdelay $0x4  }
0xda: {  	vm0 =	vge.s32 v6, v4;
	vm1 =	vlt.s32 v6, v5  }
0xdb: {  	vm0 =	vmand vm0, vm1  }
0xdc: {  	v7 =	vsel vm0, $0x1, v2;
	s19 =	spop (v2sf)  }
0xdd: {  	(xrf0) =	vadd.scan.msk.s32 $0xffff, v7;
	_ =	sdelay $0x1  }
0xde: {  	s20 =	sadd.s32 s20, s19  }
0xdf: {  	v7 =	vmov s20  }
0xe0: {  	v7 =	vadd.s32 $0xFFF, v7  }
0xe1: {  	v7 =	vbroadcast v7, $0x0  }
0xe2: {  	v8, _, _ =	vpop (xrf0)  }
0xe3: {  	v7 =	vadd.s32 v8, v7;
	(v2sf) =	vpush v8, $0xF  }
0xe4: {  	v8 =	vld [tilespmem:s7+$0x0];
	v7 =	vand.u32 $0xFFF, v7;
	_ =	sdelay $0x3  }
0xe5: {  	s19 =	sand.u32 $0x780, s14  }
0xe6: {  	s21 =	sand.u32 $0x60, s14;
	v6 =	vsub.s32 v6, v4;
	s19 =	sadd.s32 s19, s8;
	[tilespmem:v7+s29+$0x0] =	vst.idx.msk vm0, v8  }
0xe7: {  	s21 =	sadd.s32 s21, s19;
	[tilespmem:v7+s30+$0x0] =	vst.idx.msk vm0, v6  }
0xe8: {  	v6 =	vld [tilespmem:s21+$0x0];
	_ =	sdelay $0x2  }
.Ltmp7:
0xe9: {  	(pc) =	sbr.rel @p1 .LBB2_5-.Ltmp7, $4  }
0xea: {  	_ = 	snop  }
0xeb: {  	vm0 =	vge.s32 v6, v4;
	vm1 =	vlt.s32 v6, v5  }
0xec: {  	vm0 =	vmand vm0, vm1  }
0xed: {  	s21 =	smov.u32 s15;
	v7 =	vsel vm0, $0x1, v2;
	s22 =	spop (v2sf)  }
0xee: {  	(xrf0) =	vadd.scan.msk.s32 $0xffff, v7;
	_ =	sdelay $0x1  }
0xef: {  	s8 =	sadd.s32 s20, s22  }
0xf0: {  	v7 =	vmov s8  }
0xf1: {  	v7 =	vadd.s32 $0xFFF, v7  }
0xf2: {  	v7 =	vbroadcast v7, $0x0  }
0xf3: {  	v8, _, _ =	vpop (xrf0)  }
0xf4: {  	s7 =	sadd.s32 $0x20, s7;
	v7 =	vadd.s32 v8, v7  }
0xf5: {  	v9 =	vld [tilespmem:s7+$0xFFFFFFF0];
	v7 =	vand.u32 $0xFFF, v7;
	_ =	sdelay $0x3  }
0xf6: {  	s14 =	sadd.s32 $0x10, s14  }
0xf7: {  	v6 =	vsub.s32 v6, v4;
	s14 =	sand.u32 $0x70, s14;
	[tilespmem:v7+s29+$0x0] =	vst.idx.msk vm0, v9  }
0xf8: {  	s14 =	sadd.s32 s14, s19;
	[tilespmem:v7+s30+$0x0] =	vst.idx.msk vm0, v6  }
0xf9: {  	v6 =	vld [tilespmem:s14+$0x0];
	_ =	sdelay $0x2  }
0xfa: {  	(v2sf) =	vpush v8, $0xF;
	_ =	sdelay $0x1  }
0xfb: {  	vm15 =	vge.s32 v6, v4;
	vm1 =	vlt.s32 v6, v5  }
0xfc: {  	vm0 =	vmand vm15, vm1  }
0xfd: {  	v7 =	vsel vm0, $0x1, v2  }
0xfe: {  	(xrf0) =	vadd.scan.msk.s32 $0xffff, v7;
	_ =	sdelay $0x5  }
0xff: {  	v7, _, _ =	vpop (xrf0)  }
0x100: {  	(v2sf) =	vpush v7, $0xF;
	_ =	sdelay $0x2  }
0x101: {  	s21 =	spop (v2sf)  }
0x102: {  	s8 =	sadd.s32 s8, s21  }
0x103: {  	v62 =	vmov s8  }
0x104: {  	v8 =	vadd.s32 $0xFFF, v62  }
0x105: {  	v8 =	vbroadcast v8, $0x0;
	_ =	sdelay $0x1  }
0x106: {  	v7 =	vadd.s32 v7, v8  }
0x107: {  	v63 =	vld [tilespmem:s7+$0x0];
	v7 =	vand.u32 $0xFFF, v7;
	_ =	sdelay $0x4  }
0x108: {  	v6 =	vsub.s32 v6, v4;
	[tilespmem:v7+s29+$0x0] =	vst.idx.msk vm0, v63;
	s22 =	spop (v2sf)  }
0x109: {  	s5 =	sadd.s32 @!p0 s5, s18;
	[tilespmem:v7+s30+$0x0] =	vst.idx.msk vm0, v6;
	s7 =	sadd.s32 s8, s22;
	s8 =	simm.s32 @!p0 $0x0  }
0x10a: {  	[tilespmem:s8], [sflag:$0x3] =	stream.linear.gather @!p0 [hbm4b:s5+s8], $0x800, $0x38;
	[tilespmem:$0x1F840] =	vst v63  }
0x10b: {  	s14 =	sshrl.u32 s6, $0x7;
	s5 =	sshrl.u32 s7, $0x7  }
0x10c: {  	p0 =	sge.u32 s14, s5  }
.Ltmp8:
0x10d: {  	_ = 	snop;
	(pc) =	sbr.rel @p0 .LBB2_3-.Ltmp8, $1  }
0x10e: {  	_ =	sdelay $0x3  }
0x10f: {  	s6 =	sshll.u32 s14, $0x7  }
0x110: {  	s8 =	sand.u32 $0x1, s14;
	p2 =	slt.u32 s14, $0x2;
	p0 =	seq.s32 s14, $0x0  }
0x111: {  	s15 =	sadd.s32 $0xFFFFFF80, s6;
	s6 =	sadd.s32 $0x1, s14;
	s19 =	sor.u32 @!p2 $0x6, s8  }
0x112: {  	s20 =	sshll.u32 s8, $0xE;
	s21 =	sor.u32 $0x4, s8;
	s14 =	sadd.s32 @!p0 $0xFFFFFFFF, s14  }
0x113: {  	p1 =	seq.s32 s5, s6;
	_ =	swait.ge @!p2 [sflag:s19], $0x4000;
	s8 =	sadd.s32 $0x80, s15  }
0x114: {  	s20 =	sor.u32 $0x3800, s20;
	[sflag:s19] =	ssyncset.done @!p2 $0x0;
	s22 =	sand.u32 $0xF80, s8  }
.Ltmp9:
0x115: {  	[sflag:s19] =	ssyncadd.s32 @!p2 $0xFFFFC000;
	s22 =	sadd.s32 $0x1800, s22;
	(pc) =	sbr.rel @p1 .LBB2_9-.Ltmp9, $4  }
0x116: {  	[tilespmem:s20], [sflag:s21] =	stream.indirect.gather [hbm4b:s4+s31], $0x80, s22, s31, $0xb8;
	[tilespmem:$0x1F840] =	vst v63  }
0x117: {  	s19 =	sand.u32 @!p0 $0x1, s14;
	s14 =	simm.s32 @!p0 $0x80;
	s21 =	sand.u32 @!p0 $0xF80, s15  }
0x118: {  	s15 =	sor.u32 @!p0 $0x4, s19;
	s20 =	sshll.u32 @!p0 s19, $0xE;
	s19 =	sor.u32 @!p0 $0x6, s19  }
0x119: {  	_ =	swait.ge @!p0 [sflag:s15], $0x4000;
	s20 =	sor.u32 @!p0 $0x3800, s20;
	s21 =	sadd.s32 @!p0 $0x2800, s21  }
.LBB2_8:
0x11a: {  	[sflag:s15] =	ssyncset.done @!p0 $0x0;
	s22 =	smov.u32 s6;
	s6 =	sadd.s32 $0x1, s6  }
0x11b: {  	p1 =	seq.s32 s5, s6;
	[sflag:s15] =	ssyncadd.s32 @!p0 $0xFFFFC000;
	s15 =	smov.u32 s8  }
0x11c: {  	[spmem:s2] =	stream.indirect.scatter.add.f32 @!p0 [tilespmem:s20], [sflag:s19], $0x80, s21, s14, $0xb8;
	[tilespmem:$0x1F840] =	vst v63  }
0x11d: {  	_ = 	snop  }
0x11e: {  	p2 =	slt.u32 s22, $0x2;
	s14 =	sand.u32 $0x1, s22  }
0x11f: {  	s19 =	sor.u32 @!p2 $0x6, s14;
	s20 =	sshll.u32 s14, $0xE;
	s14 =	sor.u32 $0x4, s14  }
0x120: {  	s8 =	sadd.s32 $0x80, s8;
	p0 =	seq.s32 s22, $0x0;
	_ =	swait.ge @!p2 [sflag:s19], $0x4000  }
0x121: {  	s21 =	sand.u32 $0xF80, s8;
	s22 =	sadd.s32 @!p0 $0xFFFFFFFF, s22;
	[sflag:s19] =	ssyncset.done @!p2 $0x0  }
0x122: {  	[sflag:s19] =	ssyncadd.s32 @!p2 $0xFFFFC000  }
.Ltmp10:
0x123: {  	s19 =	sor.u32 $0x3800, s20;
	s20 =	sadd.s32 $0x1800, s21;
	(pc) =	sbr.rel @!p1 .LBB2_8-.Ltmp10, $4  }
0x124: {  	[tilespmem:s19], [sflag:s14] =	stream.indirect.gather [hbm4b:s4+s31], $0x80, s20, s31, $0xb8;
	[tilespmem:$0x1F840] =	vst v63  }
0x125: {  	s21 =	sand.u32 @!p0 $0xF80, s15;
	s19 =	sand.u32 @!p0 $0x1, s22;
	s14 =	simm.s32 @!p0 $0x80  }
0x126: {  	s15 =	sor.u32 @!p0 $0x4, s19;
	s20 =	sshll.u32 @!p0 s19, $0xE;
	s19 =	sor.u32 @!p0 $0x6, s19  }
0x127: {  	s21 =	sadd.s32 @!p0 $0x2800, s21;
	s20 =	sor.u32 @!p0 $0x3800, s20;
	_ =	swait.ge @!p0 [sflag:s15], $0x4000  }
.Ltmp11:
0x128: {  	_ = 	snop;
	(pc) =	sbr.rel .LBB2_9-.Ltmp11, $1  }
0x129: {  	_ =	sdelay $0x3  }
.LBB2_12:
0x12a: {  	p0 =	seq.s32 s7, $0x0  }
.Ltmp12:
0x12b: {  	_ = 	snop;
	(pc) =	sbr.rel @!p0 .LBB2_13-.Ltmp12, $4  }
.Ltmp13:
0x12c: {  	_ = 	snop;
	(pc) =	sbr.rel @p0 .LBB2_14-.Ltmp13, $4  }
0x12d: {  	_ = 	snop  }
0x12e: {  	_ = 	snop  }
0x12f: {  	_ = 	snop  }
0x130: {  	_ = 	snop  }
.LBB2_16:
0x131: {  	_ =	sfence.sel $0x180000  }
0x132: {  	[bflag:$0x0] =	sbarrier.arrive $0xFFFF  }
0x133: {  	_ =	strace $0x9000004D  }
0x134: {  	s0 =	stileid.u32;
	[bflag:$0x2] =	sbarrier.arrive $0xFFFF  }
0x135: {  	p0 =	sne.s32 s0, $0x0;
	s0 =	rddreg [dreg:$0x2]  }
0x136: {  	s0 =	sadd.s32 @!p0 $0x100000, s0  }
0x137: {  	[sflag:s0] =	ssyncadd.tile.s32 @!p0 $0x1;
	_ =	shalt  }
.Lfunc_end2:
_tile_overlayer_lowered:
.L_overlay_start_2:
0x138: {  	(tag) =	ssettag $0x2  }
0x139: {  	s0 =	rddreg [dreg:$0x0];
	s2 =	stileid.u32  }
0x13a: {  	s1 =	rddreg [dreg:$0x1];
	p0 =	sne.s32 s2, $0x0  }
0x13b: {  	s3 =	rddreg [dreg:$0x2];
	[bflag:$0x3] =	sbarrier.arrive $0xFFFF;
	s2 =	simm.s32 @!p0 $0x1C08  }
0x13c: {  	[timem:s3], [sflag:s2] =	dma.local @!p0 [hbm:s0], s1  }
0x13d: {  	s0 =	simm.s32 @!p0 $0x8  }
0x13e: {  	_ =	swait.ge @!p0 [sflag:s0], s1  }
0x13f: {  	s1 =	ssub.s32 @!p0 $0x0, s1;
	[sflag:s0] =	ssyncset.done @!p0 $0x0  }
0x140: {  	[sflag:s0] =	ssyncadd.s32 @!p0 s1  }
0x141: {  	[bflag:$0x3] =	sbarrier.arrive $0xFFFF  }
0x142: {  	_ =	shalt  }

// kernel: kernel.8.cloned.1.call-start
scs
__scs_entry_jumppad:
0x0: {  	(pc) =	sbr.rel $0x88, $3  }
0x1: {  	(tag) =	ssettag $0x0;
	lr =	simm.s32 $0x1  }
0x2: {  	[smem:$0x3F97] =	sst lr;
	_ =	strace $0xD0000000  }
0x3: {  	_ = 	snop  }
0x4: {  	_ = 	snop  }
0x5: {  	_ = 	snop  }
0x6: {  	_ = 	snop  }
0x7: {  	_ = 	snop  }
__scs_overlays_trampoline_lowered:
0x8: {  	[smem:$0x3FA6] =	sst s0  }
0x9: {  	[smem:$0x3FA7] =	sst s1  }
0xa: {  	[smem:$0x3FA8] =	sst s2  }
0xb: {  	[smem:$0x3FA9] =	sst s3  }
0xc: {  	[smem:$0x3FAA] =	sst s4  }
0xd: {  	[smem:$0x3FAB] =	sst s5  }
0xe: {  	[smem:$0x3FAC] =	sst s6  }
0xf: {  	[smem:$0x3FAD] =	sst s7  }
0x10: {  	[smem:$0x3FAE] =	sst s8  }
0x11: {  	[smem:$0x3FAF] =	sst s9;
	s0 =	simm.s32 @!p0 $0x0  }
0x12: {  	s1 =	sld [smem:$0x3F95];
	s0 =	simm.s32 @p0 $0x1  }
0x13: {  	[smem:$0x3FB0] =	sst s0;
	s0 =	simm.s32 @!p1 $0x0  }
0x14: {  	s2 =	sld [smem:$0x3F94];
	s0 =	simm.s32 @p1 $0x1  }
0x15: {  	[smem:$0x3FB1] =	sst s0;
	s0 =	simm.s32 @!p2 $0x0  }
0x16: {  	s3 =	sld [smem:$0x3FDB];
	s0 =	simm.s32 @p2 $0x1  }
0x17: {  	s4 =	simm.s32 $0x1BF5;
	[smem:$0x3FB3] =	sst s0  }
0x18: {  	s0 =	sld [smem:$0x3F96];
	_ =	swait.ge [sflag:s4], $0x0  }
0x19: {  	s7 =	sld [smem:$0x3F97]  }
0x1a: {  	s8 =	sadd.s32 $0xFFFFE003, lr  }
0x1b: {  	s9 =	sadd.s32 $0xFFFFFEF7, lr;
	s5 =	simm.s32 $0xFFFFFFFF;
	p2 =	slt.u32 s8, $0xFFFFF086  }
0x1c: {  	p1 =	slt.u32 s9, $0xF7A;
	s5 =	simm.s32 @!p2 $0x0  }
0x1d: {  	s5 =	simm.s32 @p1 $0x1;
	p0 =	seq.s32 s7, s2  }
0x1e: {  	s7 =	smul.u32 @!p0 $0xF7A, s2;
	p2 =	seq.s32 @!p0 s5, $0x0  }
0x1f: {  	s9 =	smul.u32 $0xF7A, s1;
	s8 =	simm.s32 @!p0 $0x1BF5;
	p2 =	por !p2, p0  }
0x20: {  	[sflag:s8] =	ssyncset.s32 @!p0 $0xFFFFF086;
	s6 =	sadd.s32 @!p0 s3, s7;
	s7 =	simm.s32 @!p0 $0x108  }
0x21: {  	s3 =	sadd.s32 s3, s9;
	s6 =	sadd.s32 @!p0 $0x88, s6;
	s7 =	simm.s32 @p2 $0x1082  }
0x22: {  	[simem:s7], [sflag:s8] =	dma.local @!p0 [hbm:s6], $0xF7A  }
0x23: {  	s9 =	sor.u32 $0xD0000000, s2;
	s6 =	simm.s32 $0x108;
	_ =	swait.ge @!p0 [sflag:s8], $0x0  }
0x24: {  	s3 =	sadd.s32 $0x88, s3;
	s6 =	simm.s32 @!p1 $0x1082;
	[sflag:s4] =	ssyncset.s32 $0xFFFFF086  }
0x25: {  	[simem:s6], [sflag:s4] =	dma.local [hbm:s3], $0xF7A  }
0x26: {  	[smem:$0x3F97] =	sst s1;
	(tag) =	ssettag s2;
	_ =	strace s9  }
0x27: {  	s1 =	sld [smem:$0x3FA7]  }
0x28: {  	s2 =	sld [smem:$0x3FA8]  }
0x29: {  	s4 =	sld [smem:$0x3FAA]  }
0x2a: {  	p0 =	seq.s32 s5, $0x0;
	s5 =	sld [smem:$0x3FAB]  }
0x2b: {  	s6 =	sld [smem:$0x3FAC]  }
0x2c: {  	s7 =	sld [smem:$0x3FAD]  }
0x2d: {  	s3 =	simm.s32 $0x108;
	s8 =	sld [smem:$0x3FAE]  }
0x2e: {  	s3 =	simm.s32 @!p0 $0x1082;
	s9 =	sld [smem:$0x3FAF]  }
0x2f: {  	lr =	sadd.s32 s0, s3;
	s0 =	sld [smem:$0x3FA6]  }
0x30: {  	s3 =	sld [smem:$0x3FA9]  }
0x31: {  	[smem:$0x3FB2] =	sst s10  }
0x32: {  	s10 =	sld [smem:$0x3FB0];
	_ =	sdelay $0x3  }
0x33: {  	p0 =	seq.s32 s10, $0x1;
	s10 =	sld [smem:$0x3FB2];
	_ =	sdelay $0x3  }
0x34: {  	[smem:$0x3FB2] =	sst s10  }
0x35: {  	s10 =	sld [smem:$0x3FB1];
	_ =	sdelay $0x3  }
0x36: {  	p1 =	seq.s32 s10, $0x1;
	s10 =	sld [smem:$0x3FB2];
	_ =	sdelay $0x3  }
0x37: {  	[smem:$0x3FB2] =	sst s10  }
0x38: {  	s10 =	sld [smem:$0x3FB3]  }
0x39: {  	_ = 	snop;
	(pc) =	sbr.ind lr, $3  }
0x3a: {  	_ = 	snop  }
0x3b: {  	_ = 	snop  }
0x3c: {  	p2 =	seq.s32 s10, $0x1;
	s10 =	sld [smem:$0x3FB2]  }
0x3d: {  	_ =	shalt  }
0x3e: {  	_ =	shalt  }
0x3f: {  	_ =	shalt  }
0x40: {  	_ =	shalt  }
0x41: {  	_ =	shalt  }
0x42: {  	_ =	shalt  }
0x43: {  	_ =	shalt  }
0x44: {  	_ =	shalt  }
0x45: {  	_ =	shalt  }
0x46: {  	_ =	shalt  }
0x47: {  	_ =	shalt  }
0x48: {  	_ =	shalt  }
0x49: {  	_ =	shalt  }
0x4a: {  	_ =	shalt  }
0x4b: {  	_ =	shalt  }
0x4c: {  	_ =	shalt  }
0x4d: {  	_ =	shalt  }
0x4e: {  	_ =	shalt  }
0x4f: {  	_ =	shalt  }
0x50: {  	_ =	shalt  }
0x51: {  	_ =	shalt  }
0x52: {  	_ =	shalt  }
0x53: {  	_ =	shalt  }
0x54: {  	_ =	shalt  }
0x55: {  	_ =	shalt  }
0x56: {  	_ =	shalt  }
0x57: {  	_ =	shalt  }
0x58: {  	_ =	shalt  }
0x59: {  	_ =	shalt  }
0x5a: {  	_ =	shalt  }
0x5b: {  	_ =	shalt  }
0x5c: {  	_ =	shalt  }
0x5d: {  	_ =	shalt  }
0x5e: {  	_ =	shalt  }
0x5f: {  	_ =	shalt  }
0x60: {  	_ =	shalt  }
0x61: {  	_ =	shalt  }
0x62: {  	_ =	shalt  }
0x63: {  	_ =	shalt  }
0x64: {  	_ =	shalt  }
0x65: {  	_ =	shalt  }
0x66: {  	_ =	shalt  }
0x67: {  	_ =	shalt  }
0x68: {  	_ =	shalt  }
0x69: {  	_ =	shalt  }
0x6a: {  	_ =	shalt  }
0x6b: {  	_ =	shalt  }
0x6c: {  	_ =	shalt  }
0x6d: {  	_ =	shalt  }
0x6e: {  	_ =	shalt  }
0x6f: {  	_ =	shalt  }
0x70: {  	_ =	shalt  }
0x71: {  	_ =	shalt  }
0x72: {  	_ =	shalt  }
0x73: {  	_ =	shalt  }
0x74: {  	_ =	shalt  }
0x75: {  	_ =	shalt  }
0x76: {  	_ =	shalt  }
0x77: {  	_ =	shalt  }
0x78: {  	_ =	shalt  }
0x79: {  	_ =	shalt  }
0x7a: {  	_ =	shalt  }
0x7b: {  	_ =	shalt  }
0x7c: {  	_ =	shalt  }
0x7d: {  	_ =	shalt  }
0x7e: {  	_ =	shalt  }
0x7f: {  	_ =	shalt  }
0x80: {  	_ =	shalt  }
0x81: {  	_ =	shalt  }
0x82: {  	_ =	shalt  }
0x83: {  	_ =	shalt  }
0x84: {  	_ =	shalt  }
0x85: {  	_ =	shalt  }
0x86: {  	_ =	shalt  }
0x87: {  	_ =	shalt  }
.Lfunc_end0:
.L_simem_size_0:
called_computation_lowered:
.L_overlay_start_0:
0x88: {  	s2 =	sld [smem:$0x3FD9]  }
0x89: {  	s3 =	sld [smem:$0x3FFE];
	_ =	sdelay $0x1  }
0x8a: {  	s1 =	srdreg.scid  }
0x8b: {  	s0 =	sand.u32 $0x1, s1  }
0x8c: {  	s16 =	sshll.u32 s0, $0xA;
	s2 =	sadd.s32 s3, s2  }
0x8d: {  	s2 =	sadd.s32 s2, s16  }
0x8e: {  	[smem:$0x3FBE] =	sst s2  }
0x8f: {  	_ = 	snop  }
0x90: {  	(tm) =	ssettm $0x1  }
0x91: {  	s17 =	sld [smem:$0x3FFB];
	_ =	sdelay $0x3  }
0x92: {  	_ =	strace s17  }
0x93: {  	s2 =	sld [smem:$0x3FFC];
	_ =	sdelay $0x3  }
0x94: {  	_ =	strace s2  }
0x95: {  	s2 =	sld [smem:$0x3FFD];
	_ =	sdelay $0x3  }
0x96: {  	_ =	strace s2  }
0x97: {  	_ =	strace $0x8FFFFFFF  }
0x98: {  	s18 =	sld [smem:$0x3FDB];
	_ =	sdelay $0x1  }
0x99: {  	s19 =	simm.s32 $_scs_section_size  }
0x9a: {  	s4 =	simm.s32 $_size__tile_overlayer_lowered;
	s5 =	simm.s32 $_tile_overlayer_lowered  }
0x9b: {  	s22 =	simm.s32 $0x1BFF;
	s21 =	sshll.u32 s5, $0x1;
	s2 =	sadd.s32 s19, s18  }
0x9c: {  	s6 =	simm.s32 $0x0;
	s20 =	sshll.u32 s4, $0x1;
	s4 =	sadd.s32 s21, s2  }
0x9d: {  	[timem:s6], [sflag:s22] =	dma.local [hbm:s4], s20  }
0x9e: {  	_ =	swait.ge [sflag:s22], s20  }
0x9f: {  	s3 =	ssub.s32 $0x0, s20;
	[sflag:s22] =	ssyncset.done $0x0  }
0xa0: {  	[sflag:s22] =	ssyncadd.s32 s3;
	_ =	sdelay $0x1  }
0xa1: {  	s23 =	simm.s32 $0x1B8B  }
0xa2: {  	_ =	swait.ge [sflag:s23], $0x1  }
0xa3: {  	[sflag:s23] =	ssyncset.done $0x0  }
0xa4: {  	s25 =	simm.s32 $0x1B8E;
	s24 =	sld [smem:$0x3FFE];
	[sflag:s23] =	ssyncadd.s32 $0xFFFFFFFF  }
0xa5: {  	s26 =	simm.s32 $execute0_lowered;
	[smem:$0x3FD2] =	sst s25  }
0xa6: {  	s4 =	sshll.u32 s26, $0x1;
	_ =	strace $0x80000046;
	[dreg:$0x1] =	wrdreg $0xFFFFFFFF  }
0xa7: {  	s28 =	simm.s32 $_size_execute0_lowered;
	s2 =	sadd.s32 s2, s4;
	[dreg:$0x0] =	wrdreg $0x0  }
0xa8: {  	s4 =	sshll.u32 s28, $0x1;
	[dreg:$0x2] =	wrdreg s2  }
0xa9: {  	[dreg:$0x3] =	wrdreg s4  }
0xaa: {  	[dreg:$0x4] =	wrdreg $0xC0  }
0xab: {  	_ =	task [dreg:s6], $0x5FFFF  }
0xac: {  	[dreg:$0x1] =	wrdreg $0xFFFFFFFF  }
0xad: {  	[dreg:$0x0] =	wrdreg $0x60  }
0xae: {  	[dreg:$0x2] =	wrdreg s24  }
0xaf: {  	[dreg:$0x3] =	wrdreg $0xC800  }
0xb0: {  	[dreg:$0x4] =	wrdreg $0x9  }
0xb1: {  	_ =	task.clear_ibuf [dreg:s6], $0x5FFFF;
	_ =	strace $0x90000046  }
0xb2: {  	s29 =	simm.s32 $0x9;
	_ =	strace $0x80000048  }
0xb3: {  	_ =	swait.ge [sflag:s29], $0x1  }
0xb4: {  	[sflag:s29] =	ssyncadd.s32 $0xFFFFFFFF  }
0xb5: {  	_ =	strace $0x90000048  }
0xb6: {  	_ =	sfence  }
0xb7: {  	s30 =	sld [smem:$0x0];
	_ =	sdelay $0x2  }
0xb8: {  	s31 =	sshll.u32 s1, $0xD;
	s1 =	sshrl.u32 s1, $0x2  }
0xb9: {  	s3 =	sand.u32 $0x4000, s31;
	s1 =	sadd.s32 s1, s30  }
0xba: {  	s0 =	sor.u32 s3, s0;
	s1 =	sshll.u32 s1, $0x11  }
0xbb: {  	s0 =	sor.u32 s1, s0  }
0xbc: {  	s0 =	sadd.s32 $0x8F2B, s0  }
0xbd: {  	[sflag:s0] =	ssyncadd.remote.s32 $0x1  }
0xbe: {  	_ =	sfence.sel $0xFFFF  }
0xbf: {  	[dreg:$0x0] =	wrdreg $0xFFFFFFFF;
	(pc) =	sbr.abs _section_cstart, $3  }
0xc0: {  	[dreg:$0x1] =	wrdreg $0xFFFFFFFF  }
0xc1: {  	_ =	task.clear_ibuf [dreg:s6], $0x2FFFF;
	_ =	strace $0x9FFFFFFF  }
0xc2: {  	(tm) =	ssettm $0x7FFFFFFF  }
0xc3: {  	_ =	shalt  }
tec
execute0_lowered:
.L_overlay_start_1:
0x0: {  	(tag) =	ssettag $0x1  }
0x1: {  	s0 =	rddreg [dreg:$0x0];
	s1 =	srdreg.scid  }
0x2: {  	s2 =	rddreg [dreg:$0x1];
	s12 =	stileid.u32  }
0x3: {  	s3 =	simm.s32 $0x0;
	s21 =	simm.s32 $0x480;
	s28 =	simm.s32 $0x200  }
0x4: {  	s29 =	simm.s32 $0x280;
	s30 =	simm.s32 $0x300;
	s5 =	smul.u32 $0x1900, s12  }
0x5: {  	s31 =	simm.s32 $0x380;
	s1 =	sand.u32 $0x1, s1;
	s12 =	smul.u32 $0x3100, s12  }
0x6: {  	[smem:$0x7FF] =	sst s3;
	s7 =	sadd.s32 $0xC6400, s0;
	s4 =	smul.u32 $0x31000, s1  }
0x7: {  	s6 =	smul.u32 $0x19000, s1;
	_ =	strace $0x80000047;
	s1 =	ssub.s32 $0x2, s1  }
0x8: {  	[dreg:$0x3] =	wrdreg s7;
	s22 =	sshrl.u32 s1, $0x1;
	s4 =	sadd.s32 s4, s0  }
0x9: {  	s6 =	sadd.s32 s5, s6;
	s1 =	ssub.s32 s1, s22;
	s5 =	sadd.s32 s5, s2  }
0xa: {  	s22 =	simm.s32 $0x2;
	s6 =	sshrl.u32 s6, $0x3;
	s7 =	sadd.s32 $0x800, s5  }
0xb: {  	s8 =	sadd.s32 $0xC00, s5;
	s9 =	sadd.s32 $0x1000, s5;
	s10 =	sadd.s32 $0x1400, s5  }
0xc: {  	s11 =	sadd.s32 $0x1800, s5;
	s26 =	sadd.s32 s12, s4;
	s19 =	smax.u32 s1, $0x1  }
0xd: {  	s1 =	simm.s32 $0x880;
	s4 =	simm.s32 $0x0;
	s0 =	sadd.s32 s6, s0  }
0xe: {  	s6 =	sadd.s32 $0x400, s5;
	s20 =	sadd.s32 $0x2400, s26;
	s13 =	sadd.s32 $0xC6600, s0  }
0xf: {  	s26 =	simm.s32 $0x180;
	s23 =	sadd.s32 $0xC6680, s0;
	[dreg:$0x4] =	wrdreg s13  }
0x10: {  	s24 =	sadd.s32 $0xC6700, s0;
	s25 =	sadd.s32 $0xC6780, s0;
	[dreg:$0x5] =	wrdreg s23  }
0x11: {  	s16 =	sadd.s32 $0xC6800, s0;
	s17 =	sadd.s32 $0xC6880, s0;
	[dreg:$0x6] =	wrdreg s24  }
0x12: {  	s18 =	sadd.s32 $0xC6900, s0;
	s0 =	simm.s32 $0x1;
	[dreg:$0x7] =	wrdreg s25  }
0x13: {  	v0 =	vimm.f32 $1.000000000e+00;
	s23 =	simm.s32 $0x80;
	s24 =	simm.s32 $0x400;
	s25 =	simm.s32 $0x100  }
.LBB2_1:
0x14: {  	s12 =	rddreg [dreg:$0x3]  }
0x15: {  	[tilespmem:s21], [sflag:$0x2] =	stream.linear.gather [hbm4b:s12+s3], $0x400, $0x38;
	[tilespmem:$0x2588] =	vst v63  }
0x16: {  	_ =	swait.ge [sflag:s22], $0x400  }
0x17: {  	[sflag:s22] =	ssyncset.done $0x0  }
0x18: {  	[sflag:s22] =	ssyncadd.s32 $0xFFFFFC00  }
0x19: {  	[tilespmem:$0x400] =	vst v0  }
0x1a: {  	[tilespmem:$0x410] =	vst v0  }
0x1b: {  	[tilespmem:$0x420] =	vst v0  }
0x1c: {  	[tilespmem:$0x430] =	vst v0  }
0x1d: {  	[tilespmem:$0x440] =	vst v0  }
0x1e: {  	[tilespmem:$0x450] =	vst v0  }
0x1f: {  	[tilespmem:$0x460] =	vst v0  }
0x20: {  	[tilespmem:$0x470] =	vst v0  }
0x21: {  	[spmem:s5] =	stream.linear.scatter [tilespmem:s21], [sflag:$0x2], $0x400, $0x38;
	[tilespmem:$0x2588] =	vst v63  }
0x22: {  	_ =	swait.ge [sflag:s22], $0x400  }
0x23: {  	[sflag:s22] =	ssyncset.done $0x0  }
0x24: {  	[sflag:s22] =	ssyncadd.s32 $0xFFFFFC00  }
0x25: {  	[spmem:s6] =	stream.linear.scatter [tilespmem:s21], [sflag:$0x2], $0x400, $0x38;
	[tilespmem:$0x2588] =	vst v63  }
0x26: {  	_ =	swait.ge [sflag:s22], $0x400  }
0x27: {  	[sflag:s22] =	ssyncset.done $0x0  }
0x28: {  	[sflag:s22] =	ssyncadd.s32 $0xFFFFFC00  }
0x29: {  	[spmem:s7] =	stream.linear.scatter [tilespmem:s21], [sflag:$0x2], $0x400, $0x38;
	[tilespmem:$0x2588] =	vst v63  }
0x2a: {  	_ =	swait.ge [sflag:s22], $0x400  }
0x2b: {  	[sflag:s22] =	ssyncset.done $0x0  }
0x2c: {  	[sflag:s22] =	ssyncadd.s32 $0xFFFFFC00  }
0x2d: {  	[spmem:s8] =	stream.linear.scatter [tilespmem:s21], [sflag:$0x2], $0x400, $0x38;
	[tilespmem:$0x2588] =	vst v63  }
0x2e: {  	_ =	swait.ge [sflag:s22], $0x400  }
0x2f: {  	[sflag:s22] =	ssyncset.done $0x0  }
0x30: {  	[sflag:s22] =	ssyncadd.s32 $0xFFFFFC00  }
0x31: {  	[spmem:s9] =	stream.linear.scatter [tilespmem:s21], [sflag:$0x2], $0x400, $0x38;
	[tilespmem:$0x2588] =	vst v63  }
0x32: {  	_ =	swait.ge [sflag:s22], $0x400  }
0x33: {  	[sflag:s22] =	ssyncset.done $0x0  }
0x34: {  	[sflag:s22] =	ssyncadd.s32 $0xFFFFFC00  }
0x35: {  	[spmem:s10] =	stream.linear.scatter [tilespmem:s21], [sflag:$0x2], $0x400, $0x38;
	[tilespmem:$0x2588] =	vst v63  }
0x36: {  	_ =	swait.ge [sflag:s22], $0x400  }
0x37: {  	[sflag:s22] =	ssyncset.done $0x0  }
0x38: {  	[sflag:s22] =	ssyncadd.s32 $0xFFFFFC00  }
0x39: {  	[spmem:s11] =	stream.linear.scatter [tilespmem:s21], [sflag:$0x2], $0x100, $0x38;
	[tilespmem:$0x2588] =	vst v63  }
0x3a: {  	_ =	swait.ge [sflag:s22], $0x100  }
0x3b: {  	[sflag:s22] =	ssyncset.done $0x0  }
0x3c: {  	[sflag:s22] =	ssyncadd.s32 $0xFFFFFF00  }
0x3d: {  	s15 =	sadd.s32 $0x0, s20;
	[bflag:$0x0] =	sbarrier.arrive $0xFFFF  }
0x3e: {  	[tilespmem:s3], [sflag:$0x2] =	stream.linear.gather [hbm4b:s15+s3], $0x400, $0x38;
	[tilespmem:$0x2588] =	vst v63  }
0x3f: {  	_ =	swait.ge [sflag:s22], $0x400  }
0x40: {  	[sflag:s22] =	ssyncset.done $0x0  }
0x41: {  	[sflag:s22] =	ssyncadd.s32 $0xFFFFFC00  }
0x42: {  	[spmem:s2] =	stream.indirect.scatter.add.f32 [tilespmem:s24], [sflag:$0x1], $0x1, s3, s23, $0xb8;
	[tilespmem:$0x2588] =	vst v63  }
0x43: {  	_ = 	snop  }
0x44: {  	[spmem:s2] =	stream.indirect.scatter.add.f32 [tilespmem:s24], [sflag:$0x1], $0x1, s23, s23, $0xb8;
	[tilespmem:$0x2588] =	vst v63  }
0x45: {  	_ = 	snop  }
0x46: {  	[spmem:s2] =	stream.indirect.scatter.add.f32 [tilespmem:s24], [sflag:$0x1], $0x1, s25, s23, $0xb8;
	[tilespmem:$0x2588] =	vst v63  }
0x47: {  	_ = 	snop  }
0x48: {  	[spmem:s2] =	stream.indirect.scatter.add.f32 [tilespmem:s24], [sflag:$0x1], $0x1, s26, s23, $0xb8;
	[tilespmem:$0x2588] =	vst v63  }
0x49: {  	_ = 	snop  }
0x4a: {  	[spmem:s2] =	stream.indirect.scatter.add.f32 [tilespmem:s24], [sflag:$0x1], $0x1, s28, s23, $0xb8;
	[tilespmem:$0x2588] =	vst v63  }
0x4b: {  	_ = 	snop  }
0x4c: {  	[spmem:s2] =	stream.indirect.scatter.add.f32 [tilespmem:s24], [sflag:$0x1], $0x1, s29, s23, $0xb8;
	[tilespmem:$0x2588] =	vst v63  }
0x4d: {  	_ = 	snop  }
0x4e: {  	[spmem:s2] =	stream.indirect.scatter.add.f32 [tilespmem:s24], [sflag:$0x1], $0x1, s30, s23, $0xb8;
	[tilespmem:$0x2588] =	vst v63  }
0x4f: {  	_ = 	snop  }
0x50: {  	[spmem:s2] =	stream.indirect.scatter.add.f32 [tilespmem:s24], [sflag:$0x1], $0x1, s31, s23, $0xb8;
	[tilespmem:$0x2588] =	vst v63  }
0x51: {  	_ =	swait.ge [sflag:s0], $0x80  }
0x52: {  	[sflag:s0] =	ssyncset.done $0x0  }
0x53: {  	[sflag:s0] =	ssyncadd.s32 $0xFFFFFF80  }
0x54: {  	_ =	swait.ge [sflag:s0], $0x80  }
0x55: {  	[sflag:s0] =	ssyncset.done $0x0  }
0x56: {  	[sflag:s0] =	ssyncadd.s32 $0xFFFFFF80  }
0x57: {  	_ =	swait.ge [sflag:s0], $0x80  }
0x58: {  	[sflag:s0] =	ssyncset.done $0x0  }
0x59: {  	[sflag:s0] =	ssyncadd.s32 $0xFFFFFF80  }
0x5a: {  	_ =	swait.ge [sflag:s0], $0x80  }
0x5b: {  	[sflag:s0] =	ssyncset.done $0x0  }
0x5c: {  	[sflag:s0] =	ssyncadd.s32 $0xFFFFFF80  }
0x5d: {  	_ =	swait.ge [sflag:s0], $0x80  }
0x5e: {  	[sflag:s0] =	ssyncset.done $0x0  }
0x5f: {  	[sflag:s0] =	ssyncadd.s32 $0xFFFFFF80  }
0x60: {  	_ =	swait.ge [sflag:s0], $0x80  }
0x61: {  	[sflag:s0] =	ssyncset.done $0x0  }
0x62: {  	[sflag:s0] =	ssyncadd.s32 $0xFFFFFF80  }
0x63: {  	_ =	swait.ge [sflag:s0], $0x80  }
0x64: {  	[sflag:s0] =	ssyncset.done $0x0  }
0x65: {  	[sflag:s0] =	ssyncadd.s32 $0xFFFFFF80  }
0x66: {  	_ =	swait.ge [sflag:s0], $0x80  }
0x67: {  	s13 =	simm.s32 $0x100;
	s12 =	simm.s32 $0x80;
	[sflag:s0] =	ssyncset.done $0x0  }
.LBB2_2:
0x68: {  	s15 =	sadd.s32 s12, s20  }
0x69: {  	[sflag:s0] =	ssyncadd.s32 $0xFFFFFF80;
	s12 =	smov.u32 s13;
	s14 =	sadd.s32 $0x80, s13  }
0x6a: {  	[tilespmem:s3], [sflag:$0x2] =	stream.linear.gather [hbm4b:s15+s3], $0x400, $0x38;
	[tilespmem:$0x2588] =	vst v63  }
0x6b: {  	p0 =	sne.s32 s13, $0x3080;
	_ =	swait.ge [sflag:s22], $0x400  }
0x6c: {  	[sflag:s22] =	ssyncset.done $0x0  }
0x6d: {  	[sflag:s22] =	ssyncadd.s32 $0xFFFFFC00  }
0x6e: {  	[spmem:s2] =	stream.indirect.scatter.add.f32 [tilespmem:s24], [sflag:$0x1], $0x1, s3, s23, $0xb8;
	[tilespmem:$0x2588] =	vst v63  }
0x6f: {  	_ = 	snop  }
0x70: {  	[spmem:s2] =	stream.indirect.scatter.add.f32 [tilespmem:s24], [sflag:$0x1], $0x1, s23, s23, $0xb8;
	[tilespmem:$0x2588] =	vst v63  }
0x71: {  	_ = 	snop  }
0x72: {  	[spmem:s2] =	stream.indirect.scatter.add.f32 [tilespmem:s24], [sflag:$0x1], $0x1, s25, s23, $0xb8;
	[tilespmem:$0x2588] =	vst v63  }
0x73: {  	_ = 	snop  }
0x74: {  	[spmem:s2] =	stream.indirect.scatter.add.f32 [tilespmem:s24], [sflag:$0x1], $0x1, s26, s23, $0xb8;
	[tilespmem:$0x2588] =	vst v63  }
0x75: {  	_ = 	snop  }
0x76: {  	[spmem:s2] =	stream.indirect.scatter.add.f32 [tilespmem:s24], [sflag:$0x1], $0x1, s28, s23, $0xb8;
	[tilespmem:$0x2588] =	vst v63  }
0x77: {  	_ = 	snop  }
0x78: {  	[spmem:s2] =	stream.indirect.scatter.add.f32 [tilespmem:s24], [sflag:$0x1], $0x1, s29, s23, $0xb8;
	[tilespmem:$0x2588] =	vst v63  }
0x79: {  	_ = 	snop  }
0x7a: {  	[spmem:s2] =	stream.indirect.scatter.add.f32 [tilespmem:s24], [sflag:$0x1], $0x1, s30, s23, $0xb8;
	[tilespmem:$0x2588] =	vst v63  }
0x7b: {  	_ = 	snop  }
0x7c: {  	[spmem:s2] =	stream.indirect.scatter.add.f32 [tilespmem:s24], [sflag:$0x1], $0x1, s31, s23, $0xb8;
	[tilespmem:$0x2588] =	vst v63  }
0x7d: {  	_ =	swait.ge [sflag:s0], $0x80  }
0x7e: {  	[sflag:s0] =	ssyncset.done $0x0  }
0x7f: {  	[sflag:s0] =	ssyncadd.s32 $0xFFFFFF80  }
0x80: {  	_ =	swait.ge [sflag:s0], $0x80  }
0x81: {  	[sflag:s0] =	ssyncset.done $0x0  }
0x82: {  	[sflag:s0] =	ssyncadd.s32 $0xFFFFFF80  }
0x83: {  	_ =	swait.ge [sflag:s0], $0x80  }
0x84: {  	[sflag:s0] =	ssyncset.done $0x0  }
0x85: {  	[sflag:s0] =	ssyncadd.s32 $0xFFFFFF80  }
0x86: {  	_ =	swait.ge [sflag:s0], $0x80  }
0x87: {  	[sflag:s0] =	ssyncset.done $0x0  }
0x88: {  	[sflag:s0] =	ssyncadd.s32 $0xFFFFFF80  }
0x89: {  	_ =	swait.ge [sflag:s0], $0x80  }
0x8a: {  	[sflag:s0] =	ssyncset.done $0x0  }
0x8b: {  	[sflag:s0] =	ssyncadd.s32 $0xFFFFFF80  }
0x8c: {  	_ =	swait.ge [sflag:s0], $0x80  }
0x8d: {  	[sflag:s0] =	ssyncset.done $0x0  }
0x8e: {  	[sflag:s0] =	ssyncadd.s32 $0xFFFFFF80  }
.Ltmp0:
0x8f: {  	_ =	swait.ge [sflag:s0], $0x80;
	(pc) =	sbr.rel @p0 .LBB2_2-.Ltmp0, $4  }
0x90: {  	[sflag:s0] =	ssyncset.done $0x0  }
0x91: {  	[sflag:s0] =	ssyncadd.s32 $0xFFFFFF80  }
0x92: {  	_ =	swait.ge [sflag:s0], $0x80  }
0x93: {  	s13 =	smov.u32 s14;
	[sflag:s0] =	ssyncset.done $0x0  }
0x94: {  	s12 =	sadd.s32 s12, s20;
	[sflag:s0] =	ssyncadd.s32 $0xFFFFFF80  }
0x95: {  	[tilespmem:s3], [sflag:$0x2] =	stream.linear.gather [hbm4b:s12+s3], $0x400, $0x38;
	[tilespmem:$0x2588] =	vst v63  }
0x96: {  	_ =	swait.ge [sflag:s22], $0x400  }
0x97: {  	[sflag:s22] =	ssyncset.done $0x0  }
0x98: {  	[sflag:s22] =	ssyncadd.s32 $0xFFFFFC00  }
0x99: {  	[spmem:s2] =	stream.indirect.scatter.add.f32 [tilespmem:s24], [sflag:$0x1], $0x1, s3, s23, $0xb8;
	[tilespmem:$0x2588] =	vst v63  }
0x9a: {  	_ = 	snop  }
0x9b: {  	[spmem:s2] =	stream.indirect.scatter.add.f32 [tilespmem:s24], [sflag:$0x1], $0x1, s23, s23, $0xb8;
	[tilespmem:$0x2588] =	vst v63  }
0x9c: {  	_ = 	snop  }
0x9d: {  	[spmem:s2] =	stream.indirect.scatter.add.f32 [tilespmem:s24], [sflag:$0x1], $0x1, s25, s23, $0xb8;
	[tilespmem:$0x2588] =	vst v63  }
0x9e: {  	_ = 	snop  }
0x9f: {  	[spmem:s2] =	stream.indirect.scatter.add.f32 [tilespmem:s24], [sflag:$0x1], $0x1, s26, s23, $0xb8;
	[tilespmem:$0x2588] =	vst v63  }
0xa0: {  	_ = 	snop  }
0xa1: {  	[spmem:s2] =	stream.indirect.scatter.add.f32 [tilespmem:s24], [sflag:$0x1], $0x1, s28, s23, $0xb8;
	[tilespmem:$0x2588] =	vst v63  }
0xa2: {  	_ = 	snop  }
0xa3: {  	[spmem:s2] =	stream.indirect.scatter.add.f32 [tilespmem:s24], [sflag:$0x1], $0x1, s29, s23, $0xb8;
	[tilespmem:$0x2588] =	vst v63  }
0xa4: {  	_ = 	snop  }
0xa5: {  	[spmem:s2] =	stream.indirect.scatter.add.f32 [tilespmem:s24], [sflag:$0x1], $0x1, s30, s23, $0xb8;
	[tilespmem:$0x2588] =	vst v63  }
0xa6: {  	_ = 	snop  }
0xa7: {  	[spmem:s2] =	stream.indirect.scatter.add.f32 [tilespmem:s24], [sflag:$0x1], $0x1, s31, s23, $0xb8;
	[tilespmem:$0x2588] =	vst v63  }
0xa8: {  	_ =	swait.ge [sflag:s0], $0x80  }
0xa9: {  	[sflag:s0] =	ssyncset.done $0x0  }
0xaa: {  	[sflag:s0] =	ssyncadd.s32 $0xFFFFFF80  }
0xab: {  	_ =	swait.ge [sflag:s0], $0x80  }
0xac: {  	[sflag:s0] =	ssyncset.done $0x0  }
0xad: {  	[sflag:s0] =	ssyncadd.s32 $0xFFFFFF80  }
0xae: {  	_ =	swait.ge [sflag:s0], $0x80  }
0xaf: {  	[sflag:s0] =	ssyncset.done $0x0  }
0xb0: {  	[sflag:s0] =	ssyncadd.s32 $0xFFFFFF80  }
0xb1: {  	_ =	swait.ge [sflag:s0], $0x80  }
0xb2: {  	[sflag:s0] =	ssyncset.done $0x0  }
0xb3: {  	[sflag:s0] =	ssyncadd.s32 $0xFFFFFF80  }
0xb4: {  	_ =	swait.ge [sflag:s0], $0x80  }
0xb5: {  	[sflag:s0] =	ssyncset.done $0x0  }
0xb6: {  	[sflag:s0] =	ssyncadd.s32 $0xFFFFFF80  }
0xb7: {  	_ =	swait.ge [sflag:s0], $0x80  }
0xb8: {  	[sflag:s0] =	ssyncset.done $0x0  }
0xb9: {  	[sflag:s0] =	ssyncadd.s32 $0xFFFFFF80  }
0xba: {  	_ =	swait.ge [sflag:s0], $0x80  }
0xbb: {  	[sflag:s0] =	ssyncset.done $0x0  }
0xbc: {  	[sflag:s0] =	ssyncadd.s32 $0xFFFFFF80  }
0xbd: {  	_ =	swait.ge [sflag:s0], $0x80  }
0xbe: {  	[sflag:s0] =	ssyncset.done $0x0  }
0xbf: {  	[sflag:s0] =	ssyncadd.s32 $0xFFFFFF80  }
0xc0: {  	[bflag:$0x0] =	sbarrier.arrive $0xFFFF  }
0xc1: {  	[tilespmem:s1], [sflag:$0x2] =	stream.linear.gather [spmem:s5], $0x400, $0x38;
	[tilespmem:$0x2588] =	vst v63  }
0xc2: {  	_ =	swait.ge [sflag:s22], $0x400  }
0xc3: {  	[sflag:s22] =	ssyncset.done $0x0  }
0xc4: {  	s15 =	rddreg [dreg:$0x4];
	[sflag:s22] =	ssyncadd.s32 $0xFFFFFC00  }
0xc5: {  	[hbm4b:s15+s3] =	stream.linear.scatter [tilespmem:s1], [sflag:$0x2], $0x400, $0x38;
	[tilespmem:$0x2588] =	vst v63  }
0xc6: {  	_ =	swait.ge [sflag:s22], $0x400  }
0xc7: {  	[sflag:s22] =	ssyncset.done $0x0  }
0xc8: {  	[sflag:s22] =	ssyncadd.s32 $0xFFFFFC00  }
0xc9: {  	[tilespmem:s1], [sflag:$0x2] =	stream.linear.gather [spmem:s6], $0x400, $0x38;
	[tilespmem:$0x2588] =	vst v63  }
0xca: {  	_ =	swait.ge [sflag:s22], $0x400  }
0xcb: {  	[sflag:s22] =	ssyncset.done $0x0  }
0xcc: {  	s13 =	rddreg [dreg:$0x5];
	[sflag:s22] =	ssyncadd.s32 $0xFFFFFC00  }
0xcd: {  	[hbm4b:s13+s3] =	stream.linear.scatter [tilespmem:s1], [sflag:$0x2], $0x400, $0x38;
	[tilespmem:$0x2588] =	vst v63  }
0xce: {  	_ =	swait.ge [sflag:s22], $0x400  }
0xcf: {  	[sflag:s22] =	ssyncset.done $0x0  }
0xd0: {  	[sflag:s22] =	ssyncadd.s32 $0xFFFFFC00  }
0xd1: {  	[tilespmem:s1], [sflag:$0x2] =	stream.linear.gather [spmem:s7], $0x400, $0x38;
	[tilespmem:$0x2588] =	vst v63  }
0xd2: {  	_ =	swait.ge [sflag:s22], $0x400  }
0xd3: {  	[sflag:s22] =	ssyncset.done $0x0  }
0xd4: {  	s14 =	rddreg [dreg:$0x6];
	[sflag:s22] =	ssyncadd.s32 $0xFFFFFC00  }
0xd5: {  	[hbm4b:s14+s3] =	stream.linear.scatter [tilespmem:s1], [sflag:$0x2], $0x400, $0x38;
	[tilespmem:$0x2588] =	vst v63  }
0xd6: {  	_ =	swait.ge [sflag:s22], $0x400  }
0xd7: {  	[sflag:s22] =	ssyncset.done $0x0  }
0xd8: {  	[sflag:s22] =	ssyncadd.s32 $0xFFFFFC00  }
0xd9: {  	[tilespmem:s1], [sflag:$0x2] =	stream.linear.gather [spmem:s8], $0x400, $0x38;
	[tilespmem:$0x2588] =	vst v63  }
0xda: {  	_ =	swait.ge [sflag:s22], $0x400  }
0xdb: {  	[sflag:s22] =	ssyncset.done $0x0  }
0xdc: {  	s15 =	rddreg [dreg:$0x7];
	[sflag:s22] =	ssyncadd.s32 $0xFFFFFC00  }
0xdd: {  	[hbm4b:s15+s3] =	stream.linear.scatter [tilespmem:s1], [sflag:$0x2], $0x400, $0x38;
	[tilespmem:$0x2588] =	vst v63  }
0xde: {  	_ =	swait.ge [sflag:s22], $0x400  }
0xdf: {  	[sflag:s22] =	ssyncset.done $0x0  }
0xe0: {  	[sflag:s22] =	ssyncadd.s32 $0xFFFFFC00  }
0xe1: {  	[tilespmem:s1], [sflag:$0x2] =	stream.linear.gather [spmem:s9], $0x400, $0x38;
	[tilespmem:$0x2588] =	vst v63  }
0xe2: {  	_ =	swait.ge [sflag:s22], $0x400  }
0xe3: {  	[sflag:s22] =	ssyncset.done $0x0  }
0xe4: {  	[sflag:s22] =	ssyncadd.s32 $0xFFFFFC00  }
0xe5: {  	[hbm4b:s16+s3] =	stream.linear.scatter [tilespmem:s1], [sflag:$0x2], $0x400, $0x38;
	[tilespmem:$0x2588] =	vst v63  }
0xe6: {  	_ =	swait.ge [sflag:s22], $0x400  }
0xe7: {  	[sflag:s22] =	ssyncset.done $0x0  }
0xe8: {  	[sflag:s22] =	ssyncadd.s32 $0xFFFFFC00  }
0xe9: {  	[tilespmem:s1], [sflag:$0x2] =	stream.linear.gather [spmem:s10], $0x400, $0x38;
	[tilespmem:$0x2588] =	vst v63  }
0xea: {  	_ =	swait.ge [sflag:s22], $0x400  }
0xeb: {  	[sflag:s22] =	ssyncset.done $0x0  }
0xec: {  	[sflag:s22] =	ssyncadd.s32 $0xFFFFFC00  }
0xed: {  	[hbm4b:s17+s3] =	stream.linear.scatter [tilespmem:s1], [sflag:$0x2], $0x400, $0x38;
	[tilespmem:$0x2588] =	vst v63  }
0xee: {  	_ =	swait.ge [sflag:s22], $0x400  }
0xef: {  	[sflag:s22] =	ssyncset.done $0x0  }
0xf0: {  	[sflag:s22] =	ssyncadd.s32 $0xFFFFFC00  }
0xf1: {  	[tilespmem:s1], [sflag:$0x2] =	stream.linear.gather [spmem:s11], $0x100, $0x38;
	[tilespmem:$0x2588] =	vst v63  }
0xf2: {  	s4 =	sadd.s32 $0x1, s4;
	_ =	swait.ge [sflag:s22], $0x100  }
0xf3: {  	p0 =	sne.s32 s4, s19;
	[sflag:s22] =	ssyncset.done $0x0  }
.Ltmp1:
0xf4: {  	[sflag:s22] =	ssyncadd.s32 $0xFFFFFF00;
	(pc) =	sbr.rel @p0 .LBB2_1-.Ltmp1, $4  }
0xf5: {  	[hbm4b:s18+s3] =	stream.linear.scatter [tilespmem:s1], [sflag:$0x2], $0x100, $0x38;
	[tilespmem:$0x2588] =	vst v63  }
0xf6: {  	_ =	swait.ge [sflag:s22], $0x100  }
0xf7: {  	[sflag:s22] =	ssyncset.done $0x0  }
0xf8: {  	[sflag:s22] =	ssyncadd.s32 $0xFFFFFF00  }
0xf9: {  	_ =	sfence.sel $0x180000  }
0xfa: {  	[bflag:$0x0] =	sbarrier.arrive $0xFFFF  }
0xfb: {  	_ =	strace $0x90000047  }
0xfc: {  	s0 =	stileid.u32;
	[bflag:$0x2] =	sbarrier.arrive $0xFFFF  }
0xfd: {  	p0 =	sne.s32 s0, $0x0;
	s0 =	rddreg [dreg:$0x2]  }
0xfe: {  	s0 =	sadd.s32 @!p0 $0x100000, s0  }
0xff: {  	[sflag:s0] =	ssyncadd.tile.s32 @!p0 $0x1;
	_ =	shalt  }
.Lfunc_end2:
_tile_overlayer_lowered:
.L_overlay_start_2:
0x100: {  	(tag) =	ssettag $0x2  }
0x101: {  	s0 =	rddreg [dreg:$0x0];
	s2 =	stileid.u32  }
0x102: {  	s1 =	rddreg [dreg:$0x1];
	p0 =	sne.s32 s2, $0x0  }
0x103: {  	s3 =	rddreg [dreg:$0x2];
	[bflag:$0x3] =	sbarrier.arrive $0xFFFF;
	s2 =	simm.s32 @!p0 $0x1C02  }
0x104: {  	[timem:s3], [sflag:s2] =	dma.local @!p0 [hbm:s0], s1  }
0x105: {  	s0 =	simm.s32 @!p0 $0x2  }
0x106: {  	_ =	swait.ge @!p0 [sflag:s0], s1  }
0x107: {  	s1 =	ssub.s32 @!p0 $0x0, s1;
	[sflag:s0] =	ssyncset.done @!p0 $0x0  }
0x108: {  	[sflag:s0] =	ssyncadd.s32 @!p0 s1  }
0x109: {  	[bflag:$0x3] =	sbarrier.arrive $0xFFFF  }
0x10a: {  	_ =	shalt  }

</sc_bundles>
